<compile_context>
chip_gen: v7x
topology: tpu7x:2x2x1
jax: 0.10.2.dev20260603
libtpu: 0.0.44.dev20260713+nightly
codegen_flags: <defaults>
</compile_context>

<pallas_src>
import functools

import jax
import jax.numpy as jnp
from jax import lax
from jax.experimental import pallas as pl
from jax.experimental.pallas import tpu as pltpu
from jax.experimental.pallas import tpu_sc as plsc

N = 10000
D = 128
E = 320000

NC = 2
NS = 16
NPAD = 10240
ROWS_PER_TILE = NPAD // NS
CHUNK = 64
CPT = 160
E_PAD = NC * NS * CPT * CHUNK
EROWS = E_PAD // CHUNK
N_PADROWS = NPAD - N
R = 5

_MESH = dict(core_axis_name="c", subcore_axis_name="s")



def _sc_deg(dst2d):

    @functools.partial(
        pl.kernel,
        mesh=plsc.VectorSubcoreMesh(**_MESH),
        out_type=jax.ShapeDtypeStruct((NC * NPAD, D), jnp.float32),
        scratch_types=[
            pltpu.VMEM_SHARED((NPAD, D), jnp.float32),
            pltpu.VMEM((CPT, CHUNK), jnp.int32),
            pltpu.VMEM((CHUNK, D), jnp.float32),
            pltpu.SemaphoreType.DMA,
        ],
    )
    def k(dst_hbm, out_hbm, acc, didx, ones_v, sem):
        c = lax.axis_index("c")
        s = lax.axis_index("s")
        wid = c * NS + s
        r0 = s * ROWS_PER_TILE
        pltpu.sync_copy(dst_hbm.at[pl.ds(wid * CPT, CPT)], didx)

        zv = jnp.zeros((16,), jnp.float32)
        e0 = jnp.where(lax.iota(jnp.int32, 16) == 0, 1.0, 0.0).astype(jnp.float32)

        def zrow(r, carry):
            for l in range(D // 16):
                ones_v[r, pl.ds(l * 16, 16)] = zv
            return carry

        lax.fori_loop(0, CHUNK, zrow, 0)
        for b in range(ROWS_PER_TILE // CHUNK):
            pltpu.sync_copy(ones_v, acc.at[pl.ds(r0 + b * CHUNK, CHUNK)])

        def orow(r, carry):
            ones_v[r, pl.ds(0, 16)] = e0
            return carry

        lax.fori_loop(0, CHUNK, orow, 0)
        plsc.subcore_barrier()

        W = 8
        for j in range(W):
            pltpu.async_copy(ones_v, acc.at[didx.at[j]], sem, add=True)

        def body(j, carry):
            pltpu.make_async_copy(ones_v, acc.at[didx.at[j]], sem).wait()
            pltpu.async_copy(ones_v, acc.at[didx.at[j + W]], sem, add=True)
            return carry

        lax.fori_loop(0, CPT - W, body, 0)
        for j in range(CPT - W, CPT):
            pltpu.make_async_copy(ones_v, acc.at[didx.at[j]], sem).wait()
        plsc.subcore_barrier()
        pltpu.sync_copy(acc.at[pl.ds(r0, ROWS_PER_TILE)],
                        out_hbm.at[pl.ds(c * NPAD + r0, ROWS_PER_TILE)])

    return k(dst2d)


def _sc_agg(hp, src2d, dst2d):

    @functools.partial(
        pl.kernel,
        mesh=plsc.VectorSubcoreMesh(**_MESH),
        out_type=jax.ShapeDtypeStruct((NC * NPAD, D), jnp.float32),
        scratch_types=[
            pltpu.VMEM_SHARED((NPAD, D), jnp.float32),
            pltpu.VMEM((R, CHUNK), jnp.int32),
            pltpu.VMEM((R, CHUNK), jnp.int32),
        ] + [pltpu.VMEM((CHUNK, D), jnp.float32)] * R
          + [pltpu.SemaphoreType.DMA] * (4 * R),
    )
    def k(hp_hbm, src_hbm, dst_hbm, out_hbm, acc, si, di, *rest):
        DB = list(rest[:R])
        gsem = list(rest[R:2 * R])
        ssem = list(rest[2 * R:3 * R])
        issem = list(rest[3 * R:4 * R])
        idsem = list(rest[4 * R:5 * R])
        c = lax.axis_index("c")
        s = lax.axis_index("s")
        wid = c * NS + s
        r0 = s * ROWS_PER_TILE
        ch0 = wid * CPT
        pltpu.sync_copy(hp_hbm.at[pl.ds(r0, ROWS_PER_TILE)],
                        acc.at[pl.ds(r0, ROWS_PER_TILE)])
        plsc.subcore_barrier()

        def load_si(g, m):
            pltpu.async_copy(src_hbm.at[ch0 + g], si.at[m], issem[m])

        def wait_si(m):
            pltpu.make_async_copy(src_hbm.at[ch0], si.at[m], issem[m]).wait()

        def load_di(g, m):
            pltpu.async_copy(dst_hbm.at[ch0 + g], di.at[m], idsem[m])

        def wait_di(m):
            pltpu.make_async_copy(dst_hbm.at[ch0], di.at[m], idsem[m]).wait()

        def start_g(m):
            pltpu.async_copy(hp_hbm.at[si.at[m]], DB[m], gsem[m])

        def wait_g(m):
            pltpu.make_async_copy(hp_hbm.at[si.at[m]], DB[m], gsem[m]).wait()

        def start_s(m):
            pltpu.async_copy(DB[m], acc.at[di.at[m]], ssem[m], add=True)

        def wait_s(m):
            pltpu.make_async_copy(DB[m], acc.at[di.at[0]], ssem[m]).wait()

        def emit(g, m, first=False, dwait=True, lsrc=True, ldst=True,
                 nxt=True):
            mp = (m + R - 1) % R
            wait_g(m)
            if dwait:
                wait_di(m)
            start_s(m)
            if not first:
                wait_s(mp)
            if lsrc:
                load_si(g + R, m)
            if ldst:
                load_di(g + R - 1, mp)
            if nxt:
                wait_si(mp)
                start_g(mp)

        for m in range(R - 1):
            pltpu.sync_copy(src_hbm.at[ch0 + m], si.at[m])
            pltpu.sync_copy(dst_hbm.at[ch0 + m], di.at[m])
        for m in range(R - 1):
            start_g(m)
        load_si(R - 1, R - 1)
        for g in range(R - 1):
            emit(g, g, first=(g == 0), dwait=False)

        def body(rr, carry):
            gg = (R - 1) + R * rr
            for u in range(R):
                emit(gg + u, (R - 1 + u) % R)
            return carry

        nsteady = (CPT - (R - 1) - (R + 1)) // R
        lax.fori_loop(0, nsteady, body, 0)
        for g in range(R - 1 + nsteady * R, CPT):
            emit(g, g % R, lsrc=(g + R < CPT), ldst=(g + R - 1 < CPT),
                 nxt=(g + R - 1 < CPT))
        wait_s((CPT - 1) % R)
        plsc.subcore_barrier()
        pltpu.sync_copy(acc.at[pl.ds(r0, ROWS_PER_TILE)],
                        out_hbm.at[pl.ds(c * NPAD + r0, ROWS_PER_TILE)])

    return k(hp, src2d, dst2d)



_BR = 1024


def _tc_mm_dis(xp, W, degp):

    def body(x_ref, w_ref, p_ref, hp_ref, dis_ref):
        i = pl.program_id(0)
        g1 = lax.dot_general(
            x_ref[...], w_ref[...], (((1,), (0,)), ((), ())),
            precision=lax.Precision.HIGHEST,
            preferred_element_type=jnp.float32)
        degc = p_ref[0, :, 0:1] + p_ref[1, :, 0:1] + 1.0
        dis = lax.rsqrt(degc)
        rows = i * _BR + lax.broadcasted_iota(jnp.int32, (_BR, 1), 0)
        dis = jnp.where(rows < N, dis, 0.0)
        disb = jnp.broadcast_to(dis, (_BR, D))
        dis_ref[...] = disb
        hp_ref[...] = g1 * disb

    return pl.pallas_call(
        body,
        grid=(NPAD // _BR,),
        in_specs=[pl.BlockSpec((_BR, D), lambda i: (i, 0)),
                  pl.BlockSpec((D, D), lambda i: (0, 0)),
                  pl.BlockSpec((NC, _BR, D), lambda i: (0, i, 0))],
        out_specs=[pl.BlockSpec((_BR, D), lambda i: (i, 0)),
                   pl.BlockSpec((_BR, D), lambda i: (i, 0))],
        out_shape=[jax.ShapeDtypeStruct((NPAD, D), jnp.float32),
                   jax.ShapeDtypeStruct((NPAD, D), jnp.float32)],
    )(xp, W, degp.reshape(NC, NPAD, D))


def _tc_mid(parts, hp1, disf, b1, W2):

    def body(p_ref, hp_ref, dis_ref, b_ref, w_ref, o_ref):
        x1 = dis_ref[...] * (p_ref[0] + p_ref[1] - hp_ref[...]) + b_ref[...]
        t = jnp.maximum(x1, 0.0)
        g2 = lax.dot_general(t, w_ref[...], (((1,), (0,)), ((), ())),
                             precision=lax.Precision.HIGHEST,
                             preferred_element_type=jnp.float32)
        o_ref[...] = dis_ref[...] * g2

    return pl.pallas_call(
        body,
        grid=(NPAD // _BR,),
        in_specs=[pl.BlockSpec((NC, _BR, D), lambda i: (0, i, 0)),
                  pl.BlockSpec((_BR, D), lambda i: (i, 0)),
                  pl.BlockSpec((_BR, D), lambda i: (i, 0)),
                  pl.BlockSpec((1, D), lambda i: (0, 0)),
                  pl.BlockSpec((D, D), lambda i: (0, 0))],
        out_specs=pl.BlockSpec((_BR, D), lambda i: (i, 0)),
        out_shape=jax.ShapeDtypeStruct((NPAD, D), jnp.float32),
    )(parts.reshape(NC, NPAD, D), hp1, disf, b1.reshape(1, D), W2)


def _tc_final(parts, hp2, disf, b2):

    def body(p_ref, hp_ref, dis_ref, b_ref, o_ref):
        o = dis_ref[...] * (p_ref[0] + p_ref[1] - hp_ref[...]) + b_ref[...]
        m = jnp.max(o, axis=1, keepdims=True)
        e = jnp.exp(o - m)
        lse = jnp.log(jnp.sum(e, axis=1, keepdims=True))
        o_ref[...] = o - m - lse

    return pl.pallas_call(
        body,
        grid=(NPAD // _BR,),
        in_specs=[pl.BlockSpec((NC, _BR, D), lambda i: (0, i, 0)),
                  pl.BlockSpec((_BR, D), lambda i: (i, 0)),
                  pl.BlockSpec((_BR, D), lambda i: (i, 0)),
                  pl.BlockSpec((1, D), lambda i: (0, 0))],
        out_specs=pl.BlockSpec((_BR, D), lambda i: (i, 0)),
        out_shape=jax.ShapeDtypeStruct((NPAD, D), jnp.float32),
    )(parts.reshape(NC, NPAD, D), hp2, disf, b2.reshape(1, D))



def kernel(x, edge_index, W1, b1, W2, b2):
    ei = edge_index.astype(jnp.int32)
    npe = E_PAD - E
    padv = N + (jnp.arange(npe, dtype=jnp.int32) % N_PADROWS)
    src2d = jnp.concatenate([ei[0], padv]).reshape(EROWS, CHUNK)
    dst2d = jnp.concatenate([ei[1], padv]).reshape(EROWS, CHUNK)
    xp = jnp.pad(x, ((0, NPAD - N), (0, 0)))

    degp = _sc_deg(dst2d)
    hp1, disf = _tc_mm_dis(xp, W1, degp)

    parts1 = _sc_agg(hp1, src2d, dst2d)
    hp2 = _tc_mid(parts1, hp1, disf, b1, W2)

    parts2 = _sc_agg(hp2, src2d, dst2d)
    out = _tc_final(parts2, hp2, disf, b2)
    return out[:N]

# --- scband reference (transcript-rebuilt; emitter-appended) ---
"""Pipeline reference for scband-gcnmodel-6090263626385 (READ-ONLY COPY).

The authoritative reference and input builder live on the scoring server;
editing this copy changes nothing except your own understanding.
"""

import jax, jax.numpy as jnp
import numpy as np

N_NODES = 10000
D_IN = 128
D_HID = 128
D_OUT = 128
N_EDGES = 320000


def setup_inputs(seed: int = 0) -> dict:
    key = jax.random.key(seed)
    k1, k2, k3, k4, k5, k6 = jax.random.split(key, 6)
    x = jax.random.normal(k1, (N_NODES, D_IN), dtype=jnp.float32)
    edge_index = jax.random.randint(k2, (2, N_EDGES), 0, N_NODES)
    W1 = jax.random.normal(k3, (D_IN, D_HID), dtype=jnp.float32) * (1.0 / np.sqrt(D_IN))
    b1 = jnp.zeros((D_HID,), dtype=jnp.float32)
    W2 = jax.random.normal(k4, (D_HID, D_OUT), dtype=jnp.float32) * (1.0 / np.sqrt(D_HID))
    b2 = jnp.zeros((D_OUT,), dtype=jnp.float32)
    return {"x": x, "edge_index": edge_index, "W1": W1, "b1": b1, "W2": W2, "b2": b2}


def _gcn_conv(x, edge_index, W, b):
    # Faithful PyG GCNConv: add self-loops, symmetric degree normalization,
    # linear transform, scatter-add aggregation, bias.
    n = x.shape[0]
    loop = jnp.arange(n, dtype=edge_index.dtype)
    src = jnp.concatenate([edge_index[0], loop])
    dst = jnp.concatenate([edge_index[1], loop])
    ones = jnp.ones(src.shape[0], dtype=x.dtype)
    deg = jnp.zeros((n,), dtype=x.dtype).at[dst].add(ones)
    deg_inv_sqrt = jnp.where(deg > 0, jax.lax.rsqrt(deg), 0.0)
    norm = deg_inv_sqrt[src] * deg_inv_sqrt[dst]
    h = x @ W
    msg = h[src] * norm[:, None]
    out = jnp.zeros((n, W.shape[1]), dtype=x.dtype).at[dst].add(msg)
    return out + b


def reference(x, edge_index, W1, b1, W2, b2):
    h = jax.nn.relu(_gcn_conv(x, edge_index, W1, b1))
    out = _gcn_conv(h, edge_index, W2, b2)
    return jax.nn.log_softmax(out, axis=1)

if __name__ == "__main__":
    import jax
    _d = setup_inputs()
    print(jax.jit(kernel)(*tuple(_d.values())))

</pallas_src>

<mosaic_0001>
#map = affine_map<(d0, d1) -> (0, 0)>
module attributes {stable_mosaic.version = 14 : i64} {
  func.func @k(%arg0: i32, %arg1: i32, %arg2: memref<10240x128xf32, #tpu.memory_space<hbm>>, %arg3: memref<5120x64xi32, #tpu.memory_space<hbm>>, %arg4: memref<5120x64xi32, #tpu.memory_space<hbm>>, %arg5: memref<20480x128xf32, #tpu.memory_space<hbm>>, %arg6: memref<10240x128xf32, #tpu.memory_space<vmem_shared>>, %arg7: memref<5x64xi32, #tpu.memory_space<vmem>>, %arg8: memref<5x64xi32, #tpu.memory_space<vmem>>, %arg9: memref<64x128xf32, #tpu.memory_space<vmem>>, %arg10: memref<64x128xf32, #tpu.memory_space<vmem>>, %arg11: memref<64x128xf32, #tpu.memory_space<vmem>>, %arg12: memref<64x128xf32, #tpu.memory_space<vmem>>, %arg13: memref<64x128xf32, #tpu.memory_space<vmem>>, %arg14: memref<!tpu.dma_semaphore, #tpu.memory_space<semaphore_mem>>, %arg15: memref<!tpu.dma_semaphore, #tpu.memory_space<semaphore_mem>>, %arg16: memref<!tpu.dma_semaphore, #tpu.memory_space<semaphore_mem>>, %arg17: memref<!tpu.dma_semaphore, #tpu.memory_space<semaphore_mem>>, %arg18: memref<!tpu.dma_semaphore, #tpu.memory_space<semaphore_mem>>, %arg19: memref<!tpu.dma_semaphore, #tpu.memory_space<semaphore_mem>>, %arg20: memref<!tpu.dma_semaphore, #tpu.memory_space<semaphore_mem>>, %arg21: memref<!tpu.dma_semaphore, #tpu.memory_space<semaphore_mem>>, %arg22: memref<!tpu.dma_semaphore, #tpu.memory_space<semaphore_mem>>, %arg23: memref<!tpu.dma_semaphore, #tpu.memory_space<semaphore_mem>>, %arg24: memref<!tpu.dma_semaphore, #tpu.memory_space<semaphore_mem>>, %arg25: memref<!tpu.dma_semaphore, #tpu.memory_space<semaphore_mem>>, %arg26: memref<!tpu.dma_semaphore, #tpu.memory_space<semaphore_mem>>, %arg27: memref<!tpu.dma_semaphore, #tpu.memory_space<semaphore_mem>>, %arg28: memref<!tpu.dma_semaphore, #tpu.memory_space<semaphore_mem>>, %arg29: memref<!tpu.dma_semaphore, #tpu.memory_space<semaphore_mem>>, %arg30: memref<!tpu.dma_semaphore, #tpu.memory_space<semaphore_mem>>, %arg31: memref<!tpu.dma_semaphore, #tpu.memory_space<semaphore_mem>>, %arg32: memref<!tpu.dma_semaphore, #tpu.memory_space<semaphore_mem>>, %arg33: memref<!tpu.dma_semaphore, #tpu.memory_space<semaphore_mem>>) attributes {dimension_semantics = [#tpu.dimension_semantics<core_parallel>, #tpu.dimension_semantics<subcore_parallel>], iteration_bounds = array<i64: 2, 16>, scalar_prefetch = 0 : i64, scratch_operands = 28 : i64, tpu.core_type = #tpu.core_type<sc_vector_subcore>, window_params = [{transform_indices = #map}, {transform_indices = #map}, {transform_indices = #map}, {transform_indices = #map}]} {
    %mul3A = arith.constant 16 : i32
    %mul3A_0 = arith.muli %arg0, %mul3A : i32
    %add3A = arith.addi %mul3A_0, %arg1 : i32
    %mul3A_1 = arith.constant 640 : i32
    %mul3A_2 = arith.muli %arg1, %mul3A_1 : i32
    %mul3A_3 = arith.constant 160 : i32
    %mul3A_4 = arith.muli %add3A, %mul3A_3 : i32
    "tpu.region"() ({
      %run_scoped3A_651 = tpu.sem_alloc : memref<!tpu.dma_semaphore, #tpu.memory_space<semaphore_mem>>
      %dma_start3A_652 = arith.constant 0 : i32
      %dma_start3A_653 = tpu.memref_slice %arg6[%mul3A_2, %dma_start3A_652] : memref<10240x128xf32, #tpu.memory_space<vmem_shared>> -> memref<640x128xf32, #tpu.memory_space<vmem_shared>>
      %dma_start3A_654 = arith.constant 0 : i32
      %dma_start3A_655 = tpu.memref_slice %arg2[%mul3A_2, %dma_start3A_654] : memref<10240x128xf32, #tpu.memory_space<hbm>> -> memref<640x128xf32, #tpu.memory_space<hbm>>
      tpu.enqueue_dma source(%dma_start3A_655 : memref<640x128xf32, #tpu.memory_space<hbm>>) target(%dma_start3A_653 : memref<640x128xf32, #tpu.memory_space<vmem_shared>>) target_semaphore(%run_scoped3A_651 : memref<!tpu.dma_semaphore, #tpu.memory_space<semaphore_mem>>)
      %dma_wait3A_656 = arith.constant 0 : i32
      %dma_wait3A_657 = tpu.memref_slice %arg6[%mul3A_2, %dma_wait3A_656] : memref<10240x128xf32, #tpu.memory_space<vmem_shared>> -> memref<640x128xf32, #tpu.memory_space<vmem_shared>>
      %dma_wait3A_658 = arith.constant 0 : i32
      %dma_wait3A_659 = tpu.memref_slice %arg2[%mul3A_2, %dma_wait3A_658] : memref<10240x128xf32, #tpu.memory_space<hbm>> -> memref<640x128xf32, #tpu.memory_space<hbm>>
      tpu.wait_dma2 semaphore(%run_scoped3A_651 : memref<!tpu.dma_semaphore, #tpu.memory_space<semaphore_mem>>) src(%dma_wait3A_659 : memref<640x128xf32, #tpu.memory_space<hbm>>) dst(%dma_wait3A_657 : memref<640x128xf32, #tpu.memory_space<vmem_shared>>)
      tpu.yield
    }) : () -> ()
    %barrier3A = arith.constant 0 : index
    tpu.barrier barrier_id(%barrier3A)
    %add3A_5 = arith.constant 0 : i32
    %add3A_6 = arith.addi %mul3A_4, %add3A_5 : i32
    %run_scoped3A = arith.constant 0 : i32
    "tpu.region"() ({
      %run_scoped3A_651 = tpu.sem_alloc : memref<!tpu.dma_semaphore, #tpu.memory_space<semaphore_mem>>
      %dma_start3A_652 = arith.constant 0 : i32
      %dma_start3A_653 = tpu.memref_slice %arg7[%run_scoped3A, %dma_start3A_652] : memref<5x64xi32, #tpu.memory_space<vmem>> -> memref<1x64xi32, #tpu.memory_space<vmem>>
      %dma_start3A_654 = tpu.memref_squeeze %dma_start3A_653 : memref<1x64xi32, #tpu.memory_space<vmem>> -> memref<64xi32, #tpu.memory_space<vmem>>
      %dma_start3A_655 = arith.constant 0 : i32
      %dma_start3A_656 = tpu.memref_slice %arg3[%add3A_6, %dma_start3A_655] : memref<5120x64xi32, #tpu.memory_space<hbm>> -> memref<1x64xi32, #tpu.memory_space<hbm>>
      %dma_start3A_657 = tpu.memref_squeeze %dma_start3A_656 : memref<1x64xi32, #tpu.memory_space<hbm>> -> memref<64xi32, #tpu.memory_space<hbm>>
      %dma_start3A_658 = arith.constant 0 : i32
      %dma_start3A_659 = tpu.memref_slice %arg7[%run_scoped3A, %dma_start3A_658] : memref<5x64xi32, #tpu.memory_space<vmem>> -> memref<1x64xi32, #tpu.memory_space<vmem>>
      %dma_start3A_660 = tpu.memref_squeeze %dma_start3A_659 : memref<1x64xi32, #tpu.memory_space<vmem>> -> memref<64xi32, #tpu.memory_space<vmem>>
      %dma_start3A_661 = arith.constant 0 : i32
      %dma_start3A_662 = tpu.memref_slice %arg3[%add3A_6, %dma_start3A_661] : memref<5120x64xi32, #tpu.memory_space<hbm>> -> memref<1x64xi32, #tpu.memory_space<hbm>>
      %dma_start3A_663 = tpu.memref_squeeze %dma_start3A_662 : memref<1x64xi32, #tpu.memory_space<hbm>> -> memref<64xi32, #tpu.memory_space<hbm>>
      tpu.enqueue_dma source(%dma_start3A_663 : memref<64xi32, #tpu.memory_space<hbm>>) target(%dma_start3A_660 : memref<64xi32, #tpu.memory_space<vmem>>) target_semaphore(%run_scoped3A_651 : memref<!tpu.dma_semaphore, #tpu.memory_space<semaphore_mem>>)
      %dma_wait3A_664 = arith.constant 0 : i32
      %dma_wait3A_665 = tpu.memref_slice %arg7[%run_scoped3A, %dma_wait3A_664] : memref<5x64xi32, #tpu.memory_space<vmem>> -> memref<1x64xi32, #tpu.memory_space<vmem>>
      %dma_wait3A_666 = tpu.memref_squeeze %dma_wait3A_665 : memref<1x64xi32, #tpu.memory_space<vmem>> -> memref<64xi32, #tpu.memory_space<vmem>>
      %dma_wait3A_667 = arith.constant 0 : i32
      %dma_wait3A_668 = tpu.memref_slice %arg3[%add3A_6, %dma_wait3A_667] : memref<5120x64xi32, #tpu.memory_space<hbm>> -> memref<1x64xi32, #tpu.memory_space<hbm>>
      %dma_wait3A_669 = tpu.memref_squeeze %dma_wait3A_668 : memref<1x64xi32, #tpu.memory_space<hbm>> -> memref<64xi32, #tpu.memory_space<hbm>>
      %dma_wait3A_670 = arith.constant 0 : i32
      %dma_wait3A_671 = tpu.memref_slice %arg7[%run_scoped3A, %dma_wait3A_670] : memref<5x64xi32, #tpu.memory_space<vmem>> -> memref<1x64xi32, #tpu.memory_space<vmem>>
      %dma_wait3A_672 = tpu.memref_squeeze %dma_wait3A_671 : memref<1x64xi32, #tpu.memory_space<vmem>> -> memref<64xi32, #tpu.memory_space<vmem>>
      %dma_wait3A_673 = arith.constant 0 : i32
      %dma_wait3A_674 = tpu.memref_slice %arg3[%add3A_6, %dma_wait3A_673] : memref<5120x64xi32, #tpu.memory_space<hbm>> -> memref<1x64xi32, #tpu.memory_space<hbm>>
      %dma_wait3A_675 = tpu.memref_squeeze %dma_wait3A_674 : memref<1x64xi32, #tpu.memory_space<hbm>> -> memref<64xi32, #tpu.memory_space<hbm>>
      tpu.wait_dma2 semaphore(%run_scoped3A_651 : memref<!tpu.dma_semaphore, #tpu.memory_space<semaphore_mem>>) src(%dma_wait3A_675 : memref<64xi32, #tpu.memory_space<hbm>>) dst(%dma_wait3A_672 : memref<64xi32, #tpu.memory_space<vmem>>)
      tpu.yield
    }) : () -> ()
    %add3A_7 = arith.constant 0 : i32
    %add3A_8 = arith.addi %mul3A_4, %add3A_7 : i32
    %run_scoped3A_9 = arith.constant 0 : i32
    "tpu.region"() ({
      %run_scoped3A_651 = tpu.sem_alloc : memref<!tpu.dma_semaphore, #tpu.memory_space<semaphore_mem>>
      %dma_start3A_652 = arith.constant 0 : i32
      %dma_start3A_653 = tpu.memref_slice %arg8[%run_scoped3A_9, %dma_start3A_652] : memref<5x64xi32, #tpu.memory_space<vmem>> -> memref<1x64xi32, #tpu.memory_space<vmem>>
      %dma_start3A_654 = tpu.memref_squeeze %dma_start3A_653 : memref<1x64xi32, #tpu.memory_space<vmem>> -> memref<64xi32, #tpu.memory_space<vmem>>
      %dma_start3A_655 = arith.constant 0 : i32
      %dma_start3A_656 = tpu.memref_slice %arg4[%add3A_8, %dma_start3A_655] : memref<5120x64xi32, #tpu.memory_space<hbm>> -> memref<1x64xi32, #tpu.memory_space<hbm>>
      %dma_start3A_657 = tpu.memref_squeeze %dma_start3A_656 : memref<1x64xi32, #tpu.memory_space<hbm>> -> memref<64xi32, #tpu.memory_space<hbm>>
      %dma_start3A_658 = arith.constant 0 : i32
      %dma_start3A_659 = tpu.memref_slice %arg8[%run_scoped3A_9, %dma_start3A_658] : memref<5x64xi32, #tpu.memory_space<vmem>> -> memref<1x64xi32, #tpu.memory_space<vmem>>
      %dma_start3A_660 = tpu.memref_squeeze %dma_start3A_659 : memref<1x64xi32, #tpu.memory_space<vmem>> -> memref<64xi32, #tpu.memory_space<vmem>>
      %dma_start3A_661 = arith.constant 0 : i32
      %dma_start3A_662 = tpu.memref_slice %arg4[%add3A_8, %dma_start3A_661] : memref<5120x64xi32, #tpu.memory_space<hbm>> -> memref<1x64xi32, #tpu.memory_space<hbm>>
      %dma_start3A_663 = tpu.memref_squeeze %dma_start3A_662 : memref<1x64xi32, #tpu.memory_space<hbm>> -> memref<64xi32, #tpu.memory_space<hbm>>
      tpu.enqueue_dma source(%dma_start3A_663 : memref<64xi32, #tpu.memory_space<hbm>>) target(%dma_start3A_660 : memref<64xi32, #tpu.memory_space<vmem>>) target_semaphore(%run_scoped3A_651 : memref<!tpu.dma_semaphore, #tpu.memory_space<semaphore_mem>>)
      %dma_wait3A_664 = arith.constant 0 : i32
      %dma_wait3A_665 = tpu.memref_slice %arg8[%run_scoped3A_9, %dma_wait3A_664] : memref<5x64xi32, #tpu.memory_space<vmem>> -> memref<1x64xi32, #tpu.memory_space<vmem>>
      %dma_wait3A_666 = tpu.memref_squeeze %dma_wait3A_665 : memref<1x64xi32, #tpu.memory_space<vmem>> -> memref<64xi32, #tpu.memory_space<vmem>>
      %dma_wait3A_667 = arith.constant 0 : i32
      %dma_wait3A_668 = tpu.memref_slice %arg4[%add3A_8, %dma_wait3A_667] : memref<5120x64xi32, #tpu.memory_space<hbm>> -> memref<1x64xi32, #tpu.memory_space<hbm>>
      %dma_wait3A_669 = tpu.memref_squeeze %dma_wait3A_668 : memref<1x64xi32, #tpu.memory_space<hbm>> -> memref<64xi32, #tpu.memory_space<hbm>>
      %dma_wait3A_670 = arith.constant 0 : i32
      %dma_wait3A_671 = tpu.memref_slice %arg8[%run_scoped3A_9, %dma_wait3A_670] : memref<5x64xi32, #tpu.memory_space<vmem>> -> memref<1x64xi32, #tpu.memory_space<vmem>>
      %dma_wait3A_672 = tpu.memref_squeeze %dma_wait3A_671 : memref<1x64xi32, #tpu.memory_space<vmem>> -> memref<64xi32, #tpu.memory_space<vmem>>
      %dma_wait3A_673 = arith.constant 0 : i32
      %dma_wait3A_674 = tpu.memref_slice %arg4[%add3A_8, %dma_wait3A_673] : memref<5120x64xi32, #tpu.memory_space<hbm>> -> memref<1x64xi32, #tpu.memory_space<hbm>>
      %dma_wait3A_675 = tpu.memref_squeeze %dma_wait3A_674 : memref<1x64xi32, #tpu.memory_space<hbm>> -> memref<64xi32, #tpu.memory_space<hbm>>
      tpu.wait_dma2 semaphore(%run_scoped3A_651 : memref<!tpu.dma_semaphore, #tpu.memory_space<semaphore_mem>>) src(%dma_wait3A_675 : memref<64xi32, #tpu.memory_space<hbm>>) dst(%dma_wait3A_672 : memref<64xi32, #tpu.memory_space<vmem>>)
      tpu.yield
    }) : () -> ()
    %add3A_10 = arith.constant 1 : i32
    %add3A_11 = arith.addi %mul3A_4, %add3A_10 : i32
    %run_scoped3A_12 = arith.constant 1 : i32
    "tpu.region"() ({
      %run_scoped3A_651 = tpu.sem_alloc : memref<!tpu.dma_semaphore, #tpu.memory_space<semaphore_mem>>
      %dma_start3A_652 = arith.constant 0 : i32
      %dma_start3A_653 = tpu.memref_slice %arg7[%run_scoped3A_12, %dma_start3A_652] : memref<5x64xi32, #tpu.memory_space<vmem>> -> memref<1x64xi32, #tpu.memory_space<vmem>>
      %dma_start3A_654 = tpu.memref_squeeze %dma_start3A_653 : memref<1x64xi32, #tpu.memory_space<vmem>> -> memref<64xi32, #tpu.memory_space<vmem>>
      %dma_start3A_655 = arith.constant 0 : i32
      %dma_start3A_656 = tpu.memref_slice %arg3[%add3A_11, %dma_start3A_655] : memref<5120x64xi32, #tpu.memory_space<hbm>> -> memref<1x64xi32, #tpu.memory_space<hbm>>
      %dma_start3A_657 = tpu.memref_squeeze %dma_start3A_656 : memref<1x64xi32, #tpu.memory_space<hbm>> -> memref<64xi32, #tpu.memory_space<hbm>>
      %dma_start3A_658 = arith.constant 0 : i32
      %dma_start3A_659 = tpu.memref_slice %arg7[%run_scoped3A_12, %dma_start3A_658] : memref<5x64xi32, #tpu.memory_space<vmem>> -> memref<1x64xi32, #tpu.memory_space<vmem>>
      %dma_start3A_660 = tpu.memref_squeeze %dma_start3A_659 : memref<1x64xi32, #tpu.memory_space<vmem>> -> memref<64xi32, #tpu.memory_space<vmem>>
      %dma_start3A_661 = arith.constant 0 : i32
      %dma_start3A_662 = tpu.memref_slice %arg3[%add3A_11, %dma_start3A_661] : memref<5120x64xi32, #tpu.memory_space<hbm>> -> memref<1x64xi32, #tpu.memory_space<hbm>>
      %dma_start3A_663 = tpu.memref_squeeze %dma_start3A_662 : memref<1x64xi32, #tpu.memory_space<hbm>> -> memref<64xi32, #tpu.memory_space<hbm>>
      tpu.enqueue_dma source(%dma_start3A_663 : memref<64xi32, #tpu.memory_space<hbm>>) target(%dma_start3A_660 : memref<64xi32, #tpu.memory_space<vmem>>) target_semaphore(%run_scoped3A_651 : memref<!tpu.dma_semaphore, #tpu.memory_space<semaphore_mem>>)
      %dma_wait3A_664 = arith.constant 0 : i32
      %dma_wait3A_665 = tpu.memref_slice %arg7[%run_scoped3A_12, %dma_wait3A_664] : memref<5x64xi32, #tpu.memory_space<vmem>> -> memref<1x64xi32, #tpu.memory_space<vmem>>
      %dma_wait3A_666 = tpu.memref_squeeze %dma_wait3A_665 : memref<1x64xi32, #tpu.memory_space<vmem>> -> memref<64xi32, #tpu.memory_space<vmem>>
      %dma_wait3A_667 = arith.constant 0 : i32
      %dma_wait3A_668 = tpu.memref_slice %arg3[%add3A_11, %dma_wait3A_667] : memref<5120x64xi32, #tpu.memory_space<hbm>> -> memref<1x64xi32, #tpu.memory_space<hbm>>
      %dma_wait3A_669 = tpu.memref_squeeze %dma_wait3A_668 : memref<1x64xi32, #tpu.memory_space<hbm>> -> memref<64xi32, #tpu.memory_space<hbm>>
      %dma_wait3A_670 = arith.constant 0 : i32
      %dma_wait3A_671 = tpu.memref_slice %arg7[%run_scoped3A_12, %dma_wait3A_670] : memref<5x64xi32, #tpu.memory_space<vmem>> -> memref<1x64xi32, #tpu.memory_space<vmem>>
      %dma_wait3A_672 = tpu.memref_squeeze %dma_wait3A_671 : memref<1x64xi32, #tpu.memory_space<vmem>> -> memref<64xi32, #tpu.memory_space<vmem>>
      %dma_wait3A_673 = arith.constant 0 : i32
      %dma_wait3A_674 = tpu.memref_slice %arg3[%add3A_11, %dma_wait3A_673] : memref<5120x64xi32, #tpu.memory_space<hbm>> -> memref<1x64xi32, #tpu.memory_space<hbm>>
      %dma_wait3A_675 = tpu.memref_squeeze %dma_wait3A_674 : memref<1x64xi32, #tpu.memory_space<hbm>> -> memref<64xi32, #tpu.memory_space<hbm>>
      tpu.wait_dma2 semaphore(%run_scoped3A_651 : memref<!tpu.dma_semaphore, #tpu.memory_space<semaphore_mem>>) src(%dma_wait3A_675 : memref<64xi32, #tpu.memory_space<hbm>>) dst(%dma_wait3A_672 : memref<64xi32, #tpu.memory_space<vmem>>)
      tpu.yield
    }) : () -> ()
    %add3A_13 = arith.constant 1 : i32
    %add3A_14 = arith.addi %mul3A_4, %add3A_13 : i32
    %run_scoped3A_15 = arith.constant 1 : i32
    "tpu.region"() ({
      %run_scoped3A_651 = tpu.sem_alloc : memref<!tpu.dma_semaphore, #tpu.memory_space<semaphore_mem>>
      %dma_start3A_652 = arith.constant 0 : i32
      %dma_start3A_653 = tpu.memref_slice %arg8[%run_scoped3A_15, %dma_start3A_652] : memref<5x64xi32, #tpu.memory_space<vmem>> -> memref<1x64xi32, #tpu.memory_space<vmem>>
      %dma_start3A_654 = tpu.memref_squeeze %dma_start3A_653 : memref<1x64xi32, #tpu.memory_space<vmem>> -> memref<64xi32, #tpu.memory_space<vmem>>
      %dma_start3A_655 = arith.constant 0 : i32
      %dma_start3A_656 = tpu.memref_slice %arg4[%add3A_14, %dma_start3A_655] : memref<5120x64xi32, #tpu.memory_space<hbm>> -> memref<1x64xi32, #tpu.memory_space<hbm>>
      %dma_start3A_657 = tpu.memref_squeeze %dma_start3A_656 : memref<1x64xi32, #tpu.memory_space<hbm>> -> memref<64xi32, #tpu.memory_space<hbm>>
      %dma_start3A_658 = arith.constant 0 : i32
      %dma_start3A_659 = tpu.memref_slice %arg8[%run_scoped3A_15, %dma_start3A_658] : memref<5x64xi32, #tpu.memory_space<vmem>> -> memref<1x64xi32, #tpu.memory_space<vmem>>
      %dma_start3A_660 = tpu.memref_squeeze %dma_start3A_659 : memref<1x64xi32, #tpu.memory_space<vmem>> -> memref<64xi32, #tpu.memory_space<vmem>>
      %dma_start3A_661 = arith.constant 0 : i32
      %dma_start3A_662 = tpu.memref_slice %arg4[%add3A_14, %dma_start3A_661] : memref<5120x64xi32, #tpu.memory_space<hbm>> -> memref<1x64xi32, #tpu.memory_space<hbm>>
      %dma_start3A_663 = tpu.memref_squeeze %dma_start3A_662 : memref<1x64xi32, #tpu.memory_space<hbm>> -> memref<64xi32, #tpu.memory_space<hbm>>
      tpu.enqueue_dma source(%dma_start3A_663 : memref<64xi32, #tpu.memory_space<hbm>>) target(%dma_start3A_660 : memref<64xi32, #tpu.memory_space<vmem>>) target_semaphore(%run_scoped3A_651 : memref<!tpu.dma_semaphore, #tpu.memory_space<semaphore_mem>>)
      %dma_wait3A_664 = arith.constant 0 : i32
      %dma_wait3A_665 = tpu.memref_slice %arg8[%run_scoped3A_15, %dma_wait3A_664] : memref<5x64xi32, #tpu.memory_space<vmem>> -> memref<1x64xi32, #tpu.memory_space<vmem>>
      %dma_wait3A_666 = tpu.memref_squeeze %dma_wait3A_665 : memref<1x64xi32, #tpu.memory_space<vmem>> -> memref<64xi32, #tpu.memory_space<vmem>>
      %dma_wait3A_667 = arith.constant 0 : i32
      %dma_wait3A_668 = tpu.memref_slice %arg4[%add3A_14, %dma_wait3A_667] : memref<5120x64xi32, #tpu.memory_space<hbm>> -> memref<1x64xi32, #tpu.memory_space<hbm>>
      %dma_wait3A_669 = tpu.memref_squeeze %dma_wait3A_668 : memref<1x64xi32, #tpu.memory_space<hbm>> -> memref<64xi32, #tpu.memory_space<hbm>>
      %dma_wait3A_670 = arith.constant 0 : i32
      %dma_wait3A_671 = tpu.memref_slice %arg8[%run_scoped3A_15, %dma_wait3A_670] : memref<5x64xi32, #tpu.memory_space<vmem>> -> memref<1x64xi32, #tpu.memory_space<vmem>>
      %dma_wait3A_672 = tpu.memref_squeeze %dma_wait3A_671 : memref<1x64xi32, #tpu.memory_space<vmem>> -> memref<64xi32, #tpu.memory_space<vmem>>
      %dma_wait3A_673 = arith.constant 0 : i32
      %dma_wait3A_674 = tpu.memref_slice %arg4[%add3A_14, %dma_wait3A_673] : memref<5120x64xi32, #tpu.memory_space<hbm>> -> memref<1x64xi32, #tpu.memory_space<hbm>>
      %dma_wait3A_675 = tpu.memref_squeeze %dma_wait3A_674 : memref<1x64xi32, #tpu.memory_space<hbm>> -> memref<64xi32, #tpu.memory_space<hbm>>
      tpu.wait_dma2 semaphore(%run_scoped3A_651 : memref<!tpu.dma_semaphore, #tpu.memory_space<semaphore_mem>>) src(%dma_wait3A_675 : memref<64xi32, #tpu.memory_space<hbm>>) dst(%dma_wait3A_672 : memref<64xi32, #tpu.memory_space<vmem>>)
      tpu.yield
    }) : () -> ()
    %add3A_16 = arith.constant 2 : i32
    %add3A_17 = arith.addi %mul3A_4, %add3A_16 : i32
    %run_scoped3A_18 = arith.constant 2 : i32
    "tpu.region"() ({
      %run_scoped3A_651 = tpu.sem_alloc : memref<!tpu.dma_semaphore, #tpu.memory_space<semaphore_mem>>
      %dma_start3A_652 = arith.constant 0 : i32
      %dma_start3A_653 = tpu.memref_slice %arg7[%run_scoped3A_18, %dma_start3A_652] : memref<5x64xi32, #tpu.memory_space<vmem>> -> memref<1x64xi32, #tpu.memory_space<vmem>>
      %dma_start3A_654 = tpu.memref_squeeze %dma_start3A_653 : memref<1x64xi32, #tpu.memory_space<vmem>> -> memref<64xi32, #tpu.memory_space<vmem>>
      %dma_start3A_655 = arith.constant 0 : i32
      %dma_start3A_656 = tpu.memref_slice %arg3[%add3A_17, %dma_start3A_655] : memref<5120x64xi32, #tpu.memory_space<hbm>> -> memref<1x64xi32, #tpu.memory_space<hbm>>
      %dma_start3A_657 = tpu.memref_squeeze %dma_start3A_656 : memref<1x64xi32, #tpu.memory_space<hbm>> -> memref<64xi32, #tpu.memory_space<hbm>>
      %dma_start3A_658 = arith.constant 0 : i32
      %dma_start3A_659 = tpu.memref_slice %arg7[%run_scoped3A_18, %dma_start3A_658] : memref<5x64xi32, #tpu.memory_space<vmem>> -> memref<1x64xi32, #tpu.memory_space<vmem>>
      %dma_start3A_660 = tpu.memref_squeeze %dma_start3A_659 : memref<1x64xi32, #tpu.memory_space<vmem>> -> memref<64xi32, #tpu.memory_space<vmem>>
      %dma_start3A_661 = arith.constant 0 : i32
      %dma_start3A_662 = tpu.memref_slice %arg3[%add3A_17, %dma_start3A_661] : memref<5120x64xi32, #tpu.memory_space<hbm>> -> memref<1x64xi32, #tpu.memory_space<hbm>>
      %dma_start3A_663 = tpu.memref_squeeze %dma_start3A_662 : memref<1x64xi32, #tpu.memory_space<hbm>> -> memref<64xi32, #tpu.memory_space<hbm>>
      tpu.enqueue_dma source(%dma_start3A_663 : memref<64xi32, #tpu.memory_space<hbm>>) target(%dma_start3A_660 : memref<64xi32, #tpu.memory_space<vmem>>) target_semaphore(%run_scoped3A_651 : memref<!tpu.dma_semaphore, #tpu.memory_space<semaphore_mem>>)
      %dma_wait3A_664 = arith.constant 0 : i32
      %dma_wait3A_665 = tpu.memref_slice %arg7[%run_scoped3A_18, %dma_wait3A_664] : memref<5x64xi32, #tpu.memory_space<vmem>> -> memref<1x64xi32, #tpu.memory_space<vmem>>
      %dma_wait3A_666 = tpu.memref_squeeze %dma_wait3A_665 : memref<1x64xi32, #tpu.memory_space<vmem>> -> memref<64xi32, #tpu.memory_space<vmem>>
      %dma_wait3A_667 = arith.constant 0 : i32
      %dma_wait3A_668 = tpu.memref_slice %arg3[%add3A_17, %dma_wait3A_667] : memref<5120x64xi32, #tpu.memory_space<hbm>> -> memref<1x64xi32, #tpu.memory_space<hbm>>
      %dma_wait3A_669 = tpu.memref_squeeze %dma_wait3A_668 : memref<1x64xi32, #tpu.memory_space<hbm>> -> memref<64xi32, #tpu.memory_space<hbm>>
      %dma_wait3A_670 = arith.constant 0 : i32
      %dma_wait3A_671 = tpu.memref_slice %arg7[%run_scoped3A_18, %dma_wait3A_670] : memref<5x64xi32, #tpu.memory_space<vmem>> -> memref<1x64xi32, #tpu.memory_space<vmem>>
      %dma_wait3A_672 = tpu.memref_squeeze %dma_wait3A_671 : memref<1x64xi32, #tpu.memory_space<vmem>> -> memref<64xi32, #tpu.memory_space<vmem>>
      %dma_wait3A_673 = arith.constant 0 : i32
      %dma_wait3A_674 = tpu.memref_slice %arg3[%add3A_17, %dma_wait3A_673] : memref<5120x64xi32, #tpu.memory_space<hbm>> -> memref<1x64xi32, #tpu.memory_space<hbm>>
      %dma_wait3A_675 = tpu.memref_squeeze %dma_wait3A_674 : memref<1x64xi32, #tpu.memory_space<hbm>> -> memref<64xi32, #tpu.memory_space<hbm>>
      tpu.wait_dma2 semaphore(%run_scoped3A_651 : memref<!tpu.dma_semaphore, #tpu.memory_space<semaphore_mem>>) src(%dma_wait3A_675 : memref<64xi32, #tpu.memory_space<hbm>>) dst(%dma_wait3A_672 : memref<64xi32, #tpu.memory_space<vmem>>)
      tpu.yield
    }) : () -> ()
    %add3A_19 = arith.constant 2 : i32
    %add3A_20 = arith.addi %mul3A_4, %add3A_19 : i32
    %run_scoped3A_21 = arith.constant 2 : i32
    "tpu.region"() ({
      %run_scoped3A_651 = tpu.sem_alloc : memref<!tpu.dma_semaphore, #tpu.memory_space<semaphore_mem>>
      %dma_start3A_652 = arith.constant 0 : i32
      %dma_start3A_653 = tpu.memref_slice %arg8[%run_scoped3A_21, %dma_start3A_652] : memref<5x64xi32, #tpu.memory_space<vmem>> -> memref<1x64xi32, #tpu.memory_space<vmem>>
      %dma_start3A_654 = tpu.memref_squeeze %dma_start3A_653 : memref<1x64xi32, #tpu.memory_space<vmem>> -> memref<64xi32, #tpu.memory_space<vmem>>
      %dma_start3A_655 = arith.constant 0 : i32
      %dma_start3A_656 = tpu.memref_slice %arg4[%add3A_20, %dma_start3A_655] : memref<5120x64xi32, #tpu.memory_space<hbm>> -> memref<1x64xi32, #tpu.memory_space<hbm>>
      %dma_start3A_657 = tpu.memref_squeeze %dma_start3A_656 : memref<1x64xi32, #tpu.memory_space<hbm>> -> memref<64xi32, #tpu.memory_space<hbm>>
      %dma_start3A_658 = arith.constant 0 : i32
      %dma_start3A_659 = tpu.memref_slice %arg8[%run_scoped3A_21, %dma_start3A_658] : memref<5x64xi32, #tpu.memory_space<vmem>> -> memref<1x64xi32, #tpu.memory_space<vmem>>
      %dma_start3A_660 = tpu.memref_squeeze %dma_start3A_659 : memref<1x64xi32, #tpu.memory_space<vmem>> -> memref<64xi32, #tpu.memory_space<vmem>>
      %dma_start3A_661 = arith.constant 0 : i32
      %dma_start3A_662 = tpu.memref_slice %arg4[%add3A_20, %dma_start3A_661] : memref<5120x64xi32, #tpu.memory_space<hbm>> -> memref<1x64xi32, #tpu.memory_space<hbm>>
      %dma_start3A_663 = tpu.memref_squeeze %dma_start3A_662 : memref<1x64xi32, #tpu.memory_space<hbm>> -> memref<64xi32, #tpu.memory_space<hbm>>
      tpu.enqueue_dma source(%dma_start3A_663 : memref<64xi32, #tpu.memory_space<hbm>>) target(%dma_start3A_660 : memref<64xi32, #tpu.memory_space<vmem>>) target_semaphore(%run_scoped3A_651 : memref<!tpu.dma_semaphore, #tpu.memory_space<semaphore_mem>>)
      %dma_wait3A_664 = arith.constant 0 : i32
      %dma_wait3A_665 = tpu.memref_slice %arg8[%run_scoped3A_21, %dma_wait3A_664] : memref<5x64xi32, #tpu.memory_space<vmem>> -> memref<1x64xi32, #tpu.memory_space<vmem>>
      %dma_wait3A_666 = tpu.memref_squeeze %dma_wait3A_665 : memref<1x64xi32, #tpu.memory_space<vmem>> -> memref<64xi32, #tpu.memory_space<vmem>>
      %dma_wait3A_667 = arith.constant 0 : i32
      %dma_wait3A_668 = tpu.memref_slice %arg4[%add3A_20, %dma_wait3A_667] : memref<5120x64xi32, #tpu.memory_space<hbm>> -> memref<1x64xi32, #tpu.memory_space<hbm>>
      %dma_wait3A_669 = tpu.memref_squeeze %dma_wait3A_668 : memref<1x64xi32, #tpu.memory_space<hbm>> -> memref<64xi32, #tpu.memory_space<hbm>>
      %dma_wait3A_670 = arith.constant 0 : i32
      %dma_wait3A_671 = tpu.memref_slice %arg8[%run_scoped3A_21, %dma_wait3A_670] : memref<5x64xi32, #tpu.memory_space<vmem>> -> memref<1x64xi32, #tpu.memory_space<vmem>>
      %dma_wait3A_672 = tpu.memref_squeeze %dma_wait3A_671 : memref<1x64xi32, #tpu.memory_space<vmem>> -> memref<64xi32, #tpu.memory_space<vmem>>
      %dma_wait3A_673 = arith.constant 0 : i32
      %dma_wait3A_674 = tpu.memref_slice %arg4[%add3A_20, %dma_wait3A_673] : memref<5120x64xi32, #tpu.memory_space<hbm>> -> memref<1x64xi32, #tpu.memory_space<hbm>>
      %dma_wait3A_675 = tpu.memref_squeeze %dma_wait3A_674 : memref<1x64xi32, #tpu.memory_space<hbm>> -> memref<64xi32, #tpu.memory_space<hbm>>
      tpu.wait_dma2 semaphore(%run_scoped3A_651 : memref<!tpu.dma_semaphore, #tpu.memory_space<semaphore_mem>>) src(%dma_wait3A_675 : memref<64xi32, #tpu.memory_space<hbm>>) dst(%dma_wait3A_672 : memref<64xi32, #tpu.memory_space<vmem>>)
      tpu.yield
    }) : () -> ()
    %add3A_22 = arith.constant 3 : i32
    %add3A_23 = arith.addi %mul3A_4, %add3A_22 : i32
    %run_scoped3A_24 = arith.constant 3 : i32
    "tpu.region"() ({
      %run_scoped3A_651 = tpu.sem_alloc : memref<!tpu.dma_semaphore, #tpu.memory_space<semaphore_mem>>
      %dma_start3A_652 = arith.constant 0 : i32
      %dma_start3A_653 = tpu.memref_slice %arg7[%run_scoped3A_24, %dma_start3A_652] : memref<5x64xi32, #tpu.memory_space<vmem>> -> memref<1x64xi32, #tpu.memory_space<vmem>>
      %dma_start3A_654 = tpu.memref_squeeze %dma_start3A_653 : memref<1x64xi32, #tpu.memory_space<vmem>> -> memref<64xi32, #tpu.memory_space<vmem>>
      %dma_start3A_655 = arith.constant 0 : i32
      %dma_start3A_656 = tpu.memref_slice %arg3[%add3A_23, %dma_start3A_655] : memref<5120x64xi32, #tpu.memory_space<hbm>> -> memref<1x64xi32, #tpu.memory_space<hbm>>
      %dma_start3A_657 = tpu.memref_squeeze %dma_start3A_656 : memref<1x64xi32, #tpu.memory_space<hbm>> -> memref<64xi32, #tpu.memory_space<hbm>>
      %dma_start3A_658 = arith.constant 0 : i32
      %dma_start3A_659 = tpu.memref_slice %arg7[%run_scoped3A_24, %dma_start3A_658] : memref<5x64xi32, #tpu.memory_space<vmem>> -> memref<1x64xi32, #tpu.memory_space<vmem>>
      %dma_start3A_660 = tpu.memref_squeeze %dma_start3A_659 : memref<1x64xi32, #tpu.memory_space<vmem>> -> memref<64xi32, #tpu.memory_space<vmem>>
      %dma_start3A_661 = arith.constant 0 : i32
      %dma_start3A_662 = tpu.memref_slice %arg3[%add3A_23, %dma_start3A_661] : memref<5120x64xi32, #tpu.memory_space<hbm>> -> memref<1x64xi32, #tpu.memory_space<hbm>>
      %dma_start3A_663 = tpu.memref_squeeze %dma_start3A_662 : memref<1x64xi32, #tpu.memory_space<hbm>> -> memref<64xi32, #tpu.memory_space<hbm>>
      tpu.enqueue_dma source(%dma_start3A_663 : memref<64xi32, #tpu.memory_space<hbm>>) target(%dma_start3A_660 : memref<64xi32, #tpu.memory_space<vmem>>) target_semaphore(%run_scoped3A_651 : memref<!tpu.dma_semaphore, #tpu.memory_space<semaphore_mem>>)
      %dma_wait3A_664 = arith.constant 0 : i32
      %dma_wait3A_665 = tpu.memref_slice %arg7[%run_scoped3A_24, %dma_wait3A_664] : memref<5x64xi32, #tpu.memory_space<vmem>> -> memref<1x64xi32, #tpu.memory_space<vmem>>
      %dma_wait3A_666 = tpu.memref_squeeze %dma_wait3A_665 : memref<1x64xi32, #tpu.memory_space<vmem>> -> memref<64xi32, #tpu.memory_space<vmem>>
      %dma_wait3A_667 = arith.constant 0 : i32
      %dma_wait3A_668 = tpu.memref_slice %arg3[%add3A_23, %dma_wait3A_667] : memref<5120x64xi32, #tpu.memory_space<hbm>> -> memref<1x64xi32, #tpu.memory_space<hbm>>
      %dma_wait3A_669 = tpu.memref_squeeze %dma_wait3A_668 : memref<1x64xi32, #tpu.memory_space<hbm>> -> memref<64xi32, #tpu.memory_space<hbm>>
      %dma_wait3A_670 = arith.constant 0 : i32
      %dma_wait3A_671 = tpu.memref_slice %arg7[%run_scoped3A_24, %dma_wait3A_670] : memref<5x64xi32, #tpu.memory_space<vmem>> -> memref<1x64xi32, #tpu.memory_space<vmem>>
      %dma_wait3A_672 = tpu.memref_squeeze %dma_wait3A_671 : memref<1x64xi32, #tpu.memory_space<vmem>> -> memref<64xi32, #tpu.memory_space<vmem>>
      %dma_wait3A_673 = arith.constant 0 : i32
      %dma_wait3A_674 = tpu.memref_slice %arg3[%add3A_23, %dma_wait3A_673] : memref<5120x64xi32, #tpu.memory_space<hbm>> -> memref<1x64xi32, #tpu.memory_space<hbm>>
      %dma_wait3A_675 = tpu.memref_squeeze %dma_wait3A_674 : memref<1x64xi32, #tpu.memory_space<hbm>> -> memref<64xi32, #tpu.memory_space<hbm>>
      tpu.wait_dma2 semaphore(%run_scoped3A_651 : memref<!tpu.dma_semaphore, #tpu.memory_space<semaphore_mem>>) src(%dma_wait3A_675 : memref<64xi32, #tpu.memory_space<hbm>>) dst(%dma_wait3A_672 : memref<64xi32, #tpu.memory_space<vmem>>)
      tpu.yield
    }) : () -> ()
    %add3A_25 = arith.constant 3 : i32
    %add3A_26 = arith.addi %mul3A_4, %add3A_25 : i32
    %run_scoped3A_27 = arith.constant 3 : i32
    "tpu.region"() ({
      %run_scoped3A_651 = tpu.sem_alloc : memref<!tpu.dma_semaphore, #tpu.memory_space<semaphore_mem>>
      %dma_start3A_652 = arith.constant 0 : i32
      %dma_start3A_653 = tpu.memref_slice %arg8[%run_scoped3A_27, %dma_start3A_652] : memref<5x64xi32, #tpu.memory_space<vmem>> -> memref<1x64xi32, #tpu.memory_space<vmem>>
      %dma_start3A_654 = tpu.memref_squeeze %dma_start3A_653 : memref<1x64xi32, #tpu.memory_space<vmem>> -> memref<64xi32, #tpu.memory_space<vmem>>
      %dma_start3A_655 = arith.constant 0 : i32
      %dma_start3A_656 = tpu.memref_slice %arg4[%add3A_26, %dma_start3A_655] : memref<5120x64xi32, #tpu.memory_space<hbm>> -> memref<1x64xi32, #tpu.memory_space<hbm>>
      %dma_start3A_657 = tpu.memref_squeeze %dma_start3A_656 : memref<1x64xi32, #tpu.memory_space<hbm>> -> memref<64xi32, #tpu.memory_space<hbm>>
      %dma_start3A_658 = arith.constant 0 : i32
      %dma_start3A_659 = tpu.memref_slice %arg8[%run_scoped3A_27, %dma_start3A_658] : memref<5x64xi32, #tpu.memory_space<vmem>> -> memref<1x64xi32, #tpu.memory_space<vmem>>
      %dma_start3A_660 = tpu.memref_squeeze %dma_start3A_659 : memref<1x64xi32, #tpu.memory_space<vmem>> -> memref<64xi32, #tpu.memory_space<vmem>>
      %dma_start3A_661 = arith.constant 0 : i32
      %dma_start3A_662 = tpu.memref_slice %arg4[%add3A_26, %dma_start3A_661] : memref<5120x64xi32, #tpu.memory_space<hbm>> -> memref<1x64xi32, #tpu.memory_space<hbm>>
      %dma_start3A_663 = tpu.memref_squeeze %dma_start3A_662 : memref<1x64xi32, #tpu.memory_space<hbm>> -> memref<64xi32, #tpu.memory_space<hbm>>
      tpu.enqueue_dma source(%dma_start3A_663 : memref<64xi32, #tpu.memory_space<hbm>>) target(%dma_start3A_660 : memref<64xi32, #tpu.memory_space<vmem>>) target_semaphore(%run_scoped3A_651 : memref<!tpu.dma_semaphore, #tpu.memory_space<semaphore_mem>>)
      %dma_wait3A_664 = arith.constant 0 : i32
      %dma_wait3A_665 = tpu.memref_slice %arg8[%run_scoped3A_27, %dma_wait3A_664] : memref<5x64xi32, #tpu.memory_space<vmem>> -> memref<1x64xi32, #tpu.memory_space<vmem>>
      %dma_wait3A_666 = tpu.memref_squeeze %dma_wait3A_665 : memref<1x64xi32, #tpu.memory_space<vmem>> -> memref<64xi32, #tpu.memory_space<vmem>>
      %dma_wait3A_667 = arith.constant 0 : i32
      %dma_wait3A_668 = tpu.memref_slice %arg4[%add3A_26, %dma_wait3A_667] : memref<5120x64xi32, #tpu.memory_space<hbm>> -> memref<1x64xi32, #tpu.memory_space<hbm>>
      %dma_wait3A_669 = tpu.memref_squeeze %dma_wait3A_668 : memref<1x64xi32, #tpu.memory_space<hbm>> -> memref<64xi32, #tpu.memory_space<hbm>>
      %dma_wait3A_670 = arith.constant 0 : i32
      %dma_wait3A_671 = tpu.memref_slice %arg8[%run_scoped3A_27, %dma_wait3A_670] : memref<5x64xi32, #tpu.memory_space<vmem>> -> memref<1x64xi32, #tpu.memory_space<vmem>>
      %dma_wait3A_672 = tpu.memref_squeeze %dma_wait3A_671 : memref<1x64xi32, #tpu.memory_space<vmem>> -> memref<64xi32, #tpu.memory_space<vmem>>
      %dma_wait3A_673 = arith.constant 0 : i32
      %dma_wait3A_674 = tpu.memref_slice %arg4[%add3A_26, %dma_wait3A_673] : memref<5120x64xi32, #tpu.memory_space<hbm>> -> memref<1x64xi32, #tpu.memory_space<hbm>>
      %dma_wait3A_675 = tpu.memref_squeeze %dma_wait3A_674 : memref<1x64xi32, #tpu.memory_space<hbm>> -> memref<64xi32, #tpu.memory_space<hbm>>
      tpu.wait_dma2 semaphore(%run_scoped3A_651 : memref<!tpu.dma_semaphore, #tpu.memory_space<semaphore_mem>>) src(%dma_wait3A_675 : memref<64xi32, #tpu.memory_space<hbm>>) dst(%dma_wait3A_672 : memref<64xi32, #tpu.memory_space<vmem>>)
      tpu.yield
    }) : () -> ()
    %dma_start3A = arith.constant 0 : i32
    %dma_start3A_28 = arith.constant 0 : i32
    %dma_start3A_29 = tpu.memref_slice %arg7[%dma_start3A, %dma_start3A_28] : memref<5x64xi32, #tpu.memory_space<vmem>> -> memref<1x64xi32, #tpu.memory_space<vmem>>
    %dma_start3A_30 = tpu.memref_squeeze %dma_start3A_29 : memref<1x64xi32, #tpu.memory_space<vmem>> -> memref<64xi32, #tpu.memory_space<vmem>>
    %dma_start3A_31 = arith.constant 0 : i32
    %dma_start3A_32 = arith.constant 0 : i32
    %dma_start3A_33 = tpu.memref_slice %arg2[%dma_start3A_31, %dma_start3A_32] : memref<10240x128xf32, #tpu.memory_space<hbm>> -> memref<10240x128xf32, #tpu.memory_space<hbm>>
    tpu.enqueue_indirect_dma source(%dma_start3A_33 : memref<10240x128xf32, #tpu.memory_space<hbm>>) target(%arg9 : memref<64x128xf32, #tpu.memory_space<vmem>>) offsets(%dma_start3A_30 : memref<64xi32, #tpu.memory_space<vmem>>) semaphore(%arg14 : memref<!tpu.dma_semaphore, #tpu.memory_space<semaphore_mem>>)
    %dma_start3A_34 = arith.constant 1 : i32
    %dma_start3A_35 = arith.constant 0 : i32
    %dma_start3A_36 = tpu.memref_slice %arg7[%dma_start3A_34, %dma_start3A_35] : memref<5x64xi32, #tpu.memory_space<vmem>> -> memref<1x64xi32, #tpu.memory_space<vmem>>
    %dma_start3A_37 = tpu.memref_squeeze %dma_start3A_36 : memref<1x64xi32, #tpu.memory_space<vmem>> -> memref<64xi32, #tpu.memory_space<vmem>>
    %dma_start3A_38 = arith.constant 0 : i32
    %dma_start3A_39 = arith.constant 0 : i32
    %dma_start3A_40 = tpu.memref_slice %arg2[%dma_start3A_38, %dma_start3A_39] : memref<10240x128xf32, #tpu.memory_space<hbm>> -> memref<10240x128xf32, #tpu.memory_space<hbm>>
    tpu.enqueue_indirect_dma source(%dma_start3A_40 : memref<10240x128xf32, #tpu.memory_space<hbm>>) target(%arg10 : memref<64x128xf32, #tpu.memory_space<vmem>>) offsets(%dma_start3A_37 : memref<64xi32, #tpu.memory_space<vmem>>) semaphore(%arg15 : memref<!tpu.dma_semaphore, #tpu.memory_space<semaphore_mem>>)
    %dma_start3A_41 = arith.constant 2 : i32
    %dma_start3A_42 = arith.constant 0 : i32
    %dma_start3A_43 = tpu.memref_slice %arg7[%dma_start3A_41, %dma_start3A_42] : memref<5x64xi32, #tpu.memory_space<vmem>> -> memref<1x64xi32, #tpu.memory_space<vmem>>
    %dma_start3A_44 = tpu.memref_squeeze %dma_start3A_43 : memref<1x64xi32, #tpu.memory_space<vmem>> -> memref<64xi32, #tpu.memory_space<vmem>>
    %dma_start3A_45 = arith.constant 0 : i32
    %dma_start3A_46 = arith.constant 0 : i32
    %dma_start3A_47 = tpu.memref_slice %arg2[%dma_start3A_45, %dma_start3A_46] : memref<10240x128xf32, #tpu.memory_space<hbm>> -> memref<10240x128xf32, #tpu.memory_space<hbm>>
    tpu.enqueue_indirect_dma source(%dma_start3A_47 : memref<10240x128xf32, #tpu.memory_space<hbm>>) target(%arg11 : memref<64x128xf32, #tpu.memory_space<vmem>>) offsets(%dma_start3A_44 : memref<64xi32, #tpu.memory_space<vmem>>) semaphore(%arg16 : memref<!tpu.dma_semaphore, #tpu.memory_space<semaphore_mem>>)
    %dma_start3A_48 = arith.constant 3 : i32
    %dma_start3A_49 = arith.constant 0 : i32
    %dma_start3A_50 = tpu.memref_slice %arg7[%dma_start3A_48, %dma_start3A_49] : memref<5x64xi32, #tpu.memory_space<vmem>> -> memref<1x64xi32, #tpu.memory_space<vmem>>
    %dma_start3A_51 = tpu.memref_squeeze %dma_start3A_50 : memref<1x64xi32, #tpu.memory_space<vmem>> -> memref<64xi32, #tpu.memory_space<vmem>>
    %dma_start3A_52 = arith.constant 0 : i32
    %dma_start3A_53 = arith.constant 0 : i32
    %dma_start3A_54 = tpu.memref_slice %arg2[%dma_start3A_52, %dma_start3A_53] : memref<10240x128xf32, #tpu.memory_space<hbm>> -> memref<10240x128xf32, #tpu.memory_space<hbm>>
    tpu.enqueue_indirect_dma source(%dma_start3A_54 : memref<10240x128xf32, #tpu.memory_space<hbm>>) target(%arg12 : memref<64x128xf32, #tpu.memory_space<vmem>>) offsets(%dma_start3A_51 : memref<64xi32, #tpu.memory_space<vmem>>) semaphore(%arg17 : memref<!tpu.dma_semaphore, #tpu.memory_space<semaphore_mem>>)
    %add3A_55 = arith.constant 4 : i32
    %add3A_56 = arith.addi %mul3A_4, %add3A_55 : i32
    %dma_start3A_57 = arith.constant 4 : i32
    %dma_start3A_58 = arith.constant 0 : i32
    %dma_start3A_59 = tpu.memref_slice %arg7[%dma_start3A_57, %dma_start3A_58] : memref<5x64xi32, #tpu.memory_space<vmem>> -> memref<1x64xi32, #tpu.memory_space<vmem>>
    %dma_start3A_60 = tpu.memref_squeeze %dma_start3A_59 : memref<1x64xi32, #tpu.memory_space<vmem>> -> memref<64xi32, #tpu.memory_space<vmem>>
    %dma_start3A_61 = arith.constant 0 : i32
    %dma_start3A_62 = tpu.memref_slice %arg3[%add3A_56, %dma_start3A_61] : memref<5120x64xi32, #tpu.memory_space<hbm>> -> memref<1x64xi32, #tpu.memory_space<hbm>>
    %dma_start3A_63 = tpu.memref_squeeze %dma_start3A_62 : memref<1x64xi32, #tpu.memory_space<hbm>> -> memref<64xi32, #tpu.memory_space<hbm>>
    %dma_start3A_64 = arith.constant 0 : i32
    %dma_start3A_65 = tpu.memref_slice %arg7[%dma_start3A_57, %dma_start3A_64] : memref<5x64xi32, #tpu.memory_space<vmem>> -> memref<1x64xi32, #tpu.memory_space<vmem>>
    %dma_start3A_66 = tpu.memref_squeeze %dma_start3A_65 : memref<1x64xi32, #tpu.memory_space<vmem>> -> memref<64xi32, #tpu.memory_space<vmem>>
    %dma_start3A_67 = arith.constant 0 : i32
    %dma_start3A_68 = tpu.memref_slice %arg3[%add3A_56, %dma_start3A_67] : memref<5120x64xi32, #tpu.memory_space<hbm>> -> memref<1x64xi32, #tpu.memory_space<hbm>>
    %dma_start3A_69 = tpu.memref_squeeze %dma_start3A_68 : memref<1x64xi32, #tpu.memory_space<hbm>> -> memref<64xi32, #tpu.memory_space<hbm>>
    tpu.enqueue_dma source(%dma_start3A_69 : memref<64xi32, #tpu.memory_space<hbm>>) target(%dma_start3A_66 : memref<64xi32, #tpu.memory_space<vmem>>) target_semaphore(%arg28 : memref<!tpu.dma_semaphore, #tpu.memory_space<semaphore_mem>>)
    %dma_wait3A = arith.constant 0 : i32
    %dma_wait3A_70 = arith.constant 0 : i32
    %dma_wait3A_71 = tpu.memref_slice %arg7[%dma_wait3A, %dma_wait3A_70] : memref<5x64xi32, #tpu.memory_space<vmem>> -> memref<1x64xi32, #tpu.memory_space<vmem>>
    %dma_wait3A_72 = tpu.memref_squeeze %dma_wait3A_71 : memref<1x64xi32, #tpu.memory_space<vmem>> -> memref<64xi32, #tpu.memory_space<vmem>>
    %dma_wait3A_73 = arith.constant 0 : i32
    %dma_wait3A_74 = arith.constant 0 : i32
    %dma_wait3A_75 = tpu.memref_slice %arg2[%dma_wait3A_73, %dma_wait3A_74] : memref<10240x128xf32, #tpu.memory_space<hbm>> -> memref<10240x128xf32, #tpu.memory_space<hbm>>
    tpu.wait_indirect_dma semaphore(%arg14 : memref<!tpu.dma_semaphore, #tpu.memory_space<semaphore_mem>>) src(%dma_wait3A_75 : memref<10240x128xf32, #tpu.memory_space<hbm>>) dst(%arg9 : memref<64x128xf32, #tpu.memory_space<vmem>>)
    %dma_start3A_76 = arith.constant 0 : i32
    %dma_start3A_77 = arith.constant 0 : i32
    %dma_start3A_78 = tpu.memref_slice %arg8[%dma_start3A_76, %dma_start3A_77] : memref<5x64xi32, #tpu.memory_space<vmem>> -> memref<1x64xi32, #tpu.memory_space<vmem>>
    %dma_start3A_79 = tpu.memref_squeeze %dma_start3A_78 : memref<1x64xi32, #tpu.memory_space<vmem>> -> memref<64xi32, #tpu.memory_space<vmem>>
    %dma_start3A_80 = arith.constant 0 : i32
    %dma_start3A_81 = arith.constant 0 : i32
    %dma_start3A_82 = tpu.memref_slice %arg6[%dma_start3A_80, %dma_start3A_81] : memref<10240x128xf32, #tpu.memory_space<vmem_shared>> -> memref<10240x128xf32, #tpu.memory_space<vmem_shared>>
    tpu.enqueue_indirect_dma source(%arg9 : memref<64x128xf32, #tpu.memory_space<vmem>>) target(%dma_start3A_82 : memref<10240x128xf32, #tpu.memory_space<vmem_shared>>) offsets(%dma_start3A_79 : memref<64xi32, #tpu.memory_space<vmem>>) semaphore(%arg19 : memref<!tpu.dma_semaphore, #tpu.memory_space<semaphore_mem>>) {add = true}
    %add3A_83 = arith.constant 5 : i32
    %add3A_84 = arith.addi %mul3A_4, %add3A_83 : i32
    %dma_start3A_85 = arith.constant 0 : i32
    %dma_start3A_86 = arith.constant 0 : i32
    %dma_start3A_87 = tpu.memref_slice %arg7[%dma_start3A_85, %dma_start3A_86] : memref<5x64xi32, #tpu.memory_space<vmem>> -> memref<1x64xi32, #tpu.memory_space<vmem>>
    %dma_start3A_88 = tpu.memref_squeeze %dma_start3A_87 : memref<1x64xi32, #tpu.memory_space<vmem>> -> memref<64xi32, #tpu.memory_space<vmem>>
    %dma_start3A_89 = arith.constant 0 : i32
    %dma_start3A_90 = tpu.memref_slice %arg3[%add3A_84, %dma_start3A_89] : memref<5120x64xi32, #tpu.memory_space<hbm>> -> memref<1x64xi32, #tpu.memory_space<hbm>>
    %dma_start3A_91 = tpu.memref_squeeze %dma_start3A_90 : memref<1x64xi32, #tpu.memory_space<hbm>> -> memref<64xi32, #tpu.memory_space<hbm>>
    %dma_start3A_92 = arith.constant 0 : i32
    %dma_start3A_93 = tpu.memref_slice %arg7[%dma_start3A_85, %dma_start3A_92] : memref<5x64xi32, #tpu.memory_space<vmem>> -> memref<1x64xi32, #tpu.memory_space<vmem>>
    %dma_start3A_94 = tpu.memref_squeeze %dma_start3A_93 : memref<1x64xi32, #tpu.memory_space<vmem>> -> memref<64xi32, #tpu.memory_space<vmem>>
    %dma_start3A_95 = arith.constant 0 : i32
    %dma_start3A_96 = tpu.memref_slice %arg3[%add3A_84, %dma_start3A_95] : memref<5120x64xi32, #tpu.memory_space<hbm>> -> memref<1x64xi32, #tpu.memory_space<hbm>>
    %dma_start3A_97 = tpu.memref_squeeze %dma_start3A_96 : memref<1x64xi32, #tpu.memory_space<hbm>> -> memref<64xi32, #tpu.memory_space<hbm>>
    tpu.enqueue_dma source(%dma_start3A_97 : memref<64xi32, #tpu.memory_space<hbm>>) target(%dma_start3A_94 : memref<64xi32, #tpu.memory_space<vmem>>) target_semaphore(%arg24 : memref<!tpu.dma_semaphore, #tpu.memory_space<semaphore_mem>>)
    %add3A_98 = arith.constant 4 : i32
    %add3A_99 = arith.addi %mul3A_4, %add3A_98 : i32
    %dma_start3A_100 = arith.constant 4 : i32
    %dma_start3A_101 = arith.constant 0 : i32
    %dma_start3A_102 = tpu.memref_slice %arg8[%dma_start3A_100, %dma_start3A_101] : memref<5x64xi32, #tpu.memory_space<vmem>> -> memref<1x64xi32, #tpu.memory_space<vmem>>
    %dma_start3A_103 = tpu.memref_squeeze %dma_start3A_102 : memref<1x64xi32, #tpu.memory_space<vmem>> -> memref<64xi32, #tpu.memory_space<vmem>>
    %dma_start3A_104 = arith.constant 0 : i32
    %dma_start3A_105 = tpu.memref_slice %arg4[%add3A_99, %dma_start3A_104] : memref<5120x64xi32, #tpu.memory_space<hbm>> -> memref<1x64xi32, #tpu.memory_space<hbm>>
    %dma_start3A_106 = tpu.memref_squeeze %dma_start3A_105 : memref<1x64xi32, #tpu.memory_space<hbm>> -> memref<64xi32, #tpu.memory_space<hbm>>
    %dma_start3A_107 = arith.constant 0 : i32
    %dma_start3A_108 = tpu.memref_slice %arg8[%dma_start3A_100, %dma_start3A_107] : memref<5x64xi32, #tpu.memory_space<vmem>> -> memref<1x64xi32, #tpu.memory_space<vmem>>
    %dma_start3A_109 = tpu.memref_squeeze %dma_start3A_108 : memref<1x64xi32, #tpu.memory_space<vmem>> -> memref<64xi32, #tpu.memory_space<vmem>>
    %dma_start3A_110 = arith.constant 0 : i32
    %dma_start3A_111 = tpu.memref_slice %arg4[%add3A_99, %dma_start3A_110] : memref<5120x64xi32, #tpu.memory_space<hbm>> -> memref<1x64xi32, #tpu.memory_space<hbm>>
    %dma_start3A_112 = tpu.memref_squeeze %dma_start3A_111 : memref<1x64xi32, #tpu.memory_space<hbm>> -> memref<64xi32, #tpu.memory_space<hbm>>
    tpu.enqueue_dma source(%dma_start3A_112 : memref<64xi32, #tpu.memory_space<hbm>>) target(%dma_start3A_109 : memref<64xi32, #tpu.memory_space<vmem>>) target_semaphore(%arg33 : memref<!tpu.dma_semaphore, #tpu.memory_space<semaphore_mem>>)
    %dma_wait3A_113 = arith.constant 4 : i32
    %dma_wait3A_114 = arith.constant 0 : i32
    %dma_wait3A_115 = tpu.memref_slice %arg7[%dma_wait3A_113, %dma_wait3A_114] : memref<5x64xi32, #tpu.memory_space<vmem>> -> memref<1x64xi32, #tpu.memory_space<vmem>>
    %dma_wait3A_116 = tpu.memref_squeeze %dma_wait3A_115 : memref<1x64xi32, #tpu.memory_space<vmem>> -> memref<64xi32, #tpu.memory_space<vmem>>
    %dma_wait3A_117 = arith.constant 0 : i32
    %dma_wait3A_118 = tpu.memref_slice %arg3[%mul3A_4, %dma_wait3A_117] : memref<5120x64xi32, #tpu.memory_space<hbm>> -> memref<1x64xi32, #tpu.memory_space<hbm>>
    %dma_wait3A_119 = tpu.memref_squeeze %dma_wait3A_118 : memref<1x64xi32, #tpu.memory_space<hbm>> -> memref<64xi32, #tpu.memory_space<hbm>>
    %dma_wait3A_120 = arith.constant 0 : i32
    %dma_wait3A_121 = tpu.memref_slice %arg7[%dma_wait3A_113, %dma_wait3A_120] : memref<5x64xi32, #tpu.memory_space<vmem>> -> memref<1x64xi32, #tpu.memory_space<vmem>>
    %dma_wait3A_122 = tpu.memref_squeeze %dma_wait3A_121 : memref<1x64xi32, #tpu.memory_space<vmem>> -> memref<64xi32, #tpu.memory_space<vmem>>
    %dma_wait3A_123 = arith.constant 0 : i32
    %dma_wait3A_124 = tpu.memref_slice %arg3[%mul3A_4, %dma_wait3A_123] : memref<5120x64xi32, #tpu.memory_space<hbm>> -> memref<1x64xi32, #tpu.memory_space<hbm>>
    %dma_wait3A_125 = tpu.memref_squeeze %dma_wait3A_124 : memref<1x64xi32, #tpu.memory_space<hbm>> -> memref<64xi32, #tpu.memory_space<hbm>>
    tpu.wait_dma2 semaphore(%arg28 : memref<!tpu.dma_semaphore, #tpu.memory_space<semaphore_mem>>) src(%dma_wait3A_125 : memref<64xi32, #tpu.memory_space<hbm>>) dst(%dma_wait3A_122 : memref<64xi32, #tpu.memory_space<vmem>>)
    %dma_start3A_126 = arith.constant 4 : i32
    %dma_start3A_127 = arith.constant 0 : i32
    %dma_start3A_128 = tpu.memref_slice %arg7[%dma_start3A_126, %dma_start3A_127] : memref<5x64xi32, #tpu.memory_space<vmem>> -> memref<1x64xi32, #tpu.memory_space<vmem>>
    %dma_start3A_129 = tpu.memref_squeeze %dma_start3A_128 : memref<1x64xi32, #tpu.memory_space<vmem>> -> memref<64xi32, #tpu.memory_space<vmem>>
    %dma_start3A_130 = arith.constant 0 : i32
    %dma_start3A_131 = arith.constant 0 : i32
    %dma_start3A_132 = tpu.memref_slice %arg2[%dma_start3A_130, %dma_start3A_131] : memref<10240x128xf32, #tpu.memory_space<hbm>> -> memref<10240x128xf32, #tpu.memory_space<hbm>>
    tpu.enqueue_indirect_dma source(%dma_start3A_132 : memref<10240x128xf32, #tpu.memory_space<hbm>>) target(%arg13 : memref<64x128xf32, #tpu.memory_space<vmem>>) offsets(%dma_start3A_129 : memref<64xi32, #tpu.memory_space<vmem>>) semaphore(%arg18 : memref<!tpu.dma_semaphore, #tpu.memory_space<semaphore_mem>>)
    %dma_wait3A_133 = arith.constant 1 : i32
    %dma_wait3A_134 = arith.constant 0 : i32
    %dma_wait3A_135 = tpu.memref_slice %arg7[%dma_wait3A_133, %dma_wait3A_134] : memref<5x64xi32, #tpu.memory_space<vmem>> -> memref<1x64xi32, #tpu.memory_space<vmem>>
    %dma_wait3A_136 = tpu.memref_squeeze %dma_wait3A_135 : memref<1x64xi32, #tpu.memory_space<vmem>> -> memref<64xi32, #tpu.memory_space<vmem>>
    %dma_wait3A_137 = arith.constant 0 : i32
    %dma_wait3A_138 = arith.constant 0 : i32
    %dma_wait3A_139 = tpu.memref_slice %arg2[%dma_wait3A_137, %dma_wait3A_138] : memref<10240x128xf32, #tpu.memory_space<hbm>> -> memref<10240x128xf32, #tpu.memory_space<hbm>>
    tpu.wait_indirect_dma semaphore(%arg15 : memref<!tpu.dma_semaphore, #tpu.memory_space<semaphore_mem>>) src(%dma_wait3A_139 : memref<10240x128xf32, #tpu.memory_space<hbm>>) dst(%arg10 : memref<64x128xf32, #tpu.memory_space<vmem>>)
    %dma_start3A_140 = arith.constant 1 : i32
    %dma_start3A_141 = arith.constant 0 : i32
    %dma_start3A_142 = tpu.memref_slice %arg8[%dma_start3A_140, %dma_start3A_141] : memref<5x64xi32, #tpu.memory_space<vmem>> -> memref<1x64xi32, #tpu.memory_space<vmem>>
    %dma_start3A_143 = tpu.memref_squeeze %dma_start3A_142 : memref<1x64xi32, #tpu.memory_space<vmem>> -> memref<64xi32, #tpu.memory_space<vmem>>
    %dma_start3A_144 = arith.constant 0 : i32
    %dma_start3A_145 = arith.constant 0 : i32
    %dma_start3A_146 = tpu.memref_slice %arg6[%dma_start3A_144, %dma_start3A_145] : memref<10240x128xf32, #tpu.memory_space<vmem_shared>> -> memref<10240x128xf32, #tpu.memory_space<vmem_shared>>
    tpu.enqueue_indirect_dma source(%arg10 : memref<64x128xf32, #tpu.memory_space<vmem>>) target(%dma_start3A_146 : memref<10240x128xf32, #tpu.memory_space<vmem_shared>>) offsets(%dma_start3A_143 : memref<64xi32, #tpu.memory_space<vmem>>) semaphore(%arg20 : memref<!tpu.dma_semaphore, #tpu.memory_space<semaphore_mem>>) {add = true}
    %dma_wait3A_147 = arith.constant 0 : i32
    %dma_wait3A_148 = arith.constant 0 : i32
    %dma_wait3A_149 = tpu.memref_slice %arg8[%dma_wait3A_147, %dma_wait3A_148] : memref<5x64xi32, #tpu.memory_space<vmem>> -> memref<1x64xi32, #tpu.memory_space<vmem>>
    %dma_wait3A_150 = tpu.memref_squeeze %dma_wait3A_149 : memref<1x64xi32, #tpu.memory_space<vmem>> -> memref<64xi32, #tpu.memory_space<vmem>>
    %dma_wait3A_151 = arith.constant 0 : i32
    %dma_wait3A_152 = arith.constant 0 : i32
    %dma_wait3A_153 = tpu.memref_slice %arg6[%dma_wait3A_151, %dma_wait3A_152] : memref<10240x128xf32, #tpu.memory_space<vmem_shared>> -> memref<10240x128xf32, #tpu.memory_space<vmem_shared>>
    tpu.wait_indirect_dma semaphore(%arg19 : memref<!tpu.dma_semaphore, #tpu.memory_space<semaphore_mem>>) src(%arg9 : memref<64x128xf32, #tpu.memory_space<vmem>>) dst(%dma_wait3A_153 : memref<10240x128xf32, #tpu.memory_space<vmem_shared>>)
    %add3A_154 = arith.constant 6 : i32
    %add3A_155 = arith.addi %mul3A_4, %add3A_154 : i32
    %dma_start3A_156 = arith.constant 1 : i32
    %dma_start3A_157 = arith.constant 0 : i32
    %dma_start3A_158 = tpu.memref_slice %arg7[%dma_start3A_156, %dma_start3A_157] : memref<5x64xi32, #tpu.memory_space<vmem>> -> memref<1x64xi32, #tpu.memory_space<vmem>>
    %dma_start3A_159 = tpu.memref_squeeze %dma_start3A_158 : memref<1x64xi32, #tpu.memory_space<vmem>> -> memref<64xi32, #tpu.memory_space<vmem>>
    %dma_start3A_160 = arith.constant 0 : i32
    %dma_start3A_161 = tpu.memref_slice %arg3[%add3A_155, %dma_start3A_160] : memref<5120x64xi32, #tpu.memory_space<hbm>> -> memref<1x64xi32, #tpu.memory_space<hbm>>
    %dma_start3A_162 = tpu.memref_squeeze %dma_start3A_161 : memref<1x64xi32, #tpu.memory_space<hbm>> -> memref<64xi32, #tpu.memory_space<hbm>>
    %dma_start3A_163 = arith.constant 0 : i32
    %dma_start3A_164 = tpu.memref_slice %arg7[%dma_start3A_156, %dma_start3A_163] : memref<5x64xi32, #tpu.memory_space<vmem>> -> memref<1x64xi32, #tpu.memory_space<vmem>>
    %dma_start3A_165 = tpu.memref_squeeze %dma_start3A_164 : memref<1x64xi32, #tpu.memory_space<vmem>> -> memref<64xi32, #tpu.memory_space<vmem>>
    %dma_start3A_166 = arith.constant 0 : i32
    %dma_start3A_167 = tpu.memref_slice %arg3[%add3A_155, %dma_start3A_166] : memref<5120x64xi32, #tpu.memory_space<hbm>> -> memref<1x64xi32, #tpu.memory_space<hbm>>
    %dma_start3A_168 = tpu.memref_squeeze %dma_start3A_167 : memref<1x64xi32, #tpu.memory_space<hbm>> -> memref<64xi32, #tpu.memory_space<hbm>>
    tpu.enqueue_dma source(%dma_start3A_168 : memref<64xi32, #tpu.memory_space<hbm>>) target(%dma_start3A_165 : memref<64xi32, #tpu.memory_space<vmem>>) target_semaphore(%arg25 : memref<!tpu.dma_semaphore, #tpu.memory_space<semaphore_mem>>)
    %add3A_169 = arith.constant 5 : i32
    %add3A_170 = arith.addi %mul3A_4, %add3A_169 : i32
    %dma_start3A_171 = arith.constant 0 : i32
    %dma_start3A_172 = arith.constant 0 : i32
    %dma_start3A_173 = tpu.memref_slice %arg8[%dma_start3A_171, %dma_start3A_172] : memref<5x64xi32, #tpu.memory_space<vmem>> -> memref<1x64xi32, #tpu.memory_space<vmem>>
    %dma_start3A_174 = tpu.memref_squeeze %dma_start3A_173 : memref<1x64xi32, #tpu.memory_space<vmem>> -> memref<64xi32, #tpu.memory_space<vmem>>
    %dma_start3A_175 = arith.constant 0 : i32
    %dma_start3A_176 = tpu.memref_slice %arg4[%add3A_170, %dma_start3A_175] : memref<5120x64xi32, #tpu.memory_space<hbm>> -> memref<1x64xi32, #tpu.memory_space<hbm>>
    %dma_start3A_177 = tpu.memref_squeeze %dma_start3A_176 : memref<1x64xi32, #tpu.memory_space<hbm>> -> memref<64xi32, #tpu.memory_space<hbm>>
    %dma_start3A_178 = arith.constant 0 : i32
    %dma_start3A_179 = tpu.memref_slice %arg8[%dma_start3A_171, %dma_start3A_178] : memref<5x64xi32, #tpu.memory_space<vmem>> -> memref<1x64xi32, #tpu.memory_space<vmem>>
    %dma_start3A_180 = tpu.memref_squeeze %dma_start3A_179 : memref<1x64xi32, #tpu.memory_space<vmem>> -> memref<64xi32, #tpu.memory_space<vmem>>
    %dma_start3A_181 = arith.constant 0 : i32
    %dma_start3A_182 = tpu.memref_slice %arg4[%add3A_170, %dma_start3A_181] : memref<5120x64xi32, #tpu.memory_space<hbm>> -> memref<1x64xi32, #tpu.memory_space<hbm>>
    %dma_start3A_183 = tpu.memref_squeeze %dma_start3A_182 : memref<1x64xi32, #tpu.memory_space<hbm>> -> memref<64xi32, #tpu.memory_space<hbm>>
    tpu.enqueue_dma source(%dma_start3A_183 : memref<64xi32, #tpu.memory_space<hbm>>) target(%dma_start3A_180 : memref<64xi32, #tpu.memory_space<vmem>>) target_semaphore(%arg29 : memref<!tpu.dma_semaphore, #tpu.memory_space<semaphore_mem>>)
    %dma_wait3A_184 = arith.constant 0 : i32
    %dma_wait3A_185 = arith.constant 0 : i32
    %dma_wait3A_186 = tpu.memref_slice %arg7[%dma_wait3A_184, %dma_wait3A_185] : memref<5x64xi32, #tpu.memory_space<vmem>> -> memref<1x64xi32, #tpu.memory_space<vmem>>
    %dma_wait3A_187 = tpu.memref_squeeze %dma_wait3A_186 : memref<1x64xi32, #tpu.memory_space<vmem>> -> memref<64xi32, #tpu.memory_space<vmem>>
    %dma_wait3A_188 = arith.constant 0 : i32
    %dma_wait3A_189 = tpu.memref_slice %arg3[%mul3A_4, %dma_wait3A_188] : memref<5120x64xi32, #tpu.memory_space<hbm>> -> memref<1x64xi32, #tpu.memory_space<hbm>>
    %dma_wait3A_190 = tpu.memref_squeeze %dma_wait3A_189 : memref<1x64xi32, #tpu.memory_space<hbm>> -> memref<64xi32, #tpu.memory_space<hbm>>
    %dma_wait3A_191 = arith.constant 0 : i32
    %dma_wait3A_192 = tpu.memref_slice %arg7[%dma_wait3A_184, %dma_wait3A_191] : memref<5x64xi32, #tpu.memory_space<vmem>> -> memref<1x64xi32, #tpu.memory_space<vmem>>
    %dma_wait3A_193 = tpu.memref_squeeze %dma_wait3A_192 : memref<1x64xi32, #tpu.memory_space<vmem>> -> memref<64xi32, #tpu.memory_space<vmem>>
    %dma_wait3A_194 = arith.constant 0 : i32
    %dma_wait3A_195 = tpu.memref_slice %arg3[%mul3A_4, %dma_wait3A_194] : memref<5120x64xi32, #tpu.memory_space<hbm>> -> memref<1x64xi32, #tpu.memory_space<hbm>>
    %dma_wait3A_196 = tpu.memref_squeeze %dma_wait3A_195 : memref<1x64xi32, #tpu.memory_space<hbm>> -> memref<64xi32, #tpu.memory_space<hbm>>
    tpu.wait_dma2 semaphore(%arg24 : memref<!tpu.dma_semaphore, #tpu.memory_space<semaphore_mem>>) src(%dma_wait3A_196 : memref<64xi32, #tpu.memory_space<hbm>>) dst(%dma_wait3A_193 : memref<64xi32, #tpu.memory_space<vmem>>)
    %dma_start3A_197 = arith.constant 0 : i32
    %dma_start3A_198 = arith.constant 0 : i32
    %dma_start3A_199 = tpu.memref_slice %arg7[%dma_start3A_197, %dma_start3A_198] : memref<5x64xi32, #tpu.memory_space<vmem>> -> memref<1x64xi32, #tpu.memory_space<vmem>>
    %dma_start3A_200 = tpu.memref_squeeze %dma_start3A_199 : memref<1x64xi32, #tpu.memory_space<vmem>> -> memref<64xi32, #tpu.memory_space<vmem>>
    %dma_start3A_201 = arith.constant 0 : i32
    %dma_start3A_202 = arith.constant 0 : i32
    %dma_start3A_203 = tpu.memref_slice %arg2[%dma_start3A_201, %dma_start3A_202] : memref<10240x128xf32, #tpu.memory_space<hbm>> -> memref<10240x128xf32, #tpu.memory_space<hbm>>
    tpu.enqueue_indirect_dma source(%dma_start3A_203 : memref<10240x128xf32, #tpu.memory_space<hbm>>) target(%arg9 : memref<64x128xf32, #tpu.memory_space<vmem>>) offsets(%dma_start3A_200 : memref<64xi32, #tpu.memory_space<vmem>>) semaphore(%arg14 : memref<!tpu.dma_semaphore, #tpu.memory_space<semaphore_mem>>)
    %dma_wait3A_204 = arith.constant 2 : i32
    %dma_wait3A_205 = arith.constant 0 : i32
    %dma_wait3A_206 = tpu.memref_slice %arg7[%dma_wait3A_204, %dma_wait3A_205] : memref<5x64xi32, #tpu.memory_space<vmem>> -> memref<1x64xi32, #tpu.memory_space<vmem>>
    %dma_wait3A_207 = tpu.memref_squeeze %dma_wait3A_206 : memref<1x64xi32, #tpu.memory_space<vmem>> -> memref<64xi32, #tpu.memory_space<vmem>>
    %dma_wait3A_208 = arith.constant 0 : i32
    %dma_wait3A_209 = arith.constant 0 : i32
    %dma_wait3A_210 = tpu.memref_slice %arg2[%dma_wait3A_208, %dma_wait3A_209] : memref<10240x128xf32, #tpu.memory_space<hbm>> -> memref<10240x128xf32, #tpu.memory_space<hbm>>
    tpu.wait_indirect_dma semaphore(%arg16 : memref<!tpu.dma_semaphore, #tpu.memory_space<semaphore_mem>>) src(%dma_wait3A_210 : memref<10240x128xf32, #tpu.memory_space<hbm>>) dst(%arg11 : memref<64x128xf32, #tpu.memory_space<vmem>>)
    %dma_start3A_211 = arith.constant 2 : i32
    %dma_start3A_212 = arith.constant 0 : i32
    %dma_start3A_213 = tpu.memref_slice %arg8[%dma_start3A_211, %dma_start3A_212] : memref<5x64xi32, #tpu.memory_space<vmem>> -> memref<1x64xi32, #tpu.memory_space<vmem>>
    %dma_start3A_214 = tpu.memref_squeeze %dma_start3A_213 : memref<1x64xi32, #tpu.memory_space<vmem>> -> memref<64xi32, #tpu.memory_space<vmem>>
    %dma_start3A_215 = arith.constant 0 : i32
    %dma_start3A_216 = arith.constant 0 : i32
    %dma_start3A_217 = tpu.memref_slice %arg6[%dma_start3A_215, %dma_start3A_216] : memref<10240x128xf32, #tpu.memory_space<vmem_shared>> -> memref<10240x128xf32, #tpu.memory_space<vmem_shared>>
    tpu.enqueue_indirect_dma source(%arg11 : memref<64x128xf32, #tpu.memory_space<vmem>>) target(%dma_start3A_217 : memref<10240x128xf32, #tpu.memory_space<vmem_shared>>) offsets(%dma_start3A_214 : memref<64xi32, #tpu.memory_space<vmem>>) semaphore(%arg21 : memref<!tpu.dma_semaphore, #tpu.memory_space<semaphore_mem>>) {add = true}
    %dma_wait3A_218 = arith.constant 0 : i32
    %dma_wait3A_219 = arith.constant 0 : i32
    %dma_wait3A_220 = tpu.memref_slice %arg8[%dma_wait3A_218, %dma_wait3A_219] : memref<5x64xi32, #tpu.memory_space<vmem>> -> memref<1x64xi32, #tpu.memory_space<vmem>>
    %dma_wait3A_221 = tpu.memref_squeeze %dma_wait3A_220 : memref<1x64xi32, #tpu.memory_space<vmem>> -> memref<64xi32, #tpu.memory_space<vmem>>
    %dma_wait3A_222 = arith.constant 0 : i32
    %dma_wait3A_223 = arith.constant 0 : i32
    %dma_wait3A_224 = tpu.memref_slice %arg6[%dma_wait3A_222, %dma_wait3A_223] : memref<10240x128xf32, #tpu.memory_space<vmem_shared>> -> memref<10240x128xf32, #tpu.memory_space<vmem_shared>>
    tpu.wait_indirect_dma semaphore(%arg20 : memref<!tpu.dma_semaphore, #tpu.memory_space<semaphore_mem>>) src(%arg10 : memref<64x128xf32, #tpu.memory_space<vmem>>) dst(%dma_wait3A_224 : memref<10240x128xf32, #tpu.memory_space<vmem_shared>>)
    %add3A_225 = arith.constant 7 : i32
    %add3A_226 = arith.addi %mul3A_4, %add3A_225 : i32
    %dma_start3A_227 = arith.constant 2 : i32
    %dma_start3A_228 = arith.constant 0 : i32
    %dma_start3A_229 = tpu.memref_slice %arg7[%dma_start3A_227, %dma_start3A_228] : memref<5x64xi32, #tpu.memory_space<vmem>> -> memref<1x64xi32, #tpu.memory_space<vmem>>
    %dma_start3A_230 = tpu.memref_squeeze %dma_start3A_229 : memref<1x64xi32, #tpu.memory_space<vmem>> -> memref<64xi32, #tpu.memory_space<vmem>>
    %dma_start3A_231 = arith.constant 0 : i32
    %dma_start3A_232 = tpu.memref_slice %arg3[%add3A_226, %dma_start3A_231] : memref<5120x64xi32, #tpu.memory_space<hbm>> -> memref<1x64xi32, #tpu.memory_space<hbm>>
    %dma_start3A_233 = tpu.memref_squeeze %dma_start3A_232 : memref<1x64xi32, #tpu.memory_space<hbm>> -> memref<64xi32, #tpu.memory_space<hbm>>
    %dma_start3A_234 = arith.constant 0 : i32
    %dma_start3A_235 = tpu.memref_slice %arg7[%dma_start3A_227, %dma_start3A_234] : memref<5x64xi32, #tpu.memory_space<vmem>> -> memref<1x64xi32, #tpu.memory_space<vmem>>
    %dma_start3A_236 = tpu.memref_squeeze %dma_start3A_235 : memref<1x64xi32, #tpu.memory_space<vmem>> -> memref<64xi32, #tpu.memory_space<vmem>>
    %dma_start3A_237 = arith.constant 0 : i32
    %dma_start3A_238 = tpu.memref_slice %arg3[%add3A_226, %dma_start3A_237] : memref<5120x64xi32, #tpu.memory_space<hbm>> -> memref<1x64xi32, #tpu.memory_space<hbm>>
    %dma_start3A_239 = tpu.memref_squeeze %dma_start3A_238 : memref<1x64xi32, #tpu.memory_space<hbm>> -> memref<64xi32, #tpu.memory_space<hbm>>
    tpu.enqueue_dma source(%dma_start3A_239 : memref<64xi32, #tpu.memory_space<hbm>>) target(%dma_start3A_236 : memref<64xi32, #tpu.memory_space<vmem>>) target_semaphore(%arg26 : memref<!tpu.dma_semaphore, #tpu.memory_space<semaphore_mem>>)
    %add3A_240 = arith.constant 6 : i32
    %add3A_241 = arith.addi %mul3A_4, %add3A_240 : i32
    %dma_start3A_242 = arith.constant 1 : i32
    %dma_start3A_243 = arith.constant 0 : i32
    %dma_start3A_244 = tpu.memref_slice %arg8[%dma_start3A_242, %dma_start3A_243] : memref<5x64xi32, #tpu.memory_space<vmem>> -> memref<1x64xi32, #tpu.memory_space<vmem>>
    %dma_start3A_245 = tpu.memref_squeeze %dma_start3A_244 : memref<1x64xi32, #tpu.memory_space<vmem>> -> memref<64xi32, #tpu.memory_space<vmem>>
    %dma_start3A_246 = arith.constant 0 : i32
    %dma_start3A_247 = tpu.memref_slice %arg4[%add3A_241, %dma_start3A_246] : memref<5120x64xi32, #tpu.memory_space<hbm>> -> memref<1x64xi32, #tpu.memory_space<hbm>>
    %dma_start3A_248 = tpu.memref_squeeze %dma_start3A_247 : memref<1x64xi32, #tpu.memory_space<hbm>> -> memref<64xi32, #tpu.memory_space<hbm>>
    %dma_start3A_249 = arith.constant 0 : i32
    %dma_start3A_250 = tpu.memref_slice %arg8[%dma_start3A_242, %dma_start3A_249] : memref<5x64xi32, #tpu.memory_space<vmem>> -> memref<1x64xi32, #tpu.memory_space<vmem>>
    %dma_start3A_251 = tpu.memref_squeeze %dma_start3A_250 : memref<1x64xi32, #tpu.memory_space<vmem>> -> memref<64xi32, #tpu.memory_space<vmem>>
    %dma_start3A_252 = arith.constant 0 : i32
    %dma_start3A_253 = tpu.memref_slice %arg4[%add3A_241, %dma_start3A_252] : memref<5120x64xi32, #tpu.memory_space<hbm>> -> memref<1x64xi32, #tpu.memory_space<hbm>>
    %dma_start3A_254 = tpu.memref_squeeze %dma_start3A_253 : memref<1x64xi32, #tpu.memory_space<hbm>> -> memref<64xi32, #tpu.memory_space<hbm>>
    tpu.enqueue_dma source(%dma_start3A_254 : memref<64xi32, #tpu.memory_space<hbm>>) target(%dma_start3A_251 : memref<64xi32, #tpu.memory_space<vmem>>) target_semaphore(%arg30 : memref<!tpu.dma_semaphore, #tpu.memory_space<semaphore_mem>>)
    %dma_wait3A_255 = arith.constant 1 : i32
    %dma_wait3A_256 = arith.constant 0 : i32
    %dma_wait3A_257 = tpu.memref_slice %arg7[%dma_wait3A_255, %dma_wait3A_256] : memref<5x64xi32, #tpu.memory_space<vmem>> -> memref<1x64xi32, #tpu.memory_space<vmem>>
    %dma_wait3A_258 = tpu.memref_squeeze %dma_wait3A_257 : memref<1x64xi32, #tpu.memory_space<vmem>> -> memref<64xi32, #tpu.memory_space<vmem>>
    %dma_wait3A_259 = arith.constant 0 : i32
    %dma_wait3A_260 = tpu.memref_slice %arg3[%mul3A_4, %dma_wait3A_259] : memref<5120x64xi32, #tpu.memory_space<hbm>> -> memref<1x64xi32, #tpu.memory_space<hbm>>
    %dma_wait3A_261 = tpu.memref_squeeze %dma_wait3A_260 : memref<1x64xi32, #tpu.memory_space<hbm>> -> memref<64xi32, #tpu.memory_space<hbm>>
    %dma_wait3A_262 = arith.constant 0 : i32
    %dma_wait3A_263 = tpu.memref_slice %arg7[%dma_wait3A_255, %dma_wait3A_262] : memref<5x64xi32, #tpu.memory_space<vmem>> -> memref<1x64xi32, #tpu.memory_space<vmem>>
    %dma_wait3A_264 = tpu.memref_squeeze %dma_wait3A_263 : memref<1x64xi32, #tpu.memory_space<vmem>> -> memref<64xi32, #tpu.memory_space<vmem>>
    %dma_wait3A_265 = arith.constant 0 : i32
    %dma_wait3A_266 = tpu.memref_slice %arg3[%mul3A_4, %dma_wait3A_265] : memref<5120x64xi32, #tpu.memory_space<hbm>> -> memref<1x64xi32, #tpu.memory_space<hbm>>
    %dma_wait3A_267 = tpu.memref_squeeze %dma_wait3A_266 : memref<1x64xi32, #tpu.memory_space<hbm>> -> memref<64xi32, #tpu.memory_space<hbm>>
    tpu.wait_dma2 semaphore(%arg25 : memref<!tpu.dma_semaphore, #tpu.memory_space<semaphore_mem>>) src(%dma_wait3A_267 : memref<64xi32, #tpu.memory_space<hbm>>) dst(%dma_wait3A_264 : memref<64xi32, #tpu.memory_space<vmem>>)
    %dma_start3A_268 = arith.constant 1 : i32
    %dma_start3A_269 = arith.constant 0 : i32
    %dma_start3A_270 = tpu.memref_slice %arg7[%dma_start3A_268, %dma_start3A_269] : memref<5x64xi32, #tpu.memory_space<vmem>> -> memref<1x64xi32, #tpu.memory_space<vmem>>
    %dma_start3A_271 = tpu.memref_squeeze %dma_start3A_270 : memref<1x64xi32, #tpu.memory_space<vmem>> -> memref<64xi32, #tpu.memory_space<vmem>>
    %dma_start3A_272 = arith.constant 0 : i32
    %dma_start3A_273 = arith.constant 0 : i32
    %dma_start3A_274 = tpu.memref_slice %arg2[%dma_start3A_272, %dma_start3A_273] : memref<10240x128xf32, #tpu.memory_space<hbm>> -> memref<10240x128xf32, #tpu.memory_space<hbm>>
    tpu.enqueue_indirect_dma source(%dma_start3A_274 : memref<10240x128xf32, #tpu.memory_space<hbm>>) target(%arg10 : memref<64x128xf32, #tpu.memory_space<vmem>>) offsets(%dma_start3A_271 : memref<64xi32, #tpu.memory_space<vmem>>) semaphore(%arg15 : memref<!tpu.dma_semaphore, #tpu.memory_space<semaphore_mem>>)
    %dma_wait3A_275 = arith.constant 3 : i32
    %dma_wait3A_276 = arith.constant 0 : i32
    %dma_wait3A_277 = tpu.memref_slice %arg7[%dma_wait3A_275, %dma_wait3A_276] : memref<5x64xi32, #tpu.memory_space<vmem>> -> memref<1x64xi32, #tpu.memory_space<vmem>>
    %dma_wait3A_278 = tpu.memref_squeeze %dma_wait3A_277 : memref<1x64xi32, #tpu.memory_space<vmem>> -> memref<64xi32, #tpu.memory_space<vmem>>
    %dma_wait3A_279 = arith.constant 0 : i32
    %dma_wait3A_280 = arith.constant 0 : i32
    %dma_wait3A_281 = tpu.memref_slice %arg2[%dma_wait3A_279, %dma_wait3A_280] : memref<10240x128xf32, #tpu.memory_space<hbm>> -> memref<10240x128xf32, #tpu.memory_space<hbm>>
    tpu.wait_indirect_dma semaphore(%arg17 : memref<!tpu.dma_semaphore, #tpu.memory_space<semaphore_mem>>) src(%dma_wait3A_281 : memref<10240x128xf32, #tpu.memory_space<hbm>>) dst(%arg12 : memref<64x128xf32, #tpu.memory_space<vmem>>)
    %dma_start3A_282 = arith.constant 3 : i32
    %dma_start3A_283 = arith.constant 0 : i32
    %dma_start3A_284 = tpu.memref_slice %arg8[%dma_start3A_282, %dma_start3A_283] : memref<5x64xi32, #tpu.memory_space<vmem>> -> memref<1x64xi32, #tpu.memory_space<vmem>>
    %dma_start3A_285 = tpu.memref_squeeze %dma_start3A_284 : memref<1x64xi32, #tpu.memory_space<vmem>> -> memref<64xi32, #tpu.memory_space<vmem>>
    %dma_start3A_286 = arith.constant 0 : i32
    %dma_start3A_287 = arith.constant 0 : i32
    %dma_start3A_288 = tpu.memref_slice %arg6[%dma_start3A_286, %dma_start3A_287] : memref<10240x128xf32, #tpu.memory_space<vmem_shared>> -> memref<10240x128xf32, #tpu.memory_space<vmem_shared>>
    tpu.enqueue_indirect_dma source(%arg12 : memref<64x128xf32, #tpu.memory_space<vmem>>) target(%dma_start3A_288 : memref<10240x128xf32, #tpu.memory_space<vmem_shared>>) offsets(%dma_start3A_285 : memref<64xi32, #tpu.memory_space<vmem>>) semaphore(%arg22 : memref<!tpu.dma_semaphore, #tpu.memory_space<semaphore_mem>>) {add = true}
    %dma_wait3A_289 = arith.constant 0 : i32
    %dma_wait3A_290 = arith.constant 0 : i32
    %dma_wait3A_291 = tpu.memref_slice %arg8[%dma_wait3A_289, %dma_wait3A_290] : memref<5x64xi32, #tpu.memory_space<vmem>> -> memref<1x64xi32, #tpu.memory_space<vmem>>
    %dma_wait3A_292 = tpu.memref_squeeze %dma_wait3A_291 : memref<1x64xi32, #tpu.memory_space<vmem>> -> memref<64xi32, #tpu.memory_space<vmem>>
    %dma_wait3A_293 = arith.constant 0 : i32
    %dma_wait3A_294 = arith.constant 0 : i32
    %dma_wait3A_295 = tpu.memref_slice %arg6[%dma_wait3A_293, %dma_wait3A_294] : memref<10240x128xf32, #tpu.memory_space<vmem_shared>> -> memref<10240x128xf32, #tpu.memory_space<vmem_shared>>
    tpu.wait_indirect_dma semaphore(%arg21 : memref<!tpu.dma_semaphore, #tpu.memory_space<semaphore_mem>>) src(%arg11 : memref<64x128xf32, #tpu.memory_space<vmem>>) dst(%dma_wait3A_295 : memref<10240x128xf32, #tpu.memory_space<vmem_shared>>)
    %add3A_296 = arith.constant 8 : i32
    %add3A_297 = arith.addi %mul3A_4, %add3A_296 : i32
    %dma_start3A_298 = arith.constant 3 : i32
    %dma_start3A_299 = arith.constant 0 : i32
    %dma_start3A_300 = tpu.memref_slice %arg7[%dma_start3A_298, %dma_start3A_299] : memref<5x64xi32, #tpu.memory_space<vmem>> -> memref<1x64xi32, #tpu.memory_space<vmem>>
    %dma_start3A_301 = tpu.memref_squeeze %dma_start3A_300 : memref<1x64xi32, #tpu.memory_space<vmem>> -> memref<64xi32, #tpu.memory_space<vmem>>
    %dma_start3A_302 = arith.constant 0 : i32
    %dma_start3A_303 = tpu.memref_slice %arg3[%add3A_297, %dma_start3A_302] : memref<5120x64xi32, #tpu.memory_space<hbm>> -> memref<1x64xi32, #tpu.memory_space<hbm>>
    %dma_start3A_304 = tpu.memref_squeeze %dma_start3A_303 : memref<1x64xi32, #tpu.memory_space<hbm>> -> memref<64xi32, #tpu.memory_space<hbm>>
    %dma_start3A_305 = arith.constant 0 : i32
    %dma_start3A_306 = tpu.memref_slice %arg7[%dma_start3A_298, %dma_start3A_305] : memref<5x64xi32, #tpu.memory_space<vmem>> -> memref<1x64xi32, #tpu.memory_space<vmem>>
    %dma_start3A_307 = tpu.memref_squeeze %dma_start3A_306 : memref<1x64xi32, #tpu.memory_space<vmem>> -> memref<64xi32, #tpu.memory_space<vmem>>
    %dma_start3A_308 = arith.constant 0 : i32
    %dma_start3A_309 = tpu.memref_slice %arg3[%add3A_297, %dma_start3A_308] : memref<5120x64xi32, #tpu.memory_space<hbm>> -> memref<1x64xi32, #tpu.memory_space<hbm>>
    %dma_start3A_310 = tpu.memref_squeeze %dma_start3A_309 : memref<1x64xi32, #tpu.memory_space<hbm>> -> memref<64xi32, #tpu.memory_space<hbm>>
    tpu.enqueue_dma source(%dma_start3A_310 : memref<64xi32, #tpu.memory_space<hbm>>) target(%dma_start3A_307 : memref<64xi32, #tpu.memory_space<vmem>>) target_semaphore(%arg27 : memref<!tpu.dma_semaphore, #tpu.memory_space<semaphore_mem>>)
    %add3A_311 = arith.constant 7 : i32
    %add3A_312 = arith.addi %mul3A_4, %add3A_311 : i32
    %dma_start3A_313 = arith.constant 2 : i32
    %dma_start3A_314 = arith.constant 0 : i32
    %dma_start3A_315 = tpu.memref_slice %arg8[%dma_start3A_313, %dma_start3A_314] : memref<5x64xi32, #tpu.memory_space<vmem>> -> memref<1x64xi32, #tpu.memory_space<vmem>>
    %dma_start3A_316 = tpu.memref_squeeze %dma_start3A_315 : memref<1x64xi32, #tpu.memory_space<vmem>> -> memref<64xi32, #tpu.memory_space<vmem>>
    %dma_start3A_317 = arith.constant 0 : i32
    %dma_start3A_318 = tpu.memref_slice %arg4[%add3A_312, %dma_start3A_317] : memref<5120x64xi32, #tpu.memory_space<hbm>> -> memref<1x64xi32, #tpu.memory_space<hbm>>
    %dma_start3A_319 = tpu.memref_squeeze %dma_start3A_318 : memref<1x64xi32, #tpu.memory_space<hbm>> -> memref<64xi32, #tpu.memory_space<hbm>>
    %dma_start3A_320 = arith.constant 0 : i32
    %dma_start3A_321 = tpu.memref_slice %arg8[%dma_start3A_313, %dma_start3A_320] : memref<5x64xi32, #tpu.memory_space<vmem>> -> memref<1x64xi32, #tpu.memory_space<vmem>>
    %dma_start3A_322 = tpu.memref_squeeze %dma_start3A_321 : memref<1x64xi32, #tpu.memory_space<vmem>> -> memref<64xi32, #tpu.memory_space<vmem>>
    %dma_start3A_323 = arith.constant 0 : i32
    %dma_start3A_324 = tpu.memref_slice %arg4[%add3A_312, %dma_start3A_323] : memref<5120x64xi32, #tpu.memory_space<hbm>> -> memref<1x64xi32, #tpu.memory_space<hbm>>
    %dma_start3A_325 = tpu.memref_squeeze %dma_start3A_324 : memref<1x64xi32, #tpu.memory_space<hbm>> -> memref<64xi32, #tpu.memory_space<hbm>>
    tpu.enqueue_dma source(%dma_start3A_325 : memref<64xi32, #tpu.memory_space<hbm>>) target(%dma_start3A_322 : memref<64xi32, #tpu.memory_space<vmem>>) target_semaphore(%arg31 : memref<!tpu.dma_semaphore, #tpu.memory_space<semaphore_mem>>)
    %dma_wait3A_326 = arith.constant 2 : i32
    %dma_wait3A_327 = arith.constant 0 : i32
    %dma_wait3A_328 = tpu.memref_slice %arg7[%dma_wait3A_326, %dma_wait3A_327] : memref<5x64xi32, #tpu.memory_space<vmem>> -> memref<1x64xi32, #tpu.memory_space<vmem>>
    %dma_wait3A_329 = tpu.memref_squeeze %dma_wait3A_328 : memref<1x64xi32, #tpu.memory_space<vmem>> -> memref<64xi32, #tpu.memory_space<vmem>>
    %dma_wait3A_330 = arith.constant 0 : i32
    %dma_wait3A_331 = tpu.memref_slice %arg3[%mul3A_4, %dma_wait3A_330] : memref<5120x64xi32, #tpu.memory_space<hbm>> -> memref<1x64xi32, #tpu.memory_space<hbm>>
    %dma_wait3A_332 = tpu.memref_squeeze %dma_wait3A_331 : memref<1x64xi32, #tpu.memory_space<hbm>> -> memref<64xi32, #tpu.memory_space<hbm>>
    %dma_wait3A_333 = arith.constant 0 : i32
    %dma_wait3A_334 = tpu.memref_slice %arg7[%dma_wait3A_326, %dma_wait3A_333] : memref<5x64xi32, #tpu.memory_space<vmem>> -> memref<1x64xi32, #tpu.memory_space<vmem>>
    %dma_wait3A_335 = tpu.memref_squeeze %dma_wait3A_334 : memref<1x64xi32, #tpu.memory_space<vmem>> -> memref<64xi32, #tpu.memory_space<vmem>>
    %dma_wait3A_336 = arith.constant 0 : i32
    %dma_wait3A_337 = tpu.memref_slice %arg3[%mul3A_4, %dma_wait3A_336] : memref<5120x64xi32, #tpu.memory_space<hbm>> -> memref<1x64xi32, #tpu.memory_space<hbm>>
    %dma_wait3A_338 = tpu.memref_squeeze %dma_wait3A_337 : memref<1x64xi32, #tpu.memory_space<hbm>> -> memref<64xi32, #tpu.memory_space<hbm>>
    tpu.wait_dma2 semaphore(%arg26 : memref<!tpu.dma_semaphore, #tpu.memory_space<semaphore_mem>>) src(%dma_wait3A_338 : memref<64xi32, #tpu.memory_space<hbm>>) dst(%dma_wait3A_335 : memref<64xi32, #tpu.memory_space<vmem>>)
    %dma_start3A_339 = arith.constant 2 : i32
    %dma_start3A_340 = arith.constant 0 : i32
    %dma_start3A_341 = tpu.memref_slice %arg7[%dma_start3A_339, %dma_start3A_340] : memref<5x64xi32, #tpu.memory_space<vmem>> -> memref<1x64xi32, #tpu.memory_space<vmem>>
    %dma_start3A_342 = tpu.memref_squeeze %dma_start3A_341 : memref<1x64xi32, #tpu.memory_space<vmem>> -> memref<64xi32, #tpu.memory_space<vmem>>
    %dma_start3A_343 = arith.constant 0 : i32
    %dma_start3A_344 = arith.constant 0 : i32
    %dma_start3A_345 = tpu.memref_slice %arg2[%dma_start3A_343, %dma_start3A_344] : memref<10240x128xf32, #tpu.memory_space<hbm>> -> memref<10240x128xf32, #tpu.memory_space<hbm>>
    tpu.enqueue_indirect_dma source(%dma_start3A_345 : memref<10240x128xf32, #tpu.memory_space<hbm>>) target(%arg11 : memref<64x128xf32, #tpu.memory_space<vmem>>) offsets(%dma_start3A_342 : memref<64xi32, #tpu.memory_space<vmem>>) semaphore(%arg16 : memref<!tpu.dma_semaphore, #tpu.memory_space<semaphore_mem>>)
    %scan3A = arith.constant 0 : i32
    %scan3A_346 = arith.constant 0 : i32
    %scan3A_347 = arith.constant 30 : i32
    %scan3A_348 = arith.addi %scan3A_346, %scan3A_347 : i32
    %scan3A_349 = arith.constant 1 : i32
    scf.for %scan3A_651 = %scan3A_346 to %scan3A_348 step %scan3A_349  : i32 {
      %mul3A_652 = arith.constant 5 : i32
      %mul3A_653 = arith.muli %mul3A_652, %scan3A_651 : i32
      %add3A_654 = arith.constant 4 : i32
      %add3A_655 = arith.addi %add3A_654, %mul3A_653 : i32
      %add3A_656 = arith.constant 0 : i32
      %add3A_657 = arith.addi %add3A_655, %add3A_656 : i32
      %dma_wait3A_658 = arith.constant 4 : i32
      %dma_wait3A_659 = arith.constant 0 : i32
      %dma_wait3A_660 = tpu.memref_slice %arg7[%dma_wait3A_658, %dma_wait3A_659] : memref<5x64xi32, #tpu.memory_space<vmem>> -> memref<1x64xi32, #tpu.memory_space<vmem>>
      %dma_wait3A_661 = tpu.memref_squeeze %dma_wait3A_660 : memref<1x64xi32, #tpu.memory_space<vmem>> -> memref<64xi32, #tpu.memory_space<vmem>>
      %dma_wait3A_662 = arith.constant 0 : i32
      %dma_wait3A_663 = arith.constant 0 : i32
      %dma_wait3A_664 = tpu.memref_slice %arg2[%dma_wait3A_662, %dma_wait3A_663] : memref<10240x128xf32, #tpu.memory_space<hbm>> -> memref<10240x128xf32, #tpu.memory_space<hbm>>
      tpu.wait_indirect_dma semaphore(%arg18 : memref<!tpu.dma_semaphore, #tpu.memory_space<semaphore_mem>>) src(%dma_wait3A_664 : memref<10240x128xf32, #tpu.memory_space<hbm>>) dst(%arg13 : memref<64x128xf32, #tpu.memory_space<vmem>>)
      %dma_wait3A_665 = arith.constant 4 : i32
      %dma_wait3A_666 = arith.constant 0 : i32
      %dma_wait3A_667 = tpu.memref_slice %arg8[%dma_wait3A_665, %dma_wait3A_666] : memref<5x64xi32, #tpu.memory_space<vmem>> -> memref<1x64xi32, #tpu.memory_space<vmem>>
      %dma_wait3A_668 = tpu.memref_squeeze %dma_wait3A_667 : memref<1x64xi32, #tpu.memory_space<vmem>> -> memref<64xi32, #tpu.memory_space<vmem>>
      %dma_wait3A_669 = arith.constant 0 : i32
      %dma_wait3A_670 = tpu.memref_slice %arg4[%mul3A_4, %dma_wait3A_669] : memref<5120x64xi32, #tpu.memory_space<hbm>> -> memref<1x64xi32, #tpu.memory_space<hbm>>
      %dma_wait3A_671 = tpu.memref_squeeze %dma_wait3A_670 : memref<1x64xi32, #tpu.memory_space<hbm>> -> memref<64xi32, #tpu.memory_space<hbm>>
      %dma_wait3A_672 = arith.constant 0 : i32
      %dma_wait3A_673 = tpu.memref_slice %arg8[%dma_wait3A_665, %dma_wait3A_672] : memref<5x64xi32, #tpu.memory_space<vmem>> -> memref<1x64xi32, #tpu.memory_space<vmem>>
      %dma_wait3A_674 = tpu.memref_squeeze %dma_wait3A_673 : memref<1x64xi32, #tpu.memory_space<vmem>> -> memref<64xi32, #tpu.memory_space<vmem>>
      %dma_wait3A_675 = arith.constant 0 : i32
      %dma_wait3A_676 = tpu.memref_slice %arg4[%mul3A_4, %dma_wait3A_675] : memref<5120x64xi32, #tpu.memory_space<hbm>> -> memref<1x64xi32, #tpu.memory_space<hbm>>
      %dma_wait3A_677 = tpu.memref_squeeze %dma_wait3A_676 : memref<1x64xi32, #tpu.memory_space<hbm>> -> memref<64xi32, #tpu.memory_space<hbm>>
      tpu.wait_dma2 semaphore(%arg33 : memref<!tpu.dma_semaphore, #tpu.memory_space<semaphore_mem>>) src(%dma_wait3A_677 : memref<64xi32, #tpu.memory_space<hbm>>) dst(%dma_wait3A_674 : memref<64xi32, #tpu.memory_space<vmem>>)
      %dma_start3A_678 = arith.constant 4 : i32
      %dma_start3A_679 = arith.constant 0 : i32
      %dma_start3A_680 = tpu.memref_slice %arg8[%dma_start3A_678, %dma_start3A_679] : memref<5x64xi32, #tpu.memory_space<vmem>> -> memref<1x64xi32, #tpu.memory_space<vmem>>
      %dma_start3A_681 = tpu.memref_squeeze %dma_start3A_680 : memref<1x64xi32, #tpu.memory_space<vmem>> -> memref<64xi32, #tpu.memory_space<vmem>>
      %dma_start3A_682 = arith.constant 0 : i32
      %dma_start3A_683 = arith.constant 0 : i32
      %dma_start3A_684 = tpu.memref_slice %arg6[%dma_start3A_682, %dma_start3A_683] : memref<10240x128xf32, #tpu.memory_space<vmem_shared>> -> memref<10240x128xf32, #tpu.memory_space<vmem_shared>>
      tpu.enqueue_indirect_dma source(%arg13 : memref<64x128xf32, #tpu.memory_space<vmem>>) target(%dma_start3A_684 : memref<10240x128xf32, #tpu.memory_space<vmem_shared>>) offsets(%dma_start3A_681 : memref<64xi32, #tpu.memory_space<vmem>>) semaphore(%arg23 : memref<!tpu.dma_semaphore, #tpu.memory_space<semaphore_mem>>) {add = true}
      %dma_wait3A_685 = arith.constant 0 : i32
      %dma_wait3A_686 = arith.constant 0 : i32
      %dma_wait3A_687 = tpu.memref_slice %arg8[%dma_wait3A_685, %dma_wait3A_686] : memref<5x64xi32, #tpu.memory_space<vmem>> -> memref<1x64xi32, #tpu.memory_space<vmem>>
      %dma_wait3A_688 = tpu.memref_squeeze %dma_wait3A_687 : memref<1x64xi32, #tpu.memory_space<vmem>> -> memref<64xi32, #tpu.memory_space<vmem>>
      %dma_wait3A_689 = arith.constant 0 : i32
      %dma_wait3A_690 = arith.constant 0 : i32
      %dma_wait3A_691 = tpu.memref_slice %arg6[%dma_wait3A_689, %dma_wait3A_690] : memref<10240x128xf32, #tpu.memory_space<vmem_shared>> -> memref<10240x128xf32, #tpu.memory_space<vmem_shared>>
      tpu.wait_indirect_dma semaphore(%arg22 : memref<!tpu.dma_semaphore, #tpu.memory_space<semaphore_mem>>) src(%arg12 : memref<64x128xf32, #tpu.memory_space<vmem>>) dst(%dma_wait3A_691 : memref<10240x128xf32, #tpu.memory_space<vmem_shared>>)
      %add3A_692 = arith.constant 5 : i32
      %add3A_693 = arith.addi %add3A_657, %add3A_692 : i32
      %add3A_694 = arith.addi %mul3A_4, %add3A_693 : i32
      %dma_start3A_695 = arith.constant 4 : i32
      %dma_start3A_696 = arith.constant 0 : i32
      %dma_start3A_697 = tpu.memref_slice %arg7[%dma_start3A_695, %dma_start3A_696] : memref<5x64xi32, #tpu.memory_space<vmem>> -> memref<1x64xi32, #tpu.memory_space<vmem>>
      %dma_start3A_698 = tpu.memref_squeeze %dma_start3A_697 : memref<1x64xi32, #tpu.memory_space<vmem>> -> memref<64xi32, #tpu.memory_space<vmem>>
      %dma_start3A_699 = arith.constant 0 : i32
      %dma_start3A_700 = tpu.memref_slice %arg3[%add3A_694, %dma_start3A_699] : memref<5120x64xi32, #tpu.memory_space<hbm>> -> memref<1x64xi32, #tpu.memory_space<hbm>>
      %dma_start3A_701 = tpu.memref_squeeze %dma_start3A_700 : memref<1x64xi32, #tpu.memory_space<hbm>> -> memref<64xi32, #tpu.memory_space<hbm>>
      %dma_start3A_702 = arith.constant 0 : i32
      %dma_start3A_703 = tpu.memref_slice %arg7[%dma_start3A_695, %dma_start3A_702] : memref<5x64xi32, #tpu.memory_space<vmem>> -> memref<1x64xi32, #tpu.memory_space<vmem>>
      %dma_start3A_704 = tpu.memref_squeeze %dma_start3A_703 : memref<1x64xi32, #tpu.memory_space<vmem>> -> memref<64xi32, #tpu.memory_space<vmem>>
      %dma_start3A_705 = arith.constant 0 : i32
      %dma_start3A_706 = tpu.memref_slice %arg3[%add3A_694, %dma_start3A_705] : memref<5120x64xi32, #tpu.memory_space<hbm>> -> memref<1x64xi32, #tpu.memory_space<hbm>>
      %dma_start3A_707 = tpu.memref_squeeze %dma_start3A_706 : memref<1x64xi32, #tpu.memory_space<hbm>> -> memref<64xi32, #tpu.memory_space<hbm>>
      tpu.enqueue_dma source(%dma_start3A_707 : memref<64xi32, #tpu.memory_space<hbm>>) target(%dma_start3A_704 : memref<64xi32, #tpu.memory_space<vmem>>) target_semaphore(%arg28 : memref<!tpu.dma_semaphore, #tpu.memory_space<semaphore_mem>>)
      %add3A_708 = arith.constant 5 : i32
      %add3A_709 = arith.addi %add3A_657, %add3A_708 : i32
      %sub3A = arith.constant 1 : i32
      %sub3A_710 = arith.subi %add3A_709, %sub3A : i32
      %add3A_711 = arith.addi %mul3A_4, %sub3A_710 : i32
      %dma_start3A_712 = arith.constant 3 : i32
      %dma_start3A_713 = arith.constant 0 : i32
      %dma_start3A_714 = tpu.memref_slice %arg8[%dma_start3A_712, %dma_start3A_713] : memref<5x64xi32, #tpu.memory_space<vmem>> -> memref<1x64xi32, #tpu.memory_space<vmem>>
      %dma_start3A_715 = tpu.memref_squeeze %dma_start3A_714 : memref<1x64xi32, #tpu.memory_space<vmem>> -> memref<64xi32, #tpu.memory_space<vmem>>
      %dma_start3A_716 = arith.constant 0 : i32
      %dma_start3A_717 = tpu.memref_slice %arg4[%add3A_711, %dma_start3A_716] : memref<5120x64xi32, #tpu.memory_space<hbm>> -> memref<1x64xi32, #tpu.memory_space<hbm>>
      %dma_start3A_718 = tpu.memref_squeeze %dma_start3A_717 : memref<1x64xi32, #tpu.memory_space<hbm>> -> memref<64xi32, #tpu.memory_space<hbm>>
      %dma_start3A_719 = arith.constant 0 : i32
      %dma_start3A_720 = tpu.memref_slice %arg8[%dma_start3A_712, %dma_start3A_719] : memref<5x64xi32, #tpu.memory_space<vmem>> -> memref<1x64xi32, #tpu.memory_space<vmem>>
      %dma_start3A_721 = tpu.memref_squeeze %dma_start3A_720 : memref<1x64xi32, #tpu.memory_space<vmem>> -> memref<64xi32, #tpu.memory_space<vmem>>
      %dma_start3A_722 = arith.constant 0 : i32
      %dma_start3A_723 = tpu.memref_slice %arg4[%add3A_711, %dma_start3A_722] : memref<5120x64xi32, #tpu.memory_space<hbm>> -> memref<1x64xi32, #tpu.memory_space<hbm>>
      %dma_start3A_724 = tpu.memref_squeeze %dma_start3A_723 : memref<1x64xi32, #tpu.memory_space<hbm>> -> memref<64xi32, #tpu.memory_space<hbm>>
      tpu.enqueue_dma source(%dma_start3A_724 : memref<64xi32, #tpu.memory_space<hbm>>) target(%dma_start3A_721 : memref<64xi32, #tpu.memory_space<vmem>>) target_semaphore(%arg32 : memref<!tpu.dma_semaphore, #tpu.memory_space<semaphore_mem>>)
      %dma_wait3A_725 = arith.constant 3 : i32
      %dma_wait3A_726 = arith.constant 0 : i32
      %dma_wait3A_727 = tpu.memref_slice %arg7[%dma_wait3A_725, %dma_wait3A_726] : memref<5x64xi32, #tpu.memory_space<vmem>> -> memref<1x64xi32, #tpu.memory_space<vmem>>
      %dma_wait3A_728 = tpu.memref_squeeze %dma_wait3A_727 : memref<1x64xi32, #tpu.memory_space<vmem>> -> memref<64xi32, #tpu.memory_space<vmem>>
      %dma_wait3A_729 = arith.constant 0 : i32
      %dma_wait3A_730 = tpu.memref_slice %arg3[%mul3A_4, %dma_wait3A_729] : memref<5120x64xi32, #tpu.memory_space<hbm>> -> memref<1x64xi32, #tpu.memory_space<hbm>>
      %dma_wait3A_731 = tpu.memref_squeeze %dma_wait3A_730 : memref<1x64xi32, #tpu.memory_space<hbm>> -> memref<64xi32, #tpu.memory_space<hbm>>
      %dma_wait3A_732 = arith.constant 0 : i32
      %dma_wait3A_733 = tpu.memref_slice %arg7[%dma_wait3A_725, %dma_wait3A_732] : memref<5x64xi32, #tpu.memory_space<vmem>> -> memref<1x64xi32, #tpu.memory_space<vmem>>
      %dma_wait3A_734 = tpu.memref_squeeze %dma_wait3A_733 : memref<1x64xi32, #tpu.memory_space<vmem>> -> memref<64xi32, #tpu.memory_space<vmem>>
      %dma_wait3A_735 = arith.constant 0 : i32
      %dma_wait3A_736 = tpu.memref_slice %arg3[%mul3A_4, %dma_wait3A_735] : memref<5120x64xi32, #tpu.memory_space<hbm>> -> memref<1x64xi32, #tpu.memory_space<hbm>>
      %dma_wait3A_737 = tpu.memref_squeeze %dma_wait3A_736 : memref<1x64xi32, #tpu.memory_space<hbm>> -> memref<64xi32, #tpu.memory_space<hbm>>
      tpu.wait_dma2 semaphore(%arg27 : memref<!tpu.dma_semaphore, #tpu.memory_space<semaphore_mem>>) src(%dma_wait3A_737 : memref<64xi32, #tpu.memory_space<hbm>>) dst(%dma_wait3A_734 : memref<64xi32, #tpu.memory_space<vmem>>)
      %dma_start3A_738 = arith.constant 3 : i32
      %dma_start3A_739 = arith.constant 0 : i32
      %dma_start3A_740 = tpu.memref_slice %arg7[%dma_start3A_738, %dma_start3A_739] : memref<5x64xi32, #tpu.memory_space<vmem>> -> memref<1x64xi32, #tpu.memory_space<vmem>>
      %dma_start3A_741 = tpu.memref_squeeze %dma_start3A_740 : memref<1x64xi32, #tpu.memory_space<vmem>> -> memref<64xi32, #tpu.memory_space<vmem>>
      %dma_start3A_742 = arith.constant 0 : i32
      %dma_start3A_743 = arith.constant 0 : i32
      %dma_start3A_744 = tpu.memref_slice %arg2[%dma_start3A_742, %dma_start3A_743] : memref<10240x128xf32, #tpu.memory_space<hbm>> -> memref<10240x128xf32, #tpu.memory_space<hbm>>
      tpu.enqueue_indirect_dma source(%dma_start3A_744 : memref<10240x128xf32, #tpu.memory_space<hbm>>) target(%arg12 : memref<64x128xf32, #tpu.memory_space<vmem>>) offsets(%dma_start3A_741 : memref<64xi32, #tpu.memory_space<vmem>>) semaphore(%arg17 : memref<!tpu.dma_semaphore, #tpu.memory_space<semaphore_mem>>)
      %add3A_745 = arith.constant 1 : i32
      %add3A_746 = arith.addi %add3A_655, %add3A_745 : i32
      %dma_wait3A_747 = arith.constant 0 : i32
      %dma_wait3A_748 = arith.constant 0 : i32
      %dma_wait3A_749 = tpu.memref_slice %arg7[%dma_wait3A_747, %dma_wait3A_748] : memref<5x64xi32, #tpu.memory_space<vmem>> -> memref<1x64xi32, #tpu.memory_space<vmem>>
      %dma_wait3A_750 = tpu.memref_squeeze %dma_wait3A_749 : memref<1x64xi32, #tpu.memory_space<vmem>> -> memref<64xi32, #tpu.memory_space<vmem>>
      %dma_wait3A_751 = arith.constant 0 : i32
      %dma_wait3A_752 = arith.constant 0 : i32
      %dma_wait3A_753 = tpu.memref_slice %arg2[%dma_wait3A_751, %dma_wait3A_752] : memref<10240x128xf32, #tpu.memory_space<hbm>> -> memref<10240x128xf32, #tpu.memory_space<hbm>>
      tpu.wait_indirect_dma semaphore(%arg14 : memref<!tpu.dma_semaphore, #tpu.memory_space<semaphore_mem>>) src(%dma_wait3A_753 : memref<10240x128xf32, #tpu.memory_space<hbm>>) dst(%arg9 : memref<64x128xf32, #tpu.memory_space<vmem>>)
      %dma_wait3A_754 = arith.constant 0 : i32
      %dma_wait3A_755 = arith.constant 0 : i32
      %dma_wait3A_756 = tpu.memref_slice %arg8[%dma_wait3A_754, %dma_wait3A_755] : memref<5x64xi32, #tpu.memory_space<vmem>> -> memref<1x64xi32, #tpu.memory_space<vmem>>
      %dma_wait3A_757 = tpu.memref_squeeze %dma_wait3A_756 : memref<1x64xi32, #tpu.memory_space<vmem>> -> memref<64xi32, #tpu.memory_space<vmem>>
      %dma_wait3A_758 = arith.constant 0 : i32
      %dma_wait3A_759 = tpu.memref_slice %arg4[%mul3A_4, %dma_wait3A_758] : memref<5120x64xi32, #tpu.memory_space<hbm>> -> memref<1x64xi32, #tpu.memory_space<hbm>>
      %dma_wait3A_760 = tpu.memref_squeeze %dma_wait3A_759 : memref<1x64xi32, #tpu.memory_space<hbm>> -> memref<64xi32, #tpu.memory_space<hbm>>
      %dma_wait3A_761 = arith.constant 0 : i32
      %dma_wait3A_762 = tpu.memref_slice %arg8[%dma_wait3A_754, %dma_wait3A_761] : memref<5x64xi32, #tpu.memory_space<vmem>> -> memref<1x64xi32, #tpu.memory_space<vmem>>
      %dma_wait3A_763 = tpu.memref_squeeze %dma_wait3A_762 : memref<1x64xi32, #tpu.memory_space<vmem>> -> memref<64xi32, #tpu.memory_space<vmem>>
      %dma_wait3A_764 = arith.constant 0 : i32
      %dma_wait3A_765 = tpu.memref_slice %arg4[%mul3A_4, %dma_wait3A_764] : memref<5120x64xi32, #tpu.memory_space<hbm>> -> memref<1x64xi32, #tpu.memory_space<hbm>>
      %dma_wait3A_766 = tpu.memref_squeeze %dma_wait3A_765 : memref<1x64xi32, #tpu.memory_space<hbm>> -> memref<64xi32, #tpu.memory_space<hbm>>
      tpu.wait_dma2 semaphore(%arg29 : memref<!tpu.dma_semaphore, #tpu.memory_space<semaphore_mem>>) src(%dma_wait3A_766 : memref<64xi32, #tpu.memory_space<hbm>>) dst(%dma_wait3A_763 : memref<64xi32, #tpu.memory_space<vmem>>)
      %dma_start3A_767 = arith.constant 0 : i32
      %dma_start3A_768 = arith.constant 0 : i32
      %dma_start3A_769 = tpu.memref_slice %arg8[%dma_start3A_767, %dma_start3A_768] : memref<5x64xi32, #tpu.memory_space<vmem>> -> memref<1x64xi32, #tpu.memory_space<vmem>>
      %dma_start3A_770 = tpu.memref_squeeze %dma_start3A_769 : memref<1x64xi32, #tpu.memory_space<vmem>> -> memref<64xi32, #tpu.memory_space<vmem>>
      %dma_start3A_771 = arith.constant 0 : i32
      %dma_start3A_772 = arith.constant 0 : i32
      %dma_start3A_773 = tpu.memref_slice %arg6[%dma_start3A_771, %dma_start3A_772] : memref<10240x128xf32, #tpu.memory_space<vmem_shared>> -> memref<10240x128xf32, #tpu.memory_space<vmem_shared>>
      tpu.enqueue_indirect_dma source(%arg9 : memref<64x128xf32, #tpu.memory_space<vmem>>) target(%dma_start3A_773 : memref<10240x128xf32, #tpu.memory_space<vmem_shared>>) offsets(%dma_start3A_770 : memref<64xi32, #tpu.memory_space<vmem>>) semaphore(%arg19 : memref<!tpu.dma_semaphore, #tpu.memory_space<semaphore_mem>>) {add = true}
      %dma_wait3A_774 = arith.constant 0 : i32
      %dma_wait3A_775 = arith.constant 0 : i32
      %dma_wait3A_776 = tpu.memref_slice %arg8[%dma_wait3A_774, %dma_wait3A_775] : memref<5x64xi32, #tpu.memory_space<vmem>> -> memref<1x64xi32, #tpu.memory_space<vmem>>
      %dma_wait3A_777 = tpu.memref_squeeze %dma_wait3A_776 : memref<1x64xi32, #tpu.memory_space<vmem>> -> memref<64xi32, #tpu.memory_space<vmem>>
      %dma_wait3A_778 = arith.constant 0 : i32
      %dma_wait3A_779 = arith.constant 0 : i32
      %dma_wait3A_780 = tpu.memref_slice %arg6[%dma_wait3A_778, %dma_wait3A_779] : memref<10240x128xf32, #tpu.memory_space<vmem_shared>> -> memref<10240x128xf32, #tpu.memory_space<vmem_shared>>
      tpu.wait_indirect_dma semaphore(%arg23 : memref<!tpu.dma_semaphore, #tpu.memory_space<semaphore_mem>>) src(%arg13 : memref<64x128xf32, #tpu.memory_space<vmem>>) dst(%dma_wait3A_780 : memref<10240x128xf32, #tpu.memory_space<vmem_shared>>)
      %add3A_781 = arith.constant 5 : i32
      %add3A_782 = arith.addi %add3A_746, %add3A_781 : i32
      %add3A_783 = arith.addi %mul3A_4, %add3A_782 : i32
      %dma_start3A_784 = arith.constant 0 : i32
      %dma_start3A_785 = arith.constant 0 : i32
      %dma_start3A_786 = tpu.memref_slice %arg7[%dma_start3A_784, %dma_start3A_785] : memref<5x64xi32, #tpu.memory_space<vmem>> -> memref<1x64xi32, #tpu.memory_space<vmem>>
      %dma_start3A_787 = tpu.memref_squeeze %dma_start3A_786 : memref<1x64xi32, #tpu.memory_space<vmem>> -> memref<64xi32, #tpu.memory_space<vmem>>
      %dma_start3A_788 = arith.constant 0 : i32
      %dma_start3A_789 = tpu.memref_slice %arg3[%add3A_783, %dma_start3A_788] : memref<5120x64xi32, #tpu.memory_space<hbm>> -> memref<1x64xi32, #tpu.memory_space<hbm>>
      %dma_start3A_790 = tpu.memref_squeeze %dma_start3A_789 : memref<1x64xi32, #tpu.memory_space<hbm>> -> memref<64xi32, #tpu.memory_space<hbm>>
      %dma_start3A_791 = arith.constant 0 : i32
      %dma_start3A_792 = tpu.memref_slice %arg7[%dma_start3A_784, %dma_start3A_791] : memref<5x64xi32, #tpu.memory_space<vmem>> -> memref<1x64xi32, #tpu.memory_space<vmem>>
      %dma_start3A_793 = tpu.memref_squeeze %dma_start3A_792 : memref<1x64xi32, #tpu.memory_space<vmem>> -> memref<64xi32, #tpu.memory_space<vmem>>
      %dma_start3A_794 = arith.constant 0 : i32
      %dma_start3A_795 = tpu.memref_slice %arg3[%add3A_783, %dma_start3A_794] : memref<5120x64xi32, #tpu.memory_space<hbm>> -> memref<1x64xi32, #tpu.memory_space<hbm>>
      %dma_start3A_796 = tpu.memref_squeeze %dma_start3A_795 : memref<1x64xi32, #tpu.memory_space<hbm>> -> memref<64xi32, #tpu.memory_space<hbm>>
      tpu.enqueue_dma source(%dma_start3A_796 : memref<64xi32, #tpu.memory_space<hbm>>) target(%dma_start3A_793 : memref<64xi32, #tpu.memory_space<vmem>>) target_semaphore(%arg24 : memref<!tpu.dma_semaphore, #tpu.memory_space<semaphore_mem>>)
      %add3A_797 = arith.constant 5 : i32
      %add3A_798 = arith.addi %add3A_746, %add3A_797 : i32
      %sub3A_799 = arith.constant 1 : i32
      %sub3A_800 = arith.subi %add3A_798, %sub3A_799 : i32
      %add3A_801 = arith.addi %mul3A_4, %sub3A_800 : i32
      %dma_start3A_802 = arith.constant 4 : i32
      %dma_start3A_803 = arith.constant 0 : i32
      %dma_start3A_804 = tpu.memref_slice %arg8[%dma_start3A_802, %dma_start3A_803] : memref<5x64xi32, #tpu.memory_space<vmem>> -> memref<1x64xi32, #tpu.memory_space<vmem>>
      %dma_start3A_805 = tpu.memref_squeeze %dma_start3A_804 : memref<1x64xi32, #tpu.memory_space<vmem>> -> memref<64xi32, #tpu.memory_space<vmem>>
      %dma_start3A_806 = arith.constant 0 : i32
      %dma_start3A_807 = tpu.memref_slice %arg4[%add3A_801, %dma_start3A_806] : memref<5120x64xi32, #tpu.memory_space<hbm>> -> memref<1x64xi32, #tpu.memory_space<hbm>>
      %dma_start3A_808 = tpu.memref_squeeze %dma_start3A_807 : memref<1x64xi32, #tpu.memory_space<hbm>> -> memref<64xi32, #tpu.memory_space<hbm>>
      %dma_start3A_809 = arith.constant 0 : i32
      %dma_start3A_810 = tpu.memref_slice %arg8[%dma_start3A_802, %dma_start3A_809] : memref<5x64xi32, #tpu.memory_space<vmem>> -> memref<1x64xi32, #tpu.memory_space<vmem>>
      %dma_start3A_811 = tpu.memref_squeeze %dma_start3A_810 : memref<1x64xi32, #tpu.memory_space<vmem>> -> memref<64xi32, #tpu.memory_space<vmem>>
      %dma_start3A_812 = arith.constant 0 : i32
      %dma_start3A_813 = tpu.memref_slice %arg4[%add3A_801, %dma_start3A_812] : memref<5120x64xi32, #tpu.memory_space<hbm>> -> memref<1x64xi32, #tpu.memory_space<hbm>>
      %dma_start3A_814 = tpu.memref_squeeze %dma_start3A_813 : memref<1x64xi32, #tpu.memory_space<hbm>> -> memref<64xi32, #tpu.memory_space<hbm>>
      tpu.enqueue_dma source(%dma_start3A_814 : memref<64xi32, #tpu.memory_space<hbm>>) target(%dma_start3A_811 : memref<64xi32, #tpu.memory_space<vmem>>) target_semaphore(%arg33 : memref<!tpu.dma_semaphore, #tpu.memory_space<semaphore_mem>>)
      %dma_wait3A_815 = arith.constant 4 : i32
      %dma_wait3A_816 = arith.constant 0 : i32
      %dma_wait3A_817 = tpu.memref_slice %arg7[%dma_wait3A_815, %dma_wait3A_816] : memref<5x64xi32, #tpu.memory_space<vmem>> -> memref<1x64xi32, #tpu.memory_space<vmem>>
      %dma_wait3A_818 = tpu.memref_squeeze %dma_wait3A_817 : memref<1x64xi32, #tpu.memory_space<vmem>> -> memref<64xi32, #tpu.memory_space<vmem>>
      %dma_wait3A_819 = arith.constant 0 : i32
      %dma_wait3A_820 = tpu.memref_slice %arg3[%mul3A_4, %dma_wait3A_819] : memref<5120x64xi32, #tpu.memory_space<hbm>> -> memref<1x64xi32, #tpu.memory_space<hbm>>
      %dma_wait3A_821 = tpu.memref_squeeze %dma_wait3A_820 : memref<1x64xi32, #tpu.memory_space<hbm>> -> memref<64xi32, #tpu.memory_space<hbm>>
      %dma_wait3A_822 = arith.constant 0 : i32
      %dma_wait3A_823 = tpu.memref_slice %arg7[%dma_wait3A_815, %dma_wait3A_822] : memref<5x64xi32, #tpu.memory_space<vmem>> -> memref<1x64xi32, #tpu.memory_space<vmem>>
      %dma_wait3A_824 = tpu.memref_squeeze %dma_wait3A_823 : memref<1x64xi32, #tpu.memory_space<vmem>> -> memref<64xi32, #tpu.memory_space<vmem>>
      %dma_wait3A_825 = arith.constant 0 : i32
      %dma_wait3A_826 = tpu.memref_slice %arg3[%mul3A_4, %dma_wait3A_825] : memref<5120x64xi32, #tpu.memory_space<hbm>> -> memref<1x64xi32, #tpu.memory_space<hbm>>
      %dma_wait3A_827 = tpu.memref_squeeze %dma_wait3A_826 : memref<1x64xi32, #tpu.memory_space<hbm>> -> memref<64xi32, #tpu.memory_space<hbm>>
      tpu.wait_dma2 semaphore(%arg28 : memref<!tpu.dma_semaphore, #tpu.memory_space<semaphore_mem>>) src(%dma_wait3A_827 : memref<64xi32, #tpu.memory_space<hbm>>) dst(%dma_wait3A_824 : memref<64xi32, #tpu.memory_space<vmem>>)
      %dma_start3A_828 = arith.constant 4 : i32
      %dma_start3A_829 = arith.constant 0 : i32
      %dma_start3A_830 = tpu.memref_slice %arg7[%dma_start3A_828, %dma_start3A_829] : memref<5x64xi32, #tpu.memory_space<vmem>> -> memref<1x64xi32, #tpu.memory_space<vmem>>
      %dma_start3A_831 = tpu.memref_squeeze %dma_start3A_830 : memref<1x64xi32, #tpu.memory_space<vmem>> -> memref<64xi32, #tpu.memory_space<vmem>>
      %dma_start3A_832 = arith.constant 0 : i32
      %dma_start3A_833 = arith.constant 0 : i32
      %dma_start3A_834 = tpu.memref_slice %arg2[%dma_start3A_832, %dma_start3A_833] : memref<10240x128xf32, #tpu.memory_space<hbm>> -> memref<10240x128xf32, #tpu.memory_space<hbm>>
      tpu.enqueue_indirect_dma source(%dma_start3A_834 : memref<10240x128xf32, #tpu.memory_space<hbm>>) target(%arg13 : memref<64x128xf32, #tpu.memory_space<vmem>>) offsets(%dma_start3A_831 : memref<64xi32, #tpu.memory_space<vmem>>) semaphore(%arg18 : memref<!tpu.dma_semaphore, #tpu.memory_space<semaphore_mem>>)
      %add3A_835 = arith.constant 2 : i32
      %add3A_836 = arith.addi %add3A_655, %add3A_835 : i32
      %dma_wait3A_837 = arith.constant 1 : i32
      %dma_wait3A_838 = arith.constant 0 : i32
      %dma_wait3A_839 = tpu.memref_slice %arg7[%dma_wait3A_837, %dma_wait3A_838] : memref<5x64xi32, #tpu.memory_space<vmem>> -> memref<1x64xi32, #tpu.memory_space<vmem>>
      %dma_wait3A_840 = tpu.memref_squeeze %dma_wait3A_839 : memref<1x64xi32, #tpu.memory_space<vmem>> -> memref<64xi32, #tpu.memory_space<vmem>>
      %dma_wait3A_841 = arith.constant 0 : i32
      %dma_wait3A_842 = arith.constant 0 : i32
      %dma_wait3A_843 = tpu.memref_slice %arg2[%dma_wait3A_841, %dma_wait3A_842] : memref<10240x128xf32, #tpu.memory_space<hbm>> -> memref<10240x128xf32, #tpu.memory_space<hbm>>
      tpu.wait_indirect_dma semaphore(%arg15 : memref<!tpu.dma_semaphore, #tpu.memory_space<semaphore_mem>>) src(%dma_wait3A_843 : memref<10240x128xf32, #tpu.memory_space<hbm>>) dst(%arg10 : memref<64x128xf32, #tpu.memory_space<vmem>>)
      %dma_wait3A_844 = arith.constant 1 : i32
      %dma_wait3A_845 = arith.constant 0 : i32
      %dma_wait3A_846 = tpu.memref_slice %arg8[%dma_wait3A_844, %dma_wait3A_845] : memref<5x64xi32, #tpu.memory_space<vmem>> -> memref<1x64xi32, #tpu.memory_space<vmem>>
      %dma_wait3A_847 = tpu.memref_squeeze %dma_wait3A_846 : memref<1x64xi32, #tpu.memory_space<vmem>> -> memref<64xi32, #tpu.memory_space<vmem>>
      %dma_wait3A_848 = arith.constant 0 : i32
      %dma_wait3A_849 = tpu.memref_slice %arg4[%mul3A_4, %dma_wait3A_848] : memref<5120x64xi32, #tpu.memory_space<hbm>> -> memref<1x64xi32, #tpu.memory_space<hbm>>
      %dma_wait3A_850 = tpu.memref_squeeze %dma_wait3A_849 : memref<1x64xi32, #tpu.memory_space<hbm>> -> memref<64xi32, #tpu.memory_space<hbm>>
      %dma_wait3A_851 = arith.constant 0 : i32
      %dma_wait3A_852 = tpu.memref_slice %arg8[%dma_wait3A_844, %dma_wait3A_851] : memref<5x64xi32, #tpu.memory_space<vmem>> -> memref<1x64xi32, #tpu.memory_space<vmem>>
      %dma_wait3A_853 = tpu.memref_squeeze %dma_wait3A_852 : memref<1x64xi32, #tpu.memory_space<vmem>> -> memref<64xi32, #tpu.memory_space<vmem>>
      %dma_wait3A_854 = arith.constant 0 : i32
      %dma_wait3A_855 = tpu.memref_slice %arg4[%mul3A_4, %dma_wait3A_854] : memref<5120x64xi32, #tpu.memory_space<hbm>> -> memref<1x64xi32, #tpu.memory_space<hbm>>
      %dma_wait3A_856 = tpu.memref_squeeze %dma_wait3A_855 : memref<1x64xi32, #tpu.memory_space<hbm>> -> memref<64xi32, #tpu.memory_space<hbm>>
      tpu.wait_dma2 semaphore(%arg30 : memref<!tpu.dma_semaphore, #tpu.memory_space<semaphore_mem>>) src(%dma_wait3A_856 : memref<64xi32, #tpu.memory_space<hbm>>) dst(%dma_wait3A_853 : memref<64xi32, #tpu.memory_space<vmem>>)
      %dma_start3A_857 = arith.constant 1 : i32
      %dma_start3A_858 = arith.constant 0 : i32
      %dma_start3A_859 = tpu.memref_slice %arg8[%dma_start3A_857, %dma_start3A_858] : memref<5x64xi32, #tpu.memory_space<vmem>> -> memref<1x64xi32, #tpu.memory_space<vmem>>
      %dma_start3A_860 = tpu.memref_squeeze %dma_start3A_859 : memref<1x64xi32, #tpu.memory_space<vmem>> -> memref<64xi32, #tpu.memory_space<vmem>>
      %dma_start3A_861 = arith.constant 0 : i32
      %dma_start3A_862 = arith.constant 0 : i32
      %dma_start3A_863 = tpu.memref_slice %arg6[%dma_start3A_861, %dma_start3A_862] : memref<10240x128xf32, #tpu.memory_space<vmem_shared>> -> memref<10240x128xf32, #tpu.memory_space<vmem_shared>>
      tpu.enqueue_indirect_dma source(%arg10 : memref<64x128xf32, #tpu.memory_space<vmem>>) target(%dma_start3A_863 : memref<10240x128xf32, #tpu.memory_space<vmem_shared>>) offsets(%dma_start3A_860 : memref<64xi32, #tpu.memory_space<vmem>>) semaphore(%arg20 : memref<!tpu.dma_semaphore, #tpu.memory_space<semaphore_mem>>) {add = true}
      %dma_wait3A_864 = arith.constant 0 : i32
      %dma_wait3A_865 = arith.constant 0 : i32
      %dma_wait3A_866 = tpu.memref_slice %arg8[%dma_wait3A_864, %dma_wait3A_865] : memref<5x64xi32, #tpu.memory_space<vmem>> -> memref<1x64xi32, #tpu.memory_space<vmem>>
      %dma_wait3A_867 = tpu.memref_squeeze %dma_wait3A_866 : memref<1x64xi32, #tpu.memory_space<vmem>> -> memref<64xi32, #tpu.memory_space<vmem>>
      %dma_wait3A_868 = arith.constant 0 : i32
      %dma_wait3A_869 = arith.constant 0 : i32
      %dma_wait3A_870 = tpu.memref_slice %arg6[%dma_wait3A_868, %dma_wait3A_869] : memref<10240x128xf32, #tpu.memory_space<vmem_shared>> -> memref<10240x128xf32, #tpu.memory_space<vmem_shared>>
      tpu.wait_indirect_dma semaphore(%arg19 : memref<!tpu.dma_semaphore, #tpu.memory_space<semaphore_mem>>) src(%arg9 : memref<64x128xf32, #tpu.memory_space<vmem>>) dst(%dma_wait3A_870 : memref<10240x128xf32, #tpu.memory_space<vmem_shared>>)
      %add3A_871 = arith.constant 5 : i32
      %add3A_872 = arith.addi %add3A_836, %add3A_871 : i32
      %add3A_873 = arith.addi %mul3A_4, %add3A_872 : i32
      %dma_start3A_874 = arith.constant 1 : i32
      %dma_start3A_875 = arith.constant 0 : i32
      %dma_start3A_876 = tpu.memref_slice %arg7[%dma_start3A_874, %dma_start3A_875] : memref<5x64xi32, #tpu.memory_space<vmem>> -> memref<1x64xi32, #tpu.memory_space<vmem>>
      %dma_start3A_877 = tpu.memref_squeeze %dma_start3A_876 : memref<1x64xi32, #tpu.memory_space<vmem>> -> memref<64xi32, #tpu.memory_space<vmem>>
      %dma_start3A_878 = arith.constant 0 : i32
      %dma_start3A_879 = tpu.memref_slice %arg3[%add3A_873, %dma_start3A_878] : memref<5120x64xi32, #tpu.memory_space<hbm>> -> memref<1x64xi32, #tpu.memory_space<hbm>>
      %dma_start3A_880 = tpu.memref_squeeze %dma_start3A_879 : memref<1x64xi32, #tpu.memory_space<hbm>> -> memref<64xi32, #tpu.memory_space<hbm>>
      %dma_start3A_881 = arith.constant 0 : i32
      %dma_start3A_882 = tpu.memref_slice %arg7[%dma_start3A_874, %dma_start3A_881] : memref<5x64xi32, #tpu.memory_space<vmem>> -> memref<1x64xi32, #tpu.memory_space<vmem>>
      %dma_start3A_883 = tpu.memref_squeeze %dma_start3A_882 : memref<1x64xi32, #tpu.memory_space<vmem>> -> memref<64xi32, #tpu.memory_space<vmem>>
      %dma_start3A_884 = arith.constant 0 : i32
      %dma_start3A_885 = tpu.memref_slice %arg3[%add3A_873, %dma_start3A_884] : memref<5120x64xi32, #tpu.memory_space<hbm>> -> memref<1x64xi32, #tpu.memory_space<hbm>>
      %dma_start3A_886 = tpu.memref_squeeze %dma_start3A_885 : memref<1x64xi32, #tpu.memory_space<hbm>> -> memref<64xi32, #tpu.memory_space<hbm>>
      tpu.enqueue_dma source(%dma_start3A_886 : memref<64xi32, #tpu.memory_space<hbm>>) target(%dma_start3A_883 : memref<64xi32, #tpu.memory_space<vmem>>) target_semaphore(%arg25 : memref<!tpu.dma_semaphore, #tpu.memory_space<semaphore_mem>>)
      %add3A_887 = arith.constant 5 : i32
      %add3A_888 = arith.addi %add3A_836, %add3A_887 : i32
      %sub3A_889 = arith.constant 1 : i32
      %sub3A_890 = arith.subi %add3A_888, %sub3A_889 : i32
      %add3A_891 = arith.addi %mul3A_4, %sub3A_890 : i32
      %dma_start3A_892 = arith.constant 0 : i32
      %dma_start3A_893 = arith.constant 0 : i32
      %dma_start3A_894 = tpu.memref_slice %arg8[%dma_start3A_892, %dma_start3A_893] : memref<5x64xi32, #tpu.memory_space<vmem>> -> memref<1x64xi32, #tpu.memory_space<vmem>>
      %dma_start3A_895 = tpu.memref_squeeze %dma_start3A_894 : memref<1x64xi32, #tpu.memory_space<vmem>> -> memref<64xi32, #tpu.memory_space<vmem>>
      %dma_start3A_896 = arith.constant 0 : i32
      %dma_start3A_897 = tpu.memref_slice %arg4[%add3A_891, %dma_start3A_896] : memref<5120x64xi32, #tpu.memory_space<hbm>> -> memref<1x64xi32, #tpu.memory_space<hbm>>
      %dma_start3A_898 = tpu.memref_squeeze %dma_start3A_897 : memref<1x64xi32, #tpu.memory_space<hbm>> -> memref<64xi32, #tpu.memory_space<hbm>>
      %dma_start3A_899 = arith.constant 0 : i32
      %dma_start3A_900 = tpu.memref_slice %arg8[%dma_start3A_892, %dma_start3A_899] : memref<5x64xi32, #tpu.memory_space<vmem>> -> memref<1x64xi32, #tpu.memory_space<vmem>>
      %dma_start3A_901 = tpu.memref_squeeze %dma_start3A_900 : memref<1x64xi32, #tpu.memory_space<vmem>> -> memref<64xi32, #tpu.memory_space<vmem>>
      %dma_start3A_902 = arith.constant 0 : i32
      %dma_start3A_903 = tpu.memref_slice %arg4[%add3A_891, %dma_start3A_902] : memref<5120x64xi32, #tpu.memory_space<hbm>> -> memref<1x64xi32, #tpu.memory_space<hbm>>
      %dma_start3A_904 = tpu.memref_squeeze %dma_start3A_903 : memref<1x64xi32, #tpu.memory_space<hbm>> -> memref<64xi32, #tpu.memory_space<hbm>>
      tpu.enqueue_dma source(%dma_start3A_904 : memref<64xi32, #tpu.memory_space<hbm>>) target(%dma_start3A_901 : memref<64xi32, #tpu.memory_space<vmem>>) target_semaphore(%arg29 : memref<!tpu.dma_semaphore, #tpu.memory_space<semaphore_mem>>)
      %dma_wait3A_905 = arith.constant 0 : i32
      %dma_wait3A_906 = arith.constant 0 : i32
      %dma_wait3A_907 = tpu.memref_slice %arg7[%dma_wait3A_905, %dma_wait3A_906] : memref<5x64xi32, #tpu.memory_space<vmem>> -> memref<1x64xi32, #tpu.memory_space<vmem>>
      %dma_wait3A_908 = tpu.memref_squeeze %dma_wait3A_907 : memref<1x64xi32, #tpu.memory_space<vmem>> -> memref<64xi32, #tpu.memory_space<vmem>>
      %dma_wait3A_909 = arith.constant 0 : i32
      %dma_wait3A_910 = tpu.memref_slice %arg3[%mul3A_4, %dma_wait3A_909] : memref<5120x64xi32, #tpu.memory_space<hbm>> -> memref<1x64xi32, #tpu.memory_space<hbm>>
      %dma_wait3A_911 = tpu.memref_squeeze %dma_wait3A_910 : memref<1x64xi32, #tpu.memory_space<hbm>> -> memref<64xi32, #tpu.memory_space<hbm>>
      %dma_wait3A_912 = arith.constant 0 : i32
      %dma_wait3A_913 = tpu.memref_slice %arg7[%dma_wait3A_905, %dma_wait3A_912] : memref<5x64xi32, #tpu.memory_space<vmem>> -> memref<1x64xi32, #tpu.memory_space<vmem>>
      %dma_wait3A_914 = tpu.memref_squeeze %dma_wait3A_913 : memref<1x64xi32, #tpu.memory_space<vmem>> -> memref<64xi32, #tpu.memory_space<vmem>>
      %dma_wait3A_915 = arith.constant 0 : i32
      %dma_wait3A_916 = tpu.memref_slice %arg3[%mul3A_4, %dma_wait3A_915] : memref<5120x64xi32, #tpu.memory_space<hbm>> -> memref<1x64xi32, #tpu.memory_space<hbm>>
      %dma_wait3A_917 = tpu.memref_squeeze %dma_wait3A_916 : memref<1x64xi32, #tpu.memory_space<hbm>> -> memref<64xi32, #tpu.memory_space<hbm>>
      tpu.wait_dma2 semaphore(%arg24 : memref<!tpu.dma_semaphore, #tpu.memory_space<semaphore_mem>>) src(%dma_wait3A_917 : memref<64xi32, #tpu.memory_space<hbm>>) dst(%dma_wait3A_914 : memref<64xi32, #tpu.memory_space<vmem>>)
      %dma_start3A_918 = arith.constant 0 : i32
      %dma_start3A_919 = arith.constant 0 : i32
      %dma_start3A_920 = tpu.memref_slice %arg7[%dma_start3A_918, %dma_start3A_919] : memref<5x64xi32, #tpu.memory_space<vmem>> -> memref<1x64xi32, #tpu.memory_space<vmem>>
      %dma_start3A_921 = tpu.memref_squeeze %dma_start3A_920 : memref<1x64xi32, #tpu.memory_space<vmem>> -> memref<64xi32, #tpu.memory_space<vmem>>
      %dma_start3A_922 = arith.constant 0 : i32
      %dma_start3A_923 = arith.constant 0 : i32
      %dma_start3A_924 = tpu.memref_slice %arg2[%dma_start3A_922, %dma_start3A_923] : memref<10240x128xf32, #tpu.memory_space<hbm>> -> memref<10240x128xf32, #tpu.memory_space<hbm>>
      tpu.enqueue_indirect_dma source(%dma_start3A_924 : memref<10240x128xf32, #tpu.memory_space<hbm>>) target(%arg9 : memref<64x128xf32, #tpu.memory_space<vmem>>) offsets(%dma_start3A_921 : memref<64xi32, #tpu.memory_space<vmem>>) semaphore(%arg14 : memref<!tpu.dma_semaphore, #tpu.memory_space<semaphore_mem>>)
      %add3A_925 = arith.constant 3 : i32
      %add3A_926 = arith.addi %add3A_655, %add3A_925 : i32
      %dma_wait3A_927 = arith.constant 2 : i32
      %dma_wait3A_928 = arith.constant 0 : i32
      %dma_wait3A_929 = tpu.memref_slice %arg7[%dma_wait3A_927, %dma_wait3A_928] : memref<5x64xi32, #tpu.memory_space<vmem>> -> memref<1x64xi32, #tpu.memory_space<vmem>>
      %dma_wait3A_930 = tpu.memref_squeeze %dma_wait3A_929 : memref<1x64xi32, #tpu.memory_space<vmem>> -> memref<64xi32, #tpu.memory_space<vmem>>
      %dma_wait3A_931 = arith.constant 0 : i32
      %dma_wait3A_932 = arith.constant 0 : i32
      %dma_wait3A_933 = tpu.memref_slice %arg2[%dma_wait3A_931, %dma_wait3A_932] : memref<10240x128xf32, #tpu.memory_space<hbm>> -> memref<10240x128xf32, #tpu.memory_space<hbm>>
      tpu.wait_indirect_dma semaphore(%arg16 : memref<!tpu.dma_semaphore, #tpu.memory_space<semaphore_mem>>) src(%dma_wait3A_933 : memref<10240x128xf32, #tpu.memory_space<hbm>>) dst(%arg11 : memref<64x128xf32, #tpu.memory_space<vmem>>)
      %dma_wait3A_934 = arith.constant 2 : i32
      %dma_wait3A_935 = arith.constant 0 : i32
      %dma_wait3A_936 = tpu.memref_slice %arg8[%dma_wait3A_934, %dma_wait3A_935] : memref<5x64xi32, #tpu.memory_space<vmem>> -> memref<1x64xi32, #tpu.memory_space<vmem>>
      %dma_wait3A_937 = tpu.memref_squeeze %dma_wait3A_936 : memref<1x64xi32, #tpu.memory_space<vmem>> -> memref<64xi32, #tpu.memory_space<vmem>>
      %dma_wait3A_938 = arith.constant 0 : i32
      %dma_wait3A_939 = tpu.memref_slice %arg4[%mul3A_4, %dma_wait3A_938] : memref<5120x64xi32, #tpu.memory_space<hbm>> -> memref<1x64xi32, #tpu.memory_space<hbm>>
      %dma_wait3A_940 = tpu.memref_squeeze %dma_wait3A_939 : memref<1x64xi32, #tpu.memory_space<hbm>> -> memref<64xi32, #tpu.memory_space<hbm>>
      %dma_wait3A_941 = arith.constant 0 : i32
      %dma_wait3A_942 = tpu.memref_slice %arg8[%dma_wait3A_934, %dma_wait3A_941] : memref<5x64xi32, #tpu.memory_space<vmem>> -> memref<1x64xi32, #tpu.memory_space<vmem>>
      %dma_wait3A_943 = tpu.memref_squeeze %dma_wait3A_942 : memref<1x64xi32, #tpu.memory_space<vmem>> -> memref<64xi32, #tpu.memory_space<vmem>>
      %dma_wait3A_944 = arith.constant 0 : i32
      %dma_wait3A_945 = tpu.memref_slice %arg4[%mul3A_4, %dma_wait3A_944] : memref<5120x64xi32, #tpu.memory_space<hbm>> -> memref<1x64xi32, #tpu.memory_space<hbm>>
      %dma_wait3A_946 = tpu.memref_squeeze %dma_wait3A_945 : memref<1x64xi32, #tpu.memory_space<hbm>> -> memref<64xi32, #tpu.memory_space<hbm>>
      tpu.wait_dma2 semaphore(%arg31 : memref<!tpu.dma_semaphore, #tpu.memory_space<semaphore_mem>>) src(%dma_wait3A_946 : memref<64xi32, #tpu.memory_space<hbm>>) dst(%dma_wait3A_943 : memref<64xi32, #tpu.memory_space<vmem>>)
      %dma_start3A_947 = arith.constant 2 : i32
      %dma_start3A_948 = arith.constant 0 : i32
      %dma_start3A_949 = tpu.memref_slice %arg8[%dma_start3A_947, %dma_start3A_948] : memref<5x64xi32, #tpu.memory_space<vmem>> -> memref<1x64xi32, #tpu.memory_space<vmem>>
      %dma_start3A_950 = tpu.memref_squeeze %dma_start3A_949 : memref<1x64xi32, #tpu.memory_space<vmem>> -> memref<64xi32, #tpu.memory_space<vmem>>
      %dma_start3A_951 = arith.constant 0 : i32
      %dma_start3A_952 = arith.constant 0 : i32
      %dma_start3A_953 = tpu.memref_slice %arg6[%dma_start3A_951, %dma_start3A_952] : memref<10240x128xf32, #tpu.memory_space<vmem_shared>> -> memref<10240x128xf32, #tpu.memory_space<vmem_shared>>
      tpu.enqueue_indirect_dma source(%arg11 : memref<64x128xf32, #tpu.memory_space<vmem>>) target(%dma_start3A_953 : memref<10240x128xf32, #tpu.memory_space<vmem_shared>>) offsets(%dma_start3A_950 : memref<64xi32, #tpu.memory_space<vmem>>) semaphore(%arg21 : memref<!tpu.dma_semaphore, #tpu.memory_space<semaphore_mem>>) {add = true}
      %dma_wait3A_954 = arith.constant 0 : i32
      %dma_wait3A_955 = arith.constant 0 : i32
      %dma_wait3A_956 = tpu.memref_slice %arg8[%dma_wait3A_954, %dma_wait3A_955] : memref<5x64xi32, #tpu.memory_space<vmem>> -> memref<1x64xi32, #tpu.memory_space<vmem>>
      %dma_wait3A_957 = tpu.memref_squeeze %dma_wait3A_956 : memref<1x64xi32, #tpu.memory_space<vmem>> -> memref<64xi32, #tpu.memory_space<vmem>>
      %dma_wait3A_958 = arith.constant 0 : i32
      %dma_wait3A_959 = arith.constant 0 : i32
      %dma_wait3A_960 = tpu.memref_slice %arg6[%dma_wait3A_958, %dma_wait3A_959] : memref<10240x128xf32, #tpu.memory_space<vmem_shared>> -> memref<10240x128xf32, #tpu.memory_space<vmem_shared>>
      tpu.wait_indirect_dma semaphore(%arg20 : memref<!tpu.dma_semaphore, #tpu.memory_space<semaphore_mem>>) src(%arg10 : memref<64x128xf32, #tpu.memory_space<vmem>>) dst(%dma_wait3A_960 : memref<10240x128xf32, #tpu.memory_space<vmem_shared>>)
      %add3A_961 = arith.constant 5 : i32
      %add3A_962 = arith.addi %add3A_926, %add3A_961 : i32
      %add3A_963 = arith.addi %mul3A_4, %add3A_962 : i32
      %dma_start3A_964 = arith.constant 2 : i32
      %dma_start3A_965 = arith.constant 0 : i32
      %dma_start3A_966 = tpu.memref_slice %arg7[%dma_start3A_964, %dma_start3A_965] : memref<5x64xi32, #tpu.memory_space<vmem>> -> memref<1x64xi32, #tpu.memory_space<vmem>>
      %dma_start3A_967 = tpu.memref_squeeze %dma_start3A_966 : memref<1x64xi32, #tpu.memory_space<vmem>> -> memref<64xi32, #tpu.memory_space<vmem>>
      %dma_start3A_968 = arith.constant 0 : i32
      %dma_start3A_969 = tpu.memref_slice %arg3[%add3A_963, %dma_start3A_968] : memref<5120x64xi32, #tpu.memory_space<hbm>> -> memref<1x64xi32, #tpu.memory_space<hbm>>
      %dma_start3A_970 = tpu.memref_squeeze %dma_start3A_969 : memref<1x64xi32, #tpu.memory_space<hbm>> -> memref<64xi32, #tpu.memory_space<hbm>>
      %dma_start3A_971 = arith.constant 0 : i32
      %dma_start3A_972 = tpu.memref_slice %arg7[%dma_start3A_964, %dma_start3A_971] : memref<5x64xi32, #tpu.memory_space<vmem>> -> memref<1x64xi32, #tpu.memory_space<vmem>>
      %dma_start3A_973 = tpu.memref_squeeze %dma_start3A_972 : memref<1x64xi32, #tpu.memory_space<vmem>> -> memref<64xi32, #tpu.memory_space<vmem>>
      %dma_start3A_974 = arith.constant 0 : i32
      %dma_start3A_975 = tpu.memref_slice %arg3[%add3A_963, %dma_start3A_974] : memref<5120x64xi32, #tpu.memory_space<hbm>> -> memref<1x64xi32, #tpu.memory_space<hbm>>
      %dma_start3A_976 = tpu.memref_squeeze %dma_start3A_975 : memref<1x64xi32, #tpu.memory_space<hbm>> -> memref<64xi32, #tpu.memory_space<hbm>>
      tpu.enqueue_dma source(%dma_start3A_976 : memref<64xi32, #tpu.memory_space<hbm>>) target(%dma_start3A_973 : memref<64xi32, #tpu.memory_space<vmem>>) target_semaphore(%arg26 : memref<!tpu.dma_semaphore, #tpu.memory_space<semaphore_mem>>)
      %add3A_977 = arith.constant 5 : i32
      %add3A_978 = arith.addi %add3A_926, %add3A_977 : i32
      %sub3A_979 = arith.constant 1 : i32
      %sub3A_980 = arith.subi %add3A_978, %sub3A_979 : i32
      %add3A_981 = arith.addi %mul3A_4, %sub3A_980 : i32
      %dma_start3A_982 = arith.constant 1 : i32
      %dma_start3A_983 = arith.constant 0 : i32
      %dma_start3A_984 = tpu.memref_slice %arg8[%dma_start3A_982, %dma_start3A_983] : memref<5x64xi32, #tpu.memory_space<vmem>> -> memref<1x64xi32, #tpu.memory_space<vmem>>
      %dma_start3A_985 = tpu.memref_squeeze %dma_start3A_984 : memref<1x64xi32, #tpu.memory_space<vmem>> -> memref<64xi32, #tpu.memory_space<vmem>>
      %dma_start3A_986 = arith.constant 0 : i32
      %dma_start3A_987 = tpu.memref_slice %arg4[%add3A_981, %dma_start3A_986] : memref<5120x64xi32, #tpu.memory_space<hbm>> -> memref<1x64xi32, #tpu.memory_space<hbm>>
      %dma_start3A_988 = tpu.memref_squeeze %dma_start3A_987 : memref<1x64xi32, #tpu.memory_space<hbm>> -> memref<64xi32, #tpu.memory_space<hbm>>
      %dma_start3A_989 = arith.constant 0 : i32
      %dma_start3A_990 = tpu.memref_slice %arg8[%dma_start3A_982, %dma_start3A_989] : memref<5x64xi32, #tpu.memory_space<vmem>> -> memref<1x64xi32, #tpu.memory_space<vmem>>
      %dma_start3A_991 = tpu.memref_squeeze %dma_start3A_990 : memref<1x64xi32, #tpu.memory_space<vmem>> -> memref<64xi32, #tpu.memory_space<vmem>>
      %dma_start3A_992 = arith.constant 0 : i32
      %dma_start3A_993 = tpu.memref_slice %arg4[%add3A_981, %dma_start3A_992] : memref<5120x64xi32, #tpu.memory_space<hbm>> -> memref<1x64xi32, #tpu.memory_space<hbm>>
      %dma_start3A_994 = tpu.memref_squeeze %dma_start3A_993 : memref<1x64xi32, #tpu.memory_space<hbm>> -> memref<64xi32, #tpu.memory_space<hbm>>
      tpu.enqueue_dma source(%dma_start3A_994 : memref<64xi32, #tpu.memory_space<hbm>>) target(%dma_start3A_991 : memref<64xi32, #tpu.memory_space<vmem>>) target_semaphore(%arg30 : memref<!tpu.dma_semaphore, #tpu.memory_space<semaphore_mem>>)
      %dma_wait3A_995 = arith.constant 1 : i32
      %dma_wait3A_996 = arith.constant 0 : i32
      %dma_wait3A_997 = tpu.memref_slice %arg7[%dma_wait3A_995, %dma_wait3A_996] : memref<5x64xi32, #tpu.memory_space<vmem>> -> memref<1x64xi32, #tpu.memory_space<vmem>>
      %dma_wait3A_998 = tpu.memref_squeeze %dma_wait3A_997 : memref<1x64xi32, #tpu.memory_space<vmem>> -> memref<64xi32, #tpu.memory_space<vmem>>
      %dma_wait3A_999 = arith.constant 0 : i32
      %dma_wait3A_1000 = tpu.memref_slice %arg3[%mul3A_4, %dma_wait3A_999] : memref<5120x64xi32, #tpu.memory_space<hbm>> -> memref<1x64xi32, #tpu.memory_space<hbm>>
      %dma_wait3A_1001 = tpu.memref_squeeze %dma_wait3A_1000 : memref<1x64xi32, #tpu.memory_space<hbm>> -> memref<64xi32, #tpu.memory_space<hbm>>
      %dma_wait3A_1002 = arith.constant 0 : i32
      %dma_wait3A_1003 = tpu.memref_slice %arg7[%dma_wait3A_995, %dma_wait3A_1002] : memref<5x64xi32, #tpu.memory_space<vmem>> -> memref<1x64xi32, #tpu.memory_space<vmem>>
      %dma_wait3A_1004 = tpu.memref_squeeze %dma_wait3A_1003 : memref<1x64xi32, #tpu.memory_space<vmem>> -> memref<64xi32, #tpu.memory_space<vmem>>
      %dma_wait3A_1005 = arith.constant 0 : i32
      %dma_wait3A_1006 = tpu.memref_slice %arg3[%mul3A_4, %dma_wait3A_1005] : memref<5120x64xi32, #tpu.memory_space<hbm>> -> memref<1x64xi32, #tpu.memory_space<hbm>>
      %dma_wait3A_1007 = tpu.memref_squeeze %dma_wait3A_1006 : memref<1x64xi32, #tpu.memory_space<hbm>> -> memref<64xi32, #tpu.memory_space<hbm>>
      tpu.wait_dma2 semaphore(%arg25 : memref<!tpu.dma_semaphore, #tpu.memory_space<semaphore_mem>>) src(%dma_wait3A_1007 : memref<64xi32, #tpu.memory_space<hbm>>) dst(%dma_wait3A_1004 : memref<64xi32, #tpu.memory_space<vmem>>)
      %dma_start3A_1008 = arith.constant 1 : i32
      %dma_start3A_1009 = arith.constant 0 : i32
      %dma_start3A_1010 = tpu.memref_slice %arg7[%dma_start3A_1008, %dma_start3A_1009] : memref<5x64xi32, #tpu.memory_space<vmem>> -> memref<1x64xi32, #tpu.memory_space<vmem>>
      %dma_start3A_1011 = tpu.memref_squeeze %dma_start3A_1010 : memref<1x64xi32, #tpu.memory_space<vmem>> -> memref<64xi32, #tpu.memory_space<vmem>>
      %dma_start3A_1012 = arith.constant 0 : i32
      %dma_start3A_1013 = arith.constant 0 : i32
      %dma_start3A_1014 = tpu.memref_slice %arg2[%dma_start3A_1012, %dma_start3A_1013] : memref<10240x128xf32, #tpu.memory_space<hbm>> -> memref<10240x128xf32, #tpu.memory_space<hbm>>
      tpu.enqueue_indirect_dma source(%dma_start3A_1014 : memref<10240x128xf32, #tpu.memory_space<hbm>>) target(%arg10 : memref<64x128xf32, #tpu.memory_space<vmem>>) offsets(%dma_start3A_1011 : memref<64xi32, #tpu.memory_space<vmem>>) semaphore(%arg15 : memref<!tpu.dma_semaphore, #tpu.memory_space<semaphore_mem>>)
      %add3A_1015 = arith.constant 4 : i32
      %add3A_1016 = arith.addi %add3A_655, %add3A_1015 : i32
      %dma_wait3A_1017 = arith.constant 3 : i32
      %dma_wait3A_1018 = arith.constant 0 : i32
      %dma_wait3A_1019 = tpu.memref_slice %arg7[%dma_wait3A_1017, %dma_wait3A_1018] : memref<5x64xi32, #tpu.memory_space<vmem>> -> memref<1x64xi32, #tpu.memory_space<vmem>>
      %dma_wait3A_1020 = tpu.memref_squeeze %dma_wait3A_1019 : memref<1x64xi32, #tpu.memory_space<vmem>> -> memref<64xi32, #tpu.memory_space<vmem>>
      %dma_wait3A_1021 = arith.constant 0 : i32
      %dma_wait3A_1022 = arith.constant 0 : i32
      %dma_wait3A_1023 = tpu.memref_slice %arg2[%dma_wait3A_1021, %dma_wait3A_1022] : memref<10240x128xf32, #tpu.memory_space<hbm>> -> memref<10240x128xf32, #tpu.memory_space<hbm>>
      tpu.wait_indirect_dma semaphore(%arg17 : memref<!tpu.dma_semaphore, #tpu.memory_space<semaphore_mem>>) src(%dma_wait3A_1023 : memref<10240x128xf32, #tpu.memory_space<hbm>>) dst(%arg12 : memref<64x128xf32, #tpu.memory_space<vmem>>)
      %dma_wait3A_1024 = arith.constant 3 : i32
      %dma_wait3A_1025 = arith.constant 0 : i32
      %dma_wait3A_1026 = tpu.memref_slice %arg8[%dma_wait3A_1024, %dma_wait3A_1025] : memref<5x64xi32, #tpu.memory_space<vmem>> -> memref<1x64xi32, #tpu.memory_space<vmem>>
      %dma_wait3A_1027 = tpu.memref_squeeze %dma_wait3A_1026 : memref<1x64xi32, #tpu.memory_space<vmem>> -> memref<64xi32, #tpu.memory_space<vmem>>
      %dma_wait3A_1028 = arith.constant 0 : i32
      %dma_wait3A_1029 = tpu.memref_slice %arg4[%mul3A_4, %dma_wait3A_1028] : memref<5120x64xi32, #tpu.memory_space<hbm>> -> memref<1x64xi32, #tpu.memory_space<hbm>>
      %dma_wait3A_1030 = tpu.memref_squeeze %dma_wait3A_1029 : memref<1x64xi32, #tpu.memory_space<hbm>> -> memref<64xi32, #tpu.memory_space<hbm>>
      %dma_wait3A_1031 = arith.constant 0 : i32
      %dma_wait3A_1032 = tpu.memref_slice %arg8[%dma_wait3A_1024, %dma_wait3A_1031] : memref<5x64xi32, #tpu.memory_space<vmem>> -> memref<1x64xi32, #tpu.memory_space<vmem>>
      %dma_wait3A_1033 = tpu.memref_squeeze %dma_wait3A_1032 : memref<1x64xi32, #tpu.memory_space<vmem>> -> memref<64xi32, #tpu.memory_space<vmem>>
      %dma_wait3A_1034 = arith.constant 0 : i32
      %dma_wait3A_1035 = tpu.memref_slice %arg4[%mul3A_4, %dma_wait3A_1034] : memref<5120x64xi32, #tpu.memory_space<hbm>> -> memref<1x64xi32, #tpu.memory_space<hbm>>
      %dma_wait3A_1036 = tpu.memref_squeeze %dma_wait3A_1035 : memref<1x64xi32, #tpu.memory_space<hbm>> -> memref<64xi32, #tpu.memory_space<hbm>>
      tpu.wait_dma2 semaphore(%arg32 : memref<!tpu.dma_semaphore, #tpu.memory_space<semaphore_mem>>) src(%dma_wait3A_1036 : memref<64xi32, #tpu.memory_space<hbm>>) dst(%dma_wait3A_1033 : memref<64xi32, #tpu.memory_space<vmem>>)
      %dma_start3A_1037 = arith.constant 3 : i32
      %dma_start3A_1038 = arith.constant 0 : i32
      %dma_start3A_1039 = tpu.memref_slice %arg8[%dma_start3A_1037, %dma_start3A_1038] : memref<5x64xi32, #tpu.memory_space<vmem>> -> memref<1x64xi32, #tpu.memory_space<vmem>>
      %dma_start3A_1040 = tpu.memref_squeeze %dma_start3A_1039 : memref<1x64xi32, #tpu.memory_space<vmem>> -> memref<64xi32, #tpu.memory_space<vmem>>
      %dma_start3A_1041 = arith.constant 0 : i32
      %dma_start3A_1042 = arith.constant 0 : i32
      %dma_start3A_1043 = tpu.memref_slice %arg6[%dma_start3A_1041, %dma_start3A_1042] : memref<10240x128xf32, #tpu.memory_space<vmem_shared>> -> memref<10240x128xf32, #tpu.memory_space<vmem_shared>>
      tpu.enqueue_indirect_dma source(%arg12 : memref<64x128xf32, #tpu.memory_space<vmem>>) target(%dma_start3A_1043 : memref<10240x128xf32, #tpu.memory_space<vmem_shared>>) offsets(%dma_start3A_1040 : memref<64xi32, #tpu.memory_space<vmem>>) semaphore(%arg22 : memref<!tpu.dma_semaphore, #tpu.memory_space<semaphore_mem>>) {add = true}
      %dma_wait3A_1044 = arith.constant 0 : i32
      %dma_wait3A_1045 = arith.constant 0 : i32
      %dma_wait3A_1046 = tpu.memref_slice %arg8[%dma_wait3A_1044, %dma_wait3A_1045] : memref<5x64xi32, #tpu.memory_space<vmem>> -> memref<1x64xi32, #tpu.memory_space<vmem>>
      %dma_wait3A_1047 = tpu.memref_squeeze %dma_wait3A_1046 : memref<1x64xi32, #tpu.memory_space<vmem>> -> memref<64xi32, #tpu.memory_space<vmem>>
      %dma_wait3A_1048 = arith.constant 0 : i32
      %dma_wait3A_1049 = arith.constant 0 : i32
      %dma_wait3A_1050 = tpu.memref_slice %arg6[%dma_wait3A_1048, %dma_wait3A_1049] : memref<10240x128xf32, #tpu.memory_space<vmem_shared>> -> memref<10240x128xf32, #tpu.memory_space<vmem_shared>>
      tpu.wait_indirect_dma semaphore(%arg21 : memref<!tpu.dma_semaphore, #tpu.memory_space<semaphore_mem>>) src(%arg11 : memref<64x128xf32, #tpu.memory_space<vmem>>) dst(%dma_wait3A_1050 : memref<10240x128xf32, #tpu.memory_space<vmem_shared>>)
      %add3A_1051 = arith.constant 5 : i32
      %add3A_1052 = arith.addi %add3A_1016, %add3A_1051 : i32
      %add3A_1053 = arith.addi %mul3A_4, %add3A_1052 : i32
      %dma_start3A_1054 = arith.constant 3 : i32
      %dma_start3A_1055 = arith.constant 0 : i32
      %dma_start3A_1056 = tpu.memref_slice %arg7[%dma_start3A_1054, %dma_start3A_1055] : memref<5x64xi32, #tpu.memory_space<vmem>> -> memref<1x64xi32, #tpu.memory_space<vmem>>
      %dma_start3A_1057 = tpu.memref_squeeze %dma_start3A_1056 : memref<1x64xi32, #tpu.memory_space<vmem>> -> memref<64xi32, #tpu.memory_space<vmem>>
      %dma_start3A_1058 = arith.constant 0 : i32
      %dma_start3A_1059 = tpu.memref_slice %arg3[%add3A_1053, %dma_start3A_1058] : memref<5120x64xi32, #tpu.memory_space<hbm>> -> memref<1x64xi32, #tpu.memory_space<hbm>>
      %dma_start3A_1060 = tpu.memref_squeeze %dma_start3A_1059 : memref<1x64xi32, #tpu.memory_space<hbm>> -> memref<64xi32, #tpu.memory_space<hbm>>
      %dma_start3A_1061 = arith.constant 0 : i32
      %dma_start3A_1062 = tpu.memref_slice %arg7[%dma_start3A_1054, %dma_start3A_1061] : memref<5x64xi32, #tpu.memory_space<vmem>> -> memref<1x64xi32, #tpu.memory_space<vmem>>
      %dma_start3A_1063 = tpu.memref_squeeze %dma_start3A_1062 : memref<1x64xi32, #tpu.memory_space<vmem>> -> memref<64xi32, #tpu.memory_space<vmem>>
      %dma_start3A_1064 = arith.constant 0 : i32
      %dma_start3A_1065 = tpu.memref_slice %arg3[%add3A_1053, %dma_start3A_1064] : memref<5120x64xi32, #tpu.memory_space<hbm>> -> memref<1x64xi32, #tpu.memory_space<hbm>>
      %dma_start3A_1066 = tpu.memref_squeeze %dma_start3A_1065 : memref<1x64xi32, #tpu.memory_space<hbm>> -> memref<64xi32, #tpu.memory_space<hbm>>
      tpu.enqueue_dma source(%dma_start3A_1066 : memref<64xi32, #tpu.memory_space<hbm>>) target(%dma_start3A_1063 : memref<64xi32, #tpu.memory_space<vmem>>) target_semaphore(%arg27 : memref<!tpu.dma_semaphore, #tpu.memory_space<semaphore_mem>>)
      %add3A_1067 = arith.constant 5 : i32
      %add3A_1068 = arith.addi %add3A_1016, %add3A_1067 : i32
      %sub3A_1069 = arith.constant 1 : i32
      %sub3A_1070 = arith.subi %add3A_1068, %sub3A_1069 : i32
      %add3A_1071 = arith.addi %mul3A_4, %sub3A_1070 : i32
      %dma_start3A_1072 = arith.constant 2 : i32
      %dma_start3A_1073 = arith.constant 0 : i32
      %dma_start3A_1074 = tpu.memref_slice %arg8[%dma_start3A_1072, %dma_start3A_1073] : memref<5x64xi32, #tpu.memory_space<vmem>> -> memref<1x64xi32, #tpu.memory_space<vmem>>
      %dma_start3A_1075 = tpu.memref_squeeze %dma_start3A_1074 : memref<1x64xi32, #tpu.memory_space<vmem>> -> memref<64xi32, #tpu.memory_space<vmem>>
      %dma_start3A_1076 = arith.constant 0 : i32
      %dma_start3A_1077 = tpu.memref_slice %arg4[%add3A_1071, %dma_start3A_1076] : memref<5120x64xi32, #tpu.memory_space<hbm>> -> memref<1x64xi32, #tpu.memory_space<hbm>>
      %dma_start3A_1078 = tpu.memref_squeeze %dma_start3A_1077 : memref<1x64xi32, #tpu.memory_space<hbm>> -> memref<64xi32, #tpu.memory_space<hbm>>
      %dma_start3A_1079 = arith.constant 0 : i32
      %dma_start3A_1080 = tpu.memref_slice %arg8[%dma_start3A_1072, %dma_start3A_1079] : memref<5x64xi32, #tpu.memory_space<vmem>> -> memref<1x64xi32, #tpu.memory_space<vmem>>
      %dma_start3A_1081 = tpu.memref_squeeze %dma_start3A_1080 : memref<1x64xi32, #tpu.memory_space<vmem>> -> memref<64xi32, #tpu.memory_space<vmem>>
      %dma_start3A_1082 = arith.constant 0 : i32
      %dma_start3A_1083 = tpu.memref_slice %arg4[%add3A_1071, %dma_start3A_1082] : memref<5120x64xi32, #tpu.memory_space<hbm>> -> memref<1x64xi32, #tpu.memory_space<hbm>>
      %dma_start3A_1084 = tpu.memref_squeeze %dma_start3A_1083 : memref<1x64xi32, #tpu.memory_space<hbm>> -> memref<64xi32, #tpu.memory_space<hbm>>
      tpu.enqueue_dma source(%dma_start3A_1084 : memref<64xi32, #tpu.memory_space<hbm>>) target(%dma_start3A_1081 : memref<64xi32, #tpu.memory_space<vmem>>) target_semaphore(%arg31 : memref<!tpu.dma_semaphore, #tpu.memory_space<semaphore_mem>>)
      %dma_wait3A_1085 = arith.constant 2 : i32
      %dma_wait3A_1086 = arith.constant 0 : i32
      %dma_wait3A_1087 = tpu.memref_slice %arg7[%dma_wait3A_1085, %dma_wait3A_1086] : memref<5x64xi32, #tpu.memory_space<vmem>> -> memref<1x64xi32, #tpu.memory_space<vmem>>
      %dma_wait3A_1088 = tpu.memref_squeeze %dma_wait3A_1087 : memref<1x64xi32, #tpu.memory_space<vmem>> -> memref<64xi32, #tpu.memory_space<vmem>>
      %dma_wait3A_1089 = arith.constant 0 : i32
      %dma_wait3A_1090 = tpu.memref_slice %arg3[%mul3A_4, %dma_wait3A_1089] : memref<5120x64xi32, #tpu.memory_space<hbm>> -> memref<1x64xi32, #tpu.memory_space<hbm>>
      %dma_wait3A_1091 = tpu.memref_squeeze %dma_wait3A_1090 : memref<1x64xi32, #tpu.memory_space<hbm>> -> memref<64xi32, #tpu.memory_space<hbm>>
      %dma_wait3A_1092 = arith.constant 0 : i32
      %dma_wait3A_1093 = tpu.memref_slice %arg7[%dma_wait3A_1085, %dma_wait3A_1092] : memref<5x64xi32, #tpu.memory_space<vmem>> -> memref<1x64xi32, #tpu.memory_space<vmem>>
      %dma_wait3A_1094 = tpu.memref_squeeze %dma_wait3A_1093 : memref<1x64xi32, #tpu.memory_space<vmem>> -> memref<64xi32, #tpu.memory_space<vmem>>
      %dma_wait3A_1095 = arith.constant 0 : i32
      %dma_wait3A_1096 = tpu.memref_slice %arg3[%mul3A_4, %dma_wait3A_1095] : memref<5120x64xi32, #tpu.memory_space<hbm>> -> memref<1x64xi32, #tpu.memory_space<hbm>>
      %dma_wait3A_1097 = tpu.memref_squeeze %dma_wait3A_1096 : memref<1x64xi32, #tpu.memory_space<hbm>> -> memref<64xi32, #tpu.memory_space<hbm>>
      tpu.wait_dma2 semaphore(%arg26 : memref<!tpu.dma_semaphore, #tpu.memory_space<semaphore_mem>>) src(%dma_wait3A_1097 : memref<64xi32, #tpu.memory_space<hbm>>) dst(%dma_wait3A_1094 : memref<64xi32, #tpu.memory_space<vmem>>)
      %dma_start3A_1098 = arith.constant 2 : i32
      %dma_start3A_1099 = arith.constant 0 : i32
      %dma_start3A_1100 = tpu.memref_slice %arg7[%dma_start3A_1098, %dma_start3A_1099] : memref<5x64xi32, #tpu.memory_space<vmem>> -> memref<1x64xi32, #tpu.memory_space<vmem>>
      %dma_start3A_1101 = tpu.memref_squeeze %dma_start3A_1100 : memref<1x64xi32, #tpu.memory_space<vmem>> -> memref<64xi32, #tpu.memory_space<vmem>>
      %dma_start3A_1102 = arith.constant 0 : i32
      %dma_start3A_1103 = arith.constant 0 : i32
      %dma_start3A_1104 = tpu.memref_slice %arg2[%dma_start3A_1102, %dma_start3A_1103] : memref<10240x128xf32, #tpu.memory_space<hbm>> -> memref<10240x128xf32, #tpu.memory_space<hbm>>
      tpu.enqueue_indirect_dma source(%dma_start3A_1104 : memref<10240x128xf32, #tpu.memory_space<hbm>>) target(%arg11 : memref<64x128xf32, #tpu.memory_space<vmem>>) offsets(%dma_start3A_1101 : memref<64xi32, #tpu.memory_space<vmem>>) semaphore(%arg16 : memref<!tpu.dma_semaphore, #tpu.memory_space<semaphore_mem>>)
    }
    %scan3A_350 = arith.constant 30 : i32
    %dma_wait3A_351 = arith.constant 4 : i32
    %dma_wait3A_352 = arith.constant 0 : i32
    %dma_wait3A_353 = tpu.memref_slice %arg7[%dma_wait3A_351, %dma_wait3A_352] : memref<5x64xi32, #tpu.memory_space<vmem>> -> memref<1x64xi32, #tpu.memory_space<vmem>>
    %dma_wait3A_354 = tpu.memref_squeeze %dma_wait3A_353 : memref<1x64xi32, #tpu.memory_space<vmem>> -> memref<64xi32, #tpu.memory_space<vmem>>
    %dma_wait3A_355 = arith.constant 0 : i32
    %dma_wait3A_356 = arith.constant 0 : i32
    %dma_wait3A_357 = tpu.memref_slice %arg2[%dma_wait3A_355, %dma_wait3A_356] : memref<10240x128xf32, #tpu.memory_space<hbm>> -> memref<10240x128xf32, #tpu.memory_space<hbm>>
    tpu.wait_indirect_dma semaphore(%arg18 : memref<!tpu.dma_semaphore, #tpu.memory_space<semaphore_mem>>) src(%dma_wait3A_357 : memref<10240x128xf32, #tpu.memory_space<hbm>>) dst(%arg13 : memref<64x128xf32, #tpu.memory_space<vmem>>)
    %dma_wait3A_358 = arith.constant 4 : i32
    %dma_wait3A_359 = arith.constant 0 : i32
    %dma_wait3A_360 = tpu.memref_slice %arg8[%dma_wait3A_358, %dma_wait3A_359] : memref<5x64xi32, #tpu.memory_space<vmem>> -> memref<1x64xi32, #tpu.memory_space<vmem>>
    %dma_wait3A_361 = tpu.memref_squeeze %dma_wait3A_360 : memref<1x64xi32, #tpu.memory_space<vmem>> -> memref<64xi32, #tpu.memory_space<vmem>>
    %dma_wait3A_362 = arith.constant 0 : i32
    %dma_wait3A_363 = tpu.memref_slice %arg4[%mul3A_4, %dma_wait3A_362] : memref<5120x64xi32, #tpu.memory_space<hbm>> -> memref<1x64xi32, #tpu.memory_space<hbm>>
    %dma_wait3A_364 = tpu.memref_squeeze %dma_wait3A_363 : memref<1x64xi32, #tpu.memory_space<hbm>> -> memref<64xi32, #tpu.memory_space<hbm>>
    %dma_wait3A_365 = arith.constant 0 : i32
    %dma_wait3A_366 = tpu.memref_slice %arg8[%dma_wait3A_358, %dma_wait3A_365] : memref<5x64xi32, #tpu.memory_space<vmem>> -> memref<1x64xi32, #tpu.memory_space<vmem>>
    %dma_wait3A_367 = tpu.memref_squeeze %dma_wait3A_366 : memref<1x64xi32, #tpu.memory_space<vmem>> -> memref<64xi32, #tpu.memory_space<vmem>>
    %dma_wait3A_368 = arith.constant 0 : i32
    %dma_wait3A_369 = tpu.memref_slice %arg4[%mul3A_4, %dma_wait3A_368] : memref<5120x64xi32, #tpu.memory_space<hbm>> -> memref<1x64xi32, #tpu.memory_space<hbm>>
    %dma_wait3A_370 = tpu.memref_squeeze %dma_wait3A_369 : memref<1x64xi32, #tpu.memory_space<hbm>> -> memref<64xi32, #tpu.memory_space<hbm>>
    tpu.wait_dma2 semaphore(%arg33 : memref<!tpu.dma_semaphore, #tpu.memory_space<semaphore_mem>>) src(%dma_wait3A_370 : memref<64xi32, #tpu.memory_space<hbm>>) dst(%dma_wait3A_367 : memref<64xi32, #tpu.memory_space<vmem>>)
    %dma_start3A_371 = arith.constant 4 : i32
    %dma_start3A_372 = arith.constant 0 : i32
    %dma_start3A_373 = tpu.memref_slice %arg8[%dma_start3A_371, %dma_start3A_372] : memref<5x64xi32, #tpu.memory_space<vmem>> -> memref<1x64xi32, #tpu.memory_space<vmem>>
    %dma_start3A_374 = tpu.memref_squeeze %dma_start3A_373 : memref<1x64xi32, #tpu.memory_space<vmem>> -> memref<64xi32, #tpu.memory_space<vmem>>
    %dma_start3A_375 = arith.constant 0 : i32
    %dma_start3A_376 = arith.constant 0 : i32
    %dma_start3A_377 = tpu.memref_slice %arg6[%dma_start3A_375, %dma_start3A_376] : memref<10240x128xf32, #tpu.memory_space<vmem_shared>> -> memref<10240x128xf32, #tpu.memory_space<vmem_shared>>
    tpu.enqueue_indirect_dma source(%arg13 : memref<64x128xf32, #tpu.memory_space<vmem>>) target(%dma_start3A_377 : memref<10240x128xf32, #tpu.memory_space<vmem_shared>>) offsets(%dma_start3A_374 : memref<64xi32, #tpu.memory_space<vmem>>) semaphore(%arg23 : memref<!tpu.dma_semaphore, #tpu.memory_space<semaphore_mem>>) {add = true}
    %dma_wait3A_378 = arith.constant 0 : i32
    %dma_wait3A_379 = arith.constant 0 : i32
    %dma_wait3A_380 = tpu.memref_slice %arg8[%dma_wait3A_378, %dma_wait3A_379] : memref<5x64xi32, #tpu.memory_space<vmem>> -> memref<1x64xi32, #tpu.memory_space<vmem>>
    %dma_wait3A_381 = tpu.memref_squeeze %dma_wait3A_380 : memref<1x64xi32, #tpu.memory_space<vmem>> -> memref<64xi32, #tpu.memory_space<vmem>>
    %dma_wait3A_382 = arith.constant 0 : i32
    %dma_wait3A_383 = arith.constant 0 : i32
    %dma_wait3A_384 = tpu.memref_slice %arg6[%dma_wait3A_382, %dma_wait3A_383] : memref<10240x128xf32, #tpu.memory_space<vmem_shared>> -> memref<10240x128xf32, #tpu.memory_space<vmem_shared>>
    tpu.wait_indirect_dma semaphore(%arg22 : memref<!tpu.dma_semaphore, #tpu.memory_space<semaphore_mem>>) src(%arg12 : memref<64x128xf32, #tpu.memory_space<vmem>>) dst(%dma_wait3A_384 : memref<10240x128xf32, #tpu.memory_space<vmem_shared>>)
    %add3A_385 = arith.constant 159 : i32
    %add3A_386 = arith.addi %mul3A_4, %add3A_385 : i32
    %dma_start3A_387 = arith.constant 4 : i32
    %dma_start3A_388 = arith.constant 0 : i32
    %dma_start3A_389 = tpu.memref_slice %arg7[%dma_start3A_387, %dma_start3A_388] : memref<5x64xi32, #tpu.memory_space<vmem>> -> memref<1x64xi32, #tpu.memory_space<vmem>>
    %dma_start3A_390 = tpu.memref_squeeze %dma_start3A_389 : memref<1x64xi32, #tpu.memory_space<vmem>> -> memref<64xi32, #tpu.memory_space<vmem>>
    %dma_start3A_391 = arith.constant 0 : i32
    %dma_start3A_392 = tpu.memref_slice %arg3[%add3A_386, %dma_start3A_391] : memref<5120x64xi32, #tpu.memory_space<hbm>> -> memref<1x64xi32, #tpu.memory_space<hbm>>
    %dma_start3A_393 = tpu.memref_squeeze %dma_start3A_392 : memref<1x64xi32, #tpu.memory_space<hbm>> -> memref<64xi32, #tpu.memory_space<hbm>>
    %dma_start3A_394 = arith.constant 0 : i32
    %dma_start3A_395 = tpu.memref_slice %arg7[%dma_start3A_387, %dma_start3A_394] : memref<5x64xi32, #tpu.memory_space<vmem>> -> memref<1x64xi32, #tpu.memory_space<vmem>>
    %dma_start3A_396 = tpu.memref_squeeze %dma_start3A_395 : memref<1x64xi32, #tpu.memory_space<vmem>> -> memref<64xi32, #tpu.memory_space<vmem>>
    %dma_start3A_397 = arith.constant 0 : i32
    %dma_start3A_398 = tpu.memref_slice %arg3[%add3A_386, %dma_start3A_397] : memref<5120x64xi32, #tpu.memory_space<hbm>> -> memref<1x64xi32, #tpu.memory_space<hbm>>
    %dma_start3A_399 = tpu.memref_squeeze %dma_start3A_398 : memref<1x64xi32, #tpu.memory_space<hbm>> -> memref<64xi32, #tpu.memory_space<hbm>>
    tpu.enqueue_dma source(%dma_start3A_399 : memref<64xi32, #tpu.memory_space<hbm>>) target(%dma_start3A_396 : memref<64xi32, #tpu.memory_space<vmem>>) target_semaphore(%arg28 : memref<!tpu.dma_semaphore, #tpu.memory_space<semaphore_mem>>)
    %add3A_400 = arith.constant 158 : i32
    %add3A_401 = arith.addi %mul3A_4, %add3A_400 : i32
    %dma_start3A_402 = arith.constant 3 : i32
    %dma_start3A_403 = arith.constant 0 : i32
    %dma_start3A_404 = tpu.memref_slice %arg8[%dma_start3A_402, %dma_start3A_403] : memref<5x64xi32, #tpu.memory_space<vmem>> -> memref<1x64xi32, #tpu.memory_space<vmem>>
    %dma_start3A_405 = tpu.memref_squeeze %dma_start3A_404 : memref<1x64xi32, #tpu.memory_space<vmem>> -> memref<64xi32, #tpu.memory_space<vmem>>
    %dma_start3A_406 = arith.constant 0 : i32
    %dma_start3A_407 = tpu.memref_slice %arg4[%add3A_401, %dma_start3A_406] : memref<5120x64xi32, #tpu.memory_space<hbm>> -> memref<1x64xi32, #tpu.memory_space<hbm>>
    %dma_start3A_408 = tpu.memref_squeeze %dma_start3A_407 : memref<1x64xi32, #tpu.memory_space<hbm>> -> memref<64xi32, #tpu.memory_space<hbm>>
    %dma_start3A_409 = arith.constant 0 : i32
    %dma_start3A_410 = tpu.memref_slice %arg8[%dma_start3A_402, %dma_start3A_409] : memref<5x64xi32, #tpu.memory_space<vmem>> -> memref<1x64xi32, #tpu.memory_space<vmem>>
    %dma_start3A_411 = tpu.memref_squeeze %dma_start3A_410 : memref<1x64xi32, #tpu.memory_space<vmem>> -> memref<64xi32, #tpu.memory_space<vmem>>
    %dma_start3A_412 = arith.constant 0 : i32
    %dma_start3A_413 = tpu.memref_slice %arg4[%add3A_401, %dma_start3A_412] : memref<5120x64xi32, #tpu.memory_space<hbm>> -> memref<1x64xi32, #tpu.memory_space<hbm>>
    %dma_start3A_414 = tpu.memref_squeeze %dma_start3A_413 : memref<1x64xi32, #tpu.memory_space<hbm>> -> memref<64xi32, #tpu.memory_space<hbm>>
    tpu.enqueue_dma source(%dma_start3A_414 : memref<64xi32, #tpu.memory_space<hbm>>) target(%dma_start3A_411 : memref<64xi32, #tpu.memory_space<vmem>>) target_semaphore(%arg32 : memref<!tpu.dma_semaphore, #tpu.memory_space<semaphore_mem>>)
    %dma_wait3A_415 = arith.constant 3 : i32
    %dma_wait3A_416 = arith.constant 0 : i32
    %dma_wait3A_417 = tpu.memref_slice %arg7[%dma_wait3A_415, %dma_wait3A_416] : memref<5x64xi32, #tpu.memory_space<vmem>> -> memref<1x64xi32, #tpu.memory_space<vmem>>
    %dma_wait3A_418 = tpu.memref_squeeze %dma_wait3A_417 : memref<1x64xi32, #tpu.memory_space<vmem>> -> memref<64xi32, #tpu.memory_space<vmem>>
    %dma_wait3A_419 = arith.constant 0 : i32
    %dma_wait3A_420 = tpu.memref_slice %arg3[%mul3A_4, %dma_wait3A_419] : memref<5120x64xi32, #tpu.memory_space<hbm>> -> memref<1x64xi32, #tpu.memory_space<hbm>>
    %dma_wait3A_421 = tpu.memref_squeeze %dma_wait3A_420 : memref<1x64xi32, #tpu.memory_space<hbm>> -> memref<64xi32, #tpu.memory_space<hbm>>
    %dma_wait3A_422 = arith.constant 0 : i32
    %dma_wait3A_423 = tpu.memref_slice %arg7[%dma_wait3A_415, %dma_wait3A_422] : memref<5x64xi32, #tpu.memory_space<vmem>> -> memref<1x64xi32, #tpu.memory_space<vmem>>
    %dma_wait3A_424 = tpu.memref_squeeze %dma_wait3A_423 : memref<1x64xi32, #tpu.memory_space<vmem>> -> memref<64xi32, #tpu.memory_space<vmem>>
    %dma_wait3A_425 = arith.constant 0 : i32
    %dma_wait3A_426 = tpu.memref_slice %arg3[%mul3A_4, %dma_wait3A_425] : memref<5120x64xi32, #tpu.memory_space<hbm>> -> memref<1x64xi32, #tpu.memory_space<hbm>>
    %dma_wait3A_427 = tpu.memref_squeeze %dma_wait3A_426 : memref<1x64xi32, #tpu.memory_space<hbm>> -> memref<64xi32, #tpu.memory_space<hbm>>
    tpu.wait_dma2 semaphore(%arg27 : memref<!tpu.dma_semaphore, #tpu.memory_space<semaphore_mem>>) src(%dma_wait3A_427 : memref<64xi32, #tpu.memory_space<hbm>>) dst(%dma_wait3A_424 : memref<64xi32, #tpu.memory_space<vmem>>)
    %dma_start3A_428 = arith.constant 3 : i32
    %dma_start3A_429 = arith.constant 0 : i32
    %dma_start3A_430 = tpu.memref_slice %arg7[%dma_start3A_428, %dma_start3A_429] : memref<5x64xi32, #tpu.memory_space<vmem>> -> memref<1x64xi32, #tpu.memory_space<vmem>>
    %dma_start3A_431 = tpu.memref_squeeze %dma_start3A_430 : memref<1x64xi32, #tpu.memory_space<vmem>> -> memref<64xi32, #tpu.memory_space<vmem>>
    %dma_start3A_432 = arith.constant 0 : i32
    %dma_start3A_433 = arith.constant 0 : i32
    %dma_start3A_434 = tpu.memref_slice %arg2[%dma_start3A_432, %dma_start3A_433] : memref<10240x128xf32, #tpu.memory_space<hbm>> -> memref<10240x128xf32, #tpu.memory_space<hbm>>
    tpu.enqueue_indirect_dma source(%dma_start3A_434 : memref<10240x128xf32, #tpu.memory_space<hbm>>) target(%arg12 : memref<64x128xf32, #tpu.memory_space<vmem>>) offsets(%dma_start3A_431 : memref<64xi32, #tpu.memory_space<vmem>>) semaphore(%arg17 : memref<!tpu.dma_semaphore, #tpu.memory_space<semaphore_mem>>)
    %dma_wait3A_435 = arith.constant 0 : i32
    %dma_wait3A_436 = arith.constant 0 : i32
    %dma_wait3A_437 = tpu.memref_slice %arg7[%dma_wait3A_435, %dma_wait3A_436] : memref<5x64xi32, #tpu.memory_space<vmem>> -> memref<1x64xi32, #tpu.memory_space<vmem>>
    %dma_wait3A_438 = tpu.memref_squeeze %dma_wait3A_437 : memref<1x64xi32, #tpu.memory_space<vmem>> -> memref<64xi32, #tpu.memory_space<vmem>>
    %dma_wait3A_439 = arith.constant 0 : i32
    %dma_wait3A_440 = arith.constant 0 : i32
    %dma_wait3A_441 = tpu.memref_slice %arg2[%dma_wait3A_439, %dma_wait3A_440] : memref<10240x128xf32, #tpu.memory_space<hbm>> -> memref<10240x128xf32, #tpu.memory_space<hbm>>
    tpu.wait_indirect_dma semaphore(%arg14 : memref<!tpu.dma_semaphore, #tpu.memory_space<semaphore_mem>>) src(%dma_wait3A_441 : memref<10240x128xf32, #tpu.memory_space<hbm>>) dst(%arg9 : memref<64x128xf32, #tpu.memory_space<vmem>>)
    %dma_wait3A_442 = arith.constant 0 : i32
    %dma_wait3A_443 = arith.constant 0 : i32
    %dma_wait3A_444 = tpu.memref_slice %arg8[%dma_wait3A_442, %dma_wait3A_443] : memref<5x64xi32, #tpu.memory_space<vmem>> -> memref<1x64xi32, #tpu.memory_space<vmem>>
    %dma_wait3A_445 = tpu.memref_squeeze %dma_wait3A_444 : memref<1x64xi32, #tpu.memory_space<vmem>> -> memref<64xi32, #tpu.memory_space<vmem>>
    %dma_wait3A_446 = arith.constant 0 : i32
    %dma_wait3A_447 = tpu.memref_slice %arg4[%mul3A_4, %dma_wait3A_446] : memref<5120x64xi32, #tpu.memory_space<hbm>> -> memref<1x64xi32, #tpu.memory_space<hbm>>
    %dma_wait3A_448 = tpu.memref_squeeze %dma_wait3A_447 : memref<1x64xi32, #tpu.memory_space<hbm>> -> memref<64xi32, #tpu.memory_space<hbm>>
    %dma_wait3A_449 = arith.constant 0 : i32
    %dma_wait3A_450 = tpu.memref_slice %arg8[%dma_wait3A_442, %dma_wait3A_449] : memref<5x64xi32, #tpu.memory_space<vmem>> -> memref<1x64xi32, #tpu.memory_space<vmem>>
    %dma_wait3A_451 = tpu.memref_squeeze %dma_wait3A_450 : memref<1x64xi32, #tpu.memory_space<vmem>> -> memref<64xi32, #tpu.memory_space<vmem>>
    %dma_wait3A_452 = arith.constant 0 : i32
    %dma_wait3A_453 = tpu.memref_slice %arg4[%mul3A_4, %dma_wait3A_452] : memref<5120x64xi32, #tpu.memory_space<hbm>> -> memref<1x64xi32, #tpu.memory_space<hbm>>
    %dma_wait3A_454 = tpu.memref_squeeze %dma_wait3A_453 : memref<1x64xi32, #tpu.memory_space<hbm>> -> memref<64xi32, #tpu.memory_space<hbm>>
    tpu.wait_dma2 semaphore(%arg29 : memref<!tpu.dma_semaphore, #tpu.memory_space<semaphore_mem>>) src(%dma_wait3A_454 : memref<64xi32, #tpu.memory_space<hbm>>) dst(%dma_wait3A_451 : memref<64xi32, #tpu.memory_space<vmem>>)
    %dma_start3A_455 = arith.constant 0 : i32
    %dma_start3A_456 = arith.constant 0 : i32
    %dma_start3A_457 = tpu.memref_slice %arg8[%dma_start3A_455, %dma_start3A_456] : memref<5x64xi32, #tpu.memory_space<vmem>> -> memref<1x64xi32, #tpu.memory_space<vmem>>
    %dma_start3A_458 = tpu.memref_squeeze %dma_start3A_457 : memref<1x64xi32, #tpu.memory_space<vmem>> -> memref<64xi32, #tpu.memory_space<vmem>>
    %dma_start3A_459 = arith.constant 0 : i32
    %dma_start3A_460 = arith.constant 0 : i32
    %dma_start3A_461 = tpu.memref_slice %arg6[%dma_start3A_459, %dma_start3A_460] : memref<10240x128xf32, #tpu.memory_space<vmem_shared>> -> memref<10240x128xf32, #tpu.memory_space<vmem_shared>>
    tpu.enqueue_indirect_dma source(%arg9 : memref<64x128xf32, #tpu.memory_space<vmem>>) target(%dma_start3A_461 : memref<10240x128xf32, #tpu.memory_space<vmem_shared>>) offsets(%dma_start3A_458 : memref<64xi32, #tpu.memory_space<vmem>>) semaphore(%arg19 : memref<!tpu.dma_semaphore, #tpu.memory_space<semaphore_mem>>) {add = true}
    %dma_wait3A_462 = arith.constant 0 : i32
    %dma_wait3A_463 = arith.constant 0 : i32
    %dma_wait3A_464 = tpu.memref_slice %arg8[%dma_wait3A_462, %dma_wait3A_463] : memref<5x64xi32, #tpu.memory_space<vmem>> -> memref<1x64xi32, #tpu.memory_space<vmem>>
    %dma_wait3A_465 = tpu.memref_squeeze %dma_wait3A_464 : memref<1x64xi32, #tpu.memory_space<vmem>> -> memref<64xi32, #tpu.memory_space<vmem>>
    %dma_wait3A_466 = arith.constant 0 : i32
    %dma_wait3A_467 = arith.constant 0 : i32
    %dma_wait3A_468 = tpu.memref_slice %arg6[%dma_wait3A_466, %dma_wait3A_467] : memref<10240x128xf32, #tpu.memory_space<vmem_shared>> -> memref<10240x128xf32, #tpu.memory_space<vmem_shared>>
    tpu.wait_indirect_dma semaphore(%arg23 : memref<!tpu.dma_semaphore, #tpu.memory_space<semaphore_mem>>) src(%arg13 : memref<64x128xf32, #tpu.memory_space<vmem>>) dst(%dma_wait3A_468 : memref<10240x128xf32, #tpu.memory_space<vmem_shared>>)
    %add3A_469 = arith.constant 159 : i32
    %add3A_470 = arith.addi %mul3A_4, %add3A_469 : i32
    %dma_start3A_471 = arith.constant 4 : i32
    %dma_start3A_472 = arith.constant 0 : i32
    %dma_start3A_473 = tpu.memref_slice %arg8[%dma_start3A_471, %dma_start3A_472] : memref<5x64xi32, #tpu.memory_space<vmem>> -> memref<1x64xi32, #tpu.memory_space<vmem>>
    %dma_start3A_474 = tpu.memref_squeeze %dma_start3A_473 : memref<1x64xi32, #tpu.memory_space<vmem>> -> memref<64xi32, #tpu.memory_space<vmem>>
    %dma_start3A_475 = arith.constant 0 : i32
    %dma_start3A_476 = tpu.memref_slice %arg4[%add3A_470, %dma_start3A_475] : memref<5120x64xi32, #tpu.memory_space<hbm>> -> memref<1x64xi32, #tpu.memory_space<hbm>>
    %dma_start3A_477 = tpu.memref_squeeze %dma_start3A_476 : memref<1x64xi32, #tpu.memory_space<hbm>> -> memref<64xi32, #tpu.memory_space<hbm>>
    %dma_start3A_478 = arith.constant 0 : i32
    %dma_start3A_479 = tpu.memref_slice %arg8[%dma_start3A_471, %dma_start3A_478] : memref<5x64xi32, #tpu.memory_space<vmem>> -> memref<1x64xi32, #tpu.memory_space<vmem>>
    %dma_start3A_480 = tpu.memref_squeeze %dma_start3A_479 : memref<1x64xi32, #tpu.memory_space<vmem>> -> memref<64xi32, #tpu.memory_space<vmem>>
    %dma_start3A_481 = arith.constant 0 : i32
    %dma_start3A_482 = tpu.memref_slice %arg4[%add3A_470, %dma_start3A_481] : memref<5120x64xi32, #tpu.memory_space<hbm>> -> memref<1x64xi32, #tpu.memory_space<hbm>>
    %dma_start3A_483 = tpu.memref_squeeze %dma_start3A_482 : memref<1x64xi32, #tpu.memory_space<hbm>> -> memref<64xi32, #tpu.memory_space<hbm>>
    tpu.enqueue_dma source(%dma_start3A_483 : memref<64xi32, #tpu.memory_space<hbm>>) target(%dma_start3A_480 : memref<64xi32, #tpu.memory_space<vmem>>) target_semaphore(%arg33 : memref<!tpu.dma_semaphore, #tpu.memory_space<semaphore_mem>>)
    %dma_wait3A_484 = arith.constant 4 : i32
    %dma_wait3A_485 = arith.constant 0 : i32
    %dma_wait3A_486 = tpu.memref_slice %arg7[%dma_wait3A_484, %dma_wait3A_485] : memref<5x64xi32, #tpu.memory_space<vmem>> -> memref<1x64xi32, #tpu.memory_space<vmem>>
    %dma_wait3A_487 = tpu.memref_squeeze %dma_wait3A_486 : memref<1x64xi32, #tpu.memory_space<vmem>> -> memref<64xi32, #tpu.memory_space<vmem>>
    %dma_wait3A_488 = arith.constant 0 : i32
    %dma_wait3A_489 = tpu.memref_slice %arg3[%mul3A_4, %dma_wait3A_488] : memref<5120x64xi32, #tpu.memory_space<hbm>> -> memref<1x64xi32, #tpu.memory_space<hbm>>
    %dma_wait3A_490 = tpu.memref_squeeze %dma_wait3A_489 : memref<1x64xi32, #tpu.memory_space<hbm>> -> memref<64xi32, #tpu.memory_space<hbm>>
    %dma_wait3A_491 = arith.constant 0 : i32
    %dma_wait3A_492 = tpu.memref_slice %arg7[%dma_wait3A_484, %dma_wait3A_491] : memref<5x64xi32, #tpu.memory_space<vmem>> -> memref<1x64xi32, #tpu.memory_space<vmem>>
    %dma_wait3A_493 = tpu.memref_squeeze %dma_wait3A_492 : memref<1x64xi32, #tpu.memory_space<vmem>> -> memref<64xi32, #tpu.memory_space<vmem>>
    %dma_wait3A_494 = arith.constant 0 : i32
    %dma_wait3A_495 = tpu.memref_slice %arg3[%mul3A_4, %dma_wait3A_494] : memref<5120x64xi32, #tpu.memory_space<hbm>> -> memref<1x64xi32, #tpu.memory_space<hbm>>
    %dma_wait3A_496 = tpu.memref_squeeze %dma_wait3A_495 : memref<1x64xi32, #tpu.memory_space<hbm>> -> memref<64xi32, #tpu.memory_space<hbm>>
    tpu.wait_dma2 semaphore(%arg28 : memref<!tpu.dma_semaphore, #tpu.memory_space<semaphore_mem>>) src(%dma_wait3A_496 : memref<64xi32, #tpu.memory_space<hbm>>) dst(%dma_wait3A_493 : memref<64xi32, #tpu.memory_space<vmem>>)
    %dma_start3A_497 = arith.constant 4 : i32
    %dma_start3A_498 = arith.constant 0 : i32
    %dma_start3A_499 = tpu.memref_slice %arg7[%dma_start3A_497, %dma_start3A_498] : memref<5x64xi32, #tpu.memory_space<vmem>> -> memref<1x64xi32, #tpu.memory_space<vmem>>
    %dma_start3A_500 = tpu.memref_squeeze %dma_start3A_499 : memref<1x64xi32, #tpu.memory_space<vmem>> -> memref<64xi32, #tpu.memory_space<vmem>>
    %dma_start3A_501 = arith.constant 0 : i32
    %dma_start3A_502 = arith.constant 0 : i32
    %dma_start3A_503 = tpu.memref_slice %arg2[%dma_start3A_501, %dma_start3A_502] : memref<10240x128xf32, #tpu.memory_space<hbm>> -> memref<10240x128xf32, #tpu.memory_space<hbm>>
    tpu.enqueue_indirect_dma source(%dma_start3A_503 : memref<10240x128xf32, #tpu.memory_space<hbm>>) target(%arg13 : memref<64x128xf32, #tpu.memory_space<vmem>>) offsets(%dma_start3A_500 : memref<64xi32, #tpu.memory_space<vmem>>) semaphore(%arg18 : memref<!tpu.dma_semaphore, #tpu.memory_space<semaphore_mem>>)
    %dma_wait3A_504 = arith.constant 1 : i32
    %dma_wait3A_505 = arith.constant 0 : i32
    %dma_wait3A_506 = tpu.memref_slice %arg7[%dma_wait3A_504, %dma_wait3A_505] : memref<5x64xi32, #tpu.memory_space<vmem>> -> memref<1x64xi32, #tpu.memory_space<vmem>>
    %dma_wait3A_507 = tpu.memref_squeeze %dma_wait3A_506 : memref<1x64xi32, #tpu.memory_space<vmem>> -> memref<64xi32, #tpu.memory_space<vmem>>
    %dma_wait3A_508 = arith.constant 0 : i32
    %dma_wait3A_509 = arith.constant 0 : i32
    %dma_wait3A_510 = tpu.memref_slice %arg2[%dma_wait3A_508, %dma_wait3A_509] : memref<10240x128xf32, #tpu.memory_space<hbm>> -> memref<10240x128xf32, #tpu.memory_space<hbm>>
    tpu.wait_indirect_dma semaphore(%arg15 : memref<!tpu.dma_semaphore, #tpu.memory_space<semaphore_mem>>) src(%dma_wait3A_510 : memref<10240x128xf32, #tpu.memory_space<hbm>>) dst(%arg10 : memref<64x128xf32, #tpu.memory_space<vmem>>)
    %dma_wait3A_511 = arith.constant 1 : i32
    %dma_wait3A_512 = arith.constant 0 : i32
    %dma_wait3A_513 = tpu.memref_slice %arg8[%dma_wait3A_511, %dma_wait3A_512] : memref<5x64xi32, #tpu.memory_space<vmem>> -> memref<1x64xi32, #tpu.memory_space<vmem>>
    %dma_wait3A_514 = tpu.memref_squeeze %dma_wait3A_513 : memref<1x64xi32, #tpu.memory_space<vmem>> -> memref<64xi32, #tpu.memory_space<vmem>>
    %dma_wait3A_515 = arith.constant 0 : i32
    %dma_wait3A_516 = tpu.memref_slice %arg4[%mul3A_4, %dma_wait3A_515] : memref<5120x64xi32, #tpu.memory_space<hbm>> -> memref<1x64xi32, #tpu.memory_space<hbm>>
    %dma_wait3A_517 = tpu.memref_squeeze %dma_wait3A_516 : memref<1x64xi32, #tpu.memory_space<hbm>> -> memref<64xi32, #tpu.memory_space<hbm>>
    %dma_wait3A_518 = arith.constant 0 : i32
    %dma_wait3A_519 = tpu.memref_slice %arg8[%dma_wait3A_511, %dma_wait3A_518] : memref<5x64xi32, #tpu.memory_space<vmem>> -> memref<1x64xi32, #tpu.memory_space<vmem>>
    %dma_wait3A_520 = tpu.memref_squeeze %dma_wait3A_519 : memref<1x64xi32, #tpu.memory_space<vmem>> -> memref<64xi32, #tpu.memory_space<vmem>>
    %dma_wait3A_521 = arith.constant 0 : i32
    %dma_wait3A_522 = tpu.memref_slice %arg4[%mul3A_4, %dma_wait3A_521] : memref<5120x64xi32, #tpu.memory_space<hbm>> -> memref<1x64xi32, #tpu.memory_space<hbm>>
    %dma_wait3A_523 = tpu.memref_squeeze %dma_wait3A_522 : memref<1x64xi32, #tpu.memory_space<hbm>> -> memref<64xi32, #tpu.memory_space<hbm>>
    tpu.wait_dma2 semaphore(%arg30 : memref<!tpu.dma_semaphore, #tpu.memory_space<semaphore_mem>>) src(%dma_wait3A_523 : memref<64xi32, #tpu.memory_space<hbm>>) dst(%dma_wait3A_520 : memref<64xi32, #tpu.memory_space<vmem>>)
    %dma_start3A_524 = arith.constant 1 : i32
    %dma_start3A_525 = arith.constant 0 : i32
    %dma_start3A_526 = tpu.memref_slice %arg8[%dma_start3A_524, %dma_start3A_525] : memref<5x64xi32, #tpu.memory_space<vmem>> -> memref<1x64xi32, #tpu.memory_space<vmem>>
    %dma_start3A_527 = tpu.memref_squeeze %dma_start3A_526 : memref<1x64xi32, #tpu.memory_space<vmem>> -> memref<64xi32, #tpu.memory_space<vmem>>
    %dma_start3A_528 = arith.constant 0 : i32
    %dma_start3A_529 = arith.constant 0 : i32
    %dma_start3A_530 = tpu.memref_slice %arg6[%dma_start3A_528, %dma_start3A_529] : memref<10240x128xf32, #tpu.memory_space<vmem_shared>> -> memref<10240x128xf32, #tpu.memory_space<vmem_shared>>
    tpu.enqueue_indirect_dma source(%arg10 : memref<64x128xf32, #tpu.memory_space<vmem>>) target(%dma_start3A_530 : memref<10240x128xf32, #tpu.memory_space<vmem_shared>>) offsets(%dma_start3A_527 : memref<64xi32, #tpu.memory_space<vmem>>) semaphore(%arg20 : memref<!tpu.dma_semaphore, #tpu.memory_space<semaphore_mem>>) {add = true}
    %dma_wait3A_531 = arith.constant 0 : i32
    %dma_wait3A_532 = arith.constant 0 : i32
    %dma_wait3A_533 = tpu.memref_slice %arg8[%dma_wait3A_531, %dma_wait3A_532] : memref<5x64xi32, #tpu.memory_space<vmem>> -> memref<1x64xi32, #tpu.memory_space<vmem>>
    %dma_wait3A_534 = tpu.memref_squeeze %dma_wait3A_533 : memref<1x64xi32, #tpu.memory_space<vmem>> -> memref<64xi32, #tpu.memory_space<vmem>>
    %dma_wait3A_535 = arith.constant 0 : i32
    %dma_wait3A_536 = arith.constant 0 : i32
    %dma_wait3A_537 = tpu.memref_slice %arg6[%dma_wait3A_535, %dma_wait3A_536] : memref<10240x128xf32, #tpu.memory_space<vmem_shared>> -> memref<10240x128xf32, #tpu.memory_space<vmem_shared>>
    tpu.wait_indirect_dma semaphore(%arg19 : memref<!tpu.dma_semaphore, #tpu.memory_space<semaphore_mem>>) src(%arg9 : memref<64x128xf32, #tpu.memory_space<vmem>>) dst(%dma_wait3A_537 : memref<10240x128xf32, #tpu.memory_space<vmem_shared>>)
    %dma_wait3A_538 = arith.constant 2 : i32
    %dma_wait3A_539 = arith.constant 0 : i32
    %dma_wait3A_540 = tpu.memref_slice %arg7[%dma_wait3A_538, %dma_wait3A_539] : memref<5x64xi32, #tpu.memory_space<vmem>> -> memref<1x64xi32, #tpu.memory_space<vmem>>
    %dma_wait3A_541 = tpu.memref_squeeze %dma_wait3A_540 : memref<1x64xi32, #tpu.memory_space<vmem>> -> memref<64xi32, #tpu.memory_space<vmem>>
    %dma_wait3A_542 = arith.constant 0 : i32
    %dma_wait3A_543 = arith.constant 0 : i32
    %dma_wait3A_544 = tpu.memref_slice %arg2[%dma_wait3A_542, %dma_wait3A_543] : memref<10240x128xf32, #tpu.memory_space<hbm>> -> memref<10240x128xf32, #tpu.memory_space<hbm>>
    tpu.wait_indirect_dma semaphore(%arg16 : memref<!tpu.dma_semaphore, #tpu.memory_space<semaphore_mem>>) src(%dma_wait3A_544 : memref<10240x128xf32, #tpu.memory_space<hbm>>) dst(%arg11 : memref<64x128xf32, #tpu.memory_space<vmem>>)
    %dma_wait3A_545 = arith.constant 2 : i32
    %dma_wait3A_546 = arith.constant 0 : i32
    %dma_wait3A_547 = tpu.memref_slice %arg8[%dma_wait3A_545, %dma_wait3A_546] : memref<5x64xi32, #tpu.memory_space<vmem>> -> memref<1x64xi32, #tpu.memory_space<vmem>>
    %dma_wait3A_548 = tpu.memref_squeeze %dma_wait3A_547 : memref<1x64xi32, #tpu.memory_space<vmem>> -> memref<64xi32, #tpu.memory_space<vmem>>
    %dma_wait3A_549 = arith.constant 0 : i32
    %dma_wait3A_550 = tpu.memref_slice %arg4[%mul3A_4, %dma_wait3A_549] : memref<5120x64xi32, #tpu.memory_space<hbm>> -> memref<1x64xi32, #tpu.memory_space<hbm>>
    %dma_wait3A_551 = tpu.memref_squeeze %dma_wait3A_550 : memref<1x64xi32, #tpu.memory_space<hbm>> -> memref<64xi32, #tpu.memory_space<hbm>>
    %dma_wait3A_552 = arith.constant 0 : i32
    %dma_wait3A_553 = tpu.memref_slice %arg8[%dma_wait3A_545, %dma_wait3A_552] : memref<5x64xi32, #tpu.memory_space<vmem>> -> memref<1x64xi32, #tpu.memory_space<vmem>>
    %dma_wait3A_554 = tpu.memref_squeeze %dma_wait3A_553 : memref<1x64xi32, #tpu.memory_space<vmem>> -> memref<64xi32, #tpu.memory_space<vmem>>
    %dma_wait3A_555 = arith.constant 0 : i32
    %dma_wait3A_556 = tpu.memref_slice %arg4[%mul3A_4, %dma_wait3A_555] : memref<5120x64xi32, #tpu.memory_space<hbm>> -> memref<1x64xi32, #tpu.memory_space<hbm>>
    %dma_wait3A_557 = tpu.memref_squeeze %dma_wait3A_556 : memref<1x64xi32, #tpu.memory_space<hbm>> -> memref<64xi32, #tpu.memory_space<hbm>>
    tpu.wait_dma2 semaphore(%arg31 : memref<!tpu.dma_semaphore, #tpu.memory_space<semaphore_mem>>) src(%dma_wait3A_557 : memref<64xi32, #tpu.memory_space<hbm>>) dst(%dma_wait3A_554 : memref<64xi32, #tpu.memory_space<vmem>>)
    %dma_start3A_558 = arith.constant 2 : i32
    %dma_start3A_559 = arith.constant 0 : i32
    %dma_start3A_560 = tpu.memref_slice %arg8[%dma_start3A_558, %dma_start3A_559] : memref<5x64xi32, #tpu.memory_space<vmem>> -> memref<1x64xi32, #tpu.memory_space<vmem>>
    %dma_start3A_561 = tpu.memref_squeeze %dma_start3A_560 : memref<1x64xi32, #tpu.memory_space<vmem>> -> memref<64xi32, #tpu.memory_space<vmem>>
    %dma_start3A_562 = arith.constant 0 : i32
    %dma_start3A_563 = arith.constant 0 : i32
    %dma_start3A_564 = tpu.memref_slice %arg6[%dma_start3A_562, %dma_start3A_563] : memref<10240x128xf32, #tpu.memory_space<vmem_shared>> -> memref<10240x128xf32, #tpu.memory_space<vmem_shared>>
    tpu.enqueue_indirect_dma source(%arg11 : memref<64x128xf32, #tpu.memory_space<vmem>>) target(%dma_start3A_564 : memref<10240x128xf32, #tpu.memory_space<vmem_shared>>) offsets(%dma_start3A_561 : memref<64xi32, #tpu.memory_space<vmem>>) semaphore(%arg21 : memref<!tpu.dma_semaphore, #tpu.memory_space<semaphore_mem>>) {add = true}
    %dma_wait3A_565 = arith.constant 0 : i32
    %dma_wait3A_566 = arith.constant 0 : i32
    %dma_wait3A_567 = tpu.memref_slice %arg8[%dma_wait3A_565, %dma_wait3A_566] : memref<5x64xi32, #tpu.memory_space<vmem>> -> memref<1x64xi32, #tpu.memory_space<vmem>>
    %dma_wait3A_568 = tpu.memref_squeeze %dma_wait3A_567 : memref<1x64xi32, #tpu.memory_space<vmem>> -> memref<64xi32, #tpu.memory_space<vmem>>
    %dma_wait3A_569 = arith.constant 0 : i32
    %dma_wait3A_570 = arith.constant 0 : i32
    %dma_wait3A_571 = tpu.memref_slice %arg6[%dma_wait3A_569, %dma_wait3A_570] : memref<10240x128xf32, #tpu.memory_space<vmem_shared>> -> memref<10240x128xf32, #tpu.memory_space<vmem_shared>>
    tpu.wait_indirect_dma semaphore(%arg20 : memref<!tpu.dma_semaphore, #tpu.memory_space<semaphore_mem>>) src(%arg10 : memref<64x128xf32, #tpu.memory_space<vmem>>) dst(%dma_wait3A_571 : memref<10240x128xf32, #tpu.memory_space<vmem_shared>>)
    %dma_wait3A_572 = arith.constant 3 : i32
    %dma_wait3A_573 = arith.constant 0 : i32
    %dma_wait3A_574 = tpu.memref_slice %arg7[%dma_wait3A_572, %dma_wait3A_573] : memref<5x64xi32, #tpu.memory_space<vmem>> -> memref<1x64xi32, #tpu.memory_space<vmem>>
    %dma_wait3A_575 = tpu.memref_squeeze %dma_wait3A_574 : memref<1x64xi32, #tpu.memory_space<vmem>> -> memref<64xi32, #tpu.memory_space<vmem>>
    %dma_wait3A_576 = arith.constant 0 : i32
    %dma_wait3A_577 = arith.constant 0 : i32
    %dma_wait3A_578 = tpu.memref_slice %arg2[%dma_wait3A_576, %dma_wait3A_577] : memref<10240x128xf32, #tpu.memory_space<hbm>> -> memref<10240x128xf32, #tpu.memory_space<hbm>>
    tpu.wait_indirect_dma semaphore(%arg17 : memref<!tpu.dma_semaphore, #tpu.memory_space<semaphore_mem>>) src(%dma_wait3A_578 : memref<10240x128xf32, #tpu.memory_space<hbm>>) dst(%arg12 : memref<64x128xf32, #tpu.memory_space<vmem>>)
    %dma_wait3A_579 = arith.constant 3 : i32
    %dma_wait3A_580 = arith.constant 0 : i32
    %dma_wait3A_581 = tpu.memref_slice %arg8[%dma_wait3A_579, %dma_wait3A_580] : memref<5x64xi32, #tpu.memory_space<vmem>> -> memref<1x64xi32, #tpu.memory_space<vmem>>
    %dma_wait3A_582 = tpu.memref_squeeze %dma_wait3A_581 : memref<1x64xi32, #tpu.memory_space<vmem>> -> memref<64xi32, #tpu.memory_space<vmem>>
    %dma_wait3A_583 = arith.constant 0 : i32
    %dma_wait3A_584 = tpu.memref_slice %arg4[%mul3A_4, %dma_wait3A_583] : memref<5120x64xi32, #tpu.memory_space<hbm>> -> memref<1x64xi32, #tpu.memory_space<hbm>>
    %dma_wait3A_585 = tpu.memref_squeeze %dma_wait3A_584 : memref<1x64xi32, #tpu.memory_space<hbm>> -> memref<64xi32, #tpu.memory_space<hbm>>
    %dma_wait3A_586 = arith.constant 0 : i32
    %dma_wait3A_587 = tpu.memref_slice %arg8[%dma_wait3A_579, %dma_wait3A_586] : memref<5x64xi32, #tpu.memory_space<vmem>> -> memref<1x64xi32, #tpu.memory_space<vmem>>
    %dma_wait3A_588 = tpu.memref_squeeze %dma_wait3A_587 : memref<1x64xi32, #tpu.memory_space<vmem>> -> memref<64xi32, #tpu.memory_space<vmem>>
    %dma_wait3A_589 = arith.constant 0 : i32
    %dma_wait3A_590 = tpu.memref_slice %arg4[%mul3A_4, %dma_wait3A_589] : memref<5120x64xi32, #tpu.memory_space<hbm>> -> memref<1x64xi32, #tpu.memory_space<hbm>>
    %dma_wait3A_591 = tpu.memref_squeeze %dma_wait3A_590 : memref<1x64xi32, #tpu.memory_space<hbm>> -> memref<64xi32, #tpu.memory_space<hbm>>
    tpu.wait_dma2 semaphore(%arg32 : memref<!tpu.dma_semaphore, #tpu.memory_space<semaphore_mem>>) src(%dma_wait3A_591 : memref<64xi32, #tpu.memory_space<hbm>>) dst(%dma_wait3A_588 : memref<64xi32, #tpu.memory_space<vmem>>)
    %dma_start3A_592 = arith.constant 3 : i32
    %dma_start3A_593 = arith.constant 0 : i32
    %dma_start3A_594 = tpu.memref_slice %arg8[%dma_start3A_592, %dma_start3A_593] : memref<5x64xi32, #tpu.memory_space<vmem>> -> memref<1x64xi32, #tpu.memory_space<vmem>>
    %dma_start3A_595 = tpu.memref_squeeze %dma_start3A_594 : memref<1x64xi32, #tpu.memory_space<vmem>> -> memref<64xi32, #tpu.memory_space<vmem>>
    %dma_start3A_596 = arith.constant 0 : i32
    %dma_start3A_597 = arith.constant 0 : i32
    %dma_start3A_598 = tpu.memref_slice %arg6[%dma_start3A_596, %dma_start3A_597] : memref<10240x128xf32, #tpu.memory_space<vmem_shared>> -> memref<10240x128xf32, #tpu.memory_space<vmem_shared>>
    tpu.enqueue_indirect_dma source(%arg12 : memref<64x128xf32, #tpu.memory_space<vmem>>) target(%dma_start3A_598 : memref<10240x128xf32, #tpu.memory_space<vmem_shared>>) offsets(%dma_start3A_595 : memref<64xi32, #tpu.memory_space<vmem>>) semaphore(%arg22 : memref<!tpu.dma_semaphore, #tpu.memory_space<semaphore_mem>>) {add = true}
    %dma_wait3A_599 = arith.constant 0 : i32
    %dma_wait3A_600 = arith.constant 0 : i32
    %dma_wait3A_601 = tpu.memref_slice %arg8[%dma_wait3A_599, %dma_wait3A_600] : memref<5x64xi32, #tpu.memory_space<vmem>> -> memref<1x64xi32, #tpu.memory_space<vmem>>
    %dma_wait3A_602 = tpu.memref_squeeze %dma_wait3A_601 : memref<1x64xi32, #tpu.memory_space<vmem>> -> memref<64xi32, #tpu.memory_space<vmem>>
    %dma_wait3A_603 = arith.constant 0 : i32
    %dma_wait3A_604 = arith.constant 0 : i32
    %dma_wait3A_605 = tpu.memref_slice %arg6[%dma_wait3A_603, %dma_wait3A_604] : memref<10240x128xf32, #tpu.memory_space<vmem_shared>> -> memref<10240x128xf32, #tpu.memory_space<vmem_shared>>
    tpu.wait_indirect_dma semaphore(%arg21 : memref<!tpu.dma_semaphore, #tpu.memory_space<semaphore_mem>>) src(%arg11 : memref<64x128xf32, #tpu.memory_space<vmem>>) dst(%dma_wait3A_605 : memref<10240x128xf32, #tpu.memory_space<vmem_shared>>)
    %dma_wait3A_606 = arith.constant 4 : i32
    %dma_wait3A_607 = arith.constant 0 : i32
    %dma_wait3A_608 = tpu.memref_slice %arg7[%dma_wait3A_606, %dma_wait3A_607] : memref<5x64xi32, #tpu.memory_space<vmem>> -> memref<1x64xi32, #tpu.memory_space<vmem>>
    %dma_wait3A_609 = tpu.memref_squeeze %dma_wait3A_608 : memref<1x64xi32, #tpu.memory_space<vmem>> -> memref<64xi32, #tpu.memory_space<vmem>>
    %dma_wait3A_610 = arith.constant 0 : i32
    %dma_wait3A_611 = arith.constant 0 : i32
    %dma_wait3A_612 = tpu.memref_slice %arg2[%dma_wait3A_610, %dma_wait3A_611] : memref<10240x128xf32, #tpu.memory_space<hbm>> -> memref<10240x128xf32, #tpu.memory_space<hbm>>
    tpu.wait_indirect_dma semaphore(%arg18 : memref<!tpu.dma_semaphore, #tpu.memory_space<semaphore_mem>>) src(%dma_wait3A_612 : memref<10240x128xf32, #tpu.memory_space<hbm>>) dst(%arg13 : memref<64x128xf32, #tpu.memory_space<vmem>>)
    %dma_wait3A_613 = arith.constant 4 : i32
    %dma_wait3A_614 = arith.constant 0 : i32
    %dma_wait3A_615 = tpu.memref_slice %arg8[%dma_wait3A_613, %dma_wait3A_614] : memref<5x64xi32, #tpu.memory_space<vmem>> -> memref<1x64xi32, #tpu.memory_space<vmem>>
    %dma_wait3A_616 = tpu.memref_squeeze %dma_wait3A_615 : memref<1x64xi32, #tpu.memory_space<vmem>> -> memref<64xi32, #tpu.memory_space<vmem>>
    %dma_wait3A_617 = arith.constant 0 : i32
    %dma_wait3A_618 = tpu.memref_slice %arg4[%mul3A_4, %dma_wait3A_617] : memref<5120x64xi32, #tpu.memory_space<hbm>> -> memref<1x64xi32, #tpu.memory_space<hbm>>
    %dma_wait3A_619 = tpu.memref_squeeze %dma_wait3A_618 : memref<1x64xi32, #tpu.memory_space<hbm>> -> memref<64xi32, #tpu.memory_space<hbm>>
    %dma_wait3A_620 = arith.constant 0 : i32
    %dma_wait3A_621 = tpu.memref_slice %arg8[%dma_wait3A_613, %dma_wait3A_620] : memref<5x64xi32, #tpu.memory_space<vmem>> -> memref<1x64xi32, #tpu.memory_space<vmem>>
    %dma_wait3A_622 = tpu.memref_squeeze %dma_wait3A_621 : memref<1x64xi32, #tpu.memory_space<vmem>> -> memref<64xi32, #tpu.memory_space<vmem>>
    %dma_wait3A_623 = arith.constant 0 : i32
    %dma_wait3A_624 = tpu.memref_slice %arg4[%mul3A_4, %dma_wait3A_623] : memref<5120x64xi32, #tpu.memory_space<hbm>> -> memref<1x64xi32, #tpu.memory_space<hbm>>
    %dma_wait3A_625 = tpu.memref_squeeze %dma_wait3A_624 : memref<1x64xi32, #tpu.memory_space<hbm>> -> memref<64xi32, #tpu.memory_space<hbm>>
    tpu.wait_dma2 semaphore(%arg33 : memref<!tpu.dma_semaphore, #tpu.memory_space<semaphore_mem>>) src(%dma_wait3A_625 : memref<64xi32, #tpu.memory_space<hbm>>) dst(%dma_wait3A_622 : memref<64xi32, #tpu.memory_space<vmem>>)
    %dma_start3A_626 = arith.constant 4 : i32
    %dma_start3A_627 = arith.constant 0 : i32
    %dma_start3A_628 = tpu.memref_slice %arg8[%dma_start3A_626, %dma_start3A_627] : memref<5x64xi32, #tpu.memory_space<vmem>> -> memref<1x64xi32, #tpu.memory_space<vmem>>
    %dma_start3A_629 = tpu.memref_squeeze %dma_start3A_628 : memref<1x64xi32, #tpu.memory_space<vmem>> -> memref<64xi32, #tpu.memory_space<vmem>>
    %dma_start3A_630 = arith.constant 0 : i32
    %dma_start3A_631 = arith.constant 0 : i32
    %dma_start3A_632 = tpu.memref_slice %arg6[%dma_start3A_630, %dma_start3A_631] : memref<10240x128xf32, #tpu.memory_space<vmem_shared>> -> memref<10240x128xf32, #tpu.memory_space<vmem_shared>>
    tpu.enqueue_indirect_dma source(%arg13 : memref<64x128xf32, #tpu.memory_space<vmem>>) target(%dma_start3A_632 : memref<10240x128xf32, #tpu.memory_space<vmem_shared>>) offsets(%dma_start3A_629 : memref<64xi32, #tpu.memory_space<vmem>>) semaphore(%arg23 : memref<!tpu.dma_semaphore, #tpu.memory_space<semaphore_mem>>) {add = true}
    %dma_wait3A_633 = arith.constant 0 : i32
    %dma_wait3A_634 = arith.constant 0 : i32
    %dma_wait3A_635 = tpu.memref_slice %arg8[%dma_wait3A_633, %dma_wait3A_634] : memref<5x64xi32, #tpu.memory_space<vmem>> -> memref<1x64xi32, #tpu.memory_space<vmem>>
    %dma_wait3A_636 = tpu.memref_squeeze %dma_wait3A_635 : memref<1x64xi32, #tpu.memory_space<vmem>> -> memref<64xi32, #tpu.memory_space<vmem>>
    %dma_wait3A_637 = arith.constant 0 : i32
    %dma_wait3A_638 = arith.constant 0 : i32
    %dma_wait3A_639 = tpu.memref_slice %arg6[%dma_wait3A_637, %dma_wait3A_638] : memref<10240x128xf32, #tpu.memory_space<vmem_shared>> -> memref<10240x128xf32, #tpu.memory_space<vmem_shared>>
    tpu.wait_indirect_dma semaphore(%arg22 : memref<!tpu.dma_semaphore, #tpu.memory_space<semaphore_mem>>) src(%arg12 : memref<64x128xf32, #tpu.memory_space<vmem>>) dst(%dma_wait3A_639 : memref<10240x128xf32, #tpu.memory_space<vmem_shared>>)
    %dma_wait3A_640 = arith.constant 0 : i32
    %dma_wait3A_641 = arith.constant 0 : i32
    %dma_wait3A_642 = tpu.memref_slice %arg8[%dma_wait3A_640, %dma_wait3A_641] : memref<5x64xi32, #tpu.memory_space<vmem>> -> memref<1x64xi32, #tpu.memory_space<vmem>>
    %dma_wait3A_643 = tpu.memref_squeeze %dma_wait3A_642 : memref<1x64xi32, #tpu.memory_space<vmem>> -> memref<64xi32, #tpu.memory_space<vmem>>
    %dma_wait3A_644 = arith.constant 0 : i32
    %dma_wait3A_645 = arith.constant 0 : i32
    %dma_wait3A_646 = tpu.memref_slice %arg6[%dma_wait3A_644, %dma_wait3A_645] : memref<10240x128xf32, #tpu.memory_space<vmem_shared>> -> memref<10240x128xf32, #tpu.memory_space<vmem_shared>>
    tpu.wait_indirect_dma semaphore(%arg23 : memref<!tpu.dma_semaphore, #tpu.memory_space<semaphore_mem>>) src(%arg13 : memref<64x128xf32, #tpu.memory_space<vmem>>) dst(%dma_wait3A_646 : memref<10240x128xf32, #tpu.memory_space<vmem_shared>>)
    %barrier3A_647 = arith.constant 0 : index
    tpu.barrier barrier_id(%barrier3A_647)
    %mul3A_648 = arith.constant 10240 : i32
    %mul3A_649 = arith.muli %arg0, %mul3A_648 : i32
    %add3A_650 = arith.addi %mul3A_649, %mul3A_2 : i32
    "tpu.region"() ({
      %run_scoped3A_651 = tpu.sem_alloc : memref<!tpu.dma_semaphore, #tpu.memory_space<semaphore_mem>>
      %dma_start3A_652 = arith.constant 0 : i32
      %dma_start3A_653 = tpu.memref_slice %arg5[%add3A_650, %dma_start3A_652] : memref<20480x128xf32, #tpu.memory_space<hbm>> -> memref<640x128xf32, #tpu.memory_space<hbm>>
      %dma_start3A_654 = arith.constant 0 : i32
      %dma_start3A_655 = tpu.memref_slice %arg6[%mul3A_2, %dma_start3A_654] : memref<10240x128xf32, #tpu.memory_space<vmem_shared>> -> memref<640x128xf32, #tpu.memory_space<vmem_shared>>
      tpu.enqueue_dma source(%dma_start3A_655 : memref<640x128xf32, #tpu.memory_space<vmem_shared>>) target(%dma_start3A_653 : memref<640x128xf32, #tpu.memory_space<hbm>>) target_semaphore(%run_scoped3A_651 : memref<!tpu.dma_semaphore, #tpu.memory_space<semaphore_mem>>)
      %dma_wait3A_656 = arith.constant 0 : i32
      %dma_wait3A_657 = tpu.memref_slice %arg5[%add3A_650, %dma_wait3A_656] : memref<20480x128xf32, #tpu.memory_space<hbm>> -> memref<640x128xf32, #tpu.memory_space<hbm>>
      %dma_wait3A_658 = arith.constant 0 : i32
      %dma_wait3A_659 = tpu.memref_slice %arg6[%mul3A_2, %dma_wait3A_658] : memref<10240x128xf32, #tpu.memory_space<vmem_shared>> -> memref<640x128xf32, #tpu.memory_space<vmem_shared>>
      tpu.wait_dma2 semaphore(%run_scoped3A_651 : memref<!tpu.dma_semaphore, #tpu.memory_space<semaphore_mem>>) src(%dma_wait3A_659 : memref<640x128xf32, #tpu.memory_space<vmem_shared>>) dst(%dma_wait3A_657 : memref<640x128xf32, #tpu.memory_space<hbm>>)
      tpu.yield
    }) : () -> ()
    return
  }
}

#map = affine_map<(d0, d1) -> (0, 0)>
module attributes {stable_mosaic.version = 14 : i64} {
  func.func @k(%arg0: i32, %arg1: i32, %arg2: memref<5120x64xi32, #tpu.memory_space<hbm>>, %arg3: memref<20480x128xf32, #tpu.memory_space<hbm>>, %arg4: memref<10240x128xf32, #tpu.memory_space<vmem_shared>>, %arg5: memref<160x64xi32, #tpu.memory_space<vmem>>, %arg6: memref<64x128xf32, #tpu.memory_space<vmem>>, %arg7: memref<!tpu.dma_semaphore, #tpu.memory_space<semaphore_mem>>) attributes {dimension_semantics = [#tpu.dimension_semantics<core_parallel>, #tpu.dimension_semantics<subcore_parallel>], iteration_bounds = array<i64: 2, 16>, scalar_prefetch = 0 : i64, scratch_operands = 4 : i64, tpu.core_type = #tpu.core_type<sc_vector_subcore>, window_params = [{transform_indices = #map}, {transform_indices = #map}]} {
    %mul3A = arith.constant 16 : i32
    %mul3A_0 = arith.muli %arg0, %mul3A : i32
    %add3A = arith.addi %mul3A_0, %arg1 : i32
    %mul3A_1 = arith.constant 640 : i32
    %mul3A_2 = arith.muli %arg1, %mul3A_1 : i32
    %mul3A_3 = arith.constant 160 : i32
    %mul3A_4 = arith.muli %add3A, %mul3A_3 : i32
    "tpu.region"() ({
      %run_scoped3A = tpu.sem_alloc : memref<!tpu.dma_semaphore, #tpu.memory_space<semaphore_mem>>
      %dma_start3A_162 = arith.constant 0 : i32
      %dma_start3A_163 = tpu.memref_slice %arg2[%mul3A_4, %dma_start3A_162] : memref<5120x64xi32, #tpu.memory_space<hbm>> -> memref<160x64xi32, #tpu.memory_space<hbm>>
      %dma_start3A_164 = arith.constant 0 : i32
      %dma_start3A_165 = tpu.memref_slice %arg2[%mul3A_4, %dma_start3A_164] : memref<5120x64xi32, #tpu.memory_space<hbm>> -> memref<160x64xi32, #tpu.memory_space<hbm>>
      tpu.enqueue_dma source(%dma_start3A_165 : memref<160x64xi32, #tpu.memory_space<hbm>>) target(%arg5 : memref<160x64xi32, #tpu.memory_space<vmem>>) target_semaphore(%run_scoped3A : memref<!tpu.dma_semaphore, #tpu.memory_space<semaphore_mem>>)
      %dma_wait3A_166 = arith.constant 0 : i32
      %dma_wait3A_167 = tpu.memref_slice %arg2[%mul3A_4, %dma_wait3A_166] : memref<5120x64xi32, #tpu.memory_space<hbm>> -> memref<160x64xi32, #tpu.memory_space<hbm>>
      %dma_wait3A_168 = arith.constant 0 : i32
      %dma_wait3A_169 = tpu.memref_slice %arg2[%mul3A_4, %dma_wait3A_168] : memref<5120x64xi32, #tpu.memory_space<hbm>> -> memref<160x64xi32, #tpu.memory_space<hbm>>
      tpu.wait_dma2 semaphore(%run_scoped3A : memref<!tpu.dma_semaphore, #tpu.memory_space<semaphore_mem>>) src(%dma_wait3A_169 : memref<160x64xi32, #tpu.memory_space<hbm>>) dst(%arg5 : memref<160x64xi32, #tpu.memory_space<vmem>>)
      tpu.yield
    }) : () -> ()
    %broadcast_in_dim3A = arith.constant 0.000000e+00 : f32
    %broadcast_in_dim3A_5 = vector.broadcast %broadcast_in_dim3A : f32 to vector<16xf32>
    %iota3A = tpu.iota {dimensions = array<i32: 0>} : vector<16xi32>
    %eq3A = arith.constant 0 : i32
    %eq3A_6 = vector.broadcast %eq3A : i32 to vector<16xi32>
    %eq3A_7 = arith.cmpi eq, %iota3A, %eq3A_6 : vector<16xi32>
    %jit3A = arith.constant 1.000000e+00 : f32
    %jit3A_8 = arith.constant 0.000000e+00 : f32
    %broadcast_in_dim3A_9 = vector.broadcast %jit3A : f32 to vector<16xf32>
    %broadcast_in_dim3A_10 = vector.broadcast %jit3A_8 : f32 to vector<16xf32>
    %select_n3A = arith.select %eq3A_7, %broadcast_in_dim3A_9, %broadcast_in_dim3A_10 : vector<16xi1>, vector<16xf32>
    %scan3A = arith.constant 0 : i32
    %scan3A_11 = arith.constant 0 : i32
    %scan3A_12 = arith.constant 64 : i32
    %scan3A_13 = arith.addi %scan3A_11, %scan3A_12 : i32
    %scan3A_14 = arith.constant 1 : i32
    scf.for %scan3A_162 = %scan3A_11 to %scan3A_13 step %scan3A_14  : i32 {
      %swap3A = arith.index_cast %scan3A_162 : i32 to index
      %swap3A_163 = arith.constant 0 : index
      %swap3A_164 = tpu.vector_load %arg6[%swap3A, %swap3A_163] {strides = array<i32>} : memref<64x128xf32, #tpu.memory_space<vmem>>, vector<1x16xf32>,
      %swap3A_165 = vector.shape_cast %swap3A_164 : vector<1x16xf32> to vector<16xf32>
      %swap3A_166 = vector.shape_cast %broadcast_in_dim3A_5 : vector<16xf32> to vector<1x16xf32>
      tpu.vector_store %arg6[%swap3A, %swap3A_163], %swap3A_166 {strides = array<i32>} : memref<64x128xf32, #tpu.memory_space<vmem>>, vector<1x16xf32>,
      %swap3A_167 = arith.index_cast %scan3A_162 : i32 to index
      %swap3A_168 = arith.constant 16 : index
      %swap3A_169 = tpu.vector_load %arg6[%swap3A_167, %swap3A_168] {strides = array<i32>} : memref<64x128xf32, #tpu.memory_space<vmem>>, vector<1x16xf32>,
      %swap3A_170 = vector.shape_cast %swap3A_169 : vector<1x16xf32> to vector<16xf32>
      %swap3A_171 = vector.shape_cast %broadcast_in_dim3A_5 : vector<16xf32> to vector<1x16xf32>
      tpu.vector_store %arg6[%swap3A_167, %swap3A_168], %swap3A_171 {strides = array<i32>} : memref<64x128xf32, #tpu.memory_space<vmem>>, vector<1x16xf32>,
      %swap3A_172 = arith.index_cast %scan3A_162 : i32 to index
      %swap3A_173 = arith.constant 32 : index
      %swap3A_174 = tpu.vector_load %arg6[%swap3A_172, %swap3A_173] {strides = array<i32>} : memref<64x128xf32, #tpu.memory_space<vmem>>, vector<1x16xf32>,
      %swap3A_175 = vector.shape_cast %swap3A_174 : vector<1x16xf32> to vector<16xf32>
      %swap3A_176 = vector.shape_cast %broadcast_in_dim3A_5 : vector<16xf32> to vector<1x16xf32>
      tpu.vector_store %arg6[%swap3A_172, %swap3A_173], %swap3A_176 {strides = array<i32>} : memref<64x128xf32, #tpu.memory_space<vmem>>, vector<1x16xf32>,
      %swap3A_177 = arith.index_cast %scan3A_162 : i32 to index
      %swap3A_178 = arith.constant 48 : index
      %swap3A_179 = tpu.vector_load %arg6[%swap3A_177, %swap3A_178] {strides = array<i32>} : memref<64x128xf32, #tpu.memory_space<vmem>>, vector<1x16xf32>,
      %swap3A_180 = vector.shape_cast %swap3A_179 : vector<1x16xf32> to vector<16xf32>
      %swap3A_181 = vector.shape_cast %broadcast_in_dim3A_5 : vector<16xf32> to vector<1x16xf32>
      tpu.vector_store %arg6[%swap3A_177, %swap3A_178], %swap3A_181 {strides = array<i32>} : memref<64x128xf32, #tpu.memory_space<vmem>>, vector<1x16xf32>,
      %swap3A_182 = arith.index_cast %scan3A_162 : i32 to index
      %swap3A_183 = arith.constant 64 : index
      %swap3A_184 = tpu.vector_load %arg6[%swap3A_182, %swap3A_183] {strides = array<i32>} : memref<64x128xf32, #tpu.memory_space<vmem>>, vector<1x16xf32>,
      %swap3A_185 = vector.shape_cast %swap3A_184 : vector<1x16xf32> to vector<16xf32>
      %swap3A_186 = vector.shape_cast %broadcast_in_dim3A_5 : vector<16xf32> to vector<1x16xf32>
      tpu.vector_store %arg6[%swap3A_182, %swap3A_183], %swap3A_186 {strides = array<i32>} : memref<64x128xf32, #tpu.memory_space<vmem>>, vector<1x16xf32>,
      %swap3A_187 = arith.index_cast %scan3A_162 : i32 to index
      %swap3A_188 = arith.constant 80 : index
      %swap3A_189 = tpu.vector_load %arg6[%swap3A_187, %swap3A_188] {strides = array<i32>} : memref<64x128xf32, #tpu.memory_space<vmem>>, vector<1x16xf32>,
      %swap3A_190 = vector.shape_cast %swap3A_189 : vector<1x16xf32> to vector<16xf32>
      %swap3A_191 = vector.shape_cast %broadcast_in_dim3A_5 : vector<16xf32> to vector<1x16xf32>
      tpu.vector_store %arg6[%swap3A_187, %swap3A_188], %swap3A_191 {strides = array<i32>} : memref<64x128xf32, #tpu.memory_space<vmem>>, vector<1x16xf32>,
      %swap3A_192 = arith.index_cast %scan3A_162 : i32 to index
      %swap3A_193 = arith.constant 96 : index
      %swap3A_194 = tpu.vector_load %arg6[%swap3A_192, %swap3A_193] {strides = array<i32>} : memref<64x128xf32, #tpu.memory_space<vmem>>, vector<1x16xf32>,
      %swap3A_195 = vector.shape_cast %swap3A_194 : vector<1x16xf32> to vector<16xf32>
      %swap3A_196 = vector.shape_cast %broadcast_in_dim3A_5 : vector<16xf32> to vector<1x16xf32>
      tpu.vector_store %arg6[%swap3A_192, %swap3A_193], %swap3A_196 {strides = array<i32>} : memref<64x128xf32, #tpu.memory_space<vmem>>, vector<1x16xf32>,
      %swap3A_197 = arith.index_cast %scan3A_162 : i32 to index
      %swap3A_198 = arith.constant 112 : index
      %swap3A_199 = tpu.vector_load %arg6[%swap3A_197, %swap3A_198] {strides = array<i32>} : memref<64x128xf32, #tpu.memory_space<vmem>>, vector<1x16xf32>,
      %swap3A_200 = vector.shape_cast %swap3A_199 : vector<1x16xf32> to vector<16xf32>
      %swap3A_201 = vector.shape_cast %broadcast_in_dim3A_5 : vector<16xf32> to vector<1x16xf32>
      tpu.vector_store %arg6[%swap3A_197, %swap3A_198], %swap3A_201 {strides = array<i32>} : memref<64x128xf32, #tpu.memory_space<vmem>>, vector<1x16xf32>,
    }
    %scan3A_15 = arith.constant 64 : i32
    %add3A_16 = arith.constant 0 : i32
    %add3A_17 = arith.addi %mul3A_2, %add3A_16 : i32
    "tpu.region"() ({
      %run_scoped3A = tpu.sem_alloc : memref<!tpu.dma_semaphore, #tpu.memory_space<semaphore_mem>>
      %dma_start3A_162 = arith.constant 0 : i32
      %dma_start3A_163 = tpu.memref_slice %arg4[%add3A_17, %dma_start3A_162] : memref<10240x128xf32, #tpu.memory_space<vmem_shared>> -> memref<64x128xf32, #tpu.memory_space<vmem_shared>>
      %dma_start3A_164 = arith.constant 0 : i32
      %dma_start3A_165 = tpu.memref_slice %arg4[%add3A_17, %dma_start3A_164] : memref<10240x128xf32, #tpu.memory_space<vmem_shared>> -> memref<64x128xf32, #tpu.memory_space<vmem_shared>>
      tpu.enqueue_dma source(%arg6 : memref<64x128xf32, #tpu.memory_space<vmem>>) target(%dma_start3A_165 : memref<64x128xf32, #tpu.memory_space<vmem_shared>>) target_semaphore(%run_scoped3A : memref<!tpu.dma_semaphore, #tpu.memory_space<semaphore_mem>>)
      %dma_wait3A_166 = arith.constant 0 : i32
      %dma_wait3A_167 = tpu.memref_slice %arg4[%add3A_17, %dma_wait3A_166] : memref<10240x128xf32, #tpu.memory_space<vmem_shared>> -> memref<64x128xf32, #tpu.memory_space<vmem_shared>>
      %dma_wait3A_168 = arith.constant 0 : i32
      %dma_wait3A_169 = tpu.memref_slice %arg4[%add3A_17, %dma_wait3A_168] : memref<10240x128xf32, #tpu.memory_space<vmem_shared>> -> memref<64x128xf32, #tpu.memory_space<vmem_shared>>
      tpu.wait_dma2 semaphore(%run_scoped3A : memref<!tpu.dma_semaphore, #tpu.memory_space<semaphore_mem>>) src(%arg6 : memref<64x128xf32, #tpu.memory_space<vmem>>) dst(%dma_wait3A_169 : memref<64x128xf32, #tpu.memory_space<vmem_shared>>)
      tpu.yield
    }) : () -> ()
    %add3A_18 = arith.constant 64 : i32
    %add3A_19 = arith.addi %mul3A_2, %add3A_18 : i32
    "tpu.region"() ({
      %run_scoped3A = tpu.sem_alloc : memref<!tpu.dma_semaphore, #tpu.memory_space<semaphore_mem>>
      %dma_start3A_162 = arith.constant 0 : i32
      %dma_start3A_163 = tpu.memref_slice %arg4[%add3A_19, %dma_start3A_162] : memref<10240x128xf32, #tpu.memory_space<vmem_shared>> -> memref<64x128xf32, #tpu.memory_space<vmem_shared>>
      %dma_start3A_164 = arith.constant 0 : i32
      %dma_start3A_165 = tpu.memref_slice %arg4[%add3A_19, %dma_start3A_164] : memref<10240x128xf32, #tpu.memory_space<vmem_shared>> -> memref<64x128xf32, #tpu.memory_space<vmem_shared>>
      tpu.enqueue_dma source(%arg6 : memref<64x128xf32, #tpu.memory_space<vmem>>) target(%dma_start3A_165 : memref<64x128xf32, #tpu.memory_space<vmem_shared>>) target_semaphore(%run_scoped3A : memref<!tpu.dma_semaphore, #tpu.memory_space<semaphore_mem>>)
      %dma_wait3A_166 = arith.constant 0 : i32
      %dma_wait3A_167 = tpu.memref_slice %arg4[%add3A_19, %dma_wait3A_166] : memref<10240x128xf32, #tpu.memory_space<vmem_shared>> -> memref<64x128xf32, #tpu.memory_space<vmem_shared>>
      %dma_wait3A_168 = arith.constant 0 : i32
      %dma_wait3A_169 = tpu.memref_slice %arg4[%add3A_19, %dma_wait3A_168] : memref<10240x128xf32, #tpu.memory_space<vmem_shared>> -> memref<64x128xf32, #tpu.memory_space<vmem_shared>>
      tpu.wait_dma2 semaphore(%run_scoped3A : memref<!tpu.dma_semaphore, #tpu.memory_space<semaphore_mem>>) src(%arg6 : memref<64x128xf32, #tpu.memory_space<vmem>>) dst(%dma_wait3A_169 : memref<64x128xf32, #tpu.memory_space<vmem_shared>>)
      tpu.yield
    }) : () -> ()
    %add3A_20 = arith.constant 128 : i32
    %add3A_21 = arith.addi %mul3A_2, %add3A_20 : i32
    "tpu.region"() ({
      %run_scoped3A = tpu.sem_alloc : memref<!tpu.dma_semaphore, #tpu.memory_space<semaphore_mem>>
      %dma_start3A_162 = arith.constant 0 : i32
      %dma_start3A_163 = tpu.memref_slice %arg4[%add3A_21, %dma_start3A_162] : memref<10240x128xf32, #tpu.memory_space<vmem_shared>> -> memref<64x128xf32, #tpu.memory_space<vmem_shared>>
      %dma_start3A_164 = arith.constant 0 : i32
      %dma_start3A_165 = tpu.memref_slice %arg4[%add3A_21, %dma_start3A_164] : memref<10240x128xf32, #tpu.memory_space<vmem_shared>> -> memref<64x128xf32, #tpu.memory_space<vmem_shared>>
      tpu.enqueue_dma source(%arg6 : memref<64x128xf32, #tpu.memory_space<vmem>>) target(%dma_start3A_165 : memref<64x128xf32, #tpu.memory_space<vmem_shared>>) target_semaphore(%run_scoped3A : memref<!tpu.dma_semaphore, #tpu.memory_space<semaphore_mem>>)
      %dma_wait3A_166 = arith.constant 0 : i32
      %dma_wait3A_167 = tpu.memref_slice %arg4[%add3A_21, %dma_wait3A_166] : memref<10240x128xf32, #tpu.memory_space<vmem_shared>> -> memref<64x128xf32, #tpu.memory_space<vmem_shared>>
      %dma_wait3A_168 = arith.constant 0 : i32
      %dma_wait3A_169 = tpu.memref_slice %arg4[%add3A_21, %dma_wait3A_168] : memref<10240x128xf32, #tpu.memory_space<vmem_shared>> -> memref<64x128xf32, #tpu.memory_space<vmem_shared>>
      tpu.wait_dma2 semaphore(%run_scoped3A : memref<!tpu.dma_semaphore, #tpu.memory_space<semaphore_mem>>) src(%arg6 : memref<64x128xf32, #tpu.memory_space<vmem>>) dst(%dma_wait3A_169 : memref<64x128xf32, #tpu.memory_space<vmem_shared>>)
      tpu.yield
    }) : () -> ()
    %add3A_22 = arith.constant 192 : i32
    %add3A_23 = arith.addi %mul3A_2, %add3A_22 : i32
    "tpu.region"() ({
      %run_scoped3A = tpu.sem_alloc : memref<!tpu.dma_semaphore, #tpu.memory_space<semaphore_mem>>
      %dma_start3A_162 = arith.constant 0 : i32
      %dma_start3A_163 = tpu.memref_slice %arg4[%add3A_23, %dma_start3A_162] : memref<10240x128xf32, #tpu.memory_space<vmem_shared>> -> memref<64x128xf32, #tpu.memory_space<vmem_shared>>
      %dma_start3A_164 = arith.constant 0 : i32
      %dma_start3A_165 = tpu.memref_slice %arg4[%add3A_23, %dma_start3A_164] : memref<10240x128xf32, #tpu.memory_space<vmem_shared>> -> memref<64x128xf32, #tpu.memory_space<vmem_shared>>
      tpu.enqueue_dma source(%arg6 : memref<64x128xf32, #tpu.memory_space<vmem>>) target(%dma_start3A_165 : memref<64x128xf32, #tpu.memory_space<vmem_shared>>) target_semaphore(%run_scoped3A : memref<!tpu.dma_semaphore, #tpu.memory_space<semaphore_mem>>)
      %dma_wait3A_166 = arith.constant 0 : i32
      %dma_wait3A_167 = tpu.memref_slice %arg4[%add3A_23, %dma_wait3A_166] : memref<10240x128xf32, #tpu.memory_space<vmem_shared>> -> memref<64x128xf32, #tpu.memory_space<vmem_shared>>
      %dma_wait3A_168 = arith.constant 0 : i32
      %dma_wait3A_169 = tpu.memref_slice %arg4[%add3A_23, %dma_wait3A_168] : memref<10240x128xf32, #tpu.memory_space<vmem_shared>> -> memref<64x128xf32, #tpu.memory_space<vmem_shared>>
      tpu.wait_dma2 semaphore(%run_scoped3A : memref<!tpu.dma_semaphore, #tpu.memory_space<semaphore_mem>>) src(%arg6 : memref<64x128xf32, #tpu.memory_space<vmem>>) dst(%dma_wait3A_169 : memref<64x128xf32, #tpu.memory_space<vmem_shared>>)
      tpu.yield
    }) : () -> ()
    %add3A_24 = arith.constant 256 : i32
    %add3A_25 = arith.addi %mul3A_2, %add3A_24 : i32
    "tpu.region"() ({
      %run_scoped3A = tpu.sem_alloc : memref<!tpu.dma_semaphore, #tpu.memory_space<semaphore_mem>>
      %dma_start3A_162 = arith.constant 0 : i32
      %dma_start3A_163 = tpu.memref_slice %arg4[%add3A_25, %dma_start3A_162] : memref<10240x128xf32, #tpu.memory_space<vmem_shared>> -> memref<64x128xf32, #tpu.memory_space<vmem_shared>>
      %dma_start3A_164 = arith.constant 0 : i32
      %dma_start3A_165 = tpu.memref_slice %arg4[%add3A_25, %dma_start3A_164] : memref<10240x128xf32, #tpu.memory_space<vmem_shared>> -> memref<64x128xf32, #tpu.memory_space<vmem_shared>>
      tpu.enqueue_dma source(%arg6 : memref<64x128xf32, #tpu.memory_space<vmem>>) target(%dma_start3A_165 : memref<64x128xf32, #tpu.memory_space<vmem_shared>>) target_semaphore(%run_scoped3A : memref<!tpu.dma_semaphore, #tpu.memory_space<semaphore_mem>>)
      %dma_wait3A_166 = arith.constant 0 : i32
      %dma_wait3A_167 = tpu.memref_slice %arg4[%add3A_25, %dma_wait3A_166] : memref<10240x128xf32, #tpu.memory_space<vmem_shared>> -> memref<64x128xf32, #tpu.memory_space<vmem_shared>>
      %dma_wait3A_168 = arith.constant 0 : i32
      %dma_wait3A_169 = tpu.memref_slice %arg4[%add3A_25, %dma_wait3A_168] : memref<10240x128xf32, #tpu.memory_space<vmem_shared>> -> memref<64x128xf32, #tpu.memory_space<vmem_shared>>
      tpu.wait_dma2 semaphore(%run_scoped3A : memref<!tpu.dma_semaphore, #tpu.memory_space<semaphore_mem>>) src(%arg6 : memref<64x128xf32, #tpu.memory_space<vmem>>) dst(%dma_wait3A_169 : memref<64x128xf32, #tpu.memory_space<vmem_shared>>)
      tpu.yield
    }) : () -> ()
    %add3A_26 = arith.constant 320 : i32
    %add3A_27 = arith.addi %mul3A_2, %add3A_26 : i32
    "tpu.region"() ({
      %run_scoped3A = tpu.sem_alloc : memref<!tpu.dma_semaphore, #tpu.memory_space<semaphore_mem>>
      %dma_start3A_162 = arith.constant 0 : i32
      %dma_start3A_163 = tpu.memref_slice %arg4[%add3A_27, %dma_start3A_162] : memref<10240x128xf32, #tpu.memory_space<vmem_shared>> -> memref<64x128xf32, #tpu.memory_space<vmem_shared>>
      %dma_start3A_164 = arith.constant 0 : i32
      %dma_start3A_165 = tpu.memref_slice %arg4[%add3A_27, %dma_start3A_164] : memref<10240x128xf32, #tpu.memory_space<vmem_shared>> -> memref<64x128xf32, #tpu.memory_space<vmem_shared>>
      tpu.enqueue_dma source(%arg6 : memref<64x128xf32, #tpu.memory_space<vmem>>) target(%dma_start3A_165 : memref<64x128xf32, #tpu.memory_space<vmem_shared>>) target_semaphore(%run_scoped3A : memref<!tpu.dma_semaphore, #tpu.memory_space<semaphore_mem>>)
      %dma_wait3A_166 = arith.constant 0 : i32
      %dma_wait3A_167 = tpu.memref_slice %arg4[%add3A_27, %dma_wait3A_166] : memref<10240x128xf32, #tpu.memory_space<vmem_shared>> -> memref<64x128xf32, #tpu.memory_space<vmem_shared>>
      %dma_wait3A_168 = arith.constant 0 : i32
      %dma_wait3A_169 = tpu.memref_slice %arg4[%add3A_27, %dma_wait3A_168] : memref<10240x128xf32, #tpu.memory_space<vmem_shared>> -> memref<64x128xf32, #tpu.memory_space<vmem_shared>>
      tpu.wait_dma2 semaphore(%run_scoped3A : memref<!tpu.dma_semaphore, #tpu.memory_space<semaphore_mem>>) src(%arg6 : memref<64x128xf32, #tpu.memory_space<vmem>>) dst(%dma_wait3A_169 : memref<64x128xf32, #tpu.memory_space<vmem_shared>>)
      tpu.yield
    }) : () -> ()
    %add3A_28 = arith.constant 384 : i32
    %add3A_29 = arith.addi %mul3A_2, %add3A_28 : i32
    "tpu.region"() ({
      %run_scoped3A = tpu.sem_alloc : memref<!tpu.dma_semaphore, #tpu.memory_space<semaphore_mem>>
      %dma_start3A_162 = arith.constant 0 : i32
      %dma_start3A_163 = tpu.memref_slice %arg4[%add3A_29, %dma_start3A_162] : memref<10240x128xf32, #tpu.memory_space<vmem_shared>> -> memref<64x128xf32, #tpu.memory_space<vmem_shared>>
      %dma_start3A_164 = arith.constant 0 : i32
      %dma_start3A_165 = tpu.memref_slice %arg4[%add3A_29, %dma_start3A_164] : memref<10240x128xf32, #tpu.memory_space<vmem_shared>> -> memref<64x128xf32, #tpu.memory_space<vmem_shared>>
      tpu.enqueue_dma source(%arg6 : memref<64x128xf32, #tpu.memory_space<vmem>>) target(%dma_start3A_165 : memref<64x128xf32, #tpu.memory_space<vmem_shared>>) target_semaphore(%run_scoped3A : memref<!tpu.dma_semaphore, #tpu.memory_space<semaphore_mem>>)
      %dma_wait3A_166 = arith.constant 0 : i32
      %dma_wait3A_167 = tpu.memref_slice %arg4[%add3A_29, %dma_wait3A_166] : memref<10240x128xf32, #tpu.memory_space<vmem_shared>> -> memref<64x128xf32, #tpu.memory_space<vmem_shared>>
      %dma_wait3A_168 = arith.constant 0 : i32
      %dma_wait3A_169 = tpu.memref_slice %arg4[%add3A_29, %dma_wait3A_168] : memref<10240x128xf32, #tpu.memory_space<vmem_shared>> -> memref<64x128xf32, #tpu.memory_space<vmem_shared>>
      tpu.wait_dma2 semaphore(%run_scoped3A : memref<!tpu.dma_semaphore, #tpu.memory_space<semaphore_mem>>) src(%arg6 : memref<64x128xf32, #tpu.memory_space<vmem>>) dst(%dma_wait3A_169 : memref<64x128xf32, #tpu.memory_space<vmem_shared>>)
      tpu.yield
    }) : () -> ()
    %add3A_30 = arith.constant 448 : i32
    %add3A_31 = arith.addi %mul3A_2, %add3A_30 : i32
    "tpu.region"() ({
      %run_scoped3A = tpu.sem_alloc : memref<!tpu.dma_semaphore, #tpu.memory_space<semaphore_mem>>
      %dma_start3A_162 = arith.constant 0 : i32
      %dma_start3A_163 = tpu.memref_slice %arg4[%add3A_31, %dma_start3A_162] : memref<10240x128xf32, #tpu.memory_space<vmem_shared>> -> memref<64x128xf32, #tpu.memory_space<vmem_shared>>
      %dma_start3A_164 = arith.constant 0 : i32
      %dma_start3A_165 = tpu.memref_slice %arg4[%add3A_31, %dma_start3A_164] : memref<10240x128xf32, #tpu.memory_space<vmem_shared>> -> memref<64x128xf32, #tpu.memory_space<vmem_shared>>
      tpu.enqueue_dma source(%arg6 : memref<64x128xf32, #tpu.memory_space<vmem>>) target(%dma_start3A_165 : memref<64x128xf32, #tpu.memory_space<vmem_shared>>) target_semaphore(%run_scoped3A : memref<!tpu.dma_semaphore, #tpu.memory_space<semaphore_mem>>)
      %dma_wait3A_166 = arith.constant 0 : i32
      %dma_wait3A_167 = tpu.memref_slice %arg4[%add3A_31, %dma_wait3A_166] : memref<10240x128xf32, #tpu.memory_space<vmem_shared>> -> memref<64x128xf32, #tpu.memory_space<vmem_shared>>
      %dma_wait3A_168 = arith.constant 0 : i32
      %dma_wait3A_169 = tpu.memref_slice %arg4[%add3A_31, %dma_wait3A_168] : memref<10240x128xf32, #tpu.memory_space<vmem_shared>> -> memref<64x128xf32, #tpu.memory_space<vmem_shared>>
      tpu.wait_dma2 semaphore(%run_scoped3A : memref<!tpu.dma_semaphore, #tpu.memory_space<semaphore_mem>>) src(%arg6 : memref<64x128xf32, #tpu.memory_space<vmem>>) dst(%dma_wait3A_169 : memref<64x128xf32, #tpu.memory_space<vmem_shared>>)
      tpu.yield
    }) : () -> ()
    %add3A_32 = arith.constant 512 : i32
    %add3A_33 = arith.addi %mul3A_2, %add3A_32 : i32
    "tpu.region"() ({
      %run_scoped3A = tpu.sem_alloc : memref<!tpu.dma_semaphore, #tpu.memory_space<semaphore_mem>>
      %dma_start3A_162 = arith.constant 0 : i32
      %dma_start3A_163 = tpu.memref_slice %arg4[%add3A_33, %dma_start3A_162] : memref<10240x128xf32, #tpu.memory_space<vmem_shared>> -> memref<64x128xf32, #tpu.memory_space<vmem_shared>>
      %dma_start3A_164 = arith.constant 0 : i32
      %dma_start3A_165 = tpu.memref_slice %arg4[%add3A_33, %dma_start3A_164] : memref<10240x128xf32, #tpu.memory_space<vmem_shared>> -> memref<64x128xf32, #tpu.memory_space<vmem_shared>>
      tpu.enqueue_dma source(%arg6 : memref<64x128xf32, #tpu.memory_space<vmem>>) target(%dma_start3A_165 : memref<64x128xf32, #tpu.memory_space<vmem_shared>>) target_semaphore(%run_scoped3A : memref<!tpu.dma_semaphore, #tpu.memory_space<semaphore_mem>>)
      %dma_wait3A_166 = arith.constant 0 : i32
      %dma_wait3A_167 = tpu.memref_slice %arg4[%add3A_33, %dma_wait3A_166] : memref<10240x128xf32, #tpu.memory_space<vmem_shared>> -> memref<64x128xf32, #tpu.memory_space<vmem_shared>>
      %dma_wait3A_168 = arith.constant 0 : i32
      %dma_wait3A_169 = tpu.memref_slice %arg4[%add3A_33, %dma_wait3A_168] : memref<10240x128xf32, #tpu.memory_space<vmem_shared>> -> memref<64x128xf32, #tpu.memory_space<vmem_shared>>
      tpu.wait_dma2 semaphore(%run_scoped3A : memref<!tpu.dma_semaphore, #tpu.memory_space<semaphore_mem>>) src(%arg6 : memref<64x128xf32, #tpu.memory_space<vmem>>) dst(%dma_wait3A_169 : memref<64x128xf32, #tpu.memory_space<vmem_shared>>)
      tpu.yield
    }) : () -> ()
    %add3A_34 = arith.constant 576 : i32
    %add3A_35 = arith.addi %mul3A_2, %add3A_34 : i32
    "tpu.region"() ({
      %run_scoped3A = tpu.sem_alloc : memref<!tpu.dma_semaphore, #tpu.memory_space<semaphore_mem>>
      %dma_start3A_162 = arith.constant 0 : i32
      %dma_start3A_163 = tpu.memref_slice %arg4[%add3A_35, %dma_start3A_162] : memref<10240x128xf32, #tpu.memory_space<vmem_shared>> -> memref<64x128xf32, #tpu.memory_space<vmem_shared>>
      %dma_start3A_164 = arith.constant 0 : i32
      %dma_start3A_165 = tpu.memref_slice %arg4[%add3A_35, %dma_start3A_164] : memref<10240x128xf32, #tpu.memory_space<vmem_shared>> -> memref<64x128xf32, #tpu.memory_space<vmem_shared>>
      tpu.enqueue_dma source(%arg6 : memref<64x128xf32, #tpu.memory_space<vmem>>) target(%dma_start3A_165 : memref<64x128xf32, #tpu.memory_space<vmem_shared>>) target_semaphore(%run_scoped3A : memref<!tpu.dma_semaphore, #tpu.memory_space<semaphore_mem>>)
      %dma_wait3A_166 = arith.constant 0 : i32
      %dma_wait3A_167 = tpu.memref_slice %arg4[%add3A_35, %dma_wait3A_166] : memref<10240x128xf32, #tpu.memory_space<vmem_shared>> -> memref<64x128xf32, #tpu.memory_space<vmem_shared>>
      %dma_wait3A_168 = arith.constant 0 : i32
      %dma_wait3A_169 = tpu.memref_slice %arg4[%add3A_35, %dma_wait3A_168] : memref<10240x128xf32, #tpu.memory_space<vmem_shared>> -> memref<64x128xf32, #tpu.memory_space<vmem_shared>>
      tpu.wait_dma2 semaphore(%run_scoped3A : memref<!tpu.dma_semaphore, #tpu.memory_space<semaphore_mem>>) src(%arg6 : memref<64x128xf32, #tpu.memory_space<vmem>>) dst(%dma_wait3A_169 : memref<64x128xf32, #tpu.memory_space<vmem_shared>>)
      tpu.yield
    }) : () -> ()
    %scan3A_36 = arith.constant 0 : i32
    %scan3A_37 = arith.constant 0 : i32
    %scan3A_38 = arith.constant 64 : i32
    %scan3A_39 = arith.addi %scan3A_37, %scan3A_38 : i32
    %scan3A_40 = arith.constant 1 : i32
    scf.for %scan3A_162 = %scan3A_37 to %scan3A_39 step %scan3A_40  : i32 {
      %swap3A = arith.index_cast %scan3A_162 : i32 to index
      %swap3A_163 = arith.constant 0 : index
      %swap3A_164 = tpu.vector_load %arg6[%swap3A, %swap3A_163] {strides = array<i32>} : memref<64x128xf32, #tpu.memory_space<vmem>>, vector<1x16xf32>,
      %swap3A_165 = vector.shape_cast %swap3A_164 : vector<1x16xf32> to vector<16xf32>
      %swap3A_166 = vector.shape_cast %select_n3A : vector<16xf32> to vector<1x16xf32>
      tpu.vector_store %arg6[%swap3A, %swap3A_163], %swap3A_166 {strides = array<i32>} : memref<64x128xf32, #tpu.memory_space<vmem>>, vector<1x16xf32>,
    }
    %scan3A_41 = arith.constant 64 : i32
    %barrier3A = arith.constant 0 : index
    tpu.barrier barrier_id(%barrier3A)
    %dma_start3A = arith.constant 0 : i32
    %dma_start3A_42 = arith.constant 0 : i32
    %dma_start3A_43 = tpu.memref_slice %arg5[%dma_start3A, %dma_start3A_42] : memref<160x64xi32, #tpu.memory_space<vmem>> -> memref<1x64xi32, #tpu.memory_space<vmem>>
    %dma_start3A_44 = tpu.memref_squeeze %dma_start3A_43 : memref<1x64xi32, #tpu.memory_space<vmem>> -> memref<64xi32, #tpu.memory_space<vmem>>
    %dma_start3A_45 = arith.constant 0 : i32
    %dma_start3A_46 = arith.constant 0 : i32
    %dma_start3A_47 = tpu.memref_slice %arg4[%dma_start3A_45, %dma_start3A_46] : memref<10240x128xf32, #tpu.memory_space<vmem_shared>> -> memref<10240x128xf32, #tpu.memory_space<vmem_shared>>
    tpu.enqueue_indirect_dma source(%arg6 : memref<64x128xf32, #tpu.memory_space<vmem>>) target(%dma_start3A_47 : memref<10240x128xf32, #tpu.memory_space<vmem_shared>>) offsets(%dma_start3A_44 : memref<64xi32, #tpu.memory_space<vmem>>) semaphore(%arg7 : memref<!tpu.dma_semaphore, #tpu.memory_space<semaphore_mem>>) {add = true}
    %dma_start3A_48 = arith.constant 1 : i32
    %dma_start3A_49 = arith.constant 0 : i32
    %dma_start3A_50 = tpu.memref_slice %arg5[%dma_start3A_48, %dma_start3A_49] : memref<160x64xi32, #tpu.memory_space<vmem>> -> memref<1x64xi32, #tpu.memory_space<vmem>>
    %dma_start3A_51 = tpu.memref_squeeze %dma_start3A_50 : memref<1x64xi32, #tpu.memory_space<vmem>> -> memref<64xi32, #tpu.memory_space<vmem>>
    %dma_start3A_52 = arith.constant 0 : i32
    %dma_start3A_53 = arith.constant 0 : i32
    %dma_start3A_54 = tpu.memref_slice %arg4[%dma_start3A_52, %dma_start3A_53] : memref<10240x128xf32, #tpu.memory_space<vmem_shared>> -> memref<10240x128xf32, #tpu.memory_space<vmem_shared>>
    tpu.enqueue_indirect_dma source(%arg6 : memref<64x128xf32, #tpu.memory_space<vmem>>) target(%dma_start3A_54 : memref<10240x128xf32, #tpu.memory_space<vmem_shared>>) offsets(%dma_start3A_51 : memref<64xi32, #tpu.memory_space<vmem>>) semaphore(%arg7 : memref<!tpu.dma_semaphore, #tpu.memory_space<semaphore_mem>>) {add = true}
    %dma_start3A_55 = arith.constant 2 : i32
    %dma_start3A_56 = arith.constant 0 : i32
    %dma_start3A_57 = tpu.memref_slice %arg5[%dma_start3A_55, %dma_start3A_56] : memref<160x64xi32, #tpu.memory_space<vmem>> -> memref<1x64xi32, #tpu.memory_space<vmem>>
    %dma_start3A_58 = tpu.memref_squeeze %dma_start3A_57 : memref<1x64xi32, #tpu.memory_space<vmem>> -> memref<64xi32, #tpu.memory_space<vmem>>
    %dma_start3A_59 = arith.constant 0 : i32
    %dma_start3A_60 = arith.constant 0 : i32
    %dma_start3A_61 = tpu.memref_slice %arg4[%dma_start3A_59, %dma_start3A_60] : memref<10240x128xf32, #tpu.memory_space<vmem_shared>> -> memref<10240x128xf32, #tpu.memory_space<vmem_shared>>
    tpu.enqueue_indirect_dma source(%arg6 : memref<64x128xf32, #tpu.memory_space<vmem>>) target(%dma_start3A_61 : memref<10240x128xf32, #tpu.memory_space<vmem_shared>>) offsets(%dma_start3A_58 : memref<64xi32, #tpu.memory_space<vmem>>) semaphore(%arg7 : memref<!tpu.dma_semaphore, #tpu.memory_space<semaphore_mem>>) {add = true}
    %dma_start3A_62 = arith.constant 3 : i32
    %dma_start3A_63 = arith.constant 0 : i32
    %dma_start3A_64 = tpu.memref_slice %arg5[%dma_start3A_62, %dma_start3A_63] : memref<160x64xi32, #tpu.memory_space<vmem>> -> memref<1x64xi32, #tpu.memory_space<vmem>>
    %dma_start3A_65 = tpu.memref_squeeze %dma_start3A_64 : memref<1x64xi32, #tpu.memory_space<vmem>> -> memref<64xi32, #tpu.memory_space<vmem>>
    %dma_start3A_66 = arith.constant 0 : i32
    %dma_start3A_67 = arith.constant 0 : i32
    %dma_start3A_68 = tpu.memref_slice %arg4[%dma_start3A_66, %dma_start3A_67] : memref<10240x128xf32, #tpu.memory_space<vmem_shared>> -> memref<10240x128xf32, #tpu.memory_space<vmem_shared>>
    tpu.enqueue_indirect_dma source(%arg6 : memref<64x128xf32, #tpu.memory_space<vmem>>) target(%dma_start3A_68 : memref<10240x128xf32, #tpu.memory_space<vmem_shared>>) offsets(%dma_start3A_65 : memref<64xi32, #tpu.memory_space<vmem>>) semaphore(%arg7 : memref<!tpu.dma_semaphore, #tpu.memory_space<semaphore_mem>>) {add = true}
    %dma_start3A_69 = arith.constant 4 : i32
    %dma_start3A_70 = arith.constant 0 : i32
    %dma_start3A_71 = tpu.memref_slice %arg5[%dma_start3A_69, %dma_start3A_70] : memref<160x64xi32, #tpu.memory_space<vmem>> -> memref<1x64xi32, #tpu.memory_space<vmem>>
    %dma_start3A_72 = tpu.memref_squeeze %dma_start3A_71 : memref<1x64xi32, #tpu.memory_space<vmem>> -> memref<64xi32, #tpu.memory_space<vmem>>
    %dma_start3A_73 = arith.constant 0 : i32
    %dma_start3A_74 = arith.constant 0 : i32
    %dma_start3A_75 = tpu.memref_slice %arg4[%dma_start3A_73, %dma_start3A_74] : memref<10240x128xf32, #tpu.memory_space<vmem_shared>> -> memref<10240x128xf32, #tpu.memory_space<vmem_shared>>
    tpu.enqueue_indirect_dma source(%arg6 : memref<64x128xf32, #tpu.memory_space<vmem>>) target(%dma_start3A_75 : memref<10240x128xf32, #tpu.memory_space<vmem_shared>>) offsets(%dma_start3A_72 : memref<64xi32, #tpu.memory_space<vmem>>) semaphore(%arg7 : memref<!tpu.dma_semaphore, #tpu.memory_space<semaphore_mem>>) {add = true}
    %dma_start3A_76 = arith.constant 5 : i32
    %dma_start3A_77 = arith.constant 0 : i32
    %dma_start3A_78 = tpu.memref_slice %arg5[%dma_start3A_76, %dma_start3A_77] : memref<160x64xi32, #tpu.memory_space<vmem>> -> memref<1x64xi32, #tpu.memory_space<vmem>>
    %dma_start3A_79 = tpu.memref_squeeze %dma_start3A_78 : memref<1x64xi32, #tpu.memory_space<vmem>> -> memref<64xi32, #tpu.memory_space<vmem>>
    %dma_start3A_80 = arith.constant 0 : i32
    %dma_start3A_81 = arith.constant 0 : i32
    %dma_start3A_82 = tpu.memref_slice %arg4[%dma_start3A_80, %dma_start3A_81] : memref<10240x128xf32, #tpu.memory_space<vmem_shared>> -> memref<10240x128xf32, #tpu.memory_space<vmem_shared>>
    tpu.enqueue_indirect_dma source(%arg6 : memref<64x128xf32, #tpu.memory_space<vmem>>) target(%dma_start3A_82 : memref<10240x128xf32, #tpu.memory_space<vmem_shared>>) offsets(%dma_start3A_79 : memref<64xi32, #tpu.memory_space<vmem>>) semaphore(%arg7 : memref<!tpu.dma_semaphore, #tpu.memory_space<semaphore_mem>>) {add = true}
    %dma_start3A_83 = arith.constant 6 : i32
    %dma_start3A_84 = arith.constant 0 : i32
    %dma_start3A_85 = tpu.memref_slice %arg5[%dma_start3A_83, %dma_start3A_84] : memref<160x64xi32, #tpu.memory_space<vmem>> -> memref<1x64xi32, #tpu.memory_space<vmem>>
    %dma_start3A_86 = tpu.memref_squeeze %dma_start3A_85 : memref<1x64xi32, #tpu.memory_space<vmem>> -> memref<64xi32, #tpu.memory_space<vmem>>
    %dma_start3A_87 = arith.constant 0 : i32
    %dma_start3A_88 = arith.constant 0 : i32
    %dma_start3A_89 = tpu.memref_slice %arg4[%dma_start3A_87, %dma_start3A_88] : memref<10240x128xf32, #tpu.memory_space<vmem_shared>> -> memref<10240x128xf32, #tpu.memory_space<vmem_shared>>
    tpu.enqueue_indirect_dma source(%arg6 : memref<64x128xf32, #tpu.memory_space<vmem>>) target(%dma_start3A_89 : memref<10240x128xf32, #tpu.memory_space<vmem_shared>>) offsets(%dma_start3A_86 : memref<64xi32, #tpu.memory_space<vmem>>) semaphore(%arg7 : memref<!tpu.dma_semaphore, #tpu.memory_space<semaphore_mem>>) {add = true}
    %dma_start3A_90 = arith.constant 7 : i32
    %dma_start3A_91 = arith.constant 0 : i32
    %dma_start3A_92 = tpu.memref_slice %arg5[%dma_start3A_90, %dma_start3A_91] : memref<160x64xi32, #tpu.memory_space<vmem>> -> memref<1x64xi32, #tpu.memory_space<vmem>>
    %dma_start3A_93 = tpu.memref_squeeze %dma_start3A_92 : memref<1x64xi32, #tpu.memory_space<vmem>> -> memref<64xi32, #tpu.memory_space<vmem>>
    %dma_start3A_94 = arith.constant 0 : i32
    %dma_start3A_95 = arith.constant 0 : i32
    %dma_start3A_96 = tpu.memref_slice %arg4[%dma_start3A_94, %dma_start3A_95] : memref<10240x128xf32, #tpu.memory_space<vmem_shared>> -> memref<10240x128xf32, #tpu.memory_space<vmem_shared>>
    tpu.enqueue_indirect_dma source(%arg6 : memref<64x128xf32, #tpu.memory_space<vmem>>) target(%dma_start3A_96 : memref<10240x128xf32, #tpu.memory_space<vmem_shared>>) offsets(%dma_start3A_93 : memref<64xi32, #tpu.memory_space<vmem>>) semaphore(%arg7 : memref<!tpu.dma_semaphore, #tpu.memory_space<semaphore_mem>>) {add = true}
    %scan3A_97 = arith.constant 0 : i32
    %scan3A_98 = arith.constant 0 : i32
    %scan3A_99 = arith.constant 152 : i32
    %scan3A_100 = arith.addi %scan3A_98, %scan3A_99 : i32
    %scan3A_101 = arith.constant 1 : i32
    scf.for %scan3A_162 = %scan3A_98 to %scan3A_100 step %scan3A_101  : i32 {
      %dma_wait3A_163 = arith.constant 0 : i32
      %dma_wait3A_164 = tpu.memref_slice %arg5[%scan3A_162, %dma_wait3A_163] : memref<160x64xi32, #tpu.memory_space<vmem>> -> memref<1x64xi32, #tpu.memory_space<vmem>>
      %dma_wait3A_165 = tpu.memref_squeeze %dma_wait3A_164 : memref<1x64xi32, #tpu.memory_space<vmem>> -> memref<64xi32, #tpu.memory_space<vmem>>
      %dma_wait3A_166 = arith.constant 0 : i32
      %dma_wait3A_167 = arith.constant 0 : i32
      %dma_wait3A_168 = tpu.memref_slice %arg4[%dma_wait3A_166, %dma_wait3A_167] : memref<10240x128xf32, #tpu.memory_space<vmem_shared>> -> memref<10240x128xf32, #tpu.memory_space<vmem_shared>>
      tpu.wait_indirect_dma semaphore(%arg7 : memref<!tpu.dma_semaphore, #tpu.memory_space<semaphore_mem>>) src(%arg6 : memref<64x128xf32, #tpu.memory_space<vmem>>) dst(%dma_wait3A_168 : memref<10240x128xf32, #tpu.memory_space<vmem_shared>>)
      %add3A_169 = arith.constant 8 : i32
      %add3A_170 = arith.addi %scan3A_162, %add3A_169 : i32
      %dma_start3A_171 = arith.constant 0 : i32
      %dma_start3A_172 = tpu.memref_slice %arg5[%add3A_170, %dma_start3A_171] : memref<160x64xi32, #tpu.memory_space<vmem>> -> memref<1x64xi32, #tpu.memory_space<vmem>>
      %dma_start3A_173 = tpu.memref_squeeze %dma_start3A_172 : memref<1x64xi32, #tpu.memory_space<vmem>> -> memref<64xi32, #tpu.memory_space<vmem>>
      %dma_start3A_174 = arith.constant 0 : i32
      %dma_start3A_175 = arith.constant 0 : i32
      %dma_start3A_176 = tpu.memref_slice %arg4[%dma_start3A_174, %dma_start3A_175] : memref<10240x128xf32, #tpu.memory_space<vmem_shared>> -> memref<10240x128xf32, #tpu.memory_space<vmem_shared>>
      tpu.enqueue_indirect_dma source(%arg6 : memref<64x128xf32, #tpu.memory_space<vmem>>) target(%dma_start3A_176 : memref<10240x128xf32, #tpu.memory_space<vmem_shared>>) offsets(%dma_start3A_173 : memref<64xi32, #tpu.memory_space<vmem>>) semaphore(%arg7 : memref<!tpu.dma_semaphore, #tpu.memory_space<semaphore_mem>>) {add = true}
    }
    %scan3A_102 = arith.constant 152 : i32
    %dma_wait3A = arith.constant 152 : i32
    %dma_wait3A_103 = arith.constant 0 : i32
    %dma_wait3A_104 = tpu.memref_slice %arg5[%dma_wait3A, %dma_wait3A_103] : memref<160x64xi32, #tpu.memory_space<vmem>> -> memref<1x64xi32, #tpu.memory_space<vmem>>
    %dma_wait3A_105 = tpu.memref_squeeze %dma_wait3A_104 : memref<1x64xi32, #tpu.memory_space<vmem>> -> memref<64xi32, #tpu.memory_space<vmem>>
    %dma_wait3A_106 = arith.constant 0 : i32
    %dma_wait3A_107 = arith.constant 0 : i32
    %dma_wait3A_108 = tpu.memref_slice %arg4[%dma_wait3A_106, %dma_wait3A_107] : memref<10240x128xf32, #tpu.memory_space<vmem_shared>> -> memref<10240x128xf32, #tpu.memory_space<vmem_shared>>
    tpu.wait_indirect_dma semaphore(%arg7 : memref<!tpu.dma_semaphore, #tpu.memory_space<semaphore_mem>>) src(%arg6 : memref<64x128xf32, #tpu.memory_space<vmem>>) dst(%dma_wait3A_108 : memref<10240x128xf32, #tpu.memory_space<vmem_shared>>)
    %dma_wait3A_109 = arith.constant 153 : i32
    %dma_wait3A_110 = arith.constant 0 : i32
    %dma_wait3A_111 = tpu.memref_slice %arg5[%dma_wait3A_109, %dma_wait3A_110] : memref<160x64xi32, #tpu.memory_space<vmem>> -> memref<1x64xi32, #tpu.memory_space<vmem>>
    %dma_wait3A_112 = tpu.memref_squeeze %dma_wait3A_111 : memref<1x64xi32, #tpu.memory_space<vmem>> -> memref<64xi32, #tpu.memory_space<vmem>>
    %dma_wait3A_113 = arith.constant 0 : i32
    %dma_wait3A_114 = arith.constant 0 : i32
    %dma_wait3A_115 = tpu.memref_slice %arg4[%dma_wait3A_113, %dma_wait3A_114] : memref<10240x128xf32, #tpu.memory_space<vmem_shared>> -> memref<10240x128xf32, #tpu.memory_space<vmem_shared>>
    tpu.wait_indirect_dma semaphore(%arg7 : memref<!tpu.dma_semaphore, #tpu.memory_space<semaphore_mem>>) src(%arg6 : memref<64x128xf32, #tpu.memory_space<vmem>>) dst(%dma_wait3A_115 : memref<10240x128xf32, #tpu.memory_space<vmem_shared>>)
    %dma_wait3A_116 = arith.constant 154 : i32
    %dma_wait3A_117 = arith.constant 0 : i32
    %dma_wait3A_118 = tpu.memref_slice %arg5[%dma_wait3A_116, %dma_wait3A_117] : memref<160x64xi32, #tpu.memory_space<vmem>> -> memref<1x64xi32, #tpu.memory_space<vmem>>
    %dma_wait3A_119 = tpu.memref_squeeze %dma_wait3A_118 : memref<1x64xi32, #tpu.memory_space<vmem>> -> memref<64xi32, #tpu.memory_space<vmem>>
    %dma_wait3A_120 = arith.constant 0 : i32
    %dma_wait3A_121 = arith.constant 0 : i32
    %dma_wait3A_122 = tpu.memref_slice %arg4[%dma_wait3A_120, %dma_wait3A_121] : memref<10240x128xf32, #tpu.memory_space<vmem_shared>> -> memref<10240x128xf32, #tpu.memory_space<vmem_shared>>
    tpu.wait_indirect_dma semaphore(%arg7 : memref<!tpu.dma_semaphore, #tpu.memory_space<semaphore_mem>>) src(%arg6 : memref<64x128xf32, #tpu.memory_space<vmem>>) dst(%dma_wait3A_122 : memref<10240x128xf32, #tpu.memory_space<vmem_shared>>)
    %dma_wait3A_123 = arith.constant 155 : i32
    %dma_wait3A_124 = arith.constant 0 : i32
    %dma_wait3A_125 = tpu.memref_slice %arg5[%dma_wait3A_123, %dma_wait3A_124] : memref<160x64xi32, #tpu.memory_space<vmem>> -> memref<1x64xi32, #tpu.memory_space<vmem>>
    %dma_wait3A_126 = tpu.memref_squeeze %dma_wait3A_125 : memref<1x64xi32, #tpu.memory_space<vmem>> -> memref<64xi32, #tpu.memory_space<vmem>>
    %dma_wait3A_127 = arith.constant 0 : i32
    %dma_wait3A_128 = arith.constant 0 : i32
    %dma_wait3A_129 = tpu.memref_slice %arg4[%dma_wait3A_127, %dma_wait3A_128] : memref<10240x128xf32, #tpu.memory_space<vmem_shared>> -> memref<10240x128xf32, #tpu.memory_space<vmem_shared>>
    tpu.wait_indirect_dma semaphore(%arg7 : memref<!tpu.dma_semaphore, #tpu.memory_space<semaphore_mem>>) src(%arg6 : memref<64x128xf32, #tpu.memory_space<vmem>>) dst(%dma_wait3A_129 : memref<10240x128xf32, #tpu.memory_space<vmem_shared>>)
    %dma_wait3A_130 = arith.constant 156 : i32
    %dma_wait3A_131 = arith.constant 0 : i32
    %dma_wait3A_132 = tpu.memref_slice %arg5[%dma_wait3A_130, %dma_wait3A_131] : memref<160x64xi32, #tpu.memory_space<vmem>> -> memref<1x64xi32, #tpu.memory_space<vmem>>
    %dma_wait3A_133 = tpu.memref_squeeze %dma_wait3A_132 : memref<1x64xi32, #tpu.memory_space<vmem>> -> memref<64xi32, #tpu.memory_space<vmem>>
    %dma_wait3A_134 = arith.constant 0 : i32
    %dma_wait3A_135 = arith.constant 0 : i32
    %dma_wait3A_136 = tpu.memref_slice %arg4[%dma_wait3A_134, %dma_wait3A_135] : memref<10240x128xf32, #tpu.memory_space<vmem_shared>> -> memref<10240x128xf32, #tpu.memory_space<vmem_shared>>
    tpu.wait_indirect_dma semaphore(%arg7 : memref<!tpu.dma_semaphore, #tpu.memory_space<semaphore_mem>>) src(%arg6 : memref<64x128xf32, #tpu.memory_space<vmem>>) dst(%dma_wait3A_136 : memref<10240x128xf32, #tpu.memory_space<vmem_shared>>)
    %dma_wait3A_137 = arith.constant 157 : i32
    %dma_wait3A_138 = arith.constant 0 : i32
    %dma_wait3A_139 = tpu.memref_slice %arg5[%dma_wait3A_137, %dma_wait3A_138] : memref<160x64xi32, #tpu.memory_space<vmem>> -> memref<1x64xi32, #tpu.memory_space<vmem>>
    %dma_wait3A_140 = tpu.memref_squeeze %dma_wait3A_139 : memref<1x64xi32, #tpu.memory_space<vmem>> -> memref<64xi32, #tpu.memory_space<vmem>>
    %dma_wait3A_141 = arith.constant 0 : i32
    %dma_wait3A_142 = arith.constant 0 : i32
    %dma_wait3A_143 = tpu.memref_slice %arg4[%dma_wait3A_141, %dma_wait3A_142] : memref<10240x128xf32, #tpu.memory_space<vmem_shared>> -> memref<10240x128xf32, #tpu.memory_space<vmem_shared>>
    tpu.wait_indirect_dma semaphore(%arg7 : memref<!tpu.dma_semaphore, #tpu.memory_space<semaphore_mem>>) src(%arg6 : memref<64x128xf32, #tpu.memory_space<vmem>>) dst(%dma_wait3A_143 : memref<10240x128xf32, #tpu.memory_space<vmem_shared>>)
    %dma_wait3A_144 = arith.constant 158 : i32
    %dma_wait3A_145 = arith.constant 0 : i32
    %dma_wait3A_146 = tpu.memref_slice %arg5[%dma_wait3A_144, %dma_wait3A_145] : memref<160x64xi32, #tpu.memory_space<vmem>> -> memref<1x64xi32, #tpu.memory_space<vmem>>
    %dma_wait3A_147 = tpu.memref_squeeze %dma_wait3A_146 : memref<1x64xi32, #tpu.memory_space<vmem>> -> memref<64xi32, #tpu.memory_space<vmem>>
    %dma_wait3A_148 = arith.constant 0 : i32
    %dma_wait3A_149 = arith.constant 0 : i32
    %dma_wait3A_150 = tpu.memref_slice %arg4[%dma_wait3A_148, %dma_wait3A_149] : memref<10240x128xf32, #tpu.memory_space<vmem_shared>> -> memref<10240x128xf32, #tpu.memory_space<vmem_shared>>
    tpu.wait_indirect_dma semaphore(%arg7 : memref<!tpu.dma_semaphore, #tpu.memory_space<semaphore_mem>>) src(%arg6 : memref<64x128xf32, #tpu.memory_space<vmem>>) dst(%dma_wait3A_150 : memref<10240x128xf32, #tpu.memory_space<vmem_shared>>)
    %dma_wait3A_151 = arith.constant 159 : i32
    %dma_wait3A_152 = arith.constant 0 : i32
    %dma_wait3A_153 = tpu.memref_slice %arg5[%dma_wait3A_151, %dma_wait3A_152] : memref<160x64xi32, #tpu.memory_space<vmem>> -> memref<1x64xi32, #tpu.memory_space<vmem>>
    %dma_wait3A_154 = tpu.memref_squeeze %dma_wait3A_153 : memref<1x64xi32, #tpu.memory_space<vmem>> -> memref<64xi32, #tpu.memory_space<vmem>>
    %dma_wait3A_155 = arith.constant 0 : i32
    %dma_wait3A_156 = arith.constant 0 : i32
    %dma_wait3A_157 = tpu.memref_slice %arg4[%dma_wait3A_155, %dma_wait3A_156] : memref<10240x128xf32, #tpu.memory_space<vmem_shared>> -> memref<10240x128xf32, #tpu.memory_space<vmem_shared>>
    tpu.wait_indirect_dma semaphore(%arg7 : memref<!tpu.dma_semaphore, #tpu.memory_space<semaphore_mem>>) src(%arg6 : memref<64x128xf32, #tpu.memory_space<vmem>>) dst(%dma_wait3A_157 : memref<10240x128xf32, #tpu.memory_space<vmem_shared>>)
    %barrier3A_158 = arith.constant 0 : index
    tpu.barrier barrier_id(%barrier3A_158)
    %mul3A_159 = arith.constant 10240 : i32
    %mul3A_160 = arith.muli %arg0, %mul3A_159 : i32
    %add3A_161 = arith.addi %mul3A_160, %mul3A_2 : i32
    "tpu.region"() ({
      %run_scoped3A = tpu.sem_alloc : memref<!tpu.dma_semaphore, #tpu.memory_space<semaphore_mem>>
      %dma_start3A_162 = arith.constant 0 : i32
      %dma_start3A_163 = tpu.memref_slice %arg3[%add3A_161, %dma_start3A_162] : memref<20480x128xf32, #tpu.memory_space<hbm>> -> memref<640x128xf32, #tpu.memory_space<hbm>>
      %dma_start3A_164 = arith.constant 0 : i32
      %dma_start3A_165 = tpu.memref_slice %arg4[%mul3A_2, %dma_start3A_164] : memref<10240x128xf32, #tpu.memory_space<vmem_shared>> -> memref<640x128xf32, #tpu.memory_space<vmem_shared>>
      tpu.enqueue_dma source(%dma_start3A_165 : memref<640x128xf32, #tpu.memory_space<vmem_shared>>) target(%dma_start3A_163 : memref<640x128xf32, #tpu.memory_space<hbm>>) target_semaphore(%run_scoped3A : memref<!tpu.dma_semaphore, #tpu.memory_space<semaphore_mem>>)
      %dma_wait3A_166 = arith.constant 0 : i32
      %dma_wait3A_167 = tpu.memref_slice %arg3[%add3A_161, %dma_wait3A_166] : memref<20480x128xf32, #tpu.memory_space<hbm>> -> memref<640x128xf32, #tpu.memory_space<hbm>>
      %dma_wait3A_168 = arith.constant 0 : i32
      %dma_wait3A_169 = tpu.memref_slice %arg4[%mul3A_2, %dma_wait3A_168] : memref<10240x128xf32, #tpu.memory_space<vmem_shared>> -> memref<640x128xf32, #tpu.memory_space<vmem_shared>>
      tpu.wait_dma2 semaphore(%run_scoped3A : memref<!tpu.dma_semaphore, #tpu.memory_space<semaphore_mem>>) src(%dma_wait3A_169 : memref<640x128xf32, #tpu.memory_space<vmem_shared>>) dst(%dma_wait3A_167 : memref<640x128xf32, #tpu.memory_space<hbm>>)
      tpu.yield
    }) : () -> ()
    return
  }
}

#map = affine_map<(d0, d1) -> (0, 0)>
module attributes {stable_mosaic.version = 14 : i64} {
  func.func @k(%arg0: i32, %arg1: i32, %arg2: memref<10240x128xf32, #tpu.memory_space<hbm>>, %arg3: memref<5120x64xi32, #tpu.memory_space<hbm>>, %arg4: memref<5120x64xi32, #tpu.memory_space<hbm>>, %arg5: memref<20480x128xf32, #tpu.memory_space<hbm>>, %arg6: memref<10240x128xf32, #tpu.memory_space<vmem_shared>>, %arg7: memref<5x64xi32, #tpu.memory_space<vmem>>, %arg8: memref<5x64xi32, #tpu.memory_space<vmem>>, %arg9: memref<64x128xf32, #tpu.memory_space<vmem>>, %arg10: memref<64x128xf32, #tpu.memory_space<vmem>>, %arg11: memref<64x128xf32, #tpu.memory_space<vmem>>, %arg12: memref<64x128xf32, #tpu.memory_space<vmem>>, %arg13: memref<64x128xf32, #tpu.memory_space<vmem>>, %arg14: memref<!tpu.dma_semaphore, #tpu.memory_space<semaphore_mem>>, %arg15: memref<!tpu.dma_semaphore, #tpu.memory_space<semaphore_mem>>, %arg16: memref<!tpu.dma_semaphore, #tpu.memory_space<semaphore_mem>>, %arg17: memref<!tpu.dma_semaphore, #tpu.memory_space<semaphore_mem>>, %arg18: memref<!tpu.dma_semaphore, #tpu.memory_space<semaphore_mem>>, %arg19: memref<!tpu.dma_semaphore, #tpu.memory_space<semaphore_mem>>, %arg20: memref<!tpu.dma_semaphore, #tpu.memory_space<semaphore_mem>>, %arg21: memref<!tpu.dma_semaphore, #tpu.memory_space<semaphore_mem>>, %arg22: memref<!tpu.dma_semaphore, #tpu.memory_space<semaphore_mem>>, %arg23: memref<!tpu.dma_semaphore, #tpu.memory_space<semaphore_mem>>, %arg24: memref<!tpu.dma_semaphore, #tpu.memory_space<semaphore_mem>>, %arg25: memref<!tpu.dma_semaphore, #tpu.memory_space<semaphore_mem>>, %arg26: memref<!tpu.dma_semaphore, #tpu.memory_space<semaphore_mem>>, %arg27: memref<!tpu.dma_semaphore, #tpu.memory_space<semaphore_mem>>, %arg28: memref<!tpu.dma_semaphore, #tpu.memory_space<semaphore_mem>>, %arg29: memref<!tpu.dma_semaphore, #tpu.memory_space<semaphore_mem>>, %arg30: memref<!tpu.dma_semaphore, #tpu.memory_space<semaphore_mem>>, %arg31: memref<!tpu.dma_semaphore, #tpu.memory_space<semaphore_mem>>, %arg32: memref<!tpu.dma_semaphore, #tpu.memory_space<semaphore_mem>>, %arg33: memref<!tpu.dma_semaphore, #tpu.memory_space<semaphore_mem>>) attributes {dimension_semantics = [#tpu.dimension_semantics<core_parallel>, #tpu.dimension_semantics<subcore_parallel>], iteration_bounds = array<i64: 2, 16>, scalar_prefetch = 0 : i64, scratch_operands = 28 : i64, tpu.core_type = #tpu.core_type<sc_vector_subcore>, window_params = [{transform_indices = #map}, {transform_indices = #map}, {transform_indices = #map}, {transform_indices = #map}]} {
    %mul3A = arith.constant 16 : i32
    %mul3A_0 = arith.muli %arg0, %mul3A : i32
    %add3A = arith.addi %mul3A_0, %arg1 : i32
    %mul3A_1 = arith.constant 640 : i32
    %mul3A_2 = arith.muli %arg1, %mul3A_1 : i32
    %mul3A_3 = arith.constant 160 : i32
    %mul3A_4 = arith.muli %add3A, %mul3A_3 : i32
    "tpu.region"() ({
      %run_scoped3A_651 = tpu.sem_alloc : memref<!tpu.dma_semaphore, #tpu.memory_space<semaphore_mem>>
      %dma_start3A_652 = arith.constant 0 : i32
      %dma_start3A_653 = tpu.memref_slice %arg6[%mul3A_2, %dma_start3A_652] : memref<10240x128xf32, #tpu.memory_space<vmem_shared>> -> memref<640x128xf32, #tpu.memory_space<vmem_shared>>
      %dma_start3A_654 = arith.constant 0 : i32
      %dma_start3A_655 = tpu.memref_slice %arg2[%mul3A_2, %dma_start3A_654] : memref<10240x128xf32, #tpu.memory_space<hbm>> -> memref<640x128xf32, #tpu.memory_space<hbm>>
      tpu.enqueue_dma source(%dma_start3A_655 : memref<640x128xf32, #tpu.memory_space<hbm>>) target(%dma_start3A_653 : memref<640x128xf32, #tpu.memory_space<vmem_shared>>) target_semaphore(%run_scoped3A_651 : memref<!tpu.dma_semaphore, #tpu.memory_space<semaphore_mem>>)
      %dma_wait3A_656 = arith.constant 0 : i32
      %dma_wait3A_657 = tpu.memref_slice %arg6[%mul3A_2, %dma_wait3A_656] : memref<10240x128xf32, #tpu.memory_space<vmem_shared>> -> memref<640x128xf32, #tpu.memory_space<vmem_shared>>
      %dma_wait3A_658 = arith.constant 0 : i32
      %dma_wait3A_659 = tpu.memref_slice %arg2[%mul3A_2, %dma_wait3A_658] : memref<10240x128xf32, #tpu.memory_space<hbm>> -> memref<640x128xf32, #tpu.memory_space<hbm>>
      tpu.wait_dma2 semaphore(%run_scoped3A_651 : memref<!tpu.dma_semaphore, #tpu.memory_space<semaphore_mem>>) src(%dma_wait3A_659 : memref<640x128xf32, #tpu.memory_space<hbm>>) dst(%dma_wait3A_657 : memref<640x128xf32, #tpu.memory_space<vmem_shared>>)
      tpu.yield
    }) : () -> ()
    %barrier3A = arith.constant 0 : index
    tpu.barrier barrier_id(%barrier3A)
    %add3A_5 = arith.constant 0 : i32
    %add3A_6 = arith.addi %mul3A_4, %add3A_5 : i32
    %run_scoped3A = arith.constant 0 : i32
    "tpu.region"() ({
      %run_scoped3A_651 = tpu.sem_alloc : memref<!tpu.dma_semaphore, #tpu.memory_space<semaphore_mem>>
      %dma_start3A_652 = arith.constant 0 : i32
      %dma_start3A_653 = tpu.memref_slice %arg7[%run_scoped3A, %dma_start3A_652] : memref<5x64xi32, #tpu.memory_space<vmem>> -> memref<1x64xi32, #tpu.memory_space<vmem>>
      %dma_start3A_654 = tpu.memref_squeeze %dma_start3A_653 : memref<1x64xi32, #tpu.memory_space<vmem>> -> memref<64xi32, #tpu.memory_space<vmem>>
      %dma_start3A_655 = arith.constant 0 : i32
      %dma_start3A_656 = tpu.memref_slice %arg3[%add3A_6, %dma_start3A_655] : memref<5120x64xi32, #tpu.memory_space<hbm>> -> memref<1x64xi32, #tpu.memory_space<hbm>>
      %dma_start3A_657 = tpu.memref_squeeze %dma_start3A_656 : memref<1x64xi32, #tpu.memory_space<hbm>> -> memref<64xi32, #tpu.memory_space<hbm>>
      %dma_start3A_658 = arith.constant 0 : i32
      %dma_start3A_659 = tpu.memref_slice %arg7[%run_scoped3A, %dma_start3A_658] : memref<5x64xi32, #tpu.memory_space<vmem>> -> memref<1x64xi32, #tpu.memory_space<vmem>>
      %dma_start3A_660 = tpu.memref_squeeze %dma_start3A_659 : memref<1x64xi32, #tpu.memory_space<vmem>> -> memref<64xi32, #tpu.memory_space<vmem>>
      %dma_start3A_661 = arith.constant 0 : i32
      %dma_start3A_662 = tpu.memref_slice %arg3[%add3A_6, %dma_start3A_661] : memref<5120x64xi32, #tpu.memory_space<hbm>> -> memref<1x64xi32, #tpu.memory_space<hbm>>
      %dma_start3A_663 = tpu.memref_squeeze %dma_start3A_662 : memref<1x64xi32, #tpu.memory_space<hbm>> -> memref<64xi32, #tpu.memory_space<hbm>>
      tpu.enqueue_dma source(%dma_start3A_663 : memref<64xi32, #tpu.memory_space<hbm>>) target(%dma_start3A_660 : memref<64xi32, #tpu.memory_space<vmem>>) target_semaphore(%run_scoped3A_651 : memref<!tpu.dma_semaphore, #tpu.memory_space<semaphore_mem>>)
      %dma_wait3A_664 = arith.constant 0 : i32
      %dma_wait3A_665 = tpu.memref_slice %arg7[%run_scoped3A, %dma_wait3A_664] : memref<5x64xi32, #tpu.memory_space<vmem>> -> memref<1x64xi32, #tpu.memory_space<vmem>>
      %dma_wait3A_666 = tpu.memref_squeeze %dma_wait3A_665 : memref<1x64xi32, #tpu.memory_space<vmem>> -> memref<64xi32, #tpu.memory_space<vmem>>
      %dma_wait3A_667 = arith.constant 0 : i32
      %dma_wait3A_668 = tpu.memref_slice %arg3[%add3A_6, %dma_wait3A_667] : memref<5120x64xi32, #tpu.memory_space<hbm>> -> memref<1x64xi32, #tpu.memory_space<hbm>>
      %dma_wait3A_669 = tpu.memref_squeeze %dma_wait3A_668 : memref<1x64xi32, #tpu.memory_space<hbm>> -> memref<64xi32, #tpu.memory_space<hbm>>
      %dma_wait3A_670 = arith.constant 0 : i32
      %dma_wait3A_671 = tpu.memref_slice %arg7[%run_scoped3A, %dma_wait3A_670] : memref<5x64xi32, #tpu.memory_space<vmem>> -> memref<1x64xi32, #tpu.memory_space<vmem>>
      %dma_wait3A_672 = tpu.memref_squeeze %dma_wait3A_671 : memref<1x64xi32, #tpu.memory_space<vmem>> -> memref<64xi32, #tpu.memory_space<vmem>>
      %dma_wait3A_673 = arith.constant 0 : i32
      %dma_wait3A_674 = tpu.memref_slice %arg3[%add3A_6, %dma_wait3A_673] : memref<5120x64xi32, #tpu.memory_space<hbm>> -> memref<1x64xi32, #tpu.memory_space<hbm>>
      %dma_wait3A_675 = tpu.memref_squeeze %dma_wait3A_674 : memref<1x64xi32, #tpu.memory_space<hbm>> -> memref<64xi32, #tpu.memory_space<hbm>>
      tpu.wait_dma2 semaphore(%run_scoped3A_651 : memref<!tpu.dma_semaphore, #tpu.memory_space<semaphore_mem>>) src(%dma_wait3A_675 : memref<64xi32, #tpu.memory_space<hbm>>) dst(%dma_wait3A_672 : memref<64xi32, #tpu.memory_space<vmem>>)
      tpu.yield
    }) : () -> ()
    %add3A_7 = arith.constant 0 : i32
    %add3A_8 = arith.addi %mul3A_4, %add3A_7 : i32
    %run_scoped3A_9 = arith.constant 0 : i32
    "tpu.region"() ({
      %run_scoped3A_651 = tpu.sem_alloc : memref<!tpu.dma_semaphore, #tpu.memory_space<semaphore_mem>>
      %dma_start3A_652 = arith.constant 0 : i32
      %dma_start3A_653 = tpu.memref_slice %arg8[%run_scoped3A_9, %dma_start3A_652] : memref<5x64xi32, #tpu.memory_space<vmem>> -> memref<1x64xi32, #tpu.memory_space<vmem>>
      %dma_start3A_654 = tpu.memref_squeeze %dma_start3A_653 : memref<1x64xi32, #tpu.memory_space<vmem>> -> memref<64xi32, #tpu.memory_space<vmem>>
      %dma_start3A_655 = arith.constant 0 : i32
      %dma_start3A_656 = tpu.memref_slice %arg4[%add3A_8, %dma_start3A_655] : memref<5120x64xi32, #tpu.memory_space<hbm>> -> memref<1x64xi32, #tpu.memory_space<hbm>>
      %dma_start3A_657 = tpu.memref_squeeze %dma_start3A_656 : memref<1x64xi32, #tpu.memory_space<hbm>> -> memref<64xi32, #tpu.memory_space<hbm>>
      %dma_start3A_658 = arith.constant 0 : i32
      %dma_start3A_659 = tpu.memref_slice %arg8[%run_scoped3A_9, %dma_start3A_658] : memref<5x64xi32, #tpu.memory_space<vmem>> -> memref<1x64xi32, #tpu.memory_space<vmem>>
      %dma_start3A_660 = tpu.memref_squeeze %dma_start3A_659 : memref<1x64xi32, #tpu.memory_space<vmem>> -> memref<64xi32, #tpu.memory_space<vmem>>
      %dma_start3A_661 = arith.constant 0 : i32
      %dma_start3A_662 = tpu.memref_slice %arg4[%add3A_8, %dma_start3A_661] : memref<5120x64xi32, #tpu.memory_space<hbm>> -> memref<1x64xi32, #tpu.memory_space<hbm>>
      %dma_start3A_663 = tpu.memref_squeeze %dma_start3A_662 : memref<1x64xi32, #tpu.memory_space<hbm>> -> memref<64xi32, #tpu.memory_space<hbm>>
      tpu.enqueue_dma source(%dma_start3A_663 : memref<64xi32, #tpu.memory_space<hbm>>) target(%dma_start3A_660 : memref<64xi32, #tpu.memory_space<vmem>>) target_semaphore(%run_scoped3A_651 : memref<!tpu.dma_semaphore, #tpu.memory_space<semaphore_mem>>)
      %dma_wait3A_664 = arith.constant 0 : i32
      %dma_wait3A_665 = tpu.memref_slice %arg8[%run_scoped3A_9, %dma_wait3A_664] : memref<5x64xi32, #tpu.memory_space<vmem>> -> memref<1x64xi32, #tpu.memory_space<vmem>>
      %dma_wait3A_666 = tpu.memref_squeeze %dma_wait3A_665 : memref<1x64xi32, #tpu.memory_space<vmem>> -> memref<64xi32, #tpu.memory_space<vmem>>
      %dma_wait3A_667 = arith.constant 0 : i32
      %dma_wait3A_668 = tpu.memref_slice %arg4[%add3A_8, %dma_wait3A_667] : memref<5120x64xi32, #tpu.memory_space<hbm>> -> memref<1x64xi32, #tpu.memory_space<hbm>>
      %dma_wait3A_669 = tpu.memref_squeeze %dma_wait3A_668 : memref<1x64xi32, #tpu.memory_space<hbm>> -> memref<64xi32, #tpu.memory_space<hbm>>
      %dma_wait3A_670 = arith.constant 0 : i32
      %dma_wait3A_671 = tpu.memref_slice %arg8[%run_scoped3A_9, %dma_wait3A_670] : memref<5x64xi32, #tpu.memory_space<vmem>> -> memref<1x64xi32, #tpu.memory_space<vmem>>
      %dma_wait3A_672 = tpu.memref_squeeze %dma_wait3A_671 : memref<1x64xi32, #tpu.memory_space<vmem>> -> memref<64xi32, #tpu.memory_space<vmem>>
      %dma_wait3A_673 = arith.constant 0 : i32
      %dma_wait3A_674 = tpu.memref_slice %arg4[%add3A_8, %dma_wait3A_673] : memref<5120x64xi32, #tpu.memory_space<hbm>> -> memref<1x64xi32, #tpu.memory_space<hbm>>
      %dma_wait3A_675 = tpu.memref_squeeze %dma_wait3A_674 : memref<1x64xi32, #tpu.memory_space<hbm>> -> memref<64xi32, #tpu.memory_space<hbm>>
      tpu.wait_dma2 semaphore(%run_scoped3A_651 : memref<!tpu.dma_semaphore, #tpu.memory_space<semaphore_mem>>) src(%dma_wait3A_675 : memref<64xi32, #tpu.memory_space<hbm>>) dst(%dma_wait3A_672 : memref<64xi32, #tpu.memory_space<vmem>>)
      tpu.yield
    }) : () -> ()
    %add3A_10 = arith.constant 1 : i32
    %add3A_11 = arith.addi %mul3A_4, %add3A_10 : i32
    %run_scoped3A_12 = arith.constant 1 : i32
    "tpu.region"() ({
      %run_scoped3A_651 = tpu.sem_alloc : memref<!tpu.dma_semaphore, #tpu.memory_space<semaphore_mem>>
      %dma_start3A_652 = arith.constant 0 : i32
      %dma_start3A_653 = tpu.memref_slice %arg7[%run_scoped3A_12, %dma_start3A_652] : memref<5x64xi32, #tpu.memory_space<vmem>> -> memref<1x64xi32, #tpu.memory_space<vmem>>
      %dma_start3A_654 = tpu.memref_squeeze %dma_start3A_653 : memref<1x64xi32, #tpu.memory_space<vmem>> -> memref<64xi32, #tpu.memory_space<vmem>>
      %dma_start3A_655 = arith.constant 0 : i32
      %dma_start3A_656 = tpu.memref_slice %arg3[%add3A_11, %dma_start3A_655] : memref<5120x64xi32, #tpu.memory_space<hbm>> -> memref<1x64xi32, #tpu.memory_space<hbm>>
      %dma_start3A_657 = tpu.memref_squeeze %dma_start3A_656 : memref<1x64xi32, #tpu.memory_space<hbm>> -> memref<64xi32, #tpu.memory_space<hbm>>
      %dma_start3A_658 = arith.constant 0 : i32
      %dma_start3A_659 = tpu.memref_slice %arg7[%run_scoped3A_12, %dma_start3A_658] : memref<5x64xi32, #tpu.memory_space<vmem>> -> memref<1x64xi32, #tpu.memory_space<vmem>>
      %dma_start3A_660 = tpu.memref_squeeze %dma_start3A_659 : memref<1x64xi32, #tpu.memory_space<vmem>> -> memref<64xi32, #tpu.memory_space<vmem>>
      %dma_start3A_661 = arith.constant 0 : i32
      %dma_start3A_662 = tpu.memref_slice %arg3[%add3A_11, %dma_start3A_661] : memref<5120x64xi32, #tpu.memory_space<hbm>> -> memref<1x64xi32, #tpu.memory_space<hbm>>
      %dma_start3A_663 = tpu.memref_squeeze %dma_start3A_662 : memref<1x64xi32, #tpu.memory_space<hbm>> -> memref<64xi32, #tpu.memory_space<hbm>>
      tpu.enqueue_dma source(%dma_start3A_663 : memref<64xi32, #tpu.memory_space<hbm>>) target(%dma_start3A_660 : memref<64xi32, #tpu.memory_space<vmem>>) target_semaphore(%run_scoped3A_651 : memref<!tpu.dma_semaphore, #tpu.memory_space<semaphore_mem>>)
      %dma_wait3A_664 = arith.constant 0 : i32
      %dma_wait3A_665 = tpu.memref_slice %arg7[%run_scoped3A_12, %dma_wait3A_664] : memref<5x64xi32, #tpu.memory_space<vmem>> -> memref<1x64xi32, #tpu.memory_space<vmem>>
      %dma_wait3A_666 = tpu.memref_squeeze %dma_wait3A_665 : memref<1x64xi32, #tpu.memory_space<vmem>> -> memref<64xi32, #tpu.memory_space<vmem>>
      %dma_wait3A_667 = arith.constant 0 : i32
      %dma_wait3A_668 = tpu.memref_slice %arg3[%add3A_11, %dma_wait3A_667] : memref<5120x64xi32, #tpu.memory_space<hbm>> -> memref<1x64xi32, #tpu.memory_space<hbm>>
      %dma_wait3A_669 = tpu.memref_squeeze %dma_wait3A_668 : memref<1x64xi32, #tpu.memory_space<hbm>> -> memref<64xi32, #tpu.memory_space<hbm>>
      %dma_wait3A_670 = arith.constant 0 : i32
      %dma_wait3A_671 = tpu.memref_slice %arg7[%run_scoped3A_12, %dma_wait3A_670] : memref<5x64xi32, #tpu.memory_space<vmem>> -> memref<1x64xi32, #tpu.memory_space<vmem>>
      %dma_wait3A_672 = tpu.memref_squeeze %dma_wait3A_671 : memref<1x64xi32, #tpu.memory_space<vmem>> -> memref<64xi32, #tpu.memory_space<vmem>>
      %dma_wait3A_673 = arith.constant 0 : i32
      %dma_wait3A_674 = tpu.memref_slice %arg3[%add3A_11, %dma_wait3A_673] : memref<5120x64xi32, #tpu.memory_space<hbm>> -> memref<1x64xi32, #tpu.memory_space<hbm>>
      %dma_wait3A_675 = tpu.memref_squeeze %dma_wait3A_674 : memref<1x64xi32, #tpu.memory_space<hbm>> -> memref<64xi32, #tpu.memory_space<hbm>>
      tpu.wait_dma2 semaphore(%run_scoped3A_651 : memref<!tpu.dma_semaphore, #tpu.memory_space<semaphore_mem>>) src(%dma_wait3A_675 : memref<64xi32, #tpu.memory_space<hbm>>) dst(%dma_wait3A_672 : memref<64xi32, #tpu.memory_space<vmem>>)
      tpu.yield
    }) : () -> ()
    %add3A_13 = arith.constant 1 : i32
    %add3A_14 = arith.addi %mul3A_4, %add3A_13 : i32
    %run_scoped3A_15 = arith.constant 1 : i32
    "tpu.region"() ({
      %run_scoped3A_651 = tpu.sem_alloc : memref<!tpu.dma_semaphore, #tpu.memory_space<semaphore_mem>>
      %dma_start3A_652 = arith.constant 0 : i32
      %dma_start3A_653 = tpu.memref_slice %arg8[%run_scoped3A_15, %dma_start3A_652] : memref<5x64xi32, #tpu.memory_space<vmem>> -> memref<1x64xi32, #tpu.memory_space<vmem>>
      %dma_start3A_654 = tpu.memref_squeeze %dma_start3A_653 : memref<1x64xi32, #tpu.memory_space<vmem>> -> memref<64xi32, #tpu.memory_space<vmem>>
      %dma_start3A_655 = arith.constant 0 : i32
      %dma_start3A_656 = tpu.memref_slice %arg4[%add3A_14, %dma_start3A_655] : memref<5120x64xi32, #tpu.memory_space<hbm>> -> memref<1x64xi32, #tpu.memory_space<hbm>>
      %dma_start3A_657 = tpu.memref_squeeze %dma_start3A_656 : memref<1x64xi32, #tpu.memory_space<hbm>> -> memref<64xi32, #tpu.memory_space<hbm>>
      %dma_start3A_658 = arith.constant 0 : i32
      %dma_start3A_659 = tpu.memref_slice %arg8[%run_scoped3A_15, %dma_start3A_658] : memref<5x64xi32, #tpu.memory_space<vmem>> -> memref<1x64xi32, #tpu.memory_space<vmem>>
      %dma_start3A_660 = tpu.memref_squeeze %dma_start3A_659 : memref<1x64xi32, #tpu.memory_space<vmem>> -> memref<64xi32, #tpu.memory_space<vmem>>
      %dma_start3A_661 = arith.constant 0 : i32
      %dma_start3A_662 = tpu.memref_slice %arg4[%add3A_14, %dma_start3A_661] : memref<5120x64xi32, #tpu.memory_space<hbm>> -> memref<1x64xi32, #tpu.memory_space<hbm>>
      %dma_start3A_663 = tpu.memref_squeeze %dma_start3A_662 : memref<1x64xi32, #tpu.memory_space<hbm>> -> memref<64xi32, #tpu.memory_space<hbm>>
      tpu.enqueue_dma source(%dma_start3A_663 : memref<64xi32, #tpu.memory_space<hbm>>) target(%dma_start3A_660 : memref<64xi32, #tpu.memory_space<vmem>>) target_semaphore(%run_scoped3A_651 : memref<!tpu.dma_semaphore, #tpu.memory_space<semaphore_mem>>)
      %dma_wait3A_664 = arith.constant 0 : i32
      %dma_wait3A_665 = tpu.memref_slice %arg8[%run_scoped3A_15, %dma_wait3A_664] : memref<5x64xi32, #tpu.memory_space<vmem>> -> memref<1x64xi32, #tpu.memory_space<vmem>>
      %dma_wait3A_666 = tpu.memref_squeeze %dma_wait3A_665 : memref<1x64xi32, #tpu.memory_space<vmem>> -> memref<64xi32, #tpu.memory_space<vmem>>
      %dma_wait3A_667 = arith.constant 0 : i32
      %dma_wait3A_668 = tpu.memref_slice %arg4[%add3A_14, %dma_wait3A_667] : memref<5120x64xi32, #tpu.memory_space<hbm>> -> memref<1x64xi32, #tpu.memory_space<hbm>>
      %dma_wait3A_669 = tpu.memref_squeeze %dma_wait3A_668 : memref<1x64xi32, #tpu.memory_space<hbm>> -> memref<64xi32, #tpu.memory_space<hbm>>
      %dma_wait3A_670 = arith.constant 0 : i32
      %dma_wait3A_671 = tpu.memref_slice %arg8[%run_scoped3A_15, %dma_wait3A_670] : memref<5x64xi32, #tpu.memory_space<vmem>> -> memref<1x64xi32, #tpu.memory_space<vmem>>
      %dma_wait3A_672 = tpu.memref_squeeze %dma_wait3A_671 : memref<1x64xi32, #tpu.memory_space<vmem>> -> memref<64xi32, #tpu.memory_space<vmem>>
      %dma_wait3A_673 = arith.constant 0 : i32
      %dma_wait3A_674 = tpu.memref_slice %arg4[%add3A_14, %dma_wait3A_673] : memref<5120x64xi32, #tpu.memory_space<hbm>> -> memref<1x64xi32, #tpu.memory_space<hbm>>
      %dma_wait3A_675 = tpu.memref_squeeze %dma_wait3A_674 : memref<1x64xi32, #tpu.memory_space<hbm>> -> memref<64xi32, #tpu.memory_space<hbm>>
      tpu.wait_dma2 semaphore(%run_scoped3A_651 : memref<!tpu.dma_semaphore, #tpu.memory_space<semaphore_mem>>) src(%dma_wait3A_675 : memref<64xi32, #tpu.memory_space<hbm>>) dst(%dma_wait3A_672 : memref<64xi32, #tpu.memory_space<vmem>>)
      tpu.yield
    }) : () -> ()
    %add3A_16 = arith.constant 2 : i32
    %add3A_17 = arith.addi %mul3A_4, %add3A_16 : i32
    %run_scoped3A_18 = arith.constant 2 : i32
    "tpu.region"() ({
      %run_scoped3A_651 = tpu.sem_alloc : memref<!tpu.dma_semaphore, #tpu.memory_space<semaphore_mem>>
      %dma_start3A_652 = arith.constant 0 : i32
      %dma_start3A_653 = tpu.memref_slice %arg7[%run_scoped3A_18, %dma_start3A_652] : memref<5x64xi32, #tpu.memory_space<vmem>> -> memref<1x64xi32, #tpu.memory_space<vmem>>
      %dma_start3A_654 = tpu.memref_squeeze %dma_start3A_653 : memref<1x64xi32, #tpu.memory_space<vmem>> -> memref<64xi32, #tpu.memory_space<vmem>>
      %dma_start3A_655 = arith.constant 0 : i32
      %dma_start3A_656 = tpu.memref_slice %arg3[%add3A_17, %dma_start3A_655] : memref<5120x64xi32, #tpu.memory_space<hbm>> -> memref<1x64xi32, #tpu.memory_space<hbm>>
      %dma_start3A_657 = tpu.memref_squeeze %dma_start3A_656 : memref<1x64xi32, #tpu.memory_space<hbm>> -> memref<64xi32, #tpu.memory_space<hbm>>
      %dma_start3A_658 = arith.constant 0 : i32
      %dma_start3A_659 = tpu.memref_slice %arg7[%run_scoped3A_18, %dma_start3A_658] : memref<5x64xi32, #tpu.memory_space<vmem>> -> memref<1x64xi32, #tpu.memory_space<vmem>>
      %dma_start3A_660 = tpu.memref_squeeze %dma_start3A_659 : memref<1x64xi32, #tpu.memory_space<vmem>> -> memref<64xi32, #tpu.memory_space<vmem>>
      %dma_start3A_661 = arith.constant 0 : i32
      %dma_start3A_662 = tpu.memref_slice %arg3[%add3A_17, %dma_start3A_661] : memref<5120x64xi32, #tpu.memory_space<hbm>> -> memref<1x64xi32, #tpu.memory_space<hbm>>
      %dma_start3A_663 = tpu.memref_squeeze %dma_start3A_662 : memref<1x64xi32, #tpu.memory_space<hbm>> -> memref<64xi32, #tpu.memory_space<hbm>>
      tpu.enqueue_dma source(%dma_start3A_663 : memref<64xi32, #tpu.memory_space<hbm>>) target(%dma_start3A_660 : memref<64xi32, #tpu.memory_space<vmem>>) target_semaphore(%run_scoped3A_651 : memref<!tpu.dma_semaphore, #tpu.memory_space<semaphore_mem>>)
      %dma_wait3A_664 = arith.constant 0 : i32
      %dma_wait3A_665 = tpu.memref_slice %arg7[%run_scoped3A_18, %dma_wait3A_664] : memref<5x64xi32, #tpu.memory_space<vmem>> -> memref<1x64xi32, #tpu.memory_space<vmem>>
      %dma_wait3A_666 = tpu.memref_squeeze %dma_wait3A_665 : memref<1x64xi32, #tpu.memory_space<vmem>> -> memref<64xi32, #tpu.memory_space<vmem>>
      %dma_wait3A_667 = arith.constant 0 : i32
      %dma_wait3A_668 = tpu.memref_slice %arg3[%add3A_17, %dma_wait3A_667] : memref<5120x64xi32, #tpu.memory_space<hbm>> -> memref<1x64xi32, #tpu.memory_space<hbm>>
      %dma_wait3A_669 = tpu.memref_squeeze %dma_wait3A_668 : memref<1x64xi32, #tpu.memory_space<hbm>> -> memref<64xi32, #tpu.memory_space<hbm>>
      %dma_wait3A_670 = arith.constant 0 : i32
      %dma_wait3A_671 = tpu.memref_slice %arg7[%run_scoped3A_18, %dma_wait3A_670] : memref<5x64xi32, #tpu.memory_space<vmem>> -> memref<1x64xi32, #tpu.memory_space<vmem>>
      %dma_wait3A_672 = tpu.memref_squeeze %dma_wait3A_671 : memref<1x64xi32, #tpu.memory_space<vmem>> -> memref<64xi32, #tpu.memory_space<vmem>>
      %dma_wait3A_673 = arith.constant 0 : i32
      %dma_wait3A_674 = tpu.memref_slice %arg3[%add3A_17, %dma_wait3A_673] : memref<5120x64xi32, #tpu.memory_space<hbm>> -> memref<1x64xi32, #tpu.memory_space<hbm>>
      %dma_wait3A_675 = tpu.memref_squeeze %dma_wait3A_674 : memref<1x64xi32, #tpu.memory_space<hbm>> -> memref<64xi32, #tpu.memory_space<hbm>>
      tpu.wait_dma2 semaphore(%run_scoped3A_651 : memref<!tpu.dma_semaphore, #tpu.memory_space<semaphore_mem>>) src(%dma_wait3A_675 : memref<64xi32, #tpu.memory_space<hbm>>) dst(%dma_wait3A_672 : memref<64xi32, #tpu.memory_space<vmem>>)
      tpu.yield
    }) : () -> ()
    %add3A_19 = arith.constant 2 : i32
    %add3A_20 = arith.addi %mul3A_4, %add3A_19 : i32
    %run_scoped3A_21 = arith.constant 2 : i32
    "tpu.region"() ({
      %run_scoped3A_651 = tpu.sem_alloc : memref<!tpu.dma_semaphore, #tpu.memory_space<semaphore_mem>>
      %dma_start3A_652 = arith.constant 0 : i32
      %dma_start3A_653 = tpu.memref_slice %arg8[%run_scoped3A_21, %dma_start3A_652] : memref<5x64xi32, #tpu.memory_space<vmem>> -> memref<1x64xi32, #tpu.memory_space<vmem>>
      %dma_start3A_654 = tpu.memref_squeeze %dma_start3A_653 : memref<1x64xi32, #tpu.memory_space<vmem>> -> memref<64xi32, #tpu.memory_space<vmem>>
      %dma_start3A_655 = arith.constant 0 : i32
      %dma_start3A_656 = tpu.memref_slice %arg4[%add3A_20, %dma_start3A_655] : memref<5120x64xi32, #tpu.memory_space<hbm>> -> memref<1x64xi32, #tpu.memory_space<hbm>>
      %dma_start3A_657 = tpu.memref_squeeze %dma_start3A_656 : memref<1x64xi32, #tpu.memory_space<hbm>> -> memref<64xi32, #tpu.memory_space<hbm>>
      %dma_start3A_658 = arith.constant 0 : i32
      %dma_start3A_659 = tpu.memref_slice %arg8[%run_scoped3A_21, %dma_start3A_658] : memref<5x64xi32, #tpu.memory_space<vmem>> -> memref<1x64xi32, #tpu.memory_space<vmem>>
      %dma_start3A_660 = tpu.memref_squeeze %dma_start3A_659 : memref<1x64xi32, #tpu.memory_space<vmem>> -> memref<64xi32, #tpu.memory_space<vmem>>
      %dma_start3A_661 = arith.constant 0 : i32
      %dma_start3A_662 = tpu.memref_slice %arg4[%add3A_20, %dma_start3A_661] : memref<5120x64xi32, #tpu.memory_space<hbm>> -> memref<1x64xi32, #tpu.memory_space<hbm>>
      %dma_start3A_663 = tpu.memref_squeeze %dma_start3A_662 : memref<1x64xi32, #tpu.memory_space<hbm>> -> memref<64xi32, #tpu.memory_space<hbm>>
      tpu.enqueue_dma source(%dma_start3A_663 : memref<64xi32, #tpu.memory_space<hbm>>) target(%dma_start3A_660 : memref<64xi32, #tpu.memory_space<vmem>>) target_semaphore(%run_scoped3A_651 : memref<!tpu.dma_semaphore, #tpu.memory_space<semaphore_mem>>)
      %dma_wait3A_664 = arith.constant 0 : i32
      %dma_wait3A_665 = tpu.memref_slice %arg8[%run_scoped3A_21, %dma_wait3A_664] : memref<5x64xi32, #tpu.memory_space<vmem>> -> memref<1x64xi32, #tpu.memory_space<vmem>>
      %dma_wait3A_666 = tpu.memref_squeeze %dma_wait3A_665 : memref<1x64xi32, #tpu.memory_space<vmem>> -> memref<64xi32, #tpu.memory_space<vmem>>
      %dma_wait3A_667 = arith.constant 0 : i32
      %dma_wait3A_668 = tpu.memref_slice %arg4[%add3A_20, %dma_wait3A_667] : memref<5120x64xi32, #tpu.memory_space<hbm>> -> memref<1x64xi32, #tpu.memory_space<hbm>>
      %dma_wait3A_669 = tpu.memref_squeeze %dma_wait3A_668 : memref<1x64xi32, #tpu.memory_space<hbm>> -> memref<64xi32, #tpu.memory_space<hbm>>
      %dma_wait3A_670 = arith.constant 0 : i32
      %dma_wait3A_671 = tpu.memref_slice %arg8[%run_scoped3A_21, %dma_wait3A_670] : memref<5x64xi32, #tpu.memory_space<vmem>> -> memref<1x64xi32, #tpu.memory_space<vmem>>
      %dma_wait3A_672 = tpu.memref_squeeze %dma_wait3A_671 : memref<1x64xi32, #tpu.memory_space<vmem>> -> memref<64xi32, #tpu.memory_space<vmem>>
      %dma_wait3A_673 = arith.constant 0 : i32
      %dma_wait3A_674 = tpu.memref_slice %arg4[%add3A_20, %dma_wait3A_673] : memref<5120x64xi32, #tpu.memory_space<hbm>> -> memref<1x64xi32, #tpu.memory_space<hbm>>
      %dma_wait3A_675 = tpu.memref_squeeze %dma_wait3A_674 : memref<1x64xi32, #tpu.memory_space<hbm>> -> memref<64xi32, #tpu.memory_space<hbm>>
      tpu.wait_dma2 semaphore(%run_scoped3A_651 : memref<!tpu.dma_semaphore, #tpu.memory_space<semaphore_mem>>) src(%dma_wait3A_675 : memref<64xi32, #tpu.memory_space<hbm>>) dst(%dma_wait3A_672 : memref<64xi32, #tpu.memory_space<vmem>>)
      tpu.yield
    }) : () -> ()
    %add3A_22 = arith.constant 3 : i32
    %add3A_23 = arith.addi %mul3A_4, %add3A_22 : i32
    %run_scoped3A_24 = arith.constant 3 : i32
    "tpu.region"() ({
      %run_scoped3A_651 = tpu.sem_alloc : memref<!tpu.dma_semaphore, #tpu.memory_space<semaphore_mem>>
      %dma_start3A_652 = arith.constant 0 : i32
      %dma_start3A_653 = tpu.memref_slice %arg7[%run_scoped3A_24, %dma_start3A_652] : memref<5x64xi32, #tpu.memory_space<vmem>> -> memref<1x64xi32, #tpu.memory_space<vmem>>
      %dma_start3A_654 = tpu.memref_squeeze %dma_start3A_653 : memref<1x64xi32, #tpu.memory_space<vmem>> -> memref<64xi32, #tpu.memory_space<vmem>>
      %dma_start3A_655 = arith.constant 0 : i32
      %dma_start3A_656 = tpu.memref_slice %arg3[%add3A_23, %dma_start3A_655] : memref<5120x64xi32, #tpu.memory_space<hbm>> -> memref<1x64xi32, #tpu.memory_space<hbm>>
      %dma_start3A_657 = tpu.memref_squeeze %dma_start3A_656 : memref<1x64xi32, #tpu.memory_space<hbm>> -> memref<64xi32, #tpu.memory_space<hbm>>
      %dma_start3A_658 = arith.constant 0 : i32
      %dma_start3A_659 = tpu.memref_slice %arg7[%run_scoped3A_24, %dma_start3A_658] : memref<5x64xi32, #tpu.memory_space<vmem>> -> memref<1x64xi32, #tpu.memory_space<vmem>>
      %dma_start3A_660 = tpu.memref_squeeze %dma_start3A_659 : memref<1x64xi32, #tpu.memory_space<vmem>> -> memref<64xi32, #tpu.memory_space<vmem>>
      %dma_start3A_661 = arith.constant 0 : i32
      %dma_start3A_662 = tpu.memref_slice %arg3[%add3A_23, %dma_start3A_661] : memref<5120x64xi32, #tpu.memory_space<hbm>> -> memref<1x64xi32, #tpu.memory_space<hbm>>
      %dma_start3A_663 = tpu.memref_squeeze %dma_start3A_662 : memref<1x64xi32, #tpu.memory_space<hbm>> -> memref<64xi32, #tpu.memory_space<hbm>>
      tpu.enqueue_dma source(%dma_start3A_663 : memref<64xi32, #tpu.memory_space<hbm>>) target(%dma_start3A_660 : memref<64xi32, #tpu.memory_space<vmem>>) target_semaphore(%run_scoped3A_651 : memref<!tpu.dma_semaphore, #tpu.memory_space<semaphore_mem>>)
      %dma_wait3A_664 = arith.constant 0 : i32
      %dma_wait3A_665 = tpu.memref_slice %arg7[%run_scoped3A_24, %dma_wait3A_664] : memref<5x64xi32, #tpu.memory_space<vmem>> -> memref<1x64xi32, #tpu.memory_space<vmem>>
      %dma_wait3A_666 = tpu.memref_squeeze %dma_wait3A_665 : memref<1x64xi32, #tpu.memory_space<vmem>> -> memref<64xi32, #tpu.memory_space<vmem>>
      %dma_wait3A_667 = arith.constant 0 : i32
      %dma_wait3A_668 = tpu.memref_slice %arg3[%add3A_23, %dma_wait3A_667] : memref<5120x64xi32, #tpu.memory_space<hbm>> -> memref<1x64xi32, #tpu.memory_space<hbm>>
      %dma_wait3A_669 = tpu.memref_squeeze %dma_wait3A_668 : memref<1x64xi32, #tpu.memory_space<hbm>> -> memref<64xi32, #tpu.memory_space<hbm>>
      %dma_wait3A_670 = arith.constant 0 : i32
      %dma_wait3A_671 = tpu.memref_slice %arg7[%run_scoped3A_24, %dma_wait3A_670] : memref<5x64xi32, #tpu.memory_space<vmem>> -> memref<1x64xi32, #tpu.memory_space<vmem>>
      %dma_wait3A_672 = tpu.memref_squeeze %dma_wait3A_671 : memref<1x64xi32, #tpu.memory_space<vmem>> -> memref<64xi32, #tpu.memory_space<vmem>>
      %dma_wait3A_673 = arith.constant 0 : i32
      %dma_wait3A_674 = tpu.memref_slice %arg3[%add3A_23, %dma_wait3A_673] : memref<5120x64xi32, #tpu.memory_space<hbm>> -> memref<1x64xi32, #tpu.memory_space<hbm>>
      %dma_wait3A_675 = tpu.memref_squeeze %dma_wait3A_674 : memref<1x64xi32, #tpu.memory_space<hbm>> -> memref<64xi32, #tpu.memory_space<hbm>>
      tpu.wait_dma2 semaphore(%run_scoped3A_651 : memref<!tpu.dma_semaphore, #tpu.memory_space<semaphore_mem>>) src(%dma_wait3A_675 : memref<64xi32, #tpu.memory_space<hbm>>) dst(%dma_wait3A_672 : memref<64xi32, #tpu.memory_space<vmem>>)
      tpu.yield
    }) : () -> ()
    %add3A_25 = arith.constant 3 : i32
    %add3A_26 = arith.addi %mul3A_4, %add3A_25 : i32
    %run_scoped3A_27 = arith.constant 3 : i32
    "tpu.region"() ({
      %run_scoped3A_651 = tpu.sem_alloc : memref<!tpu.dma_semaphore, #tpu.memory_space<semaphore_mem>>
      %dma_start3A_652 = arith.constant 0 : i32
      %dma_start3A_653 = tpu.memref_slice %arg8[%run_scoped3A_27, %dma_start3A_652] : memref<5x64xi32, #tpu.memory_space<vmem>> -> memref<1x64xi32, #tpu.memory_space<vmem>>
      %dma_start3A_654 = tpu.memref_squeeze %dma_start3A_653 : memref<1x64xi32, #tpu.memory_space<vmem>> -> memref<64xi32, #tpu.memory_space<vmem>>
      %dma_start3A_655 = arith.constant 0 : i32
      %dma_start3A_656 = tpu.memref_slice %arg4[%add3A_26, %dma_start3A_655] : memref<5120x64xi32, #tpu.memory_space<hbm>> -> memref<1x64xi32, #tpu.memory_space<hbm>>
      %dma_start3A_657 = tpu.memref_squeeze %dma_start3A_656 : memref<1x64xi32, #tpu.memory_space<hbm>> -> memref<64xi32, #tpu.memory_space<hbm>>
      %dma_start3A_658 = arith.constant 0 : i32
      %dma_start3A_659 = tpu.memref_slice %arg8[%run_scoped3A_27, %dma_start3A_658] : memref<5x64xi32, #tpu.memory_space<vmem>> -> memref<1x64xi32, #tpu.memory_space<vmem>>
      %dma_start3A_660 = tpu.memref_squeeze %dma_start3A_659 : memref<1x64xi32, #tpu.memory_space<vmem>> -> memref<64xi32, #tpu.memory_space<vmem>>
      %dma_start3A_661 = arith.constant 0 : i32
      %dma_start3A_662 = tpu.memref_slice %arg4[%add3A_26, %dma_start3A_661] : memref<5120x64xi32, #tpu.memory_space<hbm>> -> memref<1x64xi32, #tpu.memory_space<hbm>>
      %dma_start3A_663 = tpu.memref_squeeze %dma_start3A_662 : memref<1x64xi32, #tpu.memory_space<hbm>> -> memref<64xi32, #tpu.memory_space<hbm>>
      tpu.enqueue_dma source(%dma_start3A_663 : memref<64xi32, #tpu.memory_space<hbm>>) target(%dma_start3A_660 : memref<64xi32, #tpu.memory_space<vmem>>) target_semaphore(%run_scoped3A_651 : memref<!tpu.dma_semaphore, #tpu.memory_space<semaphore_mem>>)
      %dma_wait3A_664 = arith.constant 0 : i32
      %dma_wait3A_665 = tpu.memref_slice %arg8[%run_scoped3A_27, %dma_wait3A_664] : memref<5x64xi32, #tpu.memory_space<vmem>> -> memref<1x64xi32, #tpu.memory_space<vmem>>
      %dma_wait3A_666 = tpu.memref_squeeze %dma_wait3A_665 : memref<1x64xi32, #tpu.memory_space<vmem>> -> memref<64xi32, #tpu.memory_space<vmem>>
      %dma_wait3A_667 = arith.constant 0 : i32
      %dma_wait3A_668 = tpu.memref_slice %arg4[%add3A_26, %dma_wait3A_667] : memref<5120x64xi32, #tpu.memory_space<hbm>> -> memref<1x64xi32, #tpu.memory_space<hbm>>
      %dma_wait3A_669 = tpu.memref_squeeze %dma_wait3A_668 : memref<1x64xi32, #tpu.memory_space<hbm>> -> memref<64xi32, #tpu.memory_space<hbm>>
      %dma_wait3A_670 = arith.constant 0 : i32
      %dma_wait3A_671 = tpu.memref_slice %arg8[%run_scoped3A_27, %dma_wait3A_670] : memref<5x64xi32, #tpu.memory_space<vmem>> -> memref<1x64xi32, #tpu.memory_space<vmem>>
      %dma_wait3A_672 = tpu.memref_squeeze %dma_wait3A_671 : memref<1x64xi32, #tpu.memory_space<vmem>> -> memref<64xi32, #tpu.memory_space<vmem>>
      %dma_wait3A_673 = arith.constant 0 : i32
      %dma_wait3A_674 = tpu.memref_slice %arg4[%add3A_26, %dma_wait3A_673] : memref<5120x64xi32, #tpu.memory_space<hbm>> -> memref<1x64xi32, #tpu.memory_space<hbm>>
      %dma_wait3A_675 = tpu.memref_squeeze %dma_wait3A_674 : memref<1x64xi32, #tpu.memory_space<hbm>> -> memref<64xi32, #tpu.memory_space<hbm>>
      tpu.wait_dma2 semaphore(%run_scoped3A_651 : memref<!tpu.dma_semaphore, #tpu.memory_space<semaphore_mem>>) src(%dma_wait3A_675 : memref<64xi32, #tpu.memory_space<hbm>>) dst(%dma_wait3A_672 : memref<64xi32, #tpu.memory_space<vmem>>)
      tpu.yield
    }) : () -> ()
    %dma_start3A = arith.constant 0 : i32
    %dma_start3A_28 = arith.constant 0 : i32
    %dma_start3A_29 = tpu.memref_slice %arg7[%dma_start3A, %dma_start3A_28] : memref<5x64xi32, #tpu.memory_space<vmem>> -> memref<1x64xi32, #tpu.memory_space<vmem>>
    %dma_start3A_30 = tpu.memref_squeeze %dma_start3A_29 : memref<1x64xi32, #tpu.memory_space<vmem>> -> memref<64xi32, #tpu.memory_space<vmem>>
    %dma_start3A_31 = arith.constant 0 : i32
    %dma_start3A_32 = arith.constant 0 : i32
    %dma_start3A_33 = tpu.memref_slice %arg2[%dma_start3A_31, %dma_start3A_32] : memref<10240x128xf32, #tpu.memory_space<hbm>> -> memref<10240x128xf32, #tpu.memory_space<hbm>>
    tpu.enqueue_indirect_dma source(%dma_start3A_33 : memref<10240x128xf32, #tpu.memory_space<hbm>>) target(%arg9 : memref<64x128xf32, #tpu.memory_space<vmem>>) offsets(%dma_start3A_30 : memref<64xi32, #tpu.memory_space<vmem>>) semaphore(%arg14 : memref<!tpu.dma_semaphore, #tpu.memory_space<semaphore_mem>>)
    %dma_start3A_34 = arith.constant 1 : i32
    %dma_start3A_35 = arith.constant 0 : i32
    %dma_start3A_36 = tpu.memref_slice %arg7[%dma_start3A_34, %dma_start3A_35] : memref<5x64xi32, #tpu.memory_space<vmem>> -> memref<1x64xi32, #tpu.memory_space<vmem>>
    %dma_start3A_37 = tpu.memref_squeeze %dma_start3A_36 : memref<1x64xi32, #tpu.memory_space<vmem>> -> memref<64xi32, #tpu.memory_space<vmem>>
    %dma_start3A_38 = arith.constant 0 : i32
    %dma_start3A_39 = arith.constant 0 : i32
    %dma_start3A_40 = tpu.memref_slice %arg2[%dma_start3A_38, %dma_start3A_39] : memref<10240x128xf32, #tpu.memory_space<hbm>> -> memref<10240x128xf32, #tpu.memory_space<hbm>>
    tpu.enqueue_indirect_dma source(%dma_start3A_40 : memref<10240x128xf32, #tpu.memory_space<hbm>>) target(%arg10 : memref<64x128xf32, #tpu.memory_space<vmem>>) offsets(%dma_start3A_37 : memref<64xi32, #tpu.memory_space<vmem>>) semaphore(%arg15 : memref<!tpu.dma_semaphore, #tpu.memory_space<semaphore_mem>>)
    %dma_start3A_41 = arith.constant 2 : i32
    %dma_start3A_42 = arith.constant 0 : i32
    %dma_start3A_43 = tpu.memref_slice %arg7[%dma_start3A_41, %dma_start3A_42] : memref<5x64xi32, #tpu.memory_space<vmem>> -> memref<1x64xi32, #tpu.memory_space<vmem>>
    %dma_start3A_44 = tpu.memref_squeeze %dma_start3A_43 : memref<1x64xi32, #tpu.memory_space<vmem>> -> memref<64xi32, #tpu.memory_space<vmem>>
    %dma_start3A_45 = arith.constant 0 : i32
    %dma_start3A_46 = arith.constant 0 : i32
    %dma_start3A_47 = tpu.memref_slice %arg2[%dma_start3A_45, %dma_start3A_46] : memref<10240x128xf32, #tpu.memory_space<hbm>> -> memref<10240x128xf32, #tpu.memory_space<hbm>>
    tpu.enqueue_indirect_dma source(%dma_start3A_47 : memref<10240x128xf32, #tpu.memory_space<hbm>>) target(%arg11 : memref<64x128xf32, #tpu.memory_space<vmem>>) offsets(%dma_start3A_44 : memref<64xi32, #tpu.memory_space<vmem>>) semaphore(%arg16 : memref<!tpu.dma_semaphore, #tpu.memory_space<semaphore_mem>>)
    %dma_start3A_48 = arith.constant 3 : i32
    %dma_start3A_49 = arith.constant 0 : i32
    %dma_start3A_50 = tpu.memref_slice %arg7[%dma_start3A_48, %dma_start3A_49] : memref<5x64xi32, #tpu.memory_space<vmem>> -> memref<1x64xi32, #tpu.memory_space<vmem>>
    %dma_start3A_51 = tpu.memref_squeeze %dma_start3A_50 : memref<1x64xi32, #tpu.memory_space<vmem>> -> memref<64xi32, #tpu.memory_space<vmem>>
    %dma_start3A_52 = arith.constant 0 : i32
    %dma_start3A_53 = arith.constant 0 : i32
    %dma_start3A_54 = tpu.memref_slice %arg2[%dma_start3A_52, %dma_start3A_53] : memref<10240x128xf32, #tpu.memory_space<hbm>> -> memref<10240x128xf32, #tpu.memory_space<hbm>>
    tpu.enqueue_indirect_dma source(%dma_start3A_54 : memref<10240x128xf32, #tpu.memory_space<hbm>>) target(%arg12 : memref<64x128xf32, #tpu.memory_space<vmem>>) offsets(%dma_start3A_51 : memref<64xi32, #tpu.memory_space<vmem>>) semaphore(%arg17 : memref<!tpu.dma_semaphore, #tpu.memory_space<semaphore_mem>>)
    %add3A_55 = arith.constant 4 : i32
    %add3A_56 = arith.addi %mul3A_4, %add3A_55 : i32
    %dma_start3A_57 = arith.constant 4 : i32
    %dma_start3A_58 = arith.constant 0 : i32
    %dma_start3A_59 = tpu.memref_slice %arg7[%dma_start3A_57, %dma_start3A_58] : memref<5x64xi32, #tpu.memory_space<vmem>> -> memref<1x64xi32, #tpu.memory_space<vmem>>
    %dma_start3A_60 = tpu.memref_squeeze %dma_start3A_59 : memref<1x64xi32, #tpu.memory_space<vmem>> -> memref<64xi32, #tpu.memory_space<vmem>>
    %dma_start3A_61 = arith.constant 0 : i32
    %dma_start3A_62 = tpu.memref_slice %arg3[%add3A_56, %dma_start3A_61] : memref<5120x64xi32, #tpu.memory_space<hbm>> -> memref<1x64xi32, #tpu.memory_space<hbm>>
    %dma_start3A_63 = tpu.memref_squeeze %dma_start3A_62 : memref<1x64xi32, #tpu.memory_space<hbm>> -> memref<64xi32, #tpu.memory_space<hbm>>
    %dma_start3A_64 = arith.constant 0 : i32
    %dma_start3A_65 = tpu.memref_slice %arg7[%dma_start3A_57, %dma_start3A_64] : memref<5x64xi32, #tpu.memory_space<vmem>> -> memref<1x64xi32, #tpu.memory_space<vmem>>
    %dma_start3A_66 = tpu.memref_squeeze %dma_start3A_65 : memref<1x64xi32, #tpu.memory_space<vmem>> -> memref<64xi32, #tpu.memory_space<vmem>>
    %dma_start3A_67 = arith.constant 0 : i32
    %dma_start3A_68 = tpu.memref_slice %arg3[%add3A_56, %dma_start3A_67] : memref<5120x64xi32, #tpu.memory_space<hbm>> -> memref<1x64xi32, #tpu.memory_space<hbm>>
    %dma_start3A_69 = tpu.memref_squeeze %dma_start3A_68 : memref<1x64xi32, #tpu.memory_space<hbm>> -> memref<64xi32, #tpu.memory_space<hbm>>
    tpu.enqueue_dma source(%dma_start3A_69 : memref<64xi32, #tpu.memory_space<hbm>>) target(%dma_start3A_66 : memref<64xi32, #tpu.memory_space<vmem>>) target_semaphore(%arg28 : memref<!tpu.dma_semaphore, #tpu.memory_space<semaphore_mem>>)
    %dma_wait3A = arith.constant 0 : i32
    %dma_wait3A_70 = arith.constant 0 : i32
    %dma_wait3A_71 = tpu.memref_slice %arg7[%dma_wait3A, %dma_wait3A_70] : memref<5x64xi32, #tpu.memory_space<vmem>> -> memref<1x64xi32, #tpu.memory_space<vmem>>
    %dma_wait3A_72 = tpu.memref_squeeze %dma_wait3A_71 : memref<1x64xi32, #tpu.memory_space<vmem>> -> memref<64xi32, #tpu.memory_space<vmem>>
    %dma_wait3A_73 = arith.constant 0 : i32
    %dma_wait3A_74 = arith.constant 0 : i32
    %dma_wait3A_75 = tpu.memref_slice %arg2[%dma_wait3A_73, %dma_wait3A_74] : memref<10240x128xf32, #tpu.memory_space<hbm>> -> memref<10240x128xf32, #tpu.memory_space<hbm>>
    tpu.wait_indirect_dma semaphore(%arg14 : memref<!tpu.dma_semaphore, #tpu.memory_space<semaphore_mem>>) src(%dma_wait3A_75 : memref<10240x128xf32, #tpu.memory_space<hbm>>) dst(%arg9 : memref<64x128xf32, #tpu.memory_space<vmem>>)
    %dma_start3A_76 = arith.constant 0 : i32
    %dma_start3A_77 = arith.constant 0 : i32
    %dma_start3A_78 = tpu.memref_slice %arg8[%dma_start3A_76, %dma_start3A_77] : memref<5x64xi32, #tpu.memory_space<vmem>> -> memref<1x64xi32, #tpu.memory_space<vmem>>
    %dma_start3A_79 = tpu.memref_squeeze %dma_start3A_78 : memref<1x64xi32, #tpu.memory_space<vmem>> -> memref<64xi32, #tpu.memory_space<vmem>>
    %dma_start3A_80 = arith.constant 0 : i32
    %dma_start3A_81 = arith.constant 0 : i32
    %dma_start3A_82 = tpu.memref_slice %arg6[%dma_start3A_80, %dma_start3A_81] : memref<10240x128xf32, #tpu.memory_space<vmem_shared>> -> memref<10240x128xf32, #tpu.memory_space<vmem_shared>>
    tpu.enqueue_indirect_dma source(%arg9 : memref<64x128xf32, #tpu.memory_space<vmem>>) target(%dma_start3A_82 : memref<10240x128xf32, #tpu.memory_space<vmem_shared>>) offsets(%dma_start3A_79 : memref<64xi32, #tpu.memory_space<vmem>>) semaphore(%arg19 : memref<!tpu.dma_semaphore, #tpu.memory_space<semaphore_mem>>) {add = true}
    %add3A_83 = arith.constant 5 : i32
    %add3A_84 = arith.addi %mul3A_4, %add3A_83 : i32
    %dma_start3A_85 = arith.constant 0 : i32
    %dma_start3A_86 = arith.constant 0 : i32
    %dma_start3A_87 = tpu.memref_slice %arg7[%dma_start3A_85, %dma_start3A_86] : memref<5x64xi32, #tpu.memory_space<vmem>> -> memref<1x64xi32, #tpu.memory_space<vmem>>
    %dma_start3A_88 = tpu.memref_squeeze %dma_start3A_87 : memref<1x64xi32, #tpu.memory_space<vmem>> -> memref<64xi32, #tpu.memory_space<vmem>>
    %dma_start3A_89 = arith.constant 0 : i32
    %dma_start3A_90 = tpu.memref_slice %arg3[%add3A_84, %dma_start3A_89] : memref<5120x64xi32, #tpu.memory_space<hbm>> -> memref<1x64xi32, #tpu.memory_space<hbm>>
    %dma_start3A_91 = tpu.memref_squeeze %dma_start3A_90 : memref<1x64xi32, #tpu.memory_space<hbm>> -> memref<64xi32, #tpu.memory_space<hbm>>
    %dma_start3A_92 = arith.constant 0 : i32
    %dma_start3A_93 = tpu.memref_slice %arg7[%dma_start3A_85, %dma_start3A_92] : memref<5x64xi32, #tpu.memory_space<vmem>> -> memref<1x64xi32, #tpu.memory_space<vmem>>
    %dma_start3A_94 = tpu.memref_squeeze %dma_start3A_93 : memref<1x64xi32, #tpu.memory_space<vmem>> -> memref<64xi32, #tpu.memory_space<vmem>>
    %dma_start3A_95 = arith.constant 0 : i32
    %dma_start3A_96 = tpu.memref_slice %arg3[%add3A_84, %dma_start3A_95] : memref<5120x64xi32, #tpu.memory_space<hbm>> -> memref<1x64xi32, #tpu.memory_space<hbm>>
    %dma_start3A_97 = tpu.memref_squeeze %dma_start3A_96 : memref<1x64xi32, #tpu.memory_space<hbm>> -> memref<64xi32, #tpu.memory_space<hbm>>
    tpu.enqueue_dma source(%dma_start3A_97 : memref<64xi32, #tpu.memory_space<hbm>>) target(%dma_start3A_94 : memref<64xi32, #tpu.memory_space<vmem>>) target_semaphore(%arg24 : memref<!tpu.dma_semaphore, #tpu.memory_space<semaphore_mem>>)
    %add3A_98 = arith.constant 4 : i32
    %add3A_99 = arith.addi %mul3A_4, %add3A_98 : i32
    %dma_start3A_100 = arith.constant 4 : i32
    %dma_start3A_101 = arith.constant 0 : i32
    %dma_start3A_102 = tpu.memref_slice %arg8[%dma_start3A_100, %dma_start3A_101] : memref<5x64xi32, #tpu.memory_space<vmem>> -> memref<1x64xi32, #tpu.memory_space<vmem>>
    %dma_start3A_103 = tpu.memref_squeeze %dma_start3A_102 : memref<1x64xi32, #tpu.memory_space<vmem>> -> memref<64xi32, #tpu.memory_space<vmem>>
    %dma_start3A_104 = arith.constant 0 : i32
    %dma_start3A_105 = tpu.memref_slice %arg4[%add3A_99, %dma_start3A_104] : memref<5120x64xi32, #tpu.memory_space<hbm>> -> memref<1x64xi32, #tpu.memory_space<hbm>>
    %dma_start3A_106 = tpu.memref_squeeze %dma_start3A_105 : memref<1x64xi32, #tpu.memory_space<hbm>> -> memref<64xi32, #tpu.memory_space<hbm>>
    %dma_start3A_107 = arith.constant 0 : i32
    %dma_start3A_108 = tpu.memref_slice %arg8[%dma_start3A_100, %dma_start3A_107] : memref<5x64xi32, #tpu.memory_space<vmem>> -> memref<1x64xi32, #tpu.memory_space<vmem>>
    %dma_start3A_109 = tpu.memref_squeeze %dma_start3A_108 : memref<1x64xi32, #tpu.memory_space<vmem>> -> memref<64xi32, #tpu.memory_space<vmem>>
    %dma_start3A_110 = arith.constant 0 : i32
    %dma_start3A_111 = tpu.memref_slice %arg4[%add3A_99, %dma_start3A_110] : memref<5120x64xi32, #tpu.memory_space<hbm>> -> memref<1x64xi32, #tpu.memory_space<hbm>>
    %dma_start3A_112 = tpu.memref_squeeze %dma_start3A_111 : memref<1x64xi32, #tpu.memory_space<hbm>> -> memref<64xi32, #tpu.memory_space<hbm>>
    tpu.enqueue_dma source(%dma_start3A_112 : memref<64xi32, #tpu.memory_space<hbm>>) target(%dma_start3A_109 : memref<64xi32, #tpu.memory_space<vmem>>) target_semaphore(%arg33 : memref<!tpu.dma_semaphore, #tpu.memory_space<semaphore_mem>>)
    %dma_wait3A_113 = arith.constant 4 : i32
    %dma_wait3A_114 = arith.constant 0 : i32
    %dma_wait3A_115 = tpu.memref_slice %arg7[%dma_wait3A_113, %dma_wait3A_114] : memref<5x64xi32, #tpu.memory_space<vmem>> -> memref<1x64xi32, #tpu.memory_space<vmem>>
    %dma_wait3A_116 = tpu.memref_squeeze %dma_wait3A_115 : memref<1x64xi32, #tpu.memory_space<vmem>> -> memref<64xi32, #tpu.memory_space<vmem>>
    %dma_wait3A_117 = arith.constant 0 : i32
    %dma_wait3A_118 = tpu.memref_slice %arg3[%mul3A_4, %dma_wait3A_117] : memref<5120x64xi32, #tpu.memory_space<hbm>> -> memref<1x64xi32, #tpu.memory_space<hbm>>
    %dma_wait3A_119 = tpu.memref_squeeze %dma_wait3A_118 : memref<1x64xi32, #tpu.memory_space<hbm>> -> memref<64xi32, #tpu.memory_space<hbm>>
    %dma_wait3A_120 = arith.constant 0 : i32
    %dma_wait3A_121 = tpu.memref_slice %arg7[%dma_wait3A_113, %dma_wait3A_120] : memref<5x64xi32, #tpu.memory_space<vmem>> -> memref<1x64xi32, #tpu.memory_space<vmem>>
    %dma_wait3A_122 = tpu.memref_squeeze %dma_wait3A_121 : memref<1x64xi32, #tpu.memory_space<vmem>> -> memref<64xi32, #tpu.memory_space<vmem>>
    %dma_wait3A_123 = arith.constant 0 : i32
    %dma_wait3A_124 = tpu.memref_slice %arg3[%mul3A_4, %dma_wait3A_123] : memref<5120x64xi32, #tpu.memory_space<hbm>> -> memref<1x64xi32, #tpu.memory_space<hbm>>
    %dma_wait3A_125 = tpu.memref_squeeze %dma_wait3A_124 : memref<1x64xi32, #tpu.memory_space<hbm>> -> memref<64xi32, #tpu.memory_space<hbm>>
    tpu.wait_dma2 semaphore(%arg28 : memref<!tpu.dma_semaphore, #tpu.memory_space<semaphore_mem>>) src(%dma_wait3A_125 : memref<64xi32, #tpu.memory_space<hbm>>) dst(%dma_wait3A_122 : memref<64xi32, #tpu.memory_space<vmem>>)
    %dma_start3A_126 = arith.constant 4 : i32
    %dma_start3A_127 = arith.constant 0 : i32
    %dma_start3A_128 = tpu.memref_slice %arg7[%dma_start3A_126, %dma_start3A_127] : memref<5x64xi32, #tpu.memory_space<vmem>> -> memref<1x64xi32, #tpu.memory_space<vmem>>
    %dma_start3A_129 = tpu.memref_squeeze %dma_start3A_128 : memref<1x64xi32, #tpu.memory_space<vmem>> -> memref<64xi32, #tpu.memory_space<vmem>>
    %dma_start3A_130 = arith.constant 0 : i32
    %dma_start3A_131 = arith.constant 0 : i32
    %dma_start3A_132 = tpu.memref_slice %arg2[%dma_start3A_130, %dma_start3A_131] : memref<10240x128xf32, #tpu.memory_space<hbm>> -> memref<10240x128xf32, #tpu.memory_space<hbm>>
    tpu.enqueue_indirect_dma source(%dma_start3A_132 : memref<10240x128xf32, #tpu.memory_space<hbm>>) target(%arg13 : memref<64x128xf32, #tpu.memory_space<vmem>>) offsets(%dma_start3A_129 : memref<64xi32, #tpu.memory_space<vmem>>) semaphore(%arg18 : memref<!tpu.dma_semaphore, #tpu.memory_space<semaphore_mem>>)
    %dma_wait3A_133 = arith.constant 1 : i32
    %dma_wait3A_134 = arith.constant 0 : i32
    %dma_wait3A_135 = tpu.memref_slice %arg7[%dma_wait3A_133, %dma_wait3A_134] : memref<5x64xi32, #tpu.memory_space<vmem>> -> memref<1x64xi32, #tpu.memory_space<vmem>>
    %dma_wait3A_136 = tpu.memref_squeeze %dma_wait3A_135 : memref<1x64xi32, #tpu.memory_space<vmem>> -> memref<64xi32, #tpu.memory_space<vmem>>
    %dma_wait3A_137 = arith.constant 0 : i32
    %dma_wait3A_138 = arith.constant 0 : i32
    %dma_wait3A_139 = tpu.memref_slice %arg2[%dma_wait3A_137, %dma_wait3A_138] : memref<10240x128xf32, #tpu.memory_space<hbm>> -> memref<10240x128xf32, #tpu.memory_space<hbm>>
    tpu.wait_indirect_dma semaphore(%arg15 : memref<!tpu.dma_semaphore, #tpu.memory_space<semaphore_mem>>) src(%dma_wait3A_139 : memref<10240x128xf32, #tpu.memory_space<hbm>>) dst(%arg10 : memref<64x128xf32, #tpu.memory_space<vmem>>)
    %dma_start3A_140 = arith.constant 1 : i32
    %dma_start3A_141 = arith.constant 0 : i32
    %dma_start3A_142 = tpu.memref_slice %arg8[%dma_start3A_140, %dma_start3A_141] : memref<5x64xi32, #tpu.memory_space<vmem>> -> memref<1x64xi32, #tpu.memory_space<vmem>>
    %dma_start3A_143 = tpu.memref_squeeze %dma_start3A_142 : memref<1x64xi32, #tpu.memory_space<vmem>> -> memref<64xi32, #tpu.memory_space<vmem>>
    %dma_start3A_144 = arith.constant 0 : i32
    %dma_start3A_145 = arith.constant 0 : i32
    %dma_start3A_146 = tpu.memref_slice %arg6[%dma_start3A_144, %dma_start3A_145] : memref<10240x128xf32, #tpu.memory_space<vmem_shared>> -> memref<10240x128xf32, #tpu.memory_space<vmem_shared>>
    tpu.enqueue_indirect_dma source(%arg10 : memref<64x128xf32, #tpu.memory_space<vmem>>) target(%dma_start3A_146 : memref<10240x128xf32, #tpu.memory_space<vmem_shared>>) offsets(%dma_start3A_143 : memref<64xi32, #tpu.memory_space<vmem>>) semaphore(%arg20 : memref<!tpu.dma_semaphore, #tpu.memory_space<semaphore_mem>>) {add = true}
    %dma_wait3A_147 = arith.constant 0 : i32
    %dma_wait3A_148 = arith.constant 0 : i32
    %dma_wait3A_149 = tpu.memref_slice %arg8[%dma_wait3A_147, %dma_wait3A_148] : memref<5x64xi32, #tpu.memory_space<vmem>> -> memref<1x64xi32, #tpu.memory_space<vmem>>
    %dma_wait3A_150 = tpu.memref_squeeze %dma_wait3A_149 : memref<1x64xi32, #tpu.memory_space<vmem>> -> memref<64xi32, #tpu.memory_space<vmem>>
    %dma_wait3A_151 = arith.constant 0 : i32
    %dma_wait3A_152 = arith.constant 0 : i32
    %dma_wait3A_153 = tpu.memref_slice %arg6[%dma_wait3A_151, %dma_wait3A_152] : memref<10240x128xf32, #tpu.memory_space<vmem_shared>> -> memref<10240x128xf32, #tpu.memory_space<vmem_shared>>
    tpu.wait_indirect_dma semaphore(%arg19 : memref<!tpu.dma_semaphore, #tpu.memory_space<semaphore_mem>>) src(%arg9 : memref<64x128xf32, #tpu.memory_space<vmem>>) dst(%dma_wait3A_153 : memref<10240x128xf32, #tpu.memory_space<vmem_shared>>)
    %add3A_154 = arith.constant 6 : i32
    %add3A_155 = arith.addi %mul3A_4, %add3A_154 : i32
    %dma_start3A_156 = arith.constant 1 : i32
    %dma_start3A_157 = arith.constant 0 : i32
    %dma_start3A_158 = tpu.memref_slice %arg7[%dma_start3A_156, %dma_start3A_157] : memref<5x64xi32, #tpu.memory_space<vmem>> -> memref<1x64xi32, #tpu.memory_space<vmem>>
    %dma_start3A_159 = tpu.memref_squeeze %dma_start3A_158 : memref<1x64xi32, #tpu.memory_space<vmem>> -> memref<64xi32, #tpu.memory_space<vmem>>
    %dma_start3A_160 = arith.constant 0 : i32
    %dma_start3A_161 = tpu.memref_slice %arg3[%add3A_155, %dma_start3A_160] : memref<5120x64xi32, #tpu.memory_space<hbm>> -> memref<1x64xi32, #tpu.memory_space<hbm>>
    %dma_start3A_162 = tpu.memref_squeeze %dma_start3A_161 : memref<1x64xi32, #tpu.memory_space<hbm>> -> memref<64xi32, #tpu.memory_space<hbm>>
    %dma_start3A_163 = arith.constant 0 : i32
    %dma_start3A_164 = tpu.memref_slice %arg7[%dma_start3A_156, %dma_start3A_163] : memref<5x64xi32, #tpu.memory_space<vmem>> -> memref<1x64xi32, #tpu.memory_space<vmem>>
    %dma_start3A_165 = tpu.memref_squeeze %dma_start3A_164 : memref<1x64xi32, #tpu.memory_space<vmem>> -> memref<64xi32, #tpu.memory_space<vmem>>
    %dma_start3A_166 = arith.constant 0 : i32
    %dma_start3A_167 = tpu.memref_slice %arg3[%add3A_155, %dma_start3A_166] : memref<5120x64xi32, #tpu.memory_space<hbm>> -> memref<1x64xi32, #tpu.memory_space<hbm>>
    %dma_start3A_168 = tpu.memref_squeeze %dma_start3A_167 : memref<1x64xi32, #tpu.memory_space<hbm>> -> memref<64xi32, #tpu.memory_space<hbm>>
    tpu.enqueue_dma source(%dma_start3A_168 : memref<64xi32, #tpu.memory_space<hbm>>) target(%dma_start3A_165 : memref<64xi32, #tpu.memory_space<vmem>>) target_semaphore(%arg25 : memref<!tpu.dma_semaphore, #tpu.memory_space<semaphore_mem>>)
    %add3A_169 = arith.constant 5 : i32
    %add3A_170 = arith.addi %mul3A_4, %add3A_169 : i32
    %dma_start3A_171 = arith.constant 0 : i32
    %dma_start3A_172 = arith.constant 0 : i32
    %dma_start3A_173 = tpu.memref_slice %arg8[%dma_start3A_171, %dma_start3A_172] : memref<5x64xi32, #tpu.memory_space<vmem>> -> memref<1x64xi32, #tpu.memory_space<vmem>>
    %dma_start3A_174 = tpu.memref_squeeze %dma_start3A_173 : memref<1x64xi32, #tpu.memory_space<vmem>> -> memref<64xi32, #tpu.memory_space<vmem>>
    %dma_start3A_175 = arith.constant 0 : i32
    %dma_start3A_176 = tpu.memref_slice %arg4[%add3A_170, %dma_start3A_175] : memref<5120x64xi32, #tpu.memory_space<hbm>> -> memref<1x64xi32, #tpu.memory_space<hbm>>
    %dma_start3A_177 = tpu.memref_squeeze %dma_start3A_176 : memref<1x64xi32, #tpu.memory_space<hbm>> -> memref<64xi32, #tpu.memory_space<hbm>>
    %dma_start3A_178 = arith.constant 0 : i32
    %dma_start3A_179 = tpu.memref_slice %arg8[%dma_start3A_171, %dma_start3A_178] : memref<5x64xi32, #tpu.memory_space<vmem>> -> memref<1x64xi32, #tpu.memory_space<vmem>>
    %dma_start3A_180 = tpu.memref_squeeze %dma_start3A_179 : memref<1x64xi32, #tpu.memory_space<vmem>> -> memref<64xi32, #tpu.memory_space<vmem>>
    %dma_start3A_181 = arith.constant 0 : i32
    %dma_start3A_182 = tpu.memref_slice %arg4[%add3A_170, %dma_start3A_181] : memref<5120x64xi32, #tpu.memory_space<hbm>> -> memref<1x64xi32, #tpu.memory_space<hbm>>
    %dma_start3A_183 = tpu.memref_squeeze %dma_start3A_182 : memref<1x64xi32, #tpu.memory_space<hbm>> -> memref<64xi32, #tpu.memory_space<hbm>>
    tpu.enqueue_dma source(%dma_start3A_183 : memref<64xi32, #tpu.memory_space<hbm>>) target(%dma_start3A_180 : memref<64xi32, #tpu.memory_space<vmem>>) target_semaphore(%arg29 : memref<!tpu.dma_semaphore, #tpu.memory_space<semaphore_mem>>)
    %dma_wait3A_184 = arith.constant 0 : i32
    %dma_wait3A_185 = arith.constant 0 : i32
    %dma_wait3A_186 = tpu.memref_slice %arg7[%dma_wait3A_184, %dma_wait3A_185] : memref<5x64xi32, #tpu.memory_space<vmem>> -> memref<1x64xi32, #tpu.memory_space<vmem>>
    %dma_wait3A_187 = tpu.memref_squeeze %dma_wait3A_186 : memref<1x64xi32, #tpu.memory_space<vmem>> -> memref<64xi32, #tpu.memory_space<vmem>>
    %dma_wait3A_188 = arith.constant 0 : i32
    %dma_wait3A_189 = tpu.memref_slice %arg3[%mul3A_4, %dma_wait3A_188] : memref<5120x64xi32, #tpu.memory_space<hbm>> -> memref<1x64xi32, #tpu.memory_space<hbm>>
    %dma_wait3A_190 = tpu.memref_squeeze %dma_wait3A_189 : memref<1x64xi32, #tpu.memory_space<hbm>> -> memref<64xi32, #tpu.memory_space<hbm>>
    %dma_wait3A_191 = arith.constant 0 : i32
    %dma_wait3A_192 = tpu.memref_slice %arg7[%dma_wait3A_184, %dma_wait3A_191] : memref<5x64xi32, #tpu.memory_space<vmem>> -> memref<1x64xi32, #tpu.memory_space<vmem>>
    %dma_wait3A_193 = tpu.memref_squeeze %dma_wait3A_192 : memref<1x64xi32, #tpu.memory_space<vmem>> -> memref<64xi32, #tpu.memory_space<vmem>>
    %dma_wait3A_194 = arith.constant 0 : i32
    %dma_wait3A_195 = tpu.memref_slice %arg3[%mul3A_4, %dma_wait3A_194] : memref<5120x64xi32, #tpu.memory_space<hbm>> -> memref<1x64xi32, #tpu.memory_space<hbm>>
    %dma_wait3A_196 = tpu.memref_squeeze %dma_wait3A_195 : memref<1x64xi32, #tpu.memory_space<hbm>> -> memref<64xi32, #tpu.memory_space<hbm>>
    tpu.wait_dma2 semaphore(%arg24 : memref<!tpu.dma_semaphore, #tpu.memory_space<semaphore_mem>>) src(%dma_wait3A_196 : memref<64xi32, #tpu.memory_space<hbm>>) dst(%dma_wait3A_193 : memref<64xi32, #tpu.memory_space<vmem>>)
    %dma_start3A_197 = arith.constant 0 : i32
    %dma_start3A_198 = arith.constant 0 : i32
    %dma_start3A_199 = tpu.memref_slice %arg7[%dma_start3A_197, %dma_start3A_198] : memref<5x64xi32, #tpu.memory_space<vmem>> -> memref<1x64xi32, #tpu.memory_space<vmem>>
    %dma_start3A_200 = tpu.memref_squeeze %dma_start3A_199 : memref<1x64xi32, #tpu.memory_space<vmem>> -> memref<64xi32, #tpu.memory_space<vmem>>
    %dma_start3A_201 = arith.constant 0 : i32
    %dma_start3A_202 = arith.constant 0 : i32
    %dma_start3A_203 = tpu.memref_slice %arg2[%dma_start3A_201, %dma_start3A_202] : memref<10240x128xf32, #tpu.memory_space<hbm>> -> memref<10240x128xf32, #tpu.memory_space<hbm>>
    tpu.enqueue_indirect_dma source(%dma_start3A_203 : memref<10240x128xf32, #tpu.memory_space<hbm>>) target(%arg9 : memref<64x128xf32, #tpu.memory_space<vmem>>) offsets(%dma_start3A_200 : memref<64xi32, #tpu.memory_space<vmem>>) semaphore(%arg14 : memref<!tpu.dma_semaphore, #tpu.memory_space<semaphore_mem>>)
    %dma_wait3A_204 = arith.constant 2 : i32
    %dma_wait3A_205 = arith.constant 0 : i32
    %dma_wait3A_206 = tpu.memref_slice %arg7[%dma_wait3A_204, %dma_wait3A_205] : memref<5x64xi32, #tpu.memory_space<vmem>> -> memref<1x64xi32, #tpu.memory_space<vmem>>
    %dma_wait3A_207 = tpu.memref_squeeze %dma_wait3A_206 : memref<1x64xi32, #tpu.memory_space<vmem>> -> memref<64xi32, #tpu.memory_space<vmem>>
    %dma_wait3A_208 = arith.constant 0 : i32
    %dma_wait3A_209 = arith.constant 0 : i32
    %dma_wait3A_210 = tpu.memref_slice %arg2[%dma_wait3A_208, %dma_wait3A_209] : memref<10240x128xf32, #tpu.memory_space<hbm>> -> memref<10240x128xf32, #tpu.memory_space<hbm>>
    tpu.wait_indirect_dma semaphore(%arg16 : memref<!tpu.dma_semaphore, #tpu.memory_space<semaphore_mem>>) src(%dma_wait3A_210 : memref<10240x128xf32, #tpu.memory_space<hbm>>) dst(%arg11 : memref<64x128xf32, #tpu.memory_space<vmem>>)
    %dma_start3A_211 = arith.constant 2 : i32
    %dma_start3A_212 = arith.constant 0 : i32
    %dma_start3A_213 = tpu.memref_slice %arg8[%dma_start3A_211, %dma_start3A_212] : memref<5x64xi32, #tpu.memory_space<vmem>> -> memref<1x64xi32, #tpu.memory_space<vmem>>
    %dma_start3A_214 = tpu.memref_squeeze %dma_start3A_213 : memref<1x64xi32, #tpu.memory_space<vmem>> -> memref<64xi32, #tpu.memory_space<vmem>>
    %dma_start3A_215 = arith.constant 0 : i32
    %dma_start3A_216 = arith.constant 0 : i32
    %dma_start3A_217 = tpu.memref_slice %arg6[%dma_start3A_215, %dma_start3A_216] : memref<10240x128xf32, #tpu.memory_space<vmem_shared>> -> memref<10240x128xf32, #tpu.memory_space<vmem_shared>>
    tpu.enqueue_indirect_dma source(%arg11 : memref<64x128xf32, #tpu.memory_space<vmem>>) target(%dma_start3A_217 : memref<10240x128xf32, #tpu.memory_space<vmem_shared>>) offsets(%dma_start3A_214 : memref<64xi32, #tpu.memory_space<vmem>>) semaphore(%arg21 : memref<!tpu.dma_semaphore, #tpu.memory_space<semaphore_mem>>) {add = true}
    %dma_wait3A_218 = arith.constant 0 : i32
    %dma_wait3A_219 = arith.constant 0 : i32
    %dma_wait3A_220 = tpu.memref_slice %arg8[%dma_wait3A_218, %dma_wait3A_219] : memref<5x64xi32, #tpu.memory_space<vmem>> -> memref<1x64xi32, #tpu.memory_space<vmem>>
    %dma_wait3A_221 = tpu.memref_squeeze %dma_wait3A_220 : memref<1x64xi32, #tpu.memory_space<vmem>> -> memref<64xi32, #tpu.memory_space<vmem>>
    %dma_wait3A_222 = arith.constant 0 : i32
    %dma_wait3A_223 = arith.constant 0 : i32
    %dma_wait3A_224 = tpu.memref_slice %arg6[%dma_wait3A_222, %dma_wait3A_223] : memref<10240x128xf32, #tpu.memory_space<vmem_shared>> -> memref<10240x128xf32, #tpu.memory_space<vmem_shared>>
    tpu.wait_indirect_dma semaphore(%arg20 : memref<!tpu.dma_semaphore, #tpu.memory_space<semaphore_mem>>) src(%arg10 : memref<64x128xf32, #tpu.memory_space<vmem>>) dst(%dma_wait3A_224 : memref<10240x128xf32, #tpu.memory_space<vmem_shared>>)
    %add3A_225 = arith.constant 7 : i32
    %add3A_226 = arith.addi %mul3A_4, %add3A_225 : i32
    %dma_start3A_227 = arith.constant 2 : i32
    %dma_start3A_228 = arith.constant 0 : i32
    %dma_start3A_229 = tpu.memref_slice %arg7[%dma_start3A_227, %dma_start3A_228] : memref<5x64xi32, #tpu.memory_space<vmem>> -> memref<1x64xi32, #tpu.memory_space<vmem>>
    %dma_start3A_230 = tpu.memref_squeeze %dma_start3A_229 : memref<1x64xi32, #tpu.memory_space<vmem>> -> memref<64xi32, #tpu.memory_space<vmem>>
    %dma_start3A_231 = arith.constant 0 : i32
    %dma_start3A_232 = tpu.memref_slice %arg3[%add3A_226, %dma_start3A_231] : memref<5120x64xi32, #tpu.memory_space<hbm>> -> memref<1x64xi32, #tpu.memory_space<hbm>>
    %dma_start3A_233 = tpu.memref_squeeze %dma_start3A_232 : memref<1x64xi32, #tpu.memory_space<hbm>> -> memref<64xi32, #tpu.memory_space<hbm>>
    %dma_start3A_234 = arith.constant 0 : i32
    %dma_start3A_235 = tpu.memref_slice %arg7[%dma_start3A_227, %dma_start3A_234] : memref<5x64xi32, #tpu.memory_space<vmem>> -> memref<1x64xi32, #tpu.memory_space<vmem>>
    %dma_start3A_236 = tpu.memref_squeeze %dma_start3A_235 : memref<1x64xi32, #tpu.memory_space<vmem>> -> memref<64xi32, #tpu.memory_space<vmem>>
    %dma_start3A_237 = arith.constant 0 : i32
    %dma_start3A_238 = tpu.memref_slice %arg3[%add3A_226, %dma_start3A_237] : memref<5120x64xi32, #tpu.memory_space<hbm>> -> memref<1x64xi32, #tpu.memory_space<hbm>>
    %dma_start3A_239 = tpu.memref_squeeze %dma_start3A_238 : memref<1x64xi32, #tpu.memory_space<hbm>> -> memref<64xi32, #tpu.memory_space<hbm>>
    tpu.enqueue_dma source(%dma_start3A_239 : memref<64xi32, #tpu.memory_space<hbm>>) target(%dma_start3A_236 : memref<64xi32, #tpu.memory_space<vmem>>) target_semaphore(%arg26 : memref<!tpu.dma_semaphore, #tpu.memory_space<semaphore_mem>>)
    %add3A_240 = arith.constant 6 : i32
    %add3A_241 = arith.addi %mul3A_4, %add3A_240 : i32
    %dma_start3A_242 = arith.constant 1 : i32
    %dma_start3A_243 = arith.constant 0 : i32
    %dma_start3A_244 = tpu.memref_slice %arg8[%dma_start3A_242, %dma_start3A_243] : memref<5x64xi32, #tpu.memory_space<vmem>> -> memref<1x64xi32, #tpu.memory_space<vmem>>
    %dma_start3A_245 = tpu.memref_squeeze %dma_start3A_244 : memref<1x64xi32, #tpu.memory_space<vmem>> -> memref<64xi32, #tpu.memory_space<vmem>>
    %dma_start3A_246 = arith.constant 0 : i32
    %dma_start3A_247 = tpu.memref_slice %arg4[%add3A_241, %dma_start3A_246] : memref<5120x64xi32, #tpu.memory_space<hbm>> -> memref<1x64xi32, #tpu.memory_space<hbm>>
    %dma_start3A_248 = tpu.memref_squeeze %dma_start3A_247 : memref<1x64xi32, #tpu.memory_space<hbm>> -> memref<64xi32, #tpu.memory_space<hbm>>
    %dma_start3A_249 = arith.constant 0 : i32
    %dma_start3A_250 = tpu.memref_slice %arg8[%dma_start3A_242, %dma_start3A_249] : memref<5x64xi32, #tpu.memory_space<vmem>> -> memref<1x64xi32, #tpu.memory_space<vmem>>
    %dma_start3A_251 = tpu.memref_squeeze %dma_start3A_250 : memref<1x64xi32, #tpu.memory_space<vmem>> -> memref<64xi32, #tpu.memory_space<vmem>>
    %dma_start3A_252 = arith.constant 0 : i32
    %dma_start3A_253 = tpu.memref_slice %arg4[%add3A_241, %dma_start3A_252] : memref<5120x64xi32, #tpu.memory_space<hbm>> -> memref<1x64xi32, #tpu.memory_space<hbm>>
    %dma_start3A_254 = tpu.memref_squeeze %dma_start3A_253 : memref<1x64xi32, #tpu.memory_space<hbm>> -> memref<64xi32, #tpu.memory_space<hbm>>
    tpu.enqueue_dma source(%dma_start3A_254 : memref<64xi32, #tpu.memory_space<hbm>>) target(%dma_start3A_251 : memref<64xi32, #tpu.memory_space<vmem>>) target_semaphore(%arg30 : memref<!tpu.dma_semaphore, #tpu.memory_space<semaphore_mem>>)
    %dma_wait3A_255 = arith.constant 1 : i32
    %dma_wait3A_256 = arith.constant 0 : i32
    %dma_wait3A_257 = tpu.memref_slice %arg7[%dma_wait3A_255, %dma_wait3A_256] : memref<5x64xi32, #tpu.memory_space<vmem>> -> memref<1x64xi32, #tpu.memory_space<vmem>>
    %dma_wait3A_258 = tpu.memref_squeeze %dma_wait3A_257 : memref<1x64xi32, #tpu.memory_space<vmem>> -> memref<64xi32, #tpu.memory_space<vmem>>
    %dma_wait3A_259 = arith.constant 0 : i32
    %dma_wait3A_260 = tpu.memref_slice %arg3[%mul3A_4, %dma_wait3A_259] : memref<5120x64xi32, #tpu.memory_space<hbm>> -> memref<1x64xi32, #tpu.memory_space<hbm>>
    %dma_wait3A_261 = tpu.memref_squeeze %dma_wait3A_260 : memref<1x64xi32, #tpu.memory_space<hbm>> -> memref<64xi32, #tpu.memory_space<hbm>>
    %dma_wait3A_262 = arith.constant 0 : i32
    %dma_wait3A_263 = tpu.memref_slice %arg7[%dma_wait3A_255, %dma_wait3A_262] : memref<5x64xi32, #tpu.memory_space<vmem>> -> memref<1x64xi32, #tpu.memory_space<vmem>>
    %dma_wait3A_264 = tpu.memref_squeeze %dma_wait3A_263 : memref<1x64xi32, #tpu.memory_space<vmem>> -> memref<64xi32, #tpu.memory_space<vmem>>
    %dma_wait3A_265 = arith.constant 0 : i32
    %dma_wait3A_266 = tpu.memref_slice %arg3[%mul3A_4, %dma_wait3A_265] : memref<5120x64xi32, #tpu.memory_space<hbm>> -> memref<1x64xi32, #tpu.memory_space<hbm>>
    %dma_wait3A_267 = tpu.memref_squeeze %dma_wait3A_266 : memref<1x64xi32, #tpu.memory_space<hbm>> -> memref<64xi32, #tpu.memory_space<hbm>>
    tpu.wait_dma2 semaphore(%arg25 : memref<!tpu.dma_semaphore, #tpu.memory_space<semaphore_mem>>) src(%dma_wait3A_267 : memref<64xi32, #tpu.memory_space<hbm>>) dst(%dma_wait3A_264 : memref<64xi32, #tpu.memory_space<vmem>>)
    %dma_start3A_268 = arith.constant 1 : i32
    %dma_start3A_269 = arith.constant 0 : i32
    %dma_start3A_270 = tpu.memref_slice %arg7[%dma_start3A_268, %dma_start3A_269] : memref<5x64xi32, #tpu.memory_space<vmem>> -> memref<1x64xi32, #tpu.memory_space<vmem>>
    %dma_start3A_271 = tpu.memref_squeeze %dma_start3A_270 : memref<1x64xi32, #tpu.memory_space<vmem>> -> memref<64xi32, #tpu.memory_space<vmem>>
    %dma_start3A_272 = arith.constant 0 : i32
    %dma_start3A_273 = arith.constant 0 : i32
    %dma_start3A_274 = tpu.memref_slice %arg2[%dma_start3A_272, %dma_start3A_273] : memref<10240x128xf32, #tpu.memory_space<hbm>> -> memref<10240x128xf32, #tpu.memory_space<hbm>>
    tpu.enqueue_indirect_dma source(%dma_start3A_274 : memref<10240x128xf32, #tpu.memory_space<hbm>>) target(%arg10 : memref<64x128xf32, #tpu.memory_space<vmem>>) offsets(%dma_start3A_271 : memref<64xi32, #tpu.memory_space<vmem>>) semaphore(%arg15 : memref<!tpu.dma_semaphore, #tpu.memory_space<semaphore_mem>>)
    %dma_wait3A_275 = arith.constant 3 : i32
    %dma_wait3A_276 = arith.constant 0 : i32
    %dma_wait3A_277 = tpu.memref_slice %arg7[%dma_wait3A_275, %dma_wait3A_276] : memref<5x64xi32, #tpu.memory_space<vmem>> -> memref<1x64xi32, #tpu.memory_space<vmem>>
    %dma_wait3A_278 = tpu.memref_squeeze %dma_wait3A_277 : memref<1x64xi32, #tpu.memory_space<vmem>> -> memref<64xi32, #tpu.memory_space<vmem>>
    %dma_wait3A_279 = arith.constant 0 : i32
    %dma_wait3A_280 = arith.constant 0 : i32
    %dma_wait3A_281 = tpu.memref_slice %arg2[%dma_wait3A_279, %dma_wait3A_280] : memref<10240x128xf32, #tpu.memory_space<hbm>> -> memref<10240x128xf32, #tpu.memory_space<hbm>>
    tpu.wait_indirect_dma semaphore(%arg17 : memref<!tpu.dma_semaphore, #tpu.memory_space<semaphore_mem>>) src(%dma_wait3A_281 : memref<10240x128xf32, #tpu.memory_space<hbm>>) dst(%arg12 : memref<64x128xf32, #tpu.memory_space<vmem>>)
    %dma_start3A_282 = arith.constant 3 : i32
    %dma_start3A_283 = arith.constant 0 : i32
    %dma_start3A_284 = tpu.memref_slice %arg8[%dma_start3A_282, %dma_start3A_283] : memref<5x64xi32, #tpu.memory_space<vmem>> -> memref<1x64xi32, #tpu.memory_space<vmem>>
    %dma_start3A_285 = tpu.memref_squeeze %dma_start3A_284 : memref<1x64xi32, #tpu.memory_space<vmem>> -> memref<64xi32, #tpu.memory_space<vmem>>
    %dma_start3A_286 = arith.constant 0 : i32
    %dma_start3A_287 = arith.constant 0 : i32
    %dma_start3A_288 = tpu.memref_slice %arg6[%dma_start3A_286, %dma_start3A_287] : memref<10240x128xf32, #tpu.memory_space<vmem_shared>> -> memref<10240x128xf32, #tpu.memory_space<vmem_shared>>
    tpu.enqueue_indirect_dma source(%arg12 : memref<64x128xf32, #tpu.memory_space<vmem>>) target(%dma_start3A_288 : memref<10240x128xf32, #tpu.memory_space<vmem_shared>>) offsets(%dma_start3A_285 : memref<64xi32, #tpu.memory_space<vmem>>) semaphore(%arg22 : memref<!tpu.dma_semaphore, #tpu.memory_space<semaphore_mem>>) {add = true}
    %dma_wait3A_289 = arith.constant 0 : i32
    %dma_wait3A_290 = arith.constant 0 : i32
    %dma_wait3A_291 = tpu.memref_slice %arg8[%dma_wait3A_289, %dma_wait3A_290] : memref<5x64xi32, #tpu.memory_space<vmem>> -> memref<1x64xi32, #tpu.memory_space<vmem>>
    %dma_wait3A_292 = tpu.memref_squeeze %dma_wait3A_291 : memref<1x64xi32, #tpu.memory_space<vmem>> -> memref<64xi32, #tpu.memory_space<vmem>>
    %dma_wait3A_293 = arith.constant 0 : i32
    %dma_wait3A_294 = arith.constant 0 : i32
    %dma_wait3A_295 = tpu.memref_slice %arg6[%dma_wait3A_293, %dma_wait3A_294] : memref<10240x128xf32, #tpu.memory_space<vmem_shared>> -> memref<10240x128xf32, #tpu.memory_space<vmem_shared>>
    tpu.wait_indirect_dma semaphore(%arg21 : memref<!tpu.dma_semaphore, #tpu.memory_space<semaphore_mem>>) src(%arg11 : memref<64x128xf32, #tpu.memory_space<vmem>>) dst(%dma_wait3A_295 : memref<10240x128xf32, #tpu.memory_space<vmem_shared>>)
    %add3A_296 = arith.constant 8 : i32
    %add3A_297 = arith.addi %mul3A_4, %add3A_296 : i32
    %dma_start3A_298 = arith.constant 3 : i32
    %dma_start3A_299 = arith.constant 0 : i32
    %dma_start3A_300 = tpu.memref_slice %arg7[%dma_start3A_298, %dma_start3A_299] : memref<5x64xi32, #tpu.memory_space<vmem>> -> memref<1x64xi32, #tpu.memory_space<vmem>>
    %dma_start3A_301 = tpu.memref_squeeze %dma_start3A_300 : memref<1x64xi32, #tpu.memory_space<vmem>> -> memref<64xi32, #tpu.memory_space<vmem>>
    %dma_start3A_302 = arith.constant 0 : i32
    %dma_start3A_303 = tpu.memref_slice %arg3[%add3A_297, %dma_start3A_302] : memref<5120x64xi32, #tpu.memory_space<hbm>> -> memref<1x64xi32, #tpu.memory_space<hbm>>
    %dma_start3A_304 = tpu.memref_squeeze %dma_start3A_303 : memref<1x64xi32, #tpu.memory_space<hbm>> -> memref<64xi32, #tpu.memory_space<hbm>>
    %dma_start3A_305 = arith.constant 0 : i32
    %dma_start3A_306 = tpu.memref_slice %arg7[%dma_start3A_298, %dma_start3A_305] : memref<5x64xi32, #tpu.memory_space<vmem>> -> memref<1x64xi32, #tpu.memory_space<vmem>>
    %dma_start3A_307 = tpu.memref_squeeze %dma_start3A_306 : memref<1x64xi32, #tpu.memory_space<vmem>> -> memref<64xi32, #tpu.memory_space<vmem>>
    %dma_start3A_308 = arith.constant 0 : i32
    %dma_start3A_309 = tpu.memref_slice %arg3[%add3A_297, %dma_start3A_308] : memref<5120x64xi32, #tpu.memory_space<hbm>> -> memref<1x64xi32, #tpu.memory_space<hbm>>
    %dma_start3A_310 = tpu.memref_squeeze %dma_start3A_309 : memref<1x64xi32, #tpu.memory_space<hbm>> -> memref<64xi32, #tpu.memory_space<hbm>>
    tpu.enqueue_dma source(%dma_start3A_310 : memref<64xi32, #tpu.memory_space<hbm>>) target(%dma_start3A_307 : memref<64xi32, #tpu.memory_space<vmem>>) target_semaphore(%arg27 : memref<!tpu.dma_semaphore, #tpu.memory_space<semaphore_mem>>)
    %add3A_311 = arith.constant 7 : i32
    %add3A_312 = arith.addi %mul3A_4, %add3A_311 : i32
    %dma_start3A_313 = arith.constant 2 : i32
    %dma_start3A_314 = arith.constant 0 : i32
    %dma_start3A_315 = tpu.memref_slice %arg8[%dma_start3A_313, %dma_start3A_314] : memref<5x64xi32, #tpu.memory_space<vmem>> -> memref<1x64xi32, #tpu.memory_space<vmem>>
    %dma_start3A_316 = tpu.memref_squeeze %dma_start3A_315 : memref<1x64xi32, #tpu.memory_space<vmem>> -> memref<64xi32, #tpu.memory_space<vmem>>
    %dma_start3A_317 = arith.constant 0 : i32
    %dma_start3A_318 = tpu.memref_slice %arg4[%add3A_312, %dma_start3A_317] : memref<5120x64xi32, #tpu.memory_space<hbm>> -> memref<1x64xi32, #tpu.memory_space<hbm>>
    %dma_start3A_319 = tpu.memref_squeeze %dma_start3A_318 : memref<1x64xi32, #tpu.memory_space<hbm>> -> memref<64xi32, #tpu.memory_space<hbm>>
    %dma_start3A_320 = arith.constant 0 : i32
    %dma_start3A_321 = tpu.memref_slice %arg8[%dma_start3A_313, %dma_start3A_320] : memref<5x64xi32, #tpu.memory_space<vmem>> -> memref<1x64xi32, #tpu.memory_space<vmem>>
    %dma_start3A_322 = tpu.memref_squeeze %dma_start3A_321 : memref<1x64xi32, #tpu.memory_space<vmem>> -> memref<64xi32, #tpu.memory_space<vmem>>
    %dma_start3A_323 = arith.constant 0 : i32
    %dma_start3A_324 = tpu.memref_slice %arg4[%add3A_312, %dma_start3A_323] : memref<5120x64xi32, #tpu.memory_space<hbm>> -> memref<1x64xi32, #tpu.memory_space<hbm>>
    %dma_start3A_325 = tpu.memref_squeeze %dma_start3A_324 : memref<1x64xi32, #tpu.memory_space<hbm>> -> memref<64xi32, #tpu.memory_space<hbm>>
    tpu.enqueue_dma source(%dma_start3A_325 : memref<64xi32, #tpu.memory_space<hbm>>) target(%dma_start3A_322 : memref<64xi32, #tpu.memory_space<vmem>>) target_semaphore(%arg31 : memref<!tpu.dma_semaphore, #tpu.memory_space<semaphore_mem>>)
    %dma_wait3A_326 = arith.constant 2 : i32
    %dma_wait3A_327 = arith.constant 0 : i32
    %dma_wait3A_328 = tpu.memref_slice %arg7[%dma_wait3A_326, %dma_wait3A_327] : memref<5x64xi32, #tpu.memory_space<vmem>> -> memref<1x64xi32, #tpu.memory_space<vmem>>
    %dma_wait3A_329 = tpu.memref_squeeze %dma_wait3A_328 : memref<1x64xi32, #tpu.memory_space<vmem>> -> memref<64xi32, #tpu.memory_space<vmem>>
    %dma_wait3A_330 = arith.constant 0 : i32
    %dma_wait3A_331 = tpu.memref_slice %arg3[%mul3A_4, %dma_wait3A_330] : memref<5120x64xi32, #tpu.memory_space<hbm>> -> memref<1x64xi32, #tpu.memory_space<hbm>>
    %dma_wait3A_332 = tpu.memref_squeeze %dma_wait3A_331 : memref<1x64xi32, #tpu.memory_space<hbm>> -> memref<64xi32, #tpu.memory_space<hbm>>
    %dma_wait3A_333 = arith.constant 0 : i32
    %dma_wait3A_334 = tpu.memref_slice %arg7[%dma_wait3A_326, %dma_wait3A_333] : memref<5x64xi32, #tpu.memory_space<vmem>> -> memref<1x64xi32, #tpu.memory_space<vmem>>
    %dma_wait3A_335 = tpu.memref_squeeze %dma_wait3A_334 : memref<1x64xi32, #tpu.memory_space<vmem>> -> memref<64xi32, #tpu.memory_space<vmem>>
    %dma_wait3A_336 = arith.constant 0 : i32
    %dma_wait3A_337 = tpu.memref_slice %arg3[%mul3A_4, %dma_wait3A_336] : memref<5120x64xi32, #tpu.memory_space<hbm>> -> memref<1x64xi32, #tpu.memory_space<hbm>>
    %dma_wait3A_338 = tpu.memref_squeeze %dma_wait3A_337 : memref<1x64xi32, #tpu.memory_space<hbm>> -> memref<64xi32, #tpu.memory_space<hbm>>
    tpu.wait_dma2 semaphore(%arg26 : memref<!tpu.dma_semaphore, #tpu.memory_space<semaphore_mem>>) src(%dma_wait3A_338 : memref<64xi32, #tpu.memory_space<hbm>>) dst(%dma_wait3A_335 : memref<64xi32, #tpu.memory_space<vmem>>)
    %dma_start3A_339 = arith.constant 2 : i32
    %dma_start3A_340 = arith.constant 0 : i32
    %dma_start3A_341 = tpu.memref_slice %arg7[%dma_start3A_339, %dma_start3A_340] : memref<5x64xi32, #tpu.memory_space<vmem>> -> memref<1x64xi32, #tpu.memory_space<vmem>>
    %dma_start3A_342 = tpu.memref_squeeze %dma_start3A_341 : memref<1x64xi32, #tpu.memory_space<vmem>> -> memref<64xi32, #tpu.memory_space<vmem>>
    %dma_start3A_343 = arith.constant 0 : i32
    %dma_start3A_344 = arith.constant 0 : i32
    %dma_start3A_345 = tpu.memref_slice %arg2[%dma_start3A_343, %dma_start3A_344] : memref<10240x128xf32, #tpu.memory_space<hbm>> -> memref<10240x128xf32, #tpu.memory_space<hbm>>
    tpu.enqueue_indirect_dma source(%dma_start3A_345 : memref<10240x128xf32, #tpu.memory_space<hbm>>) target(%arg11 : memref<64x128xf32, #tpu.memory_space<vmem>>) offsets(%dma_start3A_342 : memref<64xi32, #tpu.memory_space<vmem>>) semaphore(%arg16 : memref<!tpu.dma_semaphore, #tpu.memory_space<semaphore_mem>>)
    %scan3A = arith.constant 0 : i32
    %scan3A_346 = arith.constant 0 : i32
    %scan3A_347 = arith.constant 30 : i32
    %scan3A_348 = arith.addi %scan3A_346, %scan3A_347 : i32
    %scan3A_349 = arith.constant 1 : i32
    scf.for %scan3A_651 = %scan3A_346 to %scan3A_348 step %scan3A_349  : i32 {
      %mul3A_652 = arith.constant 5 : i32
      %mul3A_653 = arith.muli %mul3A_652, %scan3A_651 : i32
      %add3A_654 = arith.constant 4 : i32
      %add3A_655 = arith.addi %add3A_654, %mul3A_653 : i32
      %add3A_656 = arith.constant 0 : i32
      %add3A_657 = arith.addi %add3A_655, %add3A_656 : i32
      %dma_wait3A_658 = arith.constant 4 : i32
      %dma_wait3A_659 = arith.constant 0 : i32
      %dma_wait3A_660 = tpu.memref_slice %arg7[%dma_wait3A_658, %dma_wait3A_659] : memref<5x64xi32, #tpu.memory_space<vmem>> -> memref<1x64xi32, #tpu.memory_space<vmem>>
      %dma_wait3A_661 = tpu.memref_squeeze %dma_wait3A_660 : memref<1x64xi32, #tpu.memory_space<vmem>> -> memref<64xi32, #tpu.memory_space<vmem>>
      %dma_wait3A_662 = arith.constant 0 : i32
      %dma_wait3A_663 = arith.constant 0 : i32
      %dma_wait3A_664 = tpu.memref_slice %arg2[%dma_wait3A_662, %dma_wait3A_663] : memref<10240x128xf32, #tpu.memory_space<hbm>> -> memref<10240x128xf32, #tpu.memory_space<hbm>>
      tpu.wait_indirect_dma semaphore(%arg18 : memref<!tpu.dma_semaphore, #tpu.memory_space<semaphore_mem>>) src(%dma_wait3A_664 : memref<10240x128xf32, #tpu.memory_space<hbm>>) dst(%arg13 : memref<64x128xf32, #tpu.memory_space<vmem>>)
      %dma_wait3A_665 = arith.constant 4 : i32
      %dma_wait3A_666 = arith.constant 0 : i32
      %dma_wait3A_667 = tpu.memref_slice %arg8[%dma_wait3A_665, %dma_wait3A_666] : memref<5x64xi32, #tpu.memory_space<vmem>> -> memref<1x64xi32, #tpu.memory_space<vmem>>
      %dma_wait3A_668 = tpu.memref_squeeze %dma_wait3A_667 : memref<1x64xi32, #tpu.memory_space<vmem>> -> memref<64xi32, #tpu.memory_space<vmem>>
      %dma_wait3A_669 = arith.constant 0 : i32
      %dma_wait3A_670 = tpu.memref_slice %arg4[%mul3A_4, %dma_wait3A_669] : memref<5120x64xi32, #tpu.memory_space<hbm>> -> memref<1x64xi32, #tpu.memory_space<hbm>>
      %dma_wait3A_671 = tpu.memref_squeeze %dma_wait3A_670 : memref<1x64xi32, #tpu.memory_space<hbm>> -> memref<64xi32, #tpu.memory_space<hbm>>
      %dma_wait3A_672 = arith.constant 0 : i32
      %dma_wait3A_673 = tpu.memref_slice %arg8[%dma_wait3A_665, %dma_wait3A_672] : memref<5x64xi32, #tpu.memory_space<vmem>> -> memref<1x64xi32, #tpu.memory_space<vmem>>
      %dma_wait3A_674 = tpu.memref_squeeze %dma_wait3A_673 : memref<1x64xi32, #tpu.memory_space<vmem>> -> memref<64xi32, #tpu.memory_space<vmem>>
      %dma_wait3A_675 = arith.constant 0 : i32
      %dma_wait3A_676 = tpu.memref_slice %arg4[%mul3A_4, %dma_wait3A_675] : memref<5120x64xi32, #tpu.memory_space<hbm>> -> memref<1x64xi32, #tpu.memory_space<hbm>>
      %dma_wait3A_677 = tpu.memref_squeeze %dma_wait3A_676 : memref<1x64xi32, #tpu.memory_space<hbm>> -> memref<64xi32, #tpu.memory_space<hbm>>
      tpu.wait_dma2 semaphore(%arg33 : memref<!tpu.dma_semaphore, #tpu.memory_space<semaphore_mem>>) src(%dma_wait3A_677 : memref<64xi32, #tpu.memory_space<hbm>>) dst(%dma_wait3A_674 : memref<64xi32, #tpu.memory_space<vmem>>)
      %dma_start3A_678 = arith.constant 4 : i32
      %dma_start3A_679 = arith.constant 0 : i32
      %dma_start3A_680 = tpu.memref_slice %arg8[%dma_start3A_678, %dma_start3A_679] : memref<5x64xi32, #tpu.memory_space<vmem>> -> memref<1x64xi32, #tpu.memory_space<vmem>>
      %dma_start3A_681 = tpu.memref_squeeze %dma_start3A_680 : memref<1x64xi32, #tpu.memory_space<vmem>> -> memref<64xi32, #tpu.memory_space<vmem>>
      %dma_start3A_682 = arith.constant 0 : i32
      %dma_start3A_683 = arith.constant 0 : i32
      %dma_start3A_684 = tpu.memref_slice %arg6[%dma_start3A_682, %dma_start3A_683] : memref<10240x128xf32, #tpu.memory_space<vmem_shared>> -> memref<10240x128xf32, #tpu.memory_space<vmem_shared>>
      tpu.enqueue_indirect_dma source(%arg13 : memref<64x128xf32, #tpu.memory_space<vmem>>) target(%dma_start3A_684 : memref<10240x128xf32, #tpu.memory_space<vmem_shared>>) offsets(%dma_start3A_681 : memref<64xi32, #tpu.memory_space<vmem>>) semaphore(%arg23 : memref<!tpu.dma_semaphore, #tpu.memory_space<semaphore_mem>>) {add = true}
      %dma_wait3A_685 = arith.constant 0 : i32
      %dma_wait3A_686 = arith.constant 0 : i32
      %dma_wait3A_687 = tpu.memref_slice %arg8[%dma_wait3A_685, %dma_wait3A_686] : memref<5x64xi32, #tpu.memory_space<vmem>> -> memref<1x64xi32, #tpu.memory_space<vmem>>
      %dma_wait3A_688 = tpu.memref_squeeze %dma_wait3A_687 : memref<1x64xi32, #tpu.memory_space<vmem>> -> memref<64xi32, #tpu.memory_space<vmem>>
      %dma_wait3A_689 = arith.constant 0 : i32
      %dma_wait3A_690 = arith.constant 0 : i32
      %dma_wait3A_691 = tpu.memref_slice %arg6[%dma_wait3A_689, %dma_wait3A_690] : memref<10240x128xf32, #tpu.memory_space<vmem_shared>> -> memref<10240x128xf32, #tpu.memory_space<vmem_shared>>
      tpu.wait_indirect_dma semaphore(%arg22 : memref<!tpu.dma_semaphore, #tpu.memory_space<semaphore_mem>>) src(%arg12 : memref<64x128xf32, #tpu.memory_space<vmem>>) dst(%dma_wait3A_691 : memref<10240x128xf32, #tpu.memory_space<vmem_shared>>)
      %add3A_692 = arith.constant 5 : i32
      %add3A_693 = arith.addi %add3A_657, %add3A_692 : i32
      %add3A_694 = arith.addi %mul3A_4, %add3A_693 : i32
      %dma_start3A_695 = arith.constant 4 : i32
      %dma_start3A_696 = arith.constant 0 : i32
      %dma_start3A_697 = tpu.memref_slice %arg7[%dma_start3A_695, %dma_start3A_696] : memref<5x64xi32, #tpu.memory_space<vmem>> -> memref<1x64xi32, #tpu.memory_space<vmem>>
      %dma_start3A_698 = tpu.memref_squeeze %dma_start3A_697 : memref<1x64xi32, #tpu.memory_space<vmem>> -> memref<64xi32, #tpu.memory_space<vmem>>
      %dma_start3A_699 = arith.constant 0 : i32
      %dma_start3A_700 = tpu.memref_slice %arg3[%add3A_694, %dma_start3A_699] : memref<5120x64xi32, #tpu.memory_space<hbm>> -> memref<1x64xi32, #tpu.memory_space<hbm>>
      %dma_start3A_701 = tpu.memref_squeeze %dma_start3A_700 : memref<1x64xi32, #tpu.memory_space<hbm>> -> memref<64xi32, #tpu.memory_space<hbm>>
      %dma_start3A_702 = arith.constant 0 : i32
      %dma_start3A_703 = tpu.memref_slice %arg7[%dma_start3A_695, %dma_start3A_702] : memref<5x64xi32, #tpu.memory_space<vmem>> -> memref<1x64xi32, #tpu.memory_space<vmem>>
      %dma_start3A_704 = tpu.memref_squeeze %dma_start3A_703 : memref<1x64xi32, #tpu.memory_space<vmem>> -> memref<64xi32, #tpu.memory_space<vmem>>
      %dma_start3A_705 = arith.constant 0 : i32
      %dma_start3A_706 = tpu.memref_slice %arg3[%add3A_694, %dma_start3A_705] : memref<5120x64xi32, #tpu.memory_space<hbm>> -> memref<1x64xi32, #tpu.memory_space<hbm>>
      %dma_start3A_707 = tpu.memref_squeeze %dma_start3A_706 : memref<1x64xi32, #tpu.memory_space<hbm>> -> memref<64xi32, #tpu.memory_space<hbm>>
      tpu.enqueue_dma source(%dma_start3A_707 : memref<64xi32, #tpu.memory_space<hbm>>) target(%dma_start3A_704 : memref<64xi32, #tpu.memory_space<vmem>>) target_semaphore(%arg28 : memref<!tpu.dma_semaphore, #tpu.memory_space<semaphore_mem>>)
      %add3A_708 = arith.constant 5 : i32
      %add3A_709 = arith.addi %add3A_657, %add3A_708 : i32
      %sub3A = arith.constant 1 : i32
      %sub3A_710 = arith.subi %add3A_709, %sub3A : i32
      %add3A_711 = arith.addi %mul3A_4, %sub3A_710 : i32
      %dma_start3A_712 = arith.constant 3 : i32
      %dma_start3A_713 = arith.constant 0 : i32
      %dma_start3A_714 = tpu.memref_slice %arg8[%dma_start3A_712, %dma_start3A_713] : memref<5x64xi32, #tpu.memory_space<vmem>> -> memref<1x64xi32, #tpu.memory_space<vmem>>
      %dma_start3A_715 = tpu.memref_squeeze %dma_start3A_714 : memref<1x64xi32, #tpu.memory_space<vmem>> -> memref<64xi32, #tpu.memory_space<vmem>>
      %dma_start3A_716 = arith.constant 0 : i32
      %dma_start3A_717 = tpu.memref_slice %arg4[%add3A_711, %dma_start3A_716] : memref<5120x64xi32, #tpu.memory_space<hbm>> -> memref<1x64xi32, #tpu.memory_space<hbm>>
      %dma_start3A_718 = tpu.memref_squeeze %dma_start3A_717 : memref<1x64xi32, #tpu.memory_space<hbm>> -> memref<64xi32, #tpu.memory_space<hbm>>
      %dma_start3A_719 = arith.constant 0 : i32
      %dma_start3A_720 = tpu.memref_slice %arg8[%dma_start3A_712, %dma_start3A_719] : memref<5x64xi32, #tpu.memory_space<vmem>> -> memref<1x64xi32, #tpu.memory_space<vmem>>
      %dma_start3A_721 = tpu.memref_squeeze %dma_start3A_720 : memref<1x64xi32, #tpu.memory_space<vmem>> -> memref<64xi32, #tpu.memory_space<vmem>>
      %dma_start3A_722 = arith.constant 0 : i32
      %dma_start3A_723 = tpu.memref_slice %arg4[%add3A_711, %dma_start3A_722] : memref<5120x64xi32, #tpu.memory_space<hbm>> -> memref<1x64xi32, #tpu.memory_space<hbm>>
      %dma_start3A_724 = tpu.memref_squeeze %dma_start3A_723 : memref<1x64xi32, #tpu.memory_space<hbm>> -> memref<64xi32, #tpu.memory_space<hbm>>
      tpu.enqueue_dma source(%dma_start3A_724 : memref<64xi32, #tpu.memory_space<hbm>>) target(%dma_start3A_721 : memref<64xi32, #tpu.memory_space<vmem>>) target_semaphore(%arg32 : memref<!tpu.dma_semaphore, #tpu.memory_space<semaphore_mem>>)
      %dma_wait3A_725 = arith.constant 3 : i32
      %dma_wait3A_726 = arith.constant 0 : i32
      %dma_wait3A_727 = tpu.memref_slice %arg7[%dma_wait3A_725, %dma_wait3A_726] : memref<5x64xi32, #tpu.memory_space<vmem>> -> memref<1x64xi32, #tpu.memory_space<vmem>>
      %dma_wait3A_728 = tpu.memref_squeeze %dma_wait3A_727 : memref<1x64xi32, #tpu.memory_space<vmem>> -> memref<64xi32, #tpu.memory_space<vmem>>
      %dma_wait3A_729 = arith.constant 0 : i32
      %dma_wait3A_730 = tpu.memref_slice %arg3[%mul3A_4, %dma_wait3A_729] : memref<5120x64xi32, #tpu.memory_space<hbm>> -> memref<1x64xi32, #tpu.memory_space<hbm>>
      %dma_wait3A_731 = tpu.memref_squeeze %dma_wait3A_730 : memref<1x64xi32, #tpu.memory_space<hbm>> -> memref<64xi32, #tpu.memory_space<hbm>>
      %dma_wait3A_732 = arith.constant 0 : i32
      %dma_wait3A_733 = tpu.memref_slice %arg7[%dma_wait3A_725, %dma_wait3A_732] : memref<5x64xi32, #tpu.memory_space<vmem>> -> memref<1x64xi32, #tpu.memory_space<vmem>>
      %dma_wait3A_734 = tpu.memref_squeeze %dma_wait3A_733 : memref<1x64xi32, #tpu.memory_space<vmem>> -> memref<64xi32, #tpu.memory_space<vmem>>
      %dma_wait3A_735 = arith.constant 0 : i32
      %dma_wait3A_736 = tpu.memref_slice %arg3[%mul3A_4, %dma_wait3A_735] : memref<5120x64xi32, #tpu.memory_space<hbm>> -> memref<1x64xi32, #tpu.memory_space<hbm>>
      %dma_wait3A_737 = tpu.memref_squeeze %dma_wait3A_736 : memref<1x64xi32, #tpu.memory_space<hbm>> -> memref<64xi32, #tpu.memory_space<hbm>>
      tpu.wait_dma2 semaphore(%arg27 : memref<!tpu.dma_semaphore, #tpu.memory_space<semaphore_mem>>) src(%dma_wait3A_737 : memref<64xi32, #tpu.memory_space<hbm>>) dst(%dma_wait3A_734 : memref<64xi32, #tpu.memory_space<vmem>>)
      %dma_start3A_738 = arith.constant 3 : i32
      %dma_start3A_739 = arith.constant 0 : i32
      %dma_start3A_740 = tpu.memref_slice %arg7[%dma_start3A_738, %dma_start3A_739] : memref<5x64xi32, #tpu.memory_space<vmem>> -> memref<1x64xi32, #tpu.memory_space<vmem>>
      %dma_start3A_741 = tpu.memref_squeeze %dma_start3A_740 : memref<1x64xi32, #tpu.memory_space<vmem>> -> memref<64xi32, #tpu.memory_space<vmem>>
      %dma_start3A_742 = arith.constant 0 : i32
      %dma_start3A_743 = arith.constant 0 : i32
      %dma_start3A_744 = tpu.memref_slice %arg2[%dma_start3A_742, %dma_start3A_743] : memref<10240x128xf32, #tpu.memory_space<hbm>> -> memref<10240x128xf32, #tpu.memory_space<hbm>>
      tpu.enqueue_indirect_dma source(%dma_start3A_744 : memref<10240x128xf32, #tpu.memory_space<hbm>>) target(%arg12 : memref<64x128xf32, #tpu.memory_space<vmem>>) offsets(%dma_start3A_741 : memref<64xi32, #tpu.memory_space<vmem>>) semaphore(%arg17 : memref<!tpu.dma_semaphore, #tpu.memory_space<semaphore_mem>>)
      %add3A_745 = arith.constant 1 : i32
      %add3A_746 = arith.addi %add3A_655, %add3A_745 : i32
      %dma_wait3A_747 = arith.constant 0 : i32
      %dma_wait3A_748 = arith.constant 0 : i32
      %dma_wait3A_749 = tpu.memref_slice %arg7[%dma_wait3A_747, %dma_wait3A_748] : memref<5x64xi32, #tpu.memory_space<vmem>> -> memref<1x64xi32, #tpu.memory_space<vmem>>
      %dma_wait3A_750 = tpu.memref_squeeze %dma_wait3A_749 : memref<1x64xi32, #tpu.memory_space<vmem>> -> memref<64xi32, #tpu.memory_space<vmem>>
      %dma_wait3A_751 = arith.constant 0 : i32
      %dma_wait3A_752 = arith.constant 0 : i32
      %dma_wait3A_753 = tpu.memref_slice %arg2[%dma_wait3A_751, %dma_wait3A_752] : memref<10240x128xf32, #tpu.memory_space<hbm>> -> memref<10240x128xf32, #tpu.memory_space<hbm>>
      tpu.wait_indirect_dma semaphore(%arg14 : memref<!tpu.dma_semaphore, #tpu.memory_space<semaphore_mem>>) src(%dma_wait3A_753 : memref<10240x128xf32, #tpu.memory_space<hbm>>) dst(%arg9 : memref<64x128xf32, #tpu.memory_space<vmem>>)
      %dma_wait3A_754 = arith.constant 0 : i32
      %dma_wait3A_755 = arith.constant 0 : i32
      %dma_wait3A_756 = tpu.memref_slice %arg8[%dma_wait3A_754, %dma_wait3A_755] : memref<5x64xi32, #tpu.memory_space<vmem>> -> memref<1x64xi32, #tpu.memory_space<vmem>>
      %dma_wait3A_757 = tpu.memref_squeeze %dma_wait3A_756 : memref<1x64xi32, #tpu.memory_space<vmem>> -> memref<64xi32, #tpu.memory_space<vmem>>
      %dma_wait3A_758 = arith.constant 0 : i32
      %dma_wait3A_759 = tpu.memref_slice %arg4[%mul3A_4, %dma_wait3A_758] : memref<5120x64xi32, #tpu.memory_space<hbm>> -> memref<1x64xi32, #tpu.memory_space<hbm>>
      %dma_wait3A_760 = tpu.memref_squeeze %dma_wait3A_759 : memref<1x64xi32, #tpu.memory_space<hbm>> -> memref<64xi32, #tpu.memory_space<hbm>>
      %dma_wait3A_761 = arith.constant 0 : i32
      %dma_wait3A_762 = tpu.memref_slice %arg8[%dma_wait3A_754, %dma_wait3A_761] : memref<5x64xi32, #tpu.memory_space<vmem>> -> memref<1x64xi32, #tpu.memory_space<vmem>>
      %dma_wait3A_763 = tpu.memref_squeeze %dma_wait3A_762 : memref<1x64xi32, #tpu.memory_space<vmem>> -> memref<64xi32, #tpu.memory_space<vmem>>
      %dma_wait3A_764 = arith.constant 0 : i32
      %dma_wait3A_765 = tpu.memref_slice %arg4[%mul3A_4, %dma_wait3A_764] : memref<5120x64xi32, #tpu.memory_space<hbm>> -> memref<1x64xi32, #tpu.memory_space<hbm>>
      %dma_wait3A_766 = tpu.memref_squeeze %dma_wait3A_765 : memref<1x64xi32, #tpu.memory_space<hbm>> -> memref<64xi32, #tpu.memory_space<hbm>>
      tpu.wait_dma2 semaphore(%arg29 : memref<!tpu.dma_semaphore, #tpu.memory_space<semaphore_mem>>) src(%dma_wait3A_766 : memref<64xi32, #tpu.memory_space<hbm>>) dst(%dma_wait3A_763 : memref<64xi32, #tpu.memory_space<vmem>>)
      %dma_start3A_767 = arith.constant 0 : i32
      %dma_start3A_768 = arith.constant 0 : i32
      %dma_start3A_769 = tpu.memref_slice %arg8[%dma_start3A_767, %dma_start3A_768] : memref<5x64xi32, #tpu.memory_space<vmem>> -> memref<1x64xi32, #tpu.memory_space<vmem>>
      %dma_start3A_770 = tpu.memref_squeeze %dma_start3A_769 : memref<1x64xi32, #tpu.memory_space<vmem>> -> memref<64xi32, #tpu.memory_space<vmem>>
      %dma_start3A_771 = arith.constant 0 : i32
      %dma_start3A_772 = arith.constant 0 : i32
      %dma_start3A_773 = tpu.memref_slice %arg6[%dma_start3A_771, %dma_start3A_772] : memref<10240x128xf32, #tpu.memory_space<vmem_shared>> -> memref<10240x128xf32, #tpu.memory_space<vmem_shared>>
      tpu.enqueue_indirect_dma source(%arg9 : memref<64x128xf32, #tpu.memory_space<vmem>>) target(%dma_start3A_773 : memref<10240x128xf32, #tpu.memory_space<vmem_shared>>) offsets(%dma_start3A_770 : memref<64xi32, #tpu.memory_space<vmem>>) semaphore(%arg19 : memref<!tpu.dma_semaphore, #tpu.memory_space<semaphore_mem>>) {add = true}
      %dma_wait3A_774 = arith.constant 0 : i32
      %dma_wait3A_775 = arith.constant 0 : i32
      %dma_wait3A_776 = tpu.memref_slice %arg8[%dma_wait3A_774, %dma_wait3A_775] : memref<5x64xi32, #tpu.memory_space<vmem>> -> memref<1x64xi32, #tpu.memory_space<vmem>>
      %dma_wait3A_777 = tpu.memref_squeeze %dma_wait3A_776 : memref<1x64xi32, #tpu.memory_space<vmem>> -> memref<64xi32, #tpu.memory_space<vmem>>
      %dma_wait3A_778 = arith.constant 0 : i32
      %dma_wait3A_779 = arith.constant 0 : i32
      %dma_wait3A_780 = tpu.memref_slice %arg6[%dma_wait3A_778, %dma_wait3A_779] : memref<10240x128xf32, #tpu.memory_space<vmem_shared>> -> memref<10240x128xf32, #tpu.memory_space<vmem_shared>>
      tpu.wait_indirect_dma semaphore(%arg23 : memref<!tpu.dma_semaphore, #tpu.memory_space<semaphore_mem>>) src(%arg13 : memref<64x128xf32, #tpu.memory_space<vmem>>) dst(%dma_wait3A_780 : memref<10240x128xf32, #tpu.memory_space<vmem_shared>>)
      %add3A_781 = arith.constant 5 : i32
      %add3A_782 = arith.addi %add3A_746, %add3A_781 : i32
      %add3A_783 = arith.addi %mul3A_4, %add3A_782 : i32
      %dma_start3A_784 = arith.constant 0 : i32
      %dma_start3A_785 = arith.constant 0 : i32
      %dma_start3A_786 = tpu.memref_slice %arg7[%dma_start3A_784, %dma_start3A_785] : memref<5x64xi32, #tpu.memory_space<vmem>> -> memref<1x64xi32, #tpu.memory_space<vmem>>
      %dma_start3A_787 = tpu.memref_squeeze %dma_start3A_786 : memref<1x64xi32, #tpu.memory_space<vmem>> -> memref<64xi32, #tpu.memory_space<vmem>>
      %dma_start3A_788 = arith.constant 0 : i32
      %dma_start3A_789 = tpu.memref_slice %arg3[%add3A_783, %dma_start3A_788] : memref<5120x64xi32, #tpu.memory_space<hbm>> -> memref<1x64xi32, #tpu.memory_space<hbm>>
      %dma_start3A_790 = tpu.memref_squeeze %dma_start3A_789 : memref<1x64xi32, #tpu.memory_space<hbm>> -> memref<64xi32, #tpu.memory_space<hbm>>
      %dma_start3A_791 = arith.constant 0 : i32
      %dma_start3A_792 = tpu.memref_slice %arg7[%dma_start3A_784, %dma_start3A_791] : memref<5x64xi32, #tpu.memory_space<vmem>> -> memref<1x64xi32, #tpu.memory_space<vmem>>
      %dma_start3A_793 = tpu.memref_squeeze %dma_start3A_792 : memref<1x64xi32, #tpu.memory_space<vmem>> -> memref<64xi32, #tpu.memory_space<vmem>>
      %dma_start3A_794 = arith.constant 0 : i32
      %dma_start3A_795 = tpu.memref_slice %arg3[%add3A_783, %dma_start3A_794] : memref<5120x64xi32, #tpu.memory_space<hbm>> -> memref<1x64xi32, #tpu.memory_space<hbm>>
      %dma_start3A_796 = tpu.memref_squeeze %dma_start3A_795 : memref<1x64xi32, #tpu.memory_space<hbm>> -> memref<64xi32, #tpu.memory_space<hbm>>
      tpu.enqueue_dma source(%dma_start3A_796 : memref<64xi32, #tpu.memory_space<hbm>>) target(%dma_start3A_793 : memref<64xi32, #tpu.memory_space<vmem>>) target_semaphore(%arg24 : memref<!tpu.dma_semaphore, #tpu.memory_space<semaphore_mem>>)
      %add3A_797 = arith.constant 5 : i32
      %add3A_798 = arith.addi %add3A_746, %add3A_797 : i32
      %sub3A_799 = arith.constant 1 : i32
      %sub3A_800 = arith.subi %add3A_798, %sub3A_799 : i32
      %add3A_801 = arith.addi %mul3A_4, %sub3A_800 : i32
      %dma_start3A_802 = arith.constant 4 : i32
      %dma_start3A_803 = arith.constant 0 : i32
      %dma_start3A_804 = tpu.memref_slice %arg8[%dma_start3A_802, %dma_start3A_803] : memref<5x64xi32, #tpu.memory_space<vmem>> -> memref<1x64xi32, #tpu.memory_space<vmem>>
      %dma_start3A_805 = tpu.memref_squeeze %dma_start3A_804 : memref<1x64xi32, #tpu.memory_space<vmem>> -> memref<64xi32, #tpu.memory_space<vmem>>
      %dma_start3A_806 = arith.constant 0 : i32
      %dma_start3A_807 = tpu.memref_slice %arg4[%add3A_801, %dma_start3A_806] : memref<5120x64xi32, #tpu.memory_space<hbm>> -> memref<1x64xi32, #tpu.memory_space<hbm>>
      %dma_start3A_808 = tpu.memref_squeeze %dma_start3A_807 : memref<1x64xi32, #tpu.memory_space<hbm>> -> memref<64xi32, #tpu.memory_space<hbm>>
      %dma_start3A_809 = arith.constant 0 : i32
      %dma_start3A_810 = tpu.memref_slice %arg8[%dma_start3A_802, %dma_start3A_809] : memref<5x64xi32, #tpu.memory_space<vmem>> -> memref<1x64xi32, #tpu.memory_space<vmem>>
      %dma_start3A_811 = tpu.memref_squeeze %dma_start3A_810 : memref<1x64xi32, #tpu.memory_space<vmem>> -> memref<64xi32, #tpu.memory_space<vmem>>
      %dma_start3A_812 = arith.constant 0 : i32
      %dma_start3A_813 = tpu.memref_slice %arg4[%add3A_801, %dma_start3A_812] : memref<5120x64xi32, #tpu.memory_space<hbm>> -> memref<1x64xi32, #tpu.memory_space<hbm>>
      %dma_start3A_814 = tpu.memref_squeeze %dma_start3A_813 : memref<1x64xi32, #tpu.memory_space<hbm>> -> memref<64xi32, #tpu.memory_space<hbm>>
      tpu.enqueue_dma source(%dma_start3A_814 : memref<64xi32, #tpu.memory_space<hbm>>) target(%dma_start3A_811 : memref<64xi32, #tpu.memory_space<vmem>>) target_semaphore(%arg33 : memref<!tpu.dma_semaphore, #tpu.memory_space<semaphore_mem>>)
      %dma_wait3A_815 = arith.constant 4 : i32
      %dma_wait3A_816 = arith.constant 0 : i32
      %dma_wait3A_817 = tpu.memref_slice %arg7[%dma_wait3A_815, %dma_wait3A_816] : memref<5x64xi32, #tpu.memory_space<vmem>> -> memref<1x64xi32, #tpu.memory_space<vmem>>
      %dma_wait3A_818 = tpu.memref_squeeze %dma_wait3A_817 : memref<1x64xi32, #tpu.memory_space<vmem>> -> memref<64xi32, #tpu.memory_space<vmem>>
      %dma_wait3A_819 = arith.constant 0 : i32
      %dma_wait3A_820 = tpu.memref_slice %arg3[%mul3A_4, %dma_wait3A_819] : memref<5120x64xi32, #tpu.memory_space<hbm>> -> memref<1x64xi32, #tpu.memory_space<hbm>>
      %dma_wait3A_821 = tpu.memref_squeeze %dma_wait3A_820 : memref<1x64xi32, #tpu.memory_space<hbm>> -> memref<64xi32, #tpu.memory_space<hbm>>
      %dma_wait3A_822 = arith.constant 0 : i32
      %dma_wait3A_823 = tpu.memref_slice %arg7[%dma_wait3A_815, %dma_wait3A_822] : memref<5x64xi32, #tpu.memory_space<vmem>> -> memref<1x64xi32, #tpu.memory_space<vmem>>
      %dma_wait3A_824 = tpu.memref_squeeze %dma_wait3A_823 : memref<1x64xi32, #tpu.memory_space<vmem>> -> memref<64xi32, #tpu.memory_space<vmem>>
      %dma_wait3A_825 = arith.constant 0 : i32
      %dma_wait3A_826 = tpu.memref_slice %arg3[%mul3A_4, %dma_wait3A_825] : memref<5120x64xi32, #tpu.memory_space<hbm>> -> memref<1x64xi32, #tpu.memory_space<hbm>>
      %dma_wait3A_827 = tpu.memref_squeeze %dma_wait3A_826 : memref<1x64xi32, #tpu.memory_space<hbm>> -> memref<64xi32, #tpu.memory_space<hbm>>
      tpu.wait_dma2 semaphore(%arg28 : memref<!tpu.dma_semaphore, #tpu.memory_space<semaphore_mem>>) src(%dma_wait3A_827 : memref<64xi32, #tpu.memory_space<hbm>>) dst(%dma_wait3A_824 : memref<64xi32, #tpu.memory_space<vmem>>)
      %dma_start3A_828 = arith.constant 4 : i32
      %dma_start3A_829 = arith.constant 0 : i32
      %dma_start3A_830 = tpu.memref_slice %arg7[%dma_start3A_828, %dma_start3A_829] : memref<5x64xi32, #tpu.memory_space<vmem>> -> memref<1x64xi32, #tpu.memory_space<vmem>>
      %dma_start3A_831 = tpu.memref_squeeze %dma_start3A_830 : memref<1x64xi32, #tpu.memory_space<vmem>> -> memref<64xi32, #tpu.memory_space<vmem>>
      %dma_start3A_832 = arith.constant 0 : i32
      %dma_start3A_833 = arith.constant 0 : i32
      %dma_start3A_834 = tpu.memref_slice %arg2[%dma_start3A_832, %dma_start3A_833] : memref<10240x128xf32, #tpu.memory_space<hbm>> -> memref<10240x128xf32, #tpu.memory_space<hbm>>
      tpu.enqueue_indirect_dma source(%dma_start3A_834 : memref<10240x128xf32, #tpu.memory_space<hbm>>) target(%arg13 : memref<64x128xf32, #tpu.memory_space<vmem>>) offsets(%dma_start3A_831 : memref<64xi32, #tpu.memory_space<vmem>>) semaphore(%arg18 : memref<!tpu.dma_semaphore, #tpu.memory_space<semaphore_mem>>)
      %add3A_835 = arith.constant 2 : i32
      %add3A_836 = arith.addi %add3A_655, %add3A_835 : i32
      %dma_wait3A_837 = arith.constant 1 : i32
      %dma_wait3A_838 = arith.constant 0 : i32
      %dma_wait3A_839 = tpu.memref_slice %arg7[%dma_wait3A_837, %dma_wait3A_838] : memref<5x64xi32, #tpu.memory_space<vmem>> -> memref<1x64xi32, #tpu.memory_space<vmem>>
      %dma_wait3A_840 = tpu.memref_squeeze %dma_wait3A_839 : memref<1x64xi32, #tpu.memory_space<vmem>> -> memref<64xi32, #tpu.memory_space<vmem>>
      %dma_wait3A_841 = arith.constant 0 : i32
      %dma_wait3A_842 = arith.constant 0 : i32
      %dma_wait3A_843 = tpu.memref_slice %arg2[%dma_wait3A_841, %dma_wait3A_842] : memref<10240x128xf32, #tpu.memory_space<hbm>> -> memref<10240x128xf32, #tpu.memory_space<hbm>>
      tpu.wait_indirect_dma semaphore(%arg15 : memref<!tpu.dma_semaphore, #tpu.memory_space<semaphore_mem>>) src(%dma_wait3A_843 : memref<10240x128xf32, #tpu.memory_space<hbm>>) dst(%arg10 : memref<64x128xf32, #tpu.memory_space<vmem>>)
      %dma_wait3A_844 = arith.constant 1 : i32
      %dma_wait3A_845 = arith.constant 0 : i32
      %dma_wait3A_846 = tpu.memref_slice %arg8[%dma_wait3A_844, %dma_wait3A_845] : memref<5x64xi32, #tpu.memory_space<vmem>> -> memref<1x64xi32, #tpu.memory_space<vmem>>
      %dma_wait3A_847 = tpu.memref_squeeze %dma_wait3A_846 : memref<1x64xi32, #tpu.memory_space<vmem>> -> memref<64xi32, #tpu.memory_space<vmem>>
      %dma_wait3A_848 = arith.constant 0 : i32
      %dma_wait3A_849 = tpu.memref_slice %arg4[%mul3A_4, %dma_wait3A_848] : memref<5120x64xi32, #tpu.memory_space<hbm>> -> memref<1x64xi32, #tpu.memory_space<hbm>>
      %dma_wait3A_850 = tpu.memref_squeeze %dma_wait3A_849 : memref<1x64xi32, #tpu.memory_space<hbm>> -> memref<64xi32, #tpu.memory_space<hbm>>
      %dma_wait3A_851 = arith.constant 0 : i32
      %dma_wait3A_852 = tpu.memref_slice %arg8[%dma_wait3A_844, %dma_wait3A_851] : memref<5x64xi32, #tpu.memory_space<vmem>> -> memref<1x64xi32, #tpu.memory_space<vmem>>
      %dma_wait3A_853 = tpu.memref_squeeze %dma_wait3A_852 : memref<1x64xi32, #tpu.memory_space<vmem>> -> memref<64xi32, #tpu.memory_space<vmem>>
      %dma_wait3A_854 = arith.constant 0 : i32
      %dma_wait3A_855 = tpu.memref_slice %arg4[%mul3A_4, %dma_wait3A_854] : memref<5120x64xi32, #tpu.memory_space<hbm>> -> memref<1x64xi32, #tpu.memory_space<hbm>>
      %dma_wait3A_856 = tpu.memref_squeeze %dma_wait3A_855 : memref<1x64xi32, #tpu.memory_space<hbm>> -> memref<64xi32, #tpu.memory_space<hbm>>
      tpu.wait_dma2 semaphore(%arg30 : memref<!tpu.dma_semaphore, #tpu.memory_space<semaphore_mem>>) src(%dma_wait3A_856 : memref<64xi32, #tpu.memory_space<hbm>>) dst(%dma_wait3A_853 : memref<64xi32, #tpu.memory_space<vmem>>)
      %dma_start3A_857 = arith.constant 1 : i32
      %dma_start3A_858 = arith.constant 0 : i32
      %dma_start3A_859 = tpu.memref_slice %arg8[%dma_start3A_857, %dma_start3A_858] : memref<5x64xi32, #tpu.memory_space<vmem>> -> memref<1x64xi32, #tpu.memory_space<vmem>>
      %dma_start3A_860 = tpu.memref_squeeze %dma_start3A_859 : memref<1x64xi32, #tpu.memory_space<vmem>> -> memref<64xi32, #tpu.memory_space<vmem>>
      %dma_start3A_861 = arith.constant 0 : i32
      %dma_start3A_862 = arith.constant 0 : i32
      %dma_start3A_863 = tpu.memref_slice %arg6[%dma_start3A_861, %dma_start3A_862] : memref<10240x128xf32, #tpu.memory_space<vmem_shared>> -> memref<10240x128xf32, #tpu.memory_space<vmem_shared>>
      tpu.enqueue_indirect_dma source(%arg10 : memref<64x128xf32, #tpu.memory_space<vmem>>) target(%dma_start3A_863 : memref<10240x128xf32, #tpu.memory_space<vmem_shared>>) offsets(%dma_start3A_860 : memref<64xi32, #tpu.memory_space<vmem>>) semaphore(%arg20 : memref<!tpu.dma_semaphore, #tpu.memory_space<semaphore_mem>>) {add = true}
      %dma_wait3A_864 = arith.constant 0 : i32
      %dma_wait3A_865 = arith.constant 0 : i32
      %dma_wait3A_866 = tpu.memref_slice %arg8[%dma_wait3A_864, %dma_wait3A_865] : memref<5x64xi32, #tpu.memory_space<vmem>> -> memref<1x64xi32, #tpu.memory_space<vmem>>
      %dma_wait3A_867 = tpu.memref_squeeze %dma_wait3A_866 : memref<1x64xi32, #tpu.memory_space<vmem>> -> memref<64xi32, #tpu.memory_space<vmem>>
      %dma_wait3A_868 = arith.constant 0 : i32
      %dma_wait3A_869 = arith.constant 0 : i32
      %dma_wait3A_870 = tpu.memref_slice %arg6[%dma_wait3A_868, %dma_wait3A_869] : memref<10240x128xf32, #tpu.memory_space<vmem_shared>> -> memref<10240x128xf32, #tpu.memory_space<vmem_shared>>
      tpu.wait_indirect_dma semaphore(%arg19 : memref<!tpu.dma_semaphore, #tpu.memory_space<semaphore_mem>>) src(%arg9 : memref<64x128xf32, #tpu.memory_space<vmem>>) dst(%dma_wait3A_870 : memref<10240x128xf32, #tpu.memory_space<vmem_shared>>)
      %add3A_871 = arith.constant 5 : i32
      %add3A_872 = arith.addi %add3A_836, %add3A_871 : i32
      %add3A_873 = arith.addi %mul3A_4, %add3A_872 : i32
      %dma_start3A_874 = arith.constant 1 : i32
      %dma_start3A_875 = arith.constant 0 : i32
      %dma_start3A_876 = tpu.memref_slice %arg7[%dma_start3A_874, %dma_start3A_875] : memref<5x64xi32, #tpu.memory_space<vmem>> -> memref<1x64xi32, #tpu.memory_space<vmem>>
      %dma_start3A_877 = tpu.memref_squeeze %dma_start3A_876 : memref<1x64xi32, #tpu.memory_space<vmem>> -> memref<64xi32, #tpu.memory_space<vmem>>
      %dma_start3A_878 = arith.constant 0 : i32
      %dma_start3A_879 = tpu.memref_slice %arg3[%add3A_873, %dma_start3A_878] : memref<5120x64xi32, #tpu.memory_space<hbm>> -> memref<1x64xi32, #tpu.memory_space<hbm>>
      %dma_start3A_880 = tpu.memref_squeeze %dma_start3A_879 : memref<1x64xi32, #tpu.memory_space<hbm>> -> memref<64xi32, #tpu.memory_space<hbm>>
      %dma_start3A_881 = arith.constant 0 : i32
      %dma_start3A_882 = tpu.memref_slice %arg7[%dma_start3A_874, %dma_start3A_881] : memref<5x64xi32, #tpu.memory_space<vmem>> -> memref<1x64xi32, #tpu.memory_space<vmem>>
      %dma_start3A_883 = tpu.memref_squeeze %dma_start3A_882 : memref<1x64xi32, #tpu.memory_space<vmem>> -> memref<64xi32, #tpu.memory_space<vmem>>
      %dma_start3A_884 = arith.constant 0 : i32
      %dma_start3A_885 = tpu.memref_slice %arg3[%add3A_873, %dma_start3A_884] : memref<5120x64xi32, #tpu.memory_space<hbm>> -> memref<1x64xi32, #tpu.memory_space<hbm>>
      %dma_start3A_886 = tpu.memref_squeeze %dma_start3A_885 : memref<1x64xi32, #tpu.memory_space<hbm>> -> memref<64xi32, #tpu.memory_space<hbm>>
      tpu.enqueue_dma source(%dma_start3A_886 : memref<64xi32, #tpu.memory_space<hbm>>) target(%dma_start3A_883 : memref<64xi32, #tpu.memory_space<vmem>>) target_semaphore(%arg25 : memref<!tpu.dma_semaphore, #tpu.memory_space<semaphore_mem>>)
      %add3A_887 = arith.constant 5 : i32
      %add3A_888 = arith.addi %add3A_836, %add3A_887 : i32
      %sub3A_889 = arith.constant 1 : i32
      %sub3A_890 = arith.subi %add3A_888, %sub3A_889 : i32
      %add3A_891 = arith.addi %mul3A_4, %sub3A_890 : i32
      %dma_start3A_892 = arith.constant 0 : i32
      %dma_start3A_893 = arith.constant 0 : i32
      %dma_start3A_894 = tpu.memref_slice %arg8[%dma_start3A_892, %dma_start3A_893] : memref<5x64xi32, #tpu.memory_space<vmem>> -> memref<1x64xi32, #tpu.memory_space<vmem>>
      %dma_start3A_895 = tpu.memref_squeeze %dma_start3A_894 : memref<1x64xi32, #tpu.memory_space<vmem>> -> memref<64xi32, #tpu.memory_space<vmem>>
      %dma_start3A_896 = arith.constant 0 : i32
      %dma_start3A_897 = tpu.memref_slice %arg4[%add3A_891, %dma_start3A_896] : memref<5120x64xi32, #tpu.memory_space<hbm>> -> memref<1x64xi32, #tpu.memory_space<hbm>>
      %dma_start3A_898 = tpu.memref_squeeze %dma_start3A_897 : memref<1x64xi32, #tpu.memory_space<hbm>> -> memref<64xi32, #tpu.memory_space<hbm>>
      %dma_start3A_899 = arith.constant 0 : i32
      %dma_start3A_900 = tpu.memref_slice %arg8[%dma_start3A_892, %dma_start3A_899] : memref<5x64xi32, #tpu.memory_space<vmem>> -> memref<1x64xi32, #tpu.memory_space<vmem>>
      %dma_start3A_901 = tpu.memref_squeeze %dma_start3A_900 : memref<1x64xi32, #tpu.memory_space<vmem>> -> memref<64xi32, #tpu.memory_space<vmem>>
      %dma_start3A_902 = arith.constant 0 : i32
      %dma_start3A_903 = tpu.memref_slice %arg4[%add3A_891, %dma_start3A_902] : memref<5120x64xi32, #tpu.memory_space<hbm>> -> memref<1x64xi32, #tpu.memory_space<hbm>>
      %dma_start3A_904 = tpu.memref_squeeze %dma_start3A_903 : memref<1x64xi32, #tpu.memory_space<hbm>> -> memref<64xi32, #tpu.memory_space<hbm>>
      tpu.enqueue_dma source(%dma_start3A_904 : memref<64xi32, #tpu.memory_space<hbm>>) target(%dma_start3A_901 : memref<64xi32, #tpu.memory_space<vmem>>) target_semaphore(%arg29 : memref<!tpu.dma_semaphore, #tpu.memory_space<semaphore_mem>>)
      %dma_wait3A_905 = arith.constant 0 : i32
      %dma_wait3A_906 = arith.constant 0 : i32
      %dma_wait3A_907 = tpu.memref_slice %arg7[%dma_wait3A_905, %dma_wait3A_906] : memref<5x64xi32, #tpu.memory_space<vmem>> -> memref<1x64xi32, #tpu.memory_space<vmem>>
      %dma_wait3A_908 = tpu.memref_squeeze %dma_wait3A_907 : memref<1x64xi32, #tpu.memory_space<vmem>> -> memref<64xi32, #tpu.memory_space<vmem>>
      %dma_wait3A_909 = arith.constant 0 : i32
      %dma_wait3A_910 = tpu.memref_slice %arg3[%mul3A_4, %dma_wait3A_909] : memref<5120x64xi32, #tpu.memory_space<hbm>> -> memref<1x64xi32, #tpu.memory_space<hbm>>
      %dma_wait3A_911 = tpu.memref_squeeze %dma_wait3A_910 : memref<1x64xi32, #tpu.memory_space<hbm>> -> memref<64xi32, #tpu.memory_space<hbm>>
      %dma_wait3A_912 = arith.constant 0 : i32
      %dma_wait3A_913 = tpu.memref_slice %arg7[%dma_wait3A_905, %dma_wait3A_912] : memref<5x64xi32, #tpu.memory_space<vmem>> -> memref<1x64xi32, #tpu.memory_space<vmem>>
      %dma_wait3A_914 = tpu.memref_squeeze %dma_wait3A_913 : memref<1x64xi32, #tpu.memory_space<vmem>> -> memref<64xi32, #tpu.memory_space<vmem>>
      %dma_wait3A_915 = arith.constant 0 : i32
      %dma_wait3A_916 = tpu.memref_slice %arg3[%mul3A_4, %dma_wait3A_915] : memref<5120x64xi32, #tpu.memory_space<hbm>> -> memref<1x64xi32, #tpu.memory_space<hbm>>
      %dma_wait3A_917 = tpu.memref_squeeze %dma_wait3A_916 : memref<1x64xi32, #tpu.memory_space<hbm>> -> memref<64xi32, #tpu.memory_space<hbm>>
      tpu.wait_dma2 semaphore(%arg24 : memref<!tpu.dma_semaphore, #tpu.memory_space<semaphore_mem>>) src(%dma_wait3A_917 : memref<64xi32, #tpu.memory_space<hbm>>) dst(%dma_wait3A_914 : memref<64xi32, #tpu.memory_space<vmem>>)
      %dma_start3A_918 = arith.constant 0 : i32
      %dma_start3A_919 = arith.constant 0 : i32
      %dma_start3A_920 = tpu.memref_slice %arg7[%dma_start3A_918, %dma_start3A_919] : memref<5x64xi32, #tpu.memory_space<vmem>> -> memref<1x64xi32, #tpu.memory_space<vmem>>
      %dma_start3A_921 = tpu.memref_squeeze %dma_start3A_920 : memref<1x64xi32, #tpu.memory_space<vmem>> -> memref<64xi32, #tpu.memory_space<vmem>>
      %dma_start3A_922 = arith.constant 0 : i32
      %dma_start3A_923 = arith.constant 0 : i32
      %dma_start3A_924 = tpu.memref_slice %arg2[%dma_start3A_922, %dma_start3A_923] : memref<10240x128xf32, #tpu.memory_space<hbm>> -> memref<10240x128xf32, #tpu.memory_space<hbm>>
      tpu.enqueue_indirect_dma source(%dma_start3A_924 : memref<10240x128xf32, #tpu.memory_space<hbm>>) target(%arg9 : memref<64x128xf32, #tpu.memory_space<vmem>>) offsets(%dma_start3A_921 : memref<64xi32, #tpu.memory_space<vmem>>) semaphore(%arg14 : memref<!tpu.dma_semaphore, #tpu.memory_space<semaphore_mem>>)
      %add3A_925 = arith.constant 3 : i32
      %add3A_926 = arith.addi %add3A_655, %add3A_925 : i32
      %dma_wait3A_927 = arith.constant 2 : i32
      %dma_wait3A_928 = arith.constant 0 : i32
      %dma_wait3A_929 = tpu.memref_slice %arg7[%dma_wait3A_927, %dma_wait3A_928] : memref<5x64xi32, #tpu.memory_space<vmem>> -> memref<1x64xi32, #tpu.memory_space<vmem>>
      %dma_wait3A_930 = tpu.memref_squeeze %dma_wait3A_929 : memref<1x64xi32, #tpu.memory_space<vmem>> -> memref<64xi32, #tpu.memory_space<vmem>>
      %dma_wait3A_931 = arith.constant 0 : i32
      %dma_wait3A_932 = arith.constant 0 : i32
      %dma_wait3A_933 = tpu.memref_slice %arg2[%dma_wait3A_931, %dma_wait3A_932] : memref<10240x128xf32, #tpu.memory_space<hbm>> -> memref<10240x128xf32, #tpu.memory_space<hbm>>
      tpu.wait_indirect_dma semaphore(%arg16 : memref<!tpu.dma_semaphore, #tpu.memory_space<semaphore_mem>>) src(%dma_wait3A_933 : memref<10240x128xf32, #tpu.memory_space<hbm>>) dst(%arg11 : memref<64x128xf32, #tpu.memory_space<vmem>>)
      %dma_wait3A_934 = arith.constant 2 : i32
      %dma_wait3A_935 = arith.constant 0 : i32
      %dma_wait3A_936 = tpu.memref_slice %arg8[%dma_wait3A_934, %dma_wait3A_935] : memref<5x64xi32, #tpu.memory_space<vmem>> -> memref<1x64xi32, #tpu.memory_space<vmem>>
      %dma_wait3A_937 = tpu.memref_squeeze %dma_wait3A_936 : memref<1x64xi32, #tpu.memory_space<vmem>> -> memref<64xi32, #tpu.memory_space<vmem>>
      %dma_wait3A_938 = arith.constant 0 : i32
      %dma_wait3A_939 = tpu.memref_slice %arg4[%mul3A_4, %dma_wait3A_938] : memref<5120x64xi32, #tpu.memory_space<hbm>> -> memref<1x64xi32, #tpu.memory_space<hbm>>
      %dma_wait3A_940 = tpu.memref_squeeze %dma_wait3A_939 : memref<1x64xi32, #tpu.memory_space<hbm>> -> memref<64xi32, #tpu.memory_space<hbm>>
      %dma_wait3A_941 = arith.constant 0 : i32
      %dma_wait3A_942 = tpu.memref_slice %arg8[%dma_wait3A_934, %dma_wait3A_941] : memref<5x64xi32, #tpu.memory_space<vmem>> -> memref<1x64xi32, #tpu.memory_space<vmem>>
      %dma_wait3A_943 = tpu.memref_squeeze %dma_wait3A_942 : memref<1x64xi32, #tpu.memory_space<vmem>> -> memref<64xi32, #tpu.memory_space<vmem>>
      %dma_wait3A_944 = arith.constant 0 : i32
      %dma_wait3A_945 = tpu.memref_slice %arg4[%mul3A_4, %dma_wait3A_944] : memref<5120x64xi32, #tpu.memory_space<hbm>> -> memref<1x64xi32, #tpu.memory_space<hbm>>
      %dma_wait3A_946 = tpu.memref_squeeze %dma_wait3A_945 : memref<1x64xi32, #tpu.memory_space<hbm>> -> memref<64xi32, #tpu.memory_space<hbm>>
      tpu.wait_dma2 semaphore(%arg31 : memref<!tpu.dma_semaphore, #tpu.memory_space<semaphore_mem>>) src(%dma_wait3A_946 : memref<64xi32, #tpu.memory_space<hbm>>) dst(%dma_wait3A_943 : memref<64xi32, #tpu.memory_space<vmem>>)
      %dma_start3A_947 = arith.constant 2 : i32
      %dma_start3A_948 = arith.constant 0 : i32
      %dma_start3A_949 = tpu.memref_slice %arg8[%dma_start3A_947, %dma_start3A_948] : memref<5x64xi32, #tpu.memory_space<vmem>> -> memref<1x64xi32, #tpu.memory_space<vmem>>
      %dma_start3A_950 = tpu.memref_squeeze %dma_start3A_949 : memref<1x64xi32, #tpu.memory_space<vmem>> -> memref<64xi32, #tpu.memory_space<vmem>>
      %dma_start3A_951 = arith.constant 0 : i32
      %dma_start3A_952 = arith.constant 0 : i32
      %dma_start3A_953 = tpu.memref_slice %arg6[%dma_start3A_951, %dma_start3A_952] : memref<10240x128xf32, #tpu.memory_space<vmem_shared>> -> memref<10240x128xf32, #tpu.memory_space<vmem_shared>>
      tpu.enqueue_indirect_dma source(%arg11 : memref<64x128xf32, #tpu.memory_space<vmem>>) target(%dma_start3A_953 : memref<10240x128xf32, #tpu.memory_space<vmem_shared>>) offsets(%dma_start3A_950 : memref<64xi32, #tpu.memory_space<vmem>>) semaphore(%arg21 : memref<!tpu.dma_semaphore, #tpu.memory_space<semaphore_mem>>) {add = true}
      %dma_wait3A_954 = arith.constant 0 : i32
      %dma_wait3A_955 = arith.constant 0 : i32
      %dma_wait3A_956 = tpu.memref_slice %arg8[%dma_wait3A_954, %dma_wait3A_955] : memref<5x64xi32, #tpu.memory_space<vmem>> -> memref<1x64xi32, #tpu.memory_space<vmem>>
      %dma_wait3A_957 = tpu.memref_squeeze %dma_wait3A_956 : memref<1x64xi32, #tpu.memory_space<vmem>> -> memref<64xi32, #tpu.memory_space<vmem>>
      %dma_wait3A_958 = arith.constant 0 : i32
      %dma_wait3A_959 = arith.constant 0 : i32
      %dma_wait3A_960 = tpu.memref_slice %arg6[%dma_wait3A_958, %dma_wait3A_959] : memref<10240x128xf32, #tpu.memory_space<vmem_shared>> -> memref<10240x128xf32, #tpu.memory_space<vmem_shared>>
      tpu.wait_indirect_dma semaphore(%arg20 : memref<!tpu.dma_semaphore, #tpu.memory_space<semaphore_mem>>) src(%arg10 : memref<64x128xf32, #tpu.memory_space<vmem>>) dst(%dma_wait3A_960 : memref<10240x128xf32, #tpu.memory_space<vmem_shared>>)
      %add3A_961 = arith.constant 5 : i32
      %add3A_962 = arith.addi %add3A_926, %add3A_961 : i32
      %add3A_963 = arith.addi %mul3A_4, %add3A_962 : i32
      %dma_start3A_964 = arith.constant 2 : i32
      %dma_start3A_965 = arith.constant 0 : i32
      %dma_start3A_966 = tpu.memref_slice %arg7[%dma_start3A_964, %dma_start3A_965] : memref<5x64xi32, #tpu.memory_space<vmem>> -> memref<1x64xi32, #tpu.memory_space<vmem>>
      %dma_start3A_967 = tpu.memref_squeeze %dma_start3A_966 : memref<1x64xi32, #tpu.memory_space<vmem>> -> memref<64xi32, #tpu.memory_space<vmem>>
      %dma_start3A_968 = arith.constant 0 : i32
      %dma_start3A_969 = tpu.memref_slice %arg3[%add3A_963, %dma_start3A_968] : memref<5120x64xi32, #tpu.memory_space<hbm>> -> memref<1x64xi32, #tpu.memory_space<hbm>>
      %dma_start3A_970 = tpu.memref_squeeze %dma_start3A_969 : memref<1x64xi32, #tpu.memory_space<hbm>> -> memref<64xi32, #tpu.memory_space<hbm>>
      %dma_start3A_971 = arith.constant 0 : i32
      %dma_start3A_972 = tpu.memref_slice %arg7[%dma_start3A_964, %dma_start3A_971] : memref<5x64xi32, #tpu.memory_space<vmem>> -> memref<1x64xi32, #tpu.memory_space<vmem>>
      %dma_start3A_973 = tpu.memref_squeeze %dma_start3A_972 : memref<1x64xi32, #tpu.memory_space<vmem>> -> memref<64xi32, #tpu.memory_space<vmem>>
      %dma_start3A_974 = arith.constant 0 : i32
      %dma_start3A_975 = tpu.memref_slice %arg3[%add3A_963, %dma_start3A_974] : memref<5120x64xi32, #tpu.memory_space<hbm>> -> memref<1x64xi32, #tpu.memory_space<hbm>>
      %dma_start3A_976 = tpu.memref_squeeze %dma_start3A_975 : memref<1x64xi32, #tpu.memory_space<hbm>> -> memref<64xi32, #tpu.memory_space<hbm>>
      tpu.enqueue_dma source(%dma_start3A_976 : memref<64xi32, #tpu.memory_space<hbm>>) target(%dma_start3A_973 : memref<64xi32, #tpu.memory_space<vmem>>) target_semaphore(%arg26 : memref<!tpu.dma_semaphore, #tpu.memory_space<semaphore_mem>>)
      %add3A_977 = arith.constant 5 : i32
      %add3A_978 = arith.addi %add3A_926, %add3A_977 : i32
      %sub3A_979 = arith.constant 1 : i32
      %sub3A_980 = arith.subi %add3A_978, %sub3A_979 : i32
      %add3A_981 = arith.addi %mul3A_4, %sub3A_980 : i32
      %dma_start3A_982 = arith.constant 1 : i32
      %dma_start3A_983 = arith.constant 0 : i32
      %dma_start3A_984 = tpu.memref_slice %arg8[%dma_start3A_982, %dma_start3A_983] : memref<5x64xi32, #tpu.memory_space<vmem>> -> memref<1x64xi32, #tpu.memory_space<vmem>>
      %dma_start3A_985 = tpu.memref_squeeze %dma_start3A_984 : memref<1x64xi32, #tpu.memory_space<vmem>> -> memref<64xi32, #tpu.memory_space<vmem>>
      %dma_start3A_986 = arith.constant 0 : i32
      %dma_start3A_987 = tpu.memref_slice %arg4[%add3A_981, %dma_start3A_986] : memref<5120x64xi32, #tpu.memory_space<hbm>> -> memref<1x64xi32, #tpu.memory_space<hbm>>
      %dma_start3A_988 = tpu.memref_squeeze %dma_start3A_987 : memref<1x64xi32, #tpu.memory_space<hbm>> -> memref<64xi32, #tpu.memory_space<hbm>>
      %dma_start3A_989 = arith.constant 0 : i32
      %dma_start3A_990 = tpu.memref_slice %arg8[%dma_start3A_982, %dma_start3A_989] : memref<5x64xi32, #tpu.memory_space<vmem>> -> memref<1x64xi32, #tpu.memory_space<vmem>>
      %dma_start3A_991 = tpu.memref_squeeze %dma_start3A_990 : memref<1x64xi32, #tpu.memory_space<vmem>> -> memref<64xi32, #tpu.memory_space<vmem>>
      %dma_start3A_992 = arith.constant 0 : i32
      %dma_start3A_993 = tpu.memref_slice %arg4[%add3A_981, %dma_start3A_992] : memref<5120x64xi32, #tpu.memory_space<hbm>> -> memref<1x64xi32, #tpu.memory_space<hbm>>
      %dma_start3A_994 = tpu.memref_squeeze %dma_start3A_993 : memref<1x64xi32, #tpu.memory_space<hbm>> -> memref<64xi32, #tpu.memory_space<hbm>>
      tpu.enqueue_dma source(%dma_start3A_994 : memref<64xi32, #tpu.memory_space<hbm>>) target(%dma_start3A_991 : memref<64xi32, #tpu.memory_space<vmem>>) target_semaphore(%arg30 : memref<!tpu.dma_semaphore, #tpu.memory_space<semaphore_mem>>)
      %dma_wait3A_995 = arith.constant 1 : i32
      %dma_wait3A_996 = arith.constant 0 : i32
      %dma_wait3A_997 = tpu.memref_slice %arg7[%dma_wait3A_995, %dma_wait3A_996] : memref<5x64xi32, #tpu.memory_space<vmem>> -> memref<1x64xi32, #tpu.memory_space<vmem>>
      %dma_wait3A_998 = tpu.memref_squeeze %dma_wait3A_997 : memref<1x64xi32, #tpu.memory_space<vmem>> -> memref<64xi32, #tpu.memory_space<vmem>>
      %dma_wait3A_999 = arith.constant 0 : i32
      %dma_wait3A_1000 = tpu.memref_slice %arg3[%mul3A_4, %dma_wait3A_999] : memref<5120x64xi32, #tpu.memory_space<hbm>> -> memref<1x64xi32, #tpu.memory_space<hbm>>
      %dma_wait3A_1001 = tpu.memref_squeeze %dma_wait3A_1000 : memref<1x64xi32, #tpu.memory_space<hbm>> -> memref<64xi32, #tpu.memory_space<hbm>>
      %dma_wait3A_1002 = arith.constant 0 : i32
      %dma_wait3A_1003 = tpu.memref_slice %arg7[%dma_wait3A_995, %dma_wait3A_1002] : memref<5x64xi32, #tpu.memory_space<vmem>> -> memref<1x64xi32, #tpu.memory_space<vmem>>
      %dma_wait3A_1004 = tpu.memref_squeeze %dma_wait3A_1003 : memref<1x64xi32, #tpu.memory_space<vmem>> -> memref<64xi32, #tpu.memory_space<vmem>>
      %dma_wait3A_1005 = arith.constant 0 : i32
      %dma_wait3A_1006 = tpu.memref_slice %arg3[%mul3A_4, %dma_wait3A_1005] : memref<5120x64xi32, #tpu.memory_space<hbm>> -> memref<1x64xi32, #tpu.memory_space<hbm>>
      %dma_wait3A_1007 = tpu.memref_squeeze %dma_wait3A_1006 : memref<1x64xi32, #tpu.memory_space<hbm>> -> memref<64xi32, #tpu.memory_space<hbm>>
      tpu.wait_dma2 semaphore(%arg25 : memref<!tpu.dma_semaphore, #tpu.memory_space<semaphore_mem>>) src(%dma_wait3A_1007 : memref<64xi32, #tpu.memory_space<hbm>>) dst(%dma_wait3A_1004 : memref<64xi32, #tpu.memory_space<vmem>>)
      %dma_start3A_1008 = arith.constant 1 : i32
      %dma_start3A_1009 = arith.constant 0 : i32
      %dma_start3A_1010 = tpu.memref_slice %arg7[%dma_start3A_1008, %dma_start3A_1009] : memref<5x64xi32, #tpu.memory_space<vmem>> -> memref<1x64xi32, #tpu.memory_space<vmem>>
      %dma_start3A_1011 = tpu.memref_squeeze %dma_start3A_1010 : memref<1x64xi32, #tpu.memory_space<vmem>> -> memref<64xi32, #tpu.memory_space<vmem>>
      %dma_start3A_1012 = arith.constant 0 : i32
      %dma_start3A_1013 = arith.constant 0 : i32
      %dma_start3A_1014 = tpu.memref_slice %arg2[%dma_start3A_1012, %dma_start3A_1013] : memref<10240x128xf32, #tpu.memory_space<hbm>> -> memref<10240x128xf32, #tpu.memory_space<hbm>>
      tpu.enqueue_indirect_dma source(%dma_start3A_1014 : memref<10240x128xf32, #tpu.memory_space<hbm>>) target(%arg10 : memref<64x128xf32, #tpu.memory_space<vmem>>) offsets(%dma_start3A_1011 : memref<64xi32, #tpu.memory_space<vmem>>) semaphore(%arg15 : memref<!tpu.dma_semaphore, #tpu.memory_space<semaphore_mem>>)
      %add3A_1015 = arith.constant 4 : i32
      %add3A_1016 = arith.addi %add3A_655, %add3A_1015 : i32
      %dma_wait3A_1017 = arith.constant 3 : i32
      %dma_wait3A_1018 = arith.constant 0 : i32
      %dma_wait3A_1019 = tpu.memref_slice %arg7[%dma_wait3A_1017, %dma_wait3A_1018] : memref<5x64xi32, #tpu.memory_space<vmem>> -> memref<1x64xi32, #tpu.memory_space<vmem>>
      %dma_wait3A_1020 = tpu.memref_squeeze %dma_wait3A_1019 : memref<1x64xi32, #tpu.memory_space<vmem>> -> memref<64xi32, #tpu.memory_space<vmem>>
      %dma_wait3A_1021 = arith.constant 0 : i32
      %dma_wait3A_1022 = arith.constant 0 : i32
      %dma_wait3A_1023 = tpu.memref_slice %arg2[%dma_wait3A_1021, %dma_wait3A_1022] : memref<10240x128xf32, #tpu.memory_space<hbm>> -> memref<10240x128xf32, #tpu.memory_space<hbm>>
      tpu.wait_indirect_dma semaphore(%arg17 : memref<!tpu.dma_semaphore, #tpu.memory_space<semaphore_mem>>) src(%dma_wait3A_1023 : memref<10240x128xf32, #tpu.memory_space<hbm>>) dst(%arg12 : memref<64x128xf32, #tpu.memory_space<vmem>>)
      %dma_wait3A_1024 = arith.constant 3 : i32
      %dma_wait3A_1025 = arith.constant 0 : i32
      %dma_wait3A_1026 = tpu.memref_slice %arg8[%dma_wait3A_1024, %dma_wait3A_1025] : memref<5x64xi32, #tpu.memory_space<vmem>> -> memref<1x64xi32, #tpu.memory_space<vmem>>
      %dma_wait3A_1027 = tpu.memref_squeeze %dma_wait3A_1026 : memref<1x64xi32, #tpu.memory_space<vmem>> -> memref<64xi32, #tpu.memory_space<vmem>>
      %dma_wait3A_1028 = arith.constant 0 : i32
      %dma_wait3A_1029 = tpu.memref_slice %arg4[%mul3A_4, %dma_wait3A_1028] : memref<5120x64xi32, #tpu.memory_space<hbm>> -> memref<1x64xi32, #tpu.memory_space<hbm>>
      %dma_wait3A_1030 = tpu.memref_squeeze %dma_wait3A_1029 : memref<1x64xi32, #tpu.memory_space<hbm>> -> memref<64xi32, #tpu.memory_space<hbm>>
      %dma_wait3A_1031 = arith.constant 0 : i32
      %dma_wait3A_1032 = tpu.memref_slice %arg8[%dma_wait3A_1024, %dma_wait3A_1031] : memref<5x64xi32, #tpu.memory_space<vmem>> -> memref<1x64xi32, #tpu.memory_space<vmem>>
      %dma_wait3A_1033 = tpu.memref_squeeze %dma_wait3A_1032 : memref<1x64xi32, #tpu.memory_space<vmem>> -> memref<64xi32, #tpu.memory_space<vmem>>
      %dma_wait3A_1034 = arith.constant 0 : i32
      %dma_wait3A_1035 = tpu.memref_slice %arg4[%mul3A_4, %dma_wait3A_1034] : memref<5120x64xi32, #tpu.memory_space<hbm>> -> memref<1x64xi32, #tpu.memory_space<hbm>>
      %dma_wait3A_1036 = tpu.memref_squeeze %dma_wait3A_1035 : memref<1x64xi32, #tpu.memory_space<hbm>> -> memref<64xi32, #tpu.memory_space<hbm>>
      tpu.wait_dma2 semaphore(%arg32 : memref<!tpu.dma_semaphore, #tpu.memory_space<semaphore_mem>>) src(%dma_wait3A_1036 : memref<64xi32, #tpu.memory_space<hbm>>) dst(%dma_wait3A_1033 : memref<64xi32, #tpu.memory_space<vmem>>)
      %dma_start3A_1037 = arith.constant 3 : i32
      %dma_start3A_1038 = arith.constant 0 : i32
      %dma_start3A_1039 = tpu.memref_slice %arg8[%dma_start3A_1037, %dma_start3A_1038] : memref<5x64xi32, #tpu.memory_space<vmem>> -> memref<1x64xi32, #tpu.memory_space<vmem>>
      %dma_start3A_1040 = tpu.memref_squeeze %dma_start3A_1039 : memref<1x64xi32, #tpu.memory_space<vmem>> -> memref<64xi32, #tpu.memory_space<vmem>>
      %dma_start3A_1041 = arith.constant 0 : i32
      %dma_start3A_1042 = arith.constant 0 : i32
      %dma_start3A_1043 = tpu.memref_slice %arg6[%dma_start3A_1041, %dma_start3A_1042] : memref<10240x128xf32, #tpu.memory_space<vmem_shared>> -> memref<10240x128xf32, #tpu.memory_space<vmem_shared>>
      tpu.enqueue_indirect_dma source(%arg12 : memref<64x128xf32, #tpu.memory_space<vmem>>) target(%dma_start3A_1043 : memref<10240x128xf32, #tpu.memory_space<vmem_shared>>) offsets(%dma_start3A_1040 : memref<64xi32, #tpu.memory_space<vmem>>) semaphore(%arg22 : memref<!tpu.dma_semaphore, #tpu.memory_space<semaphore_mem>>) {add = true}
      %dma_wait3A_1044 = arith.constant 0 : i32
      %dma_wait3A_1045 = arith.constant 0 : i32
      %dma_wait3A_1046 = tpu.memref_slice %arg8[%dma_wait3A_1044, %dma_wait3A_1045] : memref<5x64xi32, #tpu.memory_space<vmem>> -> memref<1x64xi32, #tpu.memory_space<vmem>>
      %dma_wait3A_1047 = tpu.memref_squeeze %dma_wait3A_1046 : memref<1x64xi32, #tpu.memory_space<vmem>> -> memref<64xi32, #tpu.memory_space<vmem>>
      %dma_wait3A_1048 = arith.constant 0 : i32
      %dma_wait3A_1049 = arith.constant 0 : i32
      %dma_wait3A_1050 = tpu.memref_slice %arg6[%dma_wait3A_1048, %dma_wait3A_1049] : memref<10240x128xf32, #tpu.memory_space<vmem_shared>> -> memref<10240x128xf32, #tpu.memory_space<vmem_shared>>
      tpu.wait_indirect_dma semaphore(%arg21 : memref<!tpu.dma_semaphore, #tpu.memory_space<semaphore_mem>>) src(%arg11 : memref<64x128xf32, #tpu.memory_space<vmem>>) dst(%dma_wait3A_1050 : memref<10240x128xf32, #tpu.memory_space<vmem_shared>>)
      %add3A_1051 = arith.constant 5 : i32
      %add3A_1052 = arith.addi %add3A_1016, %add3A_1051 : i32
      %add3A_1053 = arith.addi %mul3A_4, %add3A_1052 : i32
      %dma_start3A_1054 = arith.constant 3 : i32
      %dma_start3A_1055 = arith.constant 0 : i32
      %dma_start3A_1056 = tpu.memref_slice %arg7[%dma_start3A_1054, %dma_start3A_1055] : memref<5x64xi32, #tpu.memory_space<vmem>> -> memref<1x64xi32, #tpu.memory_space<vmem>>
      %dma_start3A_1057 = tpu.memref_squeeze %dma_start3A_1056 : memref<1x64xi32, #tpu.memory_space<vmem>> -> memref<64xi32, #tpu.memory_space<vmem>>
      %dma_start3A_1058 = arith.constant 0 : i32
      %dma_start3A_1059 = tpu.memref_slice %arg3[%add3A_1053, %dma_start3A_1058] : memref<5120x64xi32, #tpu.memory_space<hbm>> -> memref<1x64xi32, #tpu.memory_space<hbm>>
      %dma_start3A_1060 = tpu.memref_squeeze %dma_start3A_1059 : memref<1x64xi32, #tpu.memory_space<hbm>> -> memref<64xi32, #tpu.memory_space<hbm>>
      %dma_start3A_1061 = arith.constant 0 : i32
      %dma_start3A_1062 = tpu.memref_slice %arg7[%dma_start3A_1054, %dma_start3A_1061] : memref<5x64xi32, #tpu.memory_space<vmem>> -> memref<1x64xi32, #tpu.memory_space<vmem>>
      %dma_start3A_1063 = tpu.memref_squeeze %dma_start3A_1062 : memref<1x64xi32, #tpu.memory_space<vmem>> -> memref<64xi32, #tpu.memory_space<vmem>>
      %dma_start3A_1064 = arith.constant 0 : i32
      %dma_start3A_1065 = tpu.memref_slice %arg3[%add3A_1053, %dma_start3A_1064] : memref<5120x64xi32, #tpu.memory_space<hbm>> -> memref<1x64xi32, #tpu.memory_space<hbm>>
      %dma_start3A_1066 = tpu.memref_squeeze %dma_start3A_1065 : memref<1x64xi32, #tpu.memory_space<hbm>> -> memref<64xi32, #tpu.memory_space<hbm>>
      tpu.enqueue_dma source(%dma_start3A_1066 : memref<64xi32, #tpu.memory_space<hbm>>) target(%dma_start3A_1063 : memref<64xi32, #tpu.memory_space<vmem>>) target_semaphore(%arg27 : memref<!tpu.dma_semaphore, #tpu.memory_space<semaphore_mem>>)
      %add3A_1067 = arith.constant 5 : i32
      %add3A_1068 = arith.addi %add3A_1016, %add3A_1067 : i32
      %sub3A_1069 = arith.constant 1 : i32
      %sub3A_1070 = arith.subi %add3A_1068, %sub3A_1069 : i32
      %add3A_1071 = arith.addi %mul3A_4, %sub3A_1070 : i32
      %dma_start3A_1072 = arith.constant 2 : i32
      %dma_start3A_1073 = arith.constant 0 : i32
      %dma_start3A_1074 = tpu.memref_slice %arg8[%dma_start3A_1072, %dma_start3A_1073] : memref<5x64xi32, #tpu.memory_space<vmem>> -> memref<1x64xi32, #tpu.memory_space<vmem>>
      %dma_start3A_1075 = tpu.memref_squeeze %dma_start3A_1074 : memref<1x64xi32, #tpu.memory_space<vmem>> -> memref<64xi32, #tpu.memory_space<vmem>>
      %dma_start3A_1076 = arith.constant 0 : i32
      %dma_start3A_1077 = tpu.memref_slice %arg4[%add3A_1071, %dma_start3A_1076] : memref<5120x64xi32, #tpu.memory_space<hbm>> -> memref<1x64xi32, #tpu.memory_space<hbm>>
      %dma_start3A_1078 = tpu.memref_squeeze %dma_start3A_1077 : memref<1x64xi32, #tpu.memory_space<hbm>> -> memref<64xi32, #tpu.memory_space<hbm>>
      %dma_start3A_1079 = arith.constant 0 : i32
      %dma_start3A_1080 = tpu.memref_slice %arg8[%dma_start3A_1072, %dma_start3A_1079] : memref<5x64xi32, #tpu.memory_space<vmem>> -> memref<1x64xi32, #tpu.memory_space<vmem>>
      %dma_start3A_1081 = tpu.memref_squeeze %dma_start3A_1080 : memref<1x64xi32, #tpu.memory_space<vmem>> -> memref<64xi32, #tpu.memory_space<vmem>>
      %dma_start3A_1082 = arith.constant 0 : i32
      %dma_start3A_1083 = tpu.memref_slice %arg4[%add3A_1071, %dma_start3A_1082] : memref<5120x64xi32, #tpu.memory_space<hbm>> -> memref<1x64xi32, #tpu.memory_space<hbm>>
      %dma_start3A_1084 = tpu.memref_squeeze %dma_start3A_1083 : memref<1x64xi32, #tpu.memory_space<hbm>> -> memref<64xi32, #tpu.memory_space<hbm>>
      tpu.enqueue_dma source(%dma_start3A_1084 : memref<64xi32, #tpu.memory_space<hbm>>) target(%dma_start3A_1081 : memref<64xi32, #tpu.memory_space<vmem>>) target_semaphore(%arg31 : memref<!tpu.dma_semaphore, #tpu.memory_space<semaphore_mem>>)
      %dma_wait3A_1085 = arith.constant 2 : i32
      %dma_wait3A_1086 = arith.constant 0 : i32
      %dma_wait3A_1087 = tpu.memref_slice %arg7[%dma_wait3A_1085, %dma_wait3A_1086] : memref<5x64xi32, #tpu.memory_space<vmem>> -> memref<1x64xi32, #tpu.memory_space<vmem>>
      %dma_wait3A_1088 = tpu.memref_squeeze %dma_wait3A_1087 : memref<1x64xi32, #tpu.memory_space<vmem>> -> memref<64xi32, #tpu.memory_space<vmem>>
      %dma_wait3A_1089 = arith.constant 0 : i32
      %dma_wait3A_1090 = tpu.memref_slice %arg3[%mul3A_4, %dma_wait3A_1089] : memref<5120x64xi32, #tpu.memory_space<hbm>> -> memref<1x64xi32, #tpu.memory_space<hbm>>
      %dma_wait3A_1091 = tpu.memref_squeeze %dma_wait3A_1090 : memref<1x64xi32, #tpu.memory_space<hbm>> -> memref<64xi32, #tpu.memory_space<hbm>>
      %dma_wait3A_1092 = arith.constant 0 : i32
      %dma_wait3A_1093 = tpu.memref_slice %arg7[%dma_wait3A_1085, %dma_wait3A_1092] : memref<5x64xi32, #tpu.memory_space<vmem>> -> memref<1x64xi32, #tpu.memory_space<vmem>>
      %dma_wait3A_1094 = tpu.memref_squeeze %dma_wait3A_1093 : memref<1x64xi32, #tpu.memory_space<vmem>> -> memref<64xi32, #tpu.memory_space<vmem>>
      %dma_wait3A_1095 = arith.constant 0 : i32
      %dma_wait3A_1096 = tpu.memref_slice %arg3[%mul3A_4, %dma_wait3A_1095] : memref<5120x64xi32, #tpu.memory_space<hbm>> -> memref<1x64xi32, #tpu.memory_space<hbm>>
      %dma_wait3A_1097 = tpu.memref_squeeze %dma_wait3A_1096 : memref<1x64xi32, #tpu.memory_space<hbm>> -> memref<64xi32, #tpu.memory_space<hbm>>
      tpu.wait_dma2 semaphore(%arg26 : memref<!tpu.dma_semaphore, #tpu.memory_space<semaphore_mem>>) src(%dma_wait3A_1097 : memref<64xi32, #tpu.memory_space<hbm>>) dst(%dma_wait3A_1094 : memref<64xi32, #tpu.memory_space<vmem>>)
      %dma_start3A_1098 = arith.constant 2 : i32
      %dma_start3A_1099 = arith.constant 0 : i32
      %dma_start3A_1100 = tpu.memref_slice %arg7[%dma_start3A_1098, %dma_start3A_1099] : memref<5x64xi32, #tpu.memory_space<vmem>> -> memref<1x64xi32, #tpu.memory_space<vmem>>
      %dma_start3A_1101 = tpu.memref_squeeze %dma_start3A_1100 : memref<1x64xi32, #tpu.memory_space<vmem>> -> memref<64xi32, #tpu.memory_space<vmem>>
      %dma_start3A_1102 = arith.constant 0 : i32
      %dma_start3A_1103 = arith.constant 0 : i32
      %dma_start3A_1104 = tpu.memref_slice %arg2[%dma_start3A_1102, %dma_start3A_1103] : memref<10240x128xf32, #tpu.memory_space<hbm>> -> memref<10240x128xf32, #tpu.memory_space<hbm>>
      tpu.enqueue_indirect_dma source(%dma_start3A_1104 : memref<10240x128xf32, #tpu.memory_space<hbm>>) target(%arg11 : memref<64x128xf32, #tpu.memory_space<vmem>>) offsets(%dma_start3A_1101 : memref<64xi32, #tpu.memory_space<vmem>>) semaphore(%arg16 : memref<!tpu.dma_semaphore, #tpu.memory_space<semaphore_mem>>)
    }
    %scan3A_350 = arith.constant 30 : i32
    %dma_wait3A_351 = arith.constant 4 : i32
    %dma_wait3A_352 = arith.constant 0 : i32
    %dma_wait3A_353 = tpu.memref_slice %arg7[%dma_wait3A_351, %dma_wait3A_352] : memref<5x64xi32, #tpu.memory_space<vmem>> -> memref<1x64xi32, #tpu.memory_space<vmem>>
    %dma_wait3A_354 = tpu.memref_squeeze %dma_wait3A_353 : memref<1x64xi32, #tpu.memory_space<vmem>> -> memref<64xi32, #tpu.memory_space<vmem>>
    %dma_wait3A_355 = arith.constant 0 : i32
    %dma_wait3A_356 = arith.constant 0 : i32
    %dma_wait3A_357 = tpu.memref_slice %arg2[%dma_wait3A_355, %dma_wait3A_356] : memref<10240x128xf32, #tpu.memory_space<hbm>> -> memref<10240x128xf32, #tpu.memory_space<hbm>>
    tpu.wait_indirect_dma semaphore(%arg18 : memref<!tpu.dma_semaphore, #tpu.memory_space<semaphore_mem>>) src(%dma_wait3A_357 : memref<10240x128xf32, #tpu.memory_space<hbm>>) dst(%arg13 : memref<64x128xf32, #tpu.memory_space<vmem>>)
    %dma_wait3A_358 = arith.constant 4 : i32
    %dma_wait3A_359 = arith.constant 0 : i32
    %dma_wait3A_360 = tpu.memref_slice %arg8[%dma_wait3A_358, %dma_wait3A_359] : memref<5x64xi32, #tpu.memory_space<vmem>> -> memref<1x64xi32, #tpu.memory_space<vmem>>
    %dma_wait3A_361 = tpu.memref_squeeze %dma_wait3A_360 : memref<1x64xi32, #tpu.memory_space<vmem>> -> memref<64xi32, #tpu.memory_space<vmem>>
    %dma_wait3A_362 = arith.constant 0 : i32
    %dma_wait3A_363 = tpu.memref_slice %arg4[%mul3A_4, %dma_wait3A_362] : memref<5120x64xi32, #tpu.memory_space<hbm>> -> memref<1x64xi32, #tpu.memory_space<hbm>>
    %dma_wait3A_364 = tpu.memref_squeeze %dma_wait3A_363 : memref<1x64xi32, #tpu.memory_space<hbm>> -> memref<64xi32, #tpu.memory_space<hbm>>
    %dma_wait3A_365 = arith.constant 0 : i32
    %dma_wait3A_366 = tpu.memref_slice %arg8[%dma_wait3A_358, %dma_wait3A_365] : memref<5x64xi32, #tpu.memory_space<vmem>> -> memref<1x64xi32, #tpu.memory_space<vmem>>
    %dma_wait3A_367 = tpu.memref_squeeze %dma_wait3A_366 : memref<1x64xi32, #tpu.memory_space<vmem>> -> memref<64xi32, #tpu.memory_space<vmem>>
    %dma_wait3A_368 = arith.constant 0 : i32
    %dma_wait3A_369 = tpu.memref_slice %arg4[%mul3A_4, %dma_wait3A_368] : memref<5120x64xi32, #tpu.memory_space<hbm>> -> memref<1x64xi32, #tpu.memory_space<hbm>>
    %dma_wait3A_370 = tpu.memref_squeeze %dma_wait3A_369 : memref<1x64xi32, #tpu.memory_space<hbm>> -> memref<64xi32, #tpu.memory_space<hbm>>
    tpu.wait_dma2 semaphore(%arg33 : memref<!tpu.dma_semaphore, #tpu.memory_space<semaphore_mem>>) src(%dma_wait3A_370 : memref<64xi32, #tpu.memory_space<hbm>>) dst(%dma_wait3A_367 : memref<64xi32, #tpu.memory_space<vmem>>)
    %dma_start3A_371 = arith.constant 4 : i32
    %dma_start3A_372 = arith.constant 0 : i32
    %dma_start3A_373 = tpu.memref_slice %arg8[%dma_start3A_371, %dma_start3A_372] : memref<5x64xi32, #tpu.memory_space<vmem>> -> memref<1x64xi32, #tpu.memory_space<vmem>>
    %dma_start3A_374 = tpu.memref_squeeze %dma_start3A_373 : memref<1x64xi32, #tpu.memory_space<vmem>> -> memref<64xi32, #tpu.memory_space<vmem>>
    %dma_start3A_375 = arith.constant 0 : i32
    %dma_start3A_376 = arith.constant 0 : i32
    %dma_start3A_377 = tpu.memref_slice %arg6[%dma_start3A_375, %dma_start3A_376] : memref<10240x128xf32, #tpu.memory_space<vmem_shared>> -> memref<10240x128xf32, #tpu.memory_space<vmem_shared>>
    tpu.enqueue_indirect_dma source(%arg13 : memref<64x128xf32, #tpu.memory_space<vmem>>) target(%dma_start3A_377 : memref<10240x128xf32, #tpu.memory_space<vmem_shared>>) offsets(%dma_start3A_374 : memref<64xi32, #tpu.memory_space<vmem>>) semaphore(%arg23 : memref<!tpu.dma_semaphore, #tpu.memory_space<semaphore_mem>>) {add = true}
    %dma_wait3A_378 = arith.constant 0 : i32
    %dma_wait3A_379 = arith.constant 0 : i32
    %dma_wait3A_380 = tpu.memref_slice %arg8[%dma_wait3A_378, %dma_wait3A_379] : memref<5x64xi32, #tpu.memory_space<vmem>> -> memref<1x64xi32, #tpu.memory_space<vmem>>
    %dma_wait3A_381 = tpu.memref_squeeze %dma_wait3A_380 : memref<1x64xi32, #tpu.memory_space<vmem>> -> memref<64xi32, #tpu.memory_space<vmem>>
    %dma_wait3A_382 = arith.constant 0 : i32
    %dma_wait3A_383 = arith.constant 0 : i32
    %dma_wait3A_384 = tpu.memref_slice %arg6[%dma_wait3A_382, %dma_wait3A_383] : memref<10240x128xf32, #tpu.memory_space<vmem_shared>> -> memref<10240x128xf32, #tpu.memory_space<vmem_shared>>
    tpu.wait_indirect_dma semaphore(%arg22 : memref<!tpu.dma_semaphore, #tpu.memory_space<semaphore_mem>>) src(%arg12 : memref<64x128xf32, #tpu.memory_space<vmem>>) dst(%dma_wait3A_384 : memref<10240x128xf32, #tpu.memory_space<vmem_shared>>)
    %add3A_385 = arith.constant 159 : i32
    %add3A_386 = arith.addi %mul3A_4, %add3A_385 : i32
    %dma_start3A_387 = arith.constant 4 : i32
    %dma_start3A_388 = arith.constant 0 : i32
    %dma_start3A_389 = tpu.memref_slice %arg7[%dma_start3A_387, %dma_start3A_388] : memref<5x64xi32, #tpu.memory_space<vmem>> -> memref<1x64xi32, #tpu.memory_space<vmem>>
    %dma_start3A_390 = tpu.memref_squeeze %dma_start3A_389 : memref<1x64xi32, #tpu.memory_space<vmem>> -> memref<64xi32, #tpu.memory_space<vmem>>
    %dma_start3A_391 = arith.constant 0 : i32
    %dma_start3A_392 = tpu.memref_slice %arg3[%add3A_386, %dma_start3A_391] : memref<5120x64xi32, #tpu.memory_space<hbm>> -> memref<1x64xi32, #tpu.memory_space<hbm>>
    %dma_start3A_393 = tpu.memref_squeeze %dma_start3A_392 : memref<1x64xi32, #tpu.memory_space<hbm>> -> memref<64xi32, #tpu.memory_space<hbm>>
    %dma_start3A_394 = arith.constant 0 : i32
    %dma_start3A_395 = tpu.memref_slice %arg7[%dma_start3A_387, %dma_start3A_394] : memref<5x64xi32, #tpu.memory_space<vmem>> -> memref<1x64xi32, #tpu.memory_space<vmem>>
    %dma_start3A_396 = tpu.memref_squeeze %dma_start3A_395 : memref<1x64xi32, #tpu.memory_space<vmem>> -> memref<64xi32, #tpu.memory_space<vmem>>
    %dma_start3A_397 = arith.constant 0 : i32
    %dma_start3A_398 = tpu.memref_slice %arg3[%add3A_386, %dma_start3A_397] : memref<5120x64xi32, #tpu.memory_space<hbm>> -> memref<1x64xi32, #tpu.memory_space<hbm>>
    %dma_start3A_399 = tpu.memref_squeeze %dma_start3A_398 : memref<1x64xi32, #tpu.memory_space<hbm>> -> memref<64xi32, #tpu.memory_space<hbm>>
    tpu.enqueue_dma source(%dma_start3A_399 : memref<64xi32, #tpu.memory_space<hbm>>) target(%dma_start3A_396 : memref<64xi32, #tpu.memory_space<vmem>>) target_semaphore(%arg28 : memref<!tpu.dma_semaphore, #tpu.memory_space<semaphore_mem>>)
    %add3A_400 = arith.constant 158 : i32
    %add3A_401 = arith.addi %mul3A_4, %add3A_400 : i32
    %dma_start3A_402 = arith.constant 3 : i32
    %dma_start3A_403 = arith.constant 0 : i32
    %dma_start3A_404 = tpu.memref_slice %arg8[%dma_start3A_402, %dma_start3A_403] : memref<5x64xi32, #tpu.memory_space<vmem>> -> memref<1x64xi32, #tpu.memory_space<vmem>>
    %dma_start3A_405 = tpu.memref_squeeze %dma_start3A_404 : memref<1x64xi32, #tpu.memory_space<vmem>> -> memref<64xi32, #tpu.memory_space<vmem>>
    %dma_start3A_406 = arith.constant 0 : i32
    %dma_start3A_407 = tpu.memref_slice %arg4[%add3A_401, %dma_start3A_406] : memref<5120x64xi32, #tpu.memory_space<hbm>> -> memref<1x64xi32, #tpu.memory_space<hbm>>
    %dma_start3A_408 = tpu.memref_squeeze %dma_start3A_407 : memref<1x64xi32, #tpu.memory_space<hbm>> -> memref<64xi32, #tpu.memory_space<hbm>>
    %dma_start3A_409 = arith.constant 0 : i32
    %dma_start3A_410 = tpu.memref_slice %arg8[%dma_start3A_402, %dma_start3A_409] : memref<5x64xi32, #tpu.memory_space<vmem>> -> memref<1x64xi32, #tpu.memory_space<vmem>>
    %dma_start3A_411 = tpu.memref_squeeze %dma_start3A_410 : memref<1x64xi32, #tpu.memory_space<vmem>> -> memref<64xi32, #tpu.memory_space<vmem>>
    %dma_start3A_412 = arith.constant 0 : i32
    %dma_start3A_413 = tpu.memref_slice %arg4[%add3A_401, %dma_start3A_412] : memref<5120x64xi32, #tpu.memory_space<hbm>> -> memref<1x64xi32, #tpu.memory_space<hbm>>
    %dma_start3A_414 = tpu.memref_squeeze %dma_start3A_413 : memref<1x64xi32, #tpu.memory_space<hbm>> -> memref<64xi32, #tpu.memory_space<hbm>>
    tpu.enqueue_dma source(%dma_start3A_414 : memref<64xi32, #tpu.memory_space<hbm>>) target(%dma_start3A_411 : memref<64xi32, #tpu.memory_space<vmem>>) target_semaphore(%arg32 : memref<!tpu.dma_semaphore, #tpu.memory_space<semaphore_mem>>)
    %dma_wait3A_415 = arith.constant 3 : i32
    %dma_wait3A_416 = arith.constant 0 : i32
    %dma_wait3A_417 = tpu.memref_slice %arg7[%dma_wait3A_415, %dma_wait3A_416] : memref<5x64xi32, #tpu.memory_space<vmem>> -> memref<1x64xi32, #tpu.memory_space<vmem>>
    %dma_wait3A_418 = tpu.memref_squeeze %dma_wait3A_417 : memref<1x64xi32, #tpu.memory_space<vmem>> -> memref<64xi32, #tpu.memory_space<vmem>>
    %dma_wait3A_419 = arith.constant 0 : i32
    %dma_wait3A_420 = tpu.memref_slice %arg3[%mul3A_4, %dma_wait3A_419] : memref<5120x64xi32, #tpu.memory_space<hbm>> -> memref<1x64xi32, #tpu.memory_space<hbm>>
    %dma_wait3A_421 = tpu.memref_squeeze %dma_wait3A_420 : memref<1x64xi32, #tpu.memory_space<hbm>> -> memref<64xi32, #tpu.memory_space<hbm>>
    %dma_wait3A_422 = arith.constant 0 : i32
    %dma_wait3A_423 = tpu.memref_slice %arg7[%dma_wait3A_415, %dma_wait3A_422] : memref<5x64xi32, #tpu.memory_space<vmem>> -> memref<1x64xi32, #tpu.memory_space<vmem>>
    %dma_wait3A_424 = tpu.memref_squeeze %dma_wait3A_423 : memref<1x64xi32, #tpu.memory_space<vmem>> -> memref<64xi32, #tpu.memory_space<vmem>>
    %dma_wait3A_425 = arith.constant 0 : i32
    %dma_wait3A_426 = tpu.memref_slice %arg3[%mul3A_4, %dma_wait3A_425] : memref<5120x64xi32, #tpu.memory_space<hbm>> -> memref<1x64xi32, #tpu.memory_space<hbm>>
    %dma_wait3A_427 = tpu.memref_squeeze %dma_wait3A_426 : memref<1x64xi32, #tpu.memory_space<hbm>> -> memref<64xi32, #tpu.memory_space<hbm>>
    tpu.wait_dma2 semaphore(%arg27 : memref<!tpu.dma_semaphore, #tpu.memory_space<semaphore_mem>>) src(%dma_wait3A_427 : memref<64xi32, #tpu.memory_space<hbm>>) dst(%dma_wait3A_424 : memref<64xi32, #tpu.memory_space<vmem>>)
    %dma_start3A_428 = arith.constant 3 : i32
    %dma_start3A_429 = arith.constant 0 : i32
    %dma_start3A_430 = tpu.memref_slice %arg7[%dma_start3A_428, %dma_start3A_429] : memref<5x64xi32, #tpu.memory_space<vmem>> -> memref<1x64xi32, #tpu.memory_space<vmem>>
    %dma_start3A_431 = tpu.memref_squeeze %dma_start3A_430 : memref<1x64xi32, #tpu.memory_space<vmem>> -> memref<64xi32, #tpu.memory_space<vmem>>
    %dma_start3A_432 = arith.constant 0 : i32
    %dma_start3A_433 = arith.constant 0 : i32
    %dma_start3A_434 = tpu.memref_slice %arg2[%dma_start3A_432, %dma_start3A_433] : memref<10240x128xf32, #tpu.memory_space<hbm>> -> memref<10240x128xf32, #tpu.memory_space<hbm>>
    tpu.enqueue_indirect_dma source(%dma_start3A_434 : memref<10240x128xf32, #tpu.memory_space<hbm>>) target(%arg12 : memref<64x128xf32, #tpu.memory_space<vmem>>) offsets(%dma_start3A_431 : memref<64xi32, #tpu.memory_space<vmem>>) semaphore(%arg17 : memref<!tpu.dma_semaphore, #tpu.memory_space<semaphore_mem>>)
    %dma_wait3A_435 = arith.constant 0 : i32
    %dma_wait3A_436 = arith.constant 0 : i32
    %dma_wait3A_437 = tpu.memref_slice %arg7[%dma_wait3A_435, %dma_wait3A_436] : memref<5x64xi32, #tpu.memory_space<vmem>> -> memref<1x64xi32, #tpu.memory_space<vmem>>
    %dma_wait3A_438 = tpu.memref_squeeze %dma_wait3A_437 : memref<1x64xi32, #tpu.memory_space<vmem>> -> memref<64xi32, #tpu.memory_space<vmem>>
    %dma_wait3A_439 = arith.constant 0 : i32
    %dma_wait3A_440 = arith.constant 0 : i32
    %dma_wait3A_441 = tpu.memref_slice %arg2[%dma_wait3A_439, %dma_wait3A_440] : memref<10240x128xf32, #tpu.memory_space<hbm>> -> memref<10240x128xf32, #tpu.memory_space<hbm>>
    tpu.wait_indirect_dma semaphore(%arg14 : memref<!tpu.dma_semaphore, #tpu.memory_space<semaphore_mem>>) src(%dma_wait3A_441 : memref<10240x128xf32, #tpu.memory_space<hbm>>) dst(%arg9 : memref<64x128xf32, #tpu.memory_space<vmem>>)
    %dma_wait3A_442 = arith.constant 0 : i32
    %dma_wait3A_443 = arith.constant 0 : i32
    %dma_wait3A_444 = tpu.memref_slice %arg8[%dma_wait3A_442, %dma_wait3A_443] : memref<5x64xi32, #tpu.memory_space<vmem>> -> memref<1x64xi32, #tpu.memory_space<vmem>>
    %dma_wait3A_445 = tpu.memref_squeeze %dma_wait3A_444 : memref<1x64xi32, #tpu.memory_space<vmem>> -> memref<64xi32, #tpu.memory_space<vmem>>
    %dma_wait3A_446 = arith.constant 0 : i32
    %dma_wait3A_447 = tpu.memref_slice %arg4[%mul3A_4, %dma_wait3A_446] : memref<5120x64xi32, #tpu.memory_space<hbm>> -> memref<1x64xi32, #tpu.memory_space<hbm>>
    %dma_wait3A_448 = tpu.memref_squeeze %dma_wait3A_447 : memref<1x64xi32, #tpu.memory_space<hbm>> -> memref<64xi32, #tpu.memory_space<hbm>>
    %dma_wait3A_449 = arith.constant 0 : i32
    %dma_wait3A_450 = tpu.memref_slice %arg8[%dma_wait3A_442, %dma_wait3A_449] : memref<5x64xi32, #tpu.memory_space<vmem>> -> memref<1x64xi32, #tpu.memory_space<vmem>>
    %dma_wait3A_451 = tpu.memref_squeeze %dma_wait3A_450 : memref<1x64xi32, #tpu.memory_space<vmem>> -> memref<64xi32, #tpu.memory_space<vmem>>
    %dma_wait3A_452 = arith.constant 0 : i32
    %dma_wait3A_453 = tpu.memref_slice %arg4[%mul3A_4, %dma_wait3A_452] : memref<5120x64xi32, #tpu.memory_space<hbm>> -> memref<1x64xi32, #tpu.memory_space<hbm>>
    %dma_wait3A_454 = tpu.memref_squeeze %dma_wait3A_453 : memref<1x64xi32, #tpu.memory_space<hbm>> -> memref<64xi32, #tpu.memory_space<hbm>>
    tpu.wait_dma2 semaphore(%arg29 : memref<!tpu.dma_semaphore, #tpu.memory_space<semaphore_mem>>) src(%dma_wait3A_454 : memref<64xi32, #tpu.memory_space<hbm>>) dst(%dma_wait3A_451 : memref<64xi32, #tpu.memory_space<vmem>>)
    %dma_start3A_455 = arith.constant 0 : i32
    %dma_start3A_456 = arith.constant 0 : i32
    %dma_start3A_457 = tpu.memref_slice %arg8[%dma_start3A_455, %dma_start3A_456] : memref<5x64xi32, #tpu.memory_space<vmem>> -> memref<1x64xi32, #tpu.memory_space<vmem>>
    %dma_start3A_458 = tpu.memref_squeeze %dma_start3A_457 : memref<1x64xi32, #tpu.memory_space<vmem>> -> memref<64xi32, #tpu.memory_space<vmem>>
    %dma_start3A_459 = arith.constant 0 : i32
    %dma_start3A_460 = arith.constant 0 : i32
    %dma_start3A_461 = tpu.memref_slice %arg6[%dma_start3A_459, %dma_start3A_460] : memref<10240x128xf32, #tpu.memory_space<vmem_shared>> -> memref<10240x128xf32, #tpu.memory_space<vmem_shared>>
    tpu.enqueue_indirect_dma source(%arg9 : memref<64x128xf32, #tpu.memory_space<vmem>>) target(%dma_start3A_461 : memref<10240x128xf32, #tpu.memory_space<vmem_shared>>) offsets(%dma_start3A_458 : memref<64xi32, #tpu.memory_space<vmem>>) semaphore(%arg19 : memref<!tpu.dma_semaphore, #tpu.memory_space<semaphore_mem>>) {add = true}
    %dma_wait3A_462 = arith.constant 0 : i32
    %dma_wait3A_463 = arith.constant 0 : i32
    %dma_wait3A_464 = tpu.memref_slice %arg8[%dma_wait3A_462, %dma_wait3A_463] : memref<5x64xi32, #tpu.memory_space<vmem>> -> memref<1x64xi32, #tpu.memory_space<vmem>>
    %dma_wait3A_465 = tpu.memref_squeeze %dma_wait3A_464 : memref<1x64xi32, #tpu.memory_space<vmem>> -> memref<64xi32, #tpu.memory_space<vmem>>
    %dma_wait3A_466 = arith.constant 0 : i32
    %dma_wait3A_467 = arith.constant 0 : i32
    %dma_wait3A_468 = tpu.memref_slice %arg6[%dma_wait3A_466, %dma_wait3A_467] : memref<10240x128xf32, #tpu.memory_space<vmem_shared>> -> memref<10240x128xf32, #tpu.memory_space<vmem_shared>>
    tpu.wait_indirect_dma semaphore(%arg23 : memref<!tpu.dma_semaphore, #tpu.memory_space<semaphore_mem>>) src(%arg13 : memref<64x128xf32, #tpu.memory_space<vmem>>) dst(%dma_wait3A_468 : memref<10240x128xf32, #tpu.memory_space<vmem_shared>>)
    %add3A_469 = arith.constant 159 : i32
    %add3A_470 = arith.addi %mul3A_4, %add3A_469 : i32
    %dma_start3A_471 = arith.constant 4 : i32
    %dma_start3A_472 = arith.constant 0 : i32
    %dma_start3A_473 = tpu.memref_slice %arg8[%dma_start3A_471, %dma_start3A_472] : memref<5x64xi32, #tpu.memory_space<vmem>> -> memref<1x64xi32, #tpu.memory_space<vmem>>
    %dma_start3A_474 = tpu.memref_squeeze %dma_start3A_473 : memref<1x64xi32, #tpu.memory_space<vmem>> -> memref<64xi32, #tpu.memory_space<vmem>>
    %dma_start3A_475 = arith.constant 0 : i32
    %dma_start3A_476 = tpu.memref_slice %arg4[%add3A_470, %dma_start3A_475] : memref<5120x64xi32, #tpu.memory_space<hbm>> -> memref<1x64xi32, #tpu.memory_space<hbm>>
    %dma_start3A_477 = tpu.memref_squeeze %dma_start3A_476 : memref<1x64xi32, #tpu.memory_space<hbm>> -> memref<64xi32, #tpu.memory_space<hbm>>
    %dma_start3A_478 = arith.constant 0 : i32
    %dma_start3A_479 = tpu.memref_slice %arg8[%dma_start3A_471, %dma_start3A_478] : memref<5x64xi32, #tpu.memory_space<vmem>> -> memref<1x64xi32, #tpu.memory_space<vmem>>
    %dma_start3A_480 = tpu.memref_squeeze %dma_start3A_479 : memref<1x64xi32, #tpu.memory_space<vmem>> -> memref<64xi32, #tpu.memory_space<vmem>>
    %dma_start3A_481 = arith.constant 0 : i32
    %dma_start3A_482 = tpu.memref_slice %arg4[%add3A_470, %dma_start3A_481] : memref<5120x64xi32, #tpu.memory_space<hbm>> -> memref<1x64xi32, #tpu.memory_space<hbm>>
    %dma_start3A_483 = tpu.memref_squeeze %dma_start3A_482 : memref<1x64xi32, #tpu.memory_space<hbm>> -> memref<64xi32, #tpu.memory_space<hbm>>
    tpu.enqueue_dma source(%dma_start3A_483 : memref<64xi32, #tpu.memory_space<hbm>>) target(%dma_start3A_480 : memref<64xi32, #tpu.memory_space<vmem>>) target_semaphore(%arg33 : memref<!tpu.dma_semaphore, #tpu.memory_space<semaphore_mem>>)
    %dma_wait3A_484 = arith.constant 4 : i32
    %dma_wait3A_485 = arith.constant 0 : i32
    %dma_wait3A_486 = tpu.memref_slice %arg7[%dma_wait3A_484, %dma_wait3A_485] : memref<5x64xi32, #tpu.memory_space<vmem>> -> memref<1x64xi32, #tpu.memory_space<vmem>>
    %dma_wait3A_487 = tpu.memref_squeeze %dma_wait3A_486 : memref<1x64xi32, #tpu.memory_space<vmem>> -> memref<64xi32, #tpu.memory_space<vmem>>
    %dma_wait3A_488 = arith.constant 0 : i32
    %dma_wait3A_489 = tpu.memref_slice %arg3[%mul3A_4, %dma_wait3A_488] : memref<5120x64xi32, #tpu.memory_space<hbm>> -> memref<1x64xi32, #tpu.memory_space<hbm>>
    %dma_wait3A_490 = tpu.memref_squeeze %dma_wait3A_489 : memref<1x64xi32, #tpu.memory_space<hbm>> -> memref<64xi32, #tpu.memory_space<hbm>>
    %dma_wait3A_491 = arith.constant 0 : i32
    %dma_wait3A_492 = tpu.memref_slice %arg7[%dma_wait3A_484, %dma_wait3A_491] : memref<5x64xi32, #tpu.memory_space<vmem>> -> memref<1x64xi32, #tpu.memory_space<vmem>>
    %dma_wait3A_493 = tpu.memref_squeeze %dma_wait3A_492 : memref<1x64xi32, #tpu.memory_space<vmem>> -> memref<64xi32, #tpu.memory_space<vmem>>
    %dma_wait3A_494 = arith.constant 0 : i32
    %dma_wait3A_495 = tpu.memref_slice %arg3[%mul3A_4, %dma_wait3A_494] : memref<5120x64xi32, #tpu.memory_space<hbm>> -> memref<1x64xi32, #tpu.memory_space<hbm>>
    %dma_wait3A_496 = tpu.memref_squeeze %dma_wait3A_495 : memref<1x64xi32, #tpu.memory_space<hbm>> -> memref<64xi32, #tpu.memory_space<hbm>>
    tpu.wait_dma2 semaphore(%arg28 : memref<!tpu.dma_semaphore, #tpu.memory_space<semaphore_mem>>) src(%dma_wait3A_496 : memref<64xi32, #tpu.memory_space<hbm>>) dst(%dma_wait3A_493 : memref<64xi32, #tpu.memory_space<vmem>>)
    %dma_start3A_497 = arith.constant 4 : i32
    %dma_start3A_498 = arith.constant 0 : i32
    %dma_start3A_499 = tpu.memref_slice %arg7[%dma_start3A_497, %dma_start3A_498] : memref<5x64xi32, #tpu.memory_space<vmem>> -> memref<1x64xi32, #tpu.memory_space<vmem>>
    %dma_start3A_500 = tpu.memref_squeeze %dma_start3A_499 : memref<1x64xi32, #tpu.memory_space<vmem>> -> memref<64xi32, #tpu.memory_space<vmem>>
    %dma_start3A_501 = arith.constant 0 : i32
    %dma_start3A_502 = arith.constant 0 : i32
    %dma_start3A_503 = tpu.memref_slice %arg2[%dma_start3A_501, %dma_start3A_502] : memref<10240x128xf32, #tpu.memory_space<hbm>> -> memref<10240x128xf32, #tpu.memory_space<hbm>>
    tpu.enqueue_indirect_dma source(%dma_start3A_503 : memref<10240x128xf32, #tpu.memory_space<hbm>>) target(%arg13 : memref<64x128xf32, #tpu.memory_space<vmem>>) offsets(%dma_start3A_500 : memref<64xi32, #tpu.memory_space<vmem>>) semaphore(%arg18 : memref<!tpu.dma_semaphore, #tpu.memory_space<semaphore_mem>>)
    %dma_wait3A_504 = arith.constant 1 : i32
    %dma_wait3A_505 = arith.constant 0 : i32
    %dma_wait3A_506 = tpu.memref_slice %arg7[%dma_wait3A_504, %dma_wait3A_505] : memref<5x64xi32, #tpu.memory_space<vmem>> -> memref<1x64xi32, #tpu.memory_space<vmem>>
    %dma_wait3A_507 = tpu.memref_squeeze %dma_wait3A_506 : memref<1x64xi32, #tpu.memory_space<vmem>> -> memref<64xi32, #tpu.memory_space<vmem>>
    %dma_wait3A_508 = arith.constant 0 : i32
    %dma_wait3A_509 = arith.constant 0 : i32
    %dma_wait3A_510 = tpu.memref_slice %arg2[%dma_wait3A_508, %dma_wait3A_509] : memref<10240x128xf32, #tpu.memory_space<hbm>> -> memref<10240x128xf32, #tpu.memory_space<hbm>>
    tpu.wait_indirect_dma semaphore(%arg15 : memref<!tpu.dma_semaphore, #tpu.memory_space<semaphore_mem>>) src(%dma_wait3A_510 : memref<10240x128xf32, #tpu.memory_space<hbm>>) dst(%arg10 : memref<64x128xf32, #tpu.memory_space<vmem>>)
    %dma_wait3A_511 = arith.constant 1 : i32
    %dma_wait3A_512 = arith.constant 0 : i32
    %dma_wait3A_513 = tpu.memref_slice %arg8[%dma_wait3A_511, %dma_wait3A_512] : memref<5x64xi32, #tpu.memory_space<vmem>> -> memref<1x64xi32, #tpu.memory_space<vmem>>
    %dma_wait3A_514 = tpu.memref_squeeze %dma_wait3A_513 : memref<1x64xi32, #tpu.memory_space<vmem>> -> memref<64xi32, #tpu.memory_space<vmem>>
    %dma_wait3A_515 = arith.constant 0 : i32
    %dma_wait3A_516 = tpu.memref_slice %arg4[%mul3A_4, %dma_wait3A_515] : memref<5120x64xi32, #tpu.memory_space<hbm>> -> memref<1x64xi32, #tpu.memory_space<hbm>>
    %dma_wait3A_517 = tpu.memref_squeeze %dma_wait3A_516 : memref<1x64xi32, #tpu.memory_space<hbm>> -> memref<64xi32, #tpu.memory_space<hbm>>
    %dma_wait3A_518 = arith.constant 0 : i32
    %dma_wait3A_519 = tpu.memref_slice %arg8[%dma_wait3A_511, %dma_wait3A_518] : memref<5x64xi32, #tpu.memory_space<vmem>> -> memref<1x64xi32, #tpu.memory_space<vmem>>
    %dma_wait3A_520 = tpu.memref_squeeze %dma_wait3A_519 : memref<1x64xi32, #tpu.memory_space<vmem>> -> memref<64xi32, #tpu.memory_space<vmem>>
    %dma_wait3A_521 = arith.constant 0 : i32
    %dma_wait3A_522 = tpu.memref_slice %arg4[%mul3A_4, %dma_wait3A_521] : memref<5120x64xi32, #tpu.memory_space<hbm>> -> memref<1x64xi32, #tpu.memory_space<hbm>>
    %dma_wait3A_523 = tpu.memref_squeeze %dma_wait3A_522 : memref<1x64xi32, #tpu.memory_space<hbm>> -> memref<64xi32, #tpu.memory_space<hbm>>
    tpu.wait_dma2 semaphore(%arg30 : memref<!tpu.dma_semaphore, #tpu.memory_space<semaphore_mem>>) src(%dma_wait3A_523 : memref<64xi32, #tpu.memory_space<hbm>>) dst(%dma_wait3A_520 : memref<64xi32, #tpu.memory_space<vmem>>)
    %dma_start3A_524 = arith.constant 1 : i32
    %dma_start3A_525 = arith.constant 0 : i32
    %dma_start3A_526 = tpu.memref_slice %arg8[%dma_start3A_524, %dma_start3A_525] : memref<5x64xi32, #tpu.memory_space<vmem>> -> memref<1x64xi32, #tpu.memory_space<vmem>>
    %dma_start3A_527 = tpu.memref_squeeze %dma_start3A_526 : memref<1x64xi32, #tpu.memory_space<vmem>> -> memref<64xi32, #tpu.memory_space<vmem>>
    %dma_start3A_528 = arith.constant 0 : i32
    %dma_start3A_529 = arith.constant 0 : i32
    %dma_start3A_530 = tpu.memref_slice %arg6[%dma_start3A_528, %dma_start3A_529] : memref<10240x128xf32, #tpu.memory_space<vmem_shared>> -> memref<10240x128xf32, #tpu.memory_space<vmem_shared>>
    tpu.enqueue_indirect_dma source(%arg10 : memref<64x128xf32, #tpu.memory_space<vmem>>) target(%dma_start3A_530 : memref<10240x128xf32, #tpu.memory_space<vmem_shared>>) offsets(%dma_start3A_527 : memref<64xi32, #tpu.memory_space<vmem>>) semaphore(%arg20 : memref<!tpu.dma_semaphore, #tpu.memory_space<semaphore_mem>>) {add = true}
    %dma_wait3A_531 = arith.constant 0 : i32
    %dma_wait3A_532 = arith.constant 0 : i32
    %dma_wait3A_533 = tpu.memref_slice %arg8[%dma_wait3A_531, %dma_wait3A_532] : memref<5x64xi32, #tpu.memory_space<vmem>> -> memref<1x64xi32, #tpu.memory_space<vmem>>
    %dma_wait3A_534 = tpu.memref_squeeze %dma_wait3A_533 : memref<1x64xi32, #tpu.memory_space<vmem>> -> memref<64xi32, #tpu.memory_space<vmem>>
    %dma_wait3A_535 = arith.constant 0 : i32
    %dma_wait3A_536 = arith.constant 0 : i32
    %dma_wait3A_537 = tpu.memref_slice %arg6[%dma_wait3A_535, %dma_wait3A_536] : memref<10240x128xf32, #tpu.memory_space<vmem_shared>> -> memref<10240x128xf32, #tpu.memory_space<vmem_shared>>
    tpu.wait_indirect_dma semaphore(%arg19 : memref<!tpu.dma_semaphore, #tpu.memory_space<semaphore_mem>>) src(%arg9 : memref<64x128xf32, #tpu.memory_space<vmem>>) dst(%dma_wait3A_537 : memref<10240x128xf32, #tpu.memory_space<vmem_shared>>)
    %dma_wait3A_538 = arith.constant 2 : i32
    %dma_wait3A_539 = arith.constant 0 : i32
    %dma_wait3A_540 = tpu.memref_slice %arg7[%dma_wait3A_538, %dma_wait3A_539] : memref<5x64xi32, #tpu.memory_space<vmem>> -> memref<1x64xi32, #tpu.memory_space<vmem>>
    %dma_wait3A_541 = tpu.memref_squeeze %dma_wait3A_540 : memref<1x64xi32, #tpu.memory_space<vmem>> -> memref<64xi32, #tpu.memory_space<vmem>>
    %dma_wait3A_542 = arith.constant 0 : i32
    %dma_wait3A_543 = arith.constant 0 : i32
    %dma_wait3A_544 = tpu.memref_slice %arg2[%dma_wait3A_542, %dma_wait3A_543] : memref<10240x128xf32, #tpu.memory_space<hbm>> -> memref<10240x128xf32, #tpu.memory_space<hbm>>
    tpu.wait_indirect_dma semaphore(%arg16 : memref<!tpu.dma_semaphore, #tpu.memory_space<semaphore_mem>>) src(%dma_wait3A_544 : memref<10240x128xf32, #tpu.memory_space<hbm>>) dst(%arg11 : memref<64x128xf32, #tpu.memory_space<vmem>>)
    %dma_wait3A_545 = arith.constant 2 : i32
    %dma_wait3A_546 = arith.constant 0 : i32
    %dma_wait3A_547 = tpu.memref_slice %arg8[%dma_wait3A_545, %dma_wait3A_546] : memref<5x64xi32, #tpu.memory_space<vmem>> -> memref<1x64xi32, #tpu.memory_space<vmem>>
    %dma_wait3A_548 = tpu.memref_squeeze %dma_wait3A_547 : memref<1x64xi32, #tpu.memory_space<vmem>> -> memref<64xi32, #tpu.memory_space<vmem>>
    %dma_wait3A_549 = arith.constant 0 : i32
    %dma_wait3A_550 = tpu.memref_slice %arg4[%mul3A_4, %dma_wait3A_549] : memref<5120x64xi32, #tpu.memory_space<hbm>> -> memref<1x64xi32, #tpu.memory_space<hbm>>
    %dma_wait3A_551 = tpu.memref_squeeze %dma_wait3A_550 : memref<1x64xi32, #tpu.memory_space<hbm>> -> memref<64xi32, #tpu.memory_space<hbm>>
    %dma_wait3A_552 = arith.constant 0 : i32
    %dma_wait3A_553 = tpu.memref_slice %arg8[%dma_wait3A_545, %dma_wait3A_552] : memref<5x64xi32, #tpu.memory_space<vmem>> -> memref<1x64xi32, #tpu.memory_space<vmem>>
    %dma_wait3A_554 = tpu.memref_squeeze %dma_wait3A_553 : memref<1x64xi32, #tpu.memory_space<vmem>> -> memref<64xi32, #tpu.memory_space<vmem>>
    %dma_wait3A_555 = arith.constant 0 : i32
    %dma_wait3A_556 = tpu.memref_slice %arg4[%mul3A_4, %dma_wait3A_555] : memref<5120x64xi32, #tpu.memory_space<hbm>> -> memref<1x64xi32, #tpu.memory_space<hbm>>
    %dma_wait3A_557 = tpu.memref_squeeze %dma_wait3A_556 : memref<1x64xi32, #tpu.memory_space<hbm>> -> memref<64xi32, #tpu.memory_space<hbm>>
    tpu.wait_dma2 semaphore(%arg31 : memref<!tpu.dma_semaphore, #tpu.memory_space<semaphore_mem>>) src(%dma_wait3A_557 : memref<64xi32, #tpu.memory_space<hbm>>) dst(%dma_wait3A_554 : memref<64xi32, #tpu.memory_space<vmem>>)
    %dma_start3A_558 = arith.constant 2 : i32
    %dma_start3A_559 = arith.constant 0 : i32
    %dma_start3A_560 = tpu.memref_slice %arg8[%dma_start3A_558, %dma_start3A_559] : memref<5x64xi32, #tpu.memory_space<vmem>> -> memref<1x64xi32, #tpu.memory_space<vmem>>
    %dma_start3A_561 = tpu.memref_squeeze %dma_start3A_560 : memref<1x64xi32, #tpu.memory_space<vmem>> -> memref<64xi32, #tpu.memory_space<vmem>>
    %dma_start3A_562 = arith.constant 0 : i32
    %dma_start3A_563 = arith.constant 0 : i32
    %dma_start3A_564 = tpu.memref_slice %arg6[%dma_start3A_562, %dma_start3A_563] : memref<10240x128xf32, #tpu.memory_space<vmem_shared>> -> memref<10240x128xf32, #tpu.memory_space<vmem_shared>>
    tpu.enqueue_indirect_dma source(%arg11 : memref<64x128xf32, #tpu.memory_space<vmem>>) target(%dma_start3A_564 : memref<10240x128xf32, #tpu.memory_space<vmem_shared>>) offsets(%dma_start3A_561 : memref<64xi32, #tpu.memory_space<vmem>>) semaphore(%arg21 : memref<!tpu.dma_semaphore, #tpu.memory_space<semaphore_mem>>) {add = true}
    %dma_wait3A_565 = arith.constant 0 : i32
    %dma_wait3A_566 = arith.constant 0 : i32
    %dma_wait3A_567 = tpu.memref_slice %arg8[%dma_wait3A_565, %dma_wait3A_566] : memref<5x64xi32, #tpu.memory_space<vmem>> -> memref<1x64xi32, #tpu.memory_space<vmem>>
    %dma_wait3A_568 = tpu.memref_squeeze %dma_wait3A_567 : memref<1x64xi32, #tpu.memory_space<vmem>> -> memref<64xi32, #tpu.memory_space<vmem>>
    %dma_wait3A_569 = arith.constant 0 : i32
    %dma_wait3A_570 = arith.constant 0 : i32
    %dma_wait3A_571 = tpu.memref_slice %arg6[%dma_wait3A_569, %dma_wait3A_570] : memref<10240x128xf32, #tpu.memory_space<vmem_shared>> -> memref<10240x128xf32, #tpu.memory_space<vmem_shared>>
    tpu.wait_indirect_dma semaphore(%arg20 : memref<!tpu.dma_semaphore, #tpu.memory_space<semaphore_mem>>) src(%arg10 : memref<64x128xf32, #tpu.memory_space<vmem>>) dst(%dma_wait3A_571 : memref<10240x128xf32, #tpu.memory_space<vmem_shared>>)
    %dma_wait3A_572 = arith.constant 3 : i32
    %dma_wait3A_573 = arith.constant 0 : i32
    %dma_wait3A_574 = tpu.memref_slice %arg7[%dma_wait3A_572, %dma_wait3A_573] : memref<5x64xi32, #tpu.memory_space<vmem>> -> memref<1x64xi32, #tpu.memory_space<vmem>>
    %dma_wait3A_575 = tpu.memref_squeeze %dma_wait3A_574 : memref<1x64xi32, #tpu.memory_space<vmem>> -> memref<64xi32, #tpu.memory_space<vmem>>
    %dma_wait3A_576 = arith.constant 0 : i32
    %dma_wait3A_577 = arith.constant 0 : i32
    %dma_wait3A_578 = tpu.memref_slice %arg2[%dma_wait3A_576, %dma_wait3A_577] : memref<10240x128xf32, #tpu.memory_space<hbm>> -> memref<10240x128xf32, #tpu.memory_space<hbm>>
    tpu.wait_indirect_dma semaphore(%arg17 : memref<!tpu.dma_semaphore, #tpu.memory_space<semaphore_mem>>) src(%dma_wait3A_578 : memref<10240x128xf32, #tpu.memory_space<hbm>>) dst(%arg12 : memref<64x128xf32, #tpu.memory_space<vmem>>)
    %dma_wait3A_579 = arith.constant 3 : i32
    %dma_wait3A_580 = arith.constant 0 : i32
    %dma_wait3A_581 = tpu.memref_slice %arg8[%dma_wait3A_579, %dma_wait3A_580] : memref<5x64xi32, #tpu.memory_space<vmem>> -> memref<1x64xi32, #tpu.memory_space<vmem>>
    %dma_wait3A_582 = tpu.memref_squeeze %dma_wait3A_581 : memref<1x64xi32, #tpu.memory_space<vmem>> -> memref<64xi32, #tpu.memory_space<vmem>>
    %dma_wait3A_583 = arith.constant 0 : i32
    %dma_wait3A_584 = tpu.memref_slice %arg4[%mul3A_4, %dma_wait3A_583] : memref<5120x64xi32, #tpu.memory_space<hbm>> -> memref<1x64xi32, #tpu.memory_space<hbm>>
    %dma_wait3A_585 = tpu.memref_squeeze %dma_wait3A_584 : memref<1x64xi32, #tpu.memory_space<hbm>> -> memref<64xi32, #tpu.memory_space<hbm>>
    %dma_wait3A_586 = arith.constant 0 : i32
    %dma_wait3A_587 = tpu.memref_slice %arg8[%dma_wait3A_579, %dma_wait3A_586] : memref<5x64xi32, #tpu.memory_space<vmem>> -> memref<1x64xi32, #tpu.memory_space<vmem>>
    %dma_wait3A_588 = tpu.memref_squeeze %dma_wait3A_587 : memref<1x64xi32, #tpu.memory_space<vmem>> -> memref<64xi32, #tpu.memory_space<vmem>>
    %dma_wait3A_589 = arith.constant 0 : i32
    %dma_wait3A_590 = tpu.memref_slice %arg4[%mul3A_4, %dma_wait3A_589] : memref<5120x64xi32, #tpu.memory_space<hbm>> -> memref<1x64xi32, #tpu.memory_space<hbm>>
    %dma_wait3A_591 = tpu.memref_squeeze %dma_wait3A_590 : memref<1x64xi32, #tpu.memory_space<hbm>> -> memref<64xi32, #tpu.memory_space<hbm>>
    tpu.wait_dma2 semaphore(%arg32 : memref<!tpu.dma_semaphore, #tpu.memory_space<semaphore_mem>>) src(%dma_wait3A_591 : memref<64xi32, #tpu.memory_space<hbm>>) dst(%dma_wait3A_588 : memref<64xi32, #tpu.memory_space<vmem>>)
    %dma_start3A_592 = arith.constant 3 : i32
    %dma_start3A_593 = arith.constant 0 : i32
    %dma_start3A_594 = tpu.memref_slice %arg8[%dma_start3A_592, %dma_start3A_593] : memref<5x64xi32, #tpu.memory_space<vmem>> -> memref<1x64xi32, #tpu.memory_space<vmem>>
    %dma_start3A_595 = tpu.memref_squeeze %dma_start3A_594 : memref<1x64xi32, #tpu.memory_space<vmem>> -> memref<64xi32, #tpu.memory_space<vmem>>
    %dma_start3A_596 = arith.constant 0 : i32
    %dma_start3A_597 = arith.constant 0 : i32
    %dma_start3A_598 = tpu.memref_slice %arg6[%dma_start3A_596, %dma_start3A_597] : memref<10240x128xf32, #tpu.memory_space<vmem_shared>> -> memref<10240x128xf32, #tpu.memory_space<vmem_shared>>
    tpu.enqueue_indirect_dma source(%arg12 : memref<64x128xf32, #tpu.memory_space<vmem>>) target(%dma_start3A_598 : memref<10240x128xf32, #tpu.memory_space<vmem_shared>>) offsets(%dma_start3A_595 : memref<64xi32, #tpu.memory_space<vmem>>) semaphore(%arg22 : memref<!tpu.dma_semaphore, #tpu.memory_space<semaphore_mem>>) {add = true}
    %dma_wait3A_599 = arith.constant 0 : i32
    %dma_wait3A_600 = arith.constant 0 : i32
    %dma_wait3A_601 = tpu.memref_slice %arg8[%dma_wait3A_599, %dma_wait3A_600] : memref<5x64xi32, #tpu.memory_space<vmem>> -> memref<1x64xi32, #tpu.memory_space<vmem>>
    %dma_wait3A_602 = tpu.memref_squeeze %dma_wait3A_601 : memref<1x64xi32, #tpu.memory_space<vmem>> -> memref<64xi32, #tpu.memory_space<vmem>>
    %dma_wait3A_603 = arith.constant 0 : i32
    %dma_wait3A_604 = arith.constant 0 : i32
    %dma_wait3A_605 = tpu.memref_slice %arg6[%dma_wait3A_603, %dma_wait3A_604] : memref<10240x128xf32, #tpu.memory_space<vmem_shared>> -> memref<10240x128xf32, #tpu.memory_space<vmem_shared>>
    tpu.wait_indirect_dma semaphore(%arg21 : memref<!tpu.dma_semaphore, #tpu.memory_space<semaphore_mem>>) src(%arg11 : memref<64x128xf32, #tpu.memory_space<vmem>>) dst(%dma_wait3A_605 : memref<10240x128xf32, #tpu.memory_space<vmem_shared>>)
    %dma_wait3A_606 = arith.constant 4 : i32
    %dma_wait3A_607 = arith.constant 0 : i32
    %dma_wait3A_608 = tpu.memref_slice %arg7[%dma_wait3A_606, %dma_wait3A_607] : memref<5x64xi32, #tpu.memory_space<vmem>> -> memref<1x64xi32, #tpu.memory_space<vmem>>
    %dma_wait3A_609 = tpu.memref_squeeze %dma_wait3A_608 : memref<1x64xi32, #tpu.memory_space<vmem>> -> memref<64xi32, #tpu.memory_space<vmem>>
    %dma_wait3A_610 = arith.constant 0 : i32
    %dma_wait3A_611 = arith.constant 0 : i32
    %dma_wait3A_612 = tpu.memref_slice %arg2[%dma_wait3A_610, %dma_wait3A_611] : memref<10240x128xf32, #tpu.memory_space<hbm>> -> memref<10240x128xf32, #tpu.memory_space<hbm>>
    tpu.wait_indirect_dma semaphore(%arg18 : memref<!tpu.dma_semaphore, #tpu.memory_space<semaphore_mem>>) src(%dma_wait3A_612 : memref<10240x128xf32, #tpu.memory_space<hbm>>) dst(%arg13 : memref<64x128xf32, #tpu.memory_space<vmem>>)
    %dma_wait3A_613 = arith.constant 4 : i32
    %dma_wait3A_614 = arith.constant 0 : i32
    %dma_wait3A_615 = tpu.memref_slice %arg8[%dma_wait3A_613, %dma_wait3A_614] : memref<5x64xi32, #tpu.memory_space<vmem>> -> memref<1x64xi32, #tpu.memory_space<vmem>>
    %dma_wait3A_616 = tpu.memref_squeeze %dma_wait3A_615 : memref<1x64xi32, #tpu.memory_space<vmem>> -> memref<64xi32, #tpu.memory_space<vmem>>
    %dma_wait3A_617 = arith.constant 0 : i32
    %dma_wait3A_618 = tpu.memref_slice %arg4[%mul3A_4, %dma_wait3A_617] : memref<5120x64xi32, #tpu.memory_space<hbm>> -> memref<1x64xi32, #tpu.memory_space<hbm>>
    %dma_wait3A_619 = tpu.memref_squeeze %dma_wait3A_618 : memref<1x64xi32, #tpu.memory_space<hbm>> -> memref<64xi32, #tpu.memory_space<hbm>>
    %dma_wait3A_620 = arith.constant 0 : i32
    %dma_wait3A_621 = tpu.memref_slice %arg8[%dma_wait3A_613, %dma_wait3A_620] : memref<5x64xi32, #tpu.memory_space<vmem>> -> memref<1x64xi32, #tpu.memory_space<vmem>>
    %dma_wait3A_622 = tpu.memref_squeeze %dma_wait3A_621 : memref<1x64xi32, #tpu.memory_space<vmem>> -> memref<64xi32, #tpu.memory_space<vmem>>
    %dma_wait3A_623 = arith.constant 0 : i32
    %dma_wait3A_624 = tpu.memref_slice %arg4[%mul3A_4, %dma_wait3A_623] : memref<5120x64xi32, #tpu.memory_space<hbm>> -> memref<1x64xi32, #tpu.memory_space<hbm>>
    %dma_wait3A_625 = tpu.memref_squeeze %dma_wait3A_624 : memref<1x64xi32, #tpu.memory_space<hbm>> -> memref<64xi32, #tpu.memory_space<hbm>>
    tpu.wait_dma2 semaphore(%arg33 : memref<!tpu.dma_semaphore, #tpu.memory_space<semaphore_mem>>) src(%dma_wait3A_625 : memref<64xi32, #tpu.memory_space<hbm>>) dst(%dma_wait3A_622 : memref<64xi32, #tpu.memory_space<vmem>>)
    %dma_start3A_626 = arith.constant 4 : i32
    %dma_start3A_627 = arith.constant 0 : i32
    %dma_start3A_628 = tpu.memref_slice %arg8[%dma_start3A_626, %dma_start3A_627] : memref<5x64xi32, #tpu.memory_space<vmem>> -> memref<1x64xi32, #tpu.memory_space<vmem>>
    %dma_start3A_629 = tpu.memref_squeeze %dma_start3A_628 : memref<1x64xi32, #tpu.memory_space<vmem>> -> memref<64xi32, #tpu.memory_space<vmem>>
    %dma_start3A_630 = arith.constant 0 : i32
    %dma_start3A_631 = arith.constant 0 : i32
    %dma_start3A_632 = tpu.memref_slice %arg6[%dma_start3A_630, %dma_start3A_631] : memref<10240x128xf32, #tpu.memory_space<vmem_shared>> -> memref<10240x128xf32, #tpu.memory_space<vmem_shared>>
    tpu.enqueue_indirect_dma source(%arg13 : memref<64x128xf32, #tpu.memory_space<vmem>>) target(%dma_start3A_632 : memref<10240x128xf32, #tpu.memory_space<vmem_shared>>) offsets(%dma_start3A_629 : memref<64xi32, #tpu.memory_space<vmem>>) semaphore(%arg23 : memref<!tpu.dma_semaphore, #tpu.memory_space<semaphore_mem>>) {add = true}
    %dma_wait3A_633 = arith.constant 0 : i32
    %dma_wait3A_634 = arith.constant 0 : i32
    %dma_wait3A_635 = tpu.memref_slice %arg8[%dma_wait3A_633, %dma_wait3A_634] : memref<5x64xi32, #tpu.memory_space<vmem>> -> memref<1x64xi32, #tpu.memory_space<vmem>>
    %dma_wait3A_636 = tpu.memref_squeeze %dma_wait3A_635 : memref<1x64xi32, #tpu.memory_space<vmem>> -> memref<64xi32, #tpu.memory_space<vmem>>
    %dma_wait3A_637 = arith.constant 0 : i32
    %dma_wait3A_638 = arith.constant 0 : i32
    %dma_wait3A_639 = tpu.memref_slice %arg6[%dma_wait3A_637, %dma_wait3A_638] : memref<10240x128xf32, #tpu.memory_space<vmem_shared>> -> memref<10240x128xf32, #tpu.memory_space<vmem_shared>>
    tpu.wait_indirect_dma semaphore(%arg22 : memref<!tpu.dma_semaphore, #tpu.memory_space<semaphore_mem>>) src(%arg12 : memref<64x128xf32, #tpu.memory_space<vmem>>) dst(%dma_wait3A_639 : memref<10240x128xf32, #tpu.memory_space<vmem_shared>>)
    %dma_wait3A_640 = arith.constant 0 : i32
    %dma_wait3A_641 = arith.constant 0 : i32
    %dma_wait3A_642 = tpu.memref_slice %arg8[%dma_wait3A_640, %dma_wait3A_641] : memref<5x64xi32, #tpu.memory_space<vmem>> -> memref<1x64xi32, #tpu.memory_space<vmem>>
    %dma_wait3A_643 = tpu.memref_squeeze %dma_wait3A_642 : memref<1x64xi32, #tpu.memory_space<vmem>> -> memref<64xi32, #tpu.memory_space<vmem>>
    %dma_wait3A_644 = arith.constant 0 : i32
    %dma_wait3A_645 = arith.constant 0 : i32
    %dma_wait3A_646 = tpu.memref_slice %arg6[%dma_wait3A_644, %dma_wait3A_645] : memref<10240x128xf32, #tpu.memory_space<vmem_shared>> -> memref<10240x128xf32, #tpu.memory_space<vmem_shared>>
    tpu.wait_indirect_dma semaphore(%arg23 : memref<!tpu.dma_semaphore, #tpu.memory_space<semaphore_mem>>) src(%arg13 : memref<64x128xf32, #tpu.memory_space<vmem>>) dst(%dma_wait3A_646 : memref<10240x128xf32, #tpu.memory_space<vmem_shared>>)
    %barrier3A_647 = arith.constant 0 : index
    tpu.barrier barrier_id(%barrier3A_647)
    %mul3A_648 = arith.constant 10240 : i32
    %mul3A_649 = arith.muli %arg0, %mul3A_648 : i32
    %add3A_650 = arith.addi %mul3A_649, %mul3A_2 : i32
    "tpu.region"() ({
      %run_scoped3A_651 = tpu.sem_alloc : memref<!tpu.dma_semaphore, #tpu.memory_space<semaphore_mem>>
      %dma_start3A_652 = arith.constant 0 : i32
      %dma_start3A_653 = tpu.memref_slice %arg5[%add3A_650, %dma_start3A_652] : memref<20480x128xf32, #tpu.memory_space<hbm>> -> memref<640x128xf32, #tpu.memory_space<hbm>>
      %dma_start3A_654 = arith.constant 0 : i32
      %dma_start3A_655 = tpu.memref_slice %arg6[%mul3A_2, %dma_start3A_654] : memref<10240x128xf32, #tpu.memory_space<vmem_shared>> -> memref<640x128xf32, #tpu.memory_space<vmem_shared>>
      tpu.enqueue_dma source(%dma_start3A_655 : memref<640x128xf32, #tpu.memory_space<vmem_shared>>) target(%dma_start3A_653 : memref<640x128xf32, #tpu.memory_space<hbm>>) target_semaphore(%run_scoped3A_651 : memref<!tpu.dma_semaphore, #tpu.memory_space<semaphore_mem>>)
      %dma_wait3A_656 = arith.constant 0 : i32
      %dma_wait3A_657 = tpu.memref_slice %arg5[%add3A_650, %dma_wait3A_656] : memref<20480x128xf32, #tpu.memory_space<hbm>> -> memref<640x128xf32, #tpu.memory_space<hbm>>
      %dma_wait3A_658 = arith.constant 0 : i32
      %dma_wait3A_659 = tpu.memref_slice %arg6[%mul3A_2, %dma_wait3A_658] : memref<10240x128xf32, #tpu.memory_space<vmem_shared>> -> memref<640x128xf32, #tpu.memory_space<vmem_shared>>
      tpu.wait_dma2 semaphore(%run_scoped3A_651 : memref<!tpu.dma_semaphore, #tpu.memory_space<semaphore_mem>>) src(%dma_wait3A_659 : memref<640x128xf32, #tpu.memory_space<vmem_shared>>) dst(%dma_wait3A_657 : memref<640x128xf32, #tpu.memory_space<hbm>>)
      tpu.yield
    }) : () -> ()
    return
  }
}

module attributes {stable_mosaic.version = 14 : i64} {
  func.func @body(%arg0: i32, %arg1: memref<1024x128xf32, #tpu.memory_space<vmem>>, %arg2: memref<128x128xf32, #tpu.memory_space<vmem>>, %arg3: memref<2x1024x128xf32, #tpu.memory_space<vmem>>, %arg4: memref<1024x128xf32, #tpu.memory_space<vmem>>, %arg5: memref<1024x128xf32, #tpu.memory_space<vmem>>) attributes {dimension_semantics = [#tpu.dimension_semantics<arbitrary>], iteration_bounds = array<i64: 10>, scalar_prefetch = 0 : i64, scratch_operands = 0 : i64, tpu.core_type = #tpu.core_type<tc>, window_params = [{transform_indices = @transform_0, window_bounds = array<i64: 1024, 128>}, {pipeline_mode = #tpu.pipeline_mode<synchronous>, transform_indices = @transform_1, window_bounds = array<i64: 128, 128>}, {transform_indices = @transform_2, window_bounds = array<i64: 2, 1024, 128>}, {transform_indices = @transform_3, window_bounds = array<i64: 1024, 128>}, {transform_indices = @transform_4, window_bounds = array<i64: 1024, 128>}]} {
    %get3A = arith.constant 0 : index
    %get3A_0 = arith.constant 0 : index
    %get3A_1 = vector.load %arg1[%get3A, %get3A_0] : memref<1024x128xf32, #tpu.memory_space<vmem>>, vector<1024x128xf32>
    %get3A_2 = arith.constant 0 : index
    %get3A_3 = arith.constant 0 : index
    %get3A_4 = vector.load %arg2[%get3A_2, %get3A_3] : memref<128x128xf32, #tpu.memory_space<vmem>>, vector<128x128xf32>
    %dot_general3A = arith.constant dense<0.000000e+00> : vector<1024x128xf32>
    %dot_general3A_5 = tpu.matmul %get3A_1, %get3A_4, %dot_general3A {dimension_numbers = #tpu.dot_dimension_numbers<[1], [0], [0], [1], [0, 0, 1, 1], [], []>, precision = #tpu.contract_precision<fp32>, transpose_lhs_hint = false} : vector<1024x128xf32>, vector<128x128xf32>, vector<1024x128xf32> -> vector<1024x128xf32>
    %get3A_6 = arith.constant 0 : index
    %get3A_7 = arith.constant 0 : index
    %get3A_8 = arith.constant 0 : index
    %get3A_9 = vector.load %arg3[%get3A_6, %get3A_7, %get3A_8] : memref<2x1024x128xf32, #tpu.memory_space<vmem>>, vector<1x1024x1xf32>
    %get3A_10 = vector.shape_cast %get3A_9 : vector<1x1024x1xf32> to vector<1024x1xf32>
    %get3A_11 = arith.constant 1 : index
    %get3A_12 = arith.constant 0 : index
    %get3A_13 = arith.constant 0 : index
    %get3A_14 = vector.load %arg3[%get3A_11, %get3A_12, %get3A_13] : memref<2x1024x128xf32, #tpu.memory_space<vmem>>, vector<1x1024x1xf32>
    %get3A_15 = vector.shape_cast %get3A_14 : vector<1x1024x1xf32> to vector<1024x1xf32>
    %add3A = arith.addf %get3A_10, %get3A_15 : vector<1024x1xf32>
    %add3A_16 = arith.constant 1.000000e+00 : f32
    %add3A_17 = vector.broadcast %add3A_16 : f32 to vector<1024x1xf32>
    %add3A_18 = arith.addf %add3A, %add3A_17 : vector<1024x1xf32>
    %rsqrt3A = math.rsqrt %add3A_18 : vector<1024x1xf32>
    %mul3A = arith.constant 1024 : i32
    %mul3A_19 = arith.muli %arg0, %mul3A : i32
    %iota3A = tpu.iota {dimensions = array<i32: 0>} : vector<1024x1xi32>
    %add3A_20 = vector.broadcast %mul3A_19 : i32 to vector<1024x1xi32>
    %add3A_21 = arith.addi %add3A_20, %iota3A : vector<1024x1xi32>
    %lt3A = arith.constant 10000 : i32
    %lt3A_22 = vector.broadcast %lt3A : i32 to vector<1024x1xi32>
    %lt3A_23 = arith.cmpi slt, %add3A_21, %lt3A_22 : vector<1024x1xi32>
    %jit3A = arith.constant 0.000000e+00 : f32
    %broadcast_in_dim3A = vector.broadcast %jit3A : f32 to vector<1024x1xf32>
    %select_n3A = arith.select %lt3A_23, %rsqrt3A, %broadcast_in_dim3A : vector<1024x1xi1>, vector<1024x1xf32>
    %broadcast_in_dim3A_24 = vector.shape_cast %select_n3A : vector<1024x1xf32> to vector<1024x1xf32>
    %broadcast_in_dim3A_25 = vector.broadcast %broadcast_in_dim3A_24 : vector<1024x1xf32> to vector<1024x128xf32>
    %swap3A = arith.constant 0 : index
    %swap3A_26 = arith.constant 0 : index
    %swap3A_27 = vector.load %arg5[%swap3A, %swap3A_26] : memref<1024x128xf32, #tpu.memory_space<vmem>>, vector<1024x128xf32>
    tpu.vector_store %arg5[%swap3A, %swap3A_26], %broadcast_in_dim3A_25 {strides = array<i32>} : memref<1024x128xf32, #tpu.memory_space<vmem>>, vector<1024x128xf32>,
    %mul3A_28 = arith.mulf %dot_general3A_5, %broadcast_in_dim3A_25 : vector<1024x128xf32>
    %swap3A_29 = arith.constant 0 : index
    %swap3A_30 = arith.constant 0 : index
    %swap3A_31 = vector.load %arg4[%swap3A_29, %swap3A_30] : memref<1024x128xf32, #tpu.memory_space<vmem>>, vector<1024x128xf32>
    tpu.vector_store %arg4[%swap3A_29, %swap3A_30], %mul3A_28 {strides = array<i32>} : memref<1024x128xf32, #tpu.memory_space<vmem>>, vector<1024x128xf32>,
    return
  }
  func.func @transform_0(%arg0: i32) -> (i32, i32) {
    %c0_i32 = arith.constant 0 : i32
    %c0_i32_0 = arith.constant 0 : i32
    return %arg0, %c0_i32 : i32, i32
  }
  func.func @transform_1(%arg0: i32) -> (i32, i32) {
    %c0_i32 = arith.constant 0 : i32
    %c0_i32_0 = arith.constant 0 : i32
    %c0_i32_1 = arith.constant 0 : i32
    return %c0_i32, %c0_i32_0 : i32, i32
  }
  func.func @transform_2(%arg0: i32) -> (i32, i32, i32) {
    %c0_i32 = arith.constant 0 : i32
    %c0_i32_0 = arith.constant 0 : i32
    %c0_i32_1 = arith.constant 0 : i32
    return %c0_i32, %arg0, %c0_i32_0 : i32, i32, i32
  }
  func.func @transform_3(%arg0: i32) -> (i32, i32) {
    %c0_i32 = arith.constant 0 : i32
    %c0_i32_0 = arith.constant 0 : i32
    return %arg0, %c0_i32 : i32, i32
  }
  func.func @transform_4(%arg0: i32) -> (i32, i32) {
    %c0_i32 = arith.constant 0 : i32
    %c0_i32_0 = arith.constant 0 : i32
    return %arg0, %c0_i32 : i32, i32
  }
}

module attributes {stable_mosaic.version = 14 : i64} {
  func.func @body(%arg0: i32, %arg1: memref<2x1024x128xf32, #tpu.memory_space<vmem>>, %arg2: memref<1024x128xf32, #tpu.memory_space<vmem>>, %arg3: memref<1024x128xf32, #tpu.memory_space<vmem>>, %arg4: memref<1x128xf32, #tpu.memory_space<vmem>>, %arg5: memref<128x128xf32, #tpu.memory_space<vmem>>, %arg6: memref<1024x128xf32, #tpu.memory_space<vmem>>) attributes {dimension_semantics = [#tpu.dimension_semantics<arbitrary>], iteration_bounds = array<i64: 10>, scalar_prefetch = 0 : i64, scratch_operands = 0 : i64, tpu.core_type = #tpu.core_type<tc>, window_params = [{transform_indices = @transform_0, window_bounds = array<i64: 2, 1024, 128>}, {transform_indices = @transform_1, window_bounds = array<i64: 1024, 128>}, {transform_indices = @transform_2, window_bounds = array<i64: 1024, 128>}, {pipeline_mode = #tpu.pipeline_mode<synchronous>, transform_indices = @transform_3, window_bounds = array<i64: 1, 128>}, {pipeline_mode = #tpu.pipeline_mode<synchronous>, transform_indices = @transform_4, window_bounds = array<i64: 128, 128>}, {transform_indices = @transform_5, window_bounds = array<i64: 1024, 128>}]} {
    %get3A = arith.constant 0 : index
    %get3A_0 = arith.constant 0 : index
    %get3A_1 = vector.load %arg3[%get3A, %get3A_0] : memref<1024x128xf32, #tpu.memory_space<vmem>>, vector<1024x128xf32>
    %get3A_2 = arith.constant 0 : index
    %get3A_3 = arith.constant 0 : index
    %get3A_4 = arith.constant 0 : index
    %get3A_5 = vector.load %arg1[%get3A_2, %get3A_3, %get3A_4] : memref<2x1024x128xf32, #tpu.memory_space<vmem>>, vector<1x1024x128xf32>
    %get3A_6 = vector.shape_cast %get3A_5 : vector<1x1024x128xf32> to vector<1024x128xf32>
    %get3A_7 = arith.constant 1 : index
    %get3A_8 = arith.constant 0 : index
    %get3A_9 = arith.constant 0 : index
    %get3A_10 = vector.load %arg1[%get3A_7, %get3A_8, %get3A_9] : memref<2x1024x128xf32, #tpu.memory_space<vmem>>, vector<1x1024x128xf32>
    %get3A_11 = vector.shape_cast %get3A_10 : vector<1x1024x128xf32> to vector<1024x128xf32>
    %add3A = arith.addf %get3A_6, %get3A_11 : vector<1024x128xf32>
    %get3A_12 = arith.constant 0 : index
    %get3A_13 = arith.constant 0 : index
    %get3A_14 = vector.load %arg2[%get3A_12, %get3A_13] : memref<1024x128xf32, #tpu.memory_space<vmem>>, vector<1024x128xf32>
    %sub3A = arith.subf %add3A, %get3A_14 : vector<1024x128xf32>
    %mul3A = arith.mulf %get3A_1, %sub3A : vector<1024x128xf32>
    %get3A_15 = arith.constant 0 : index
    %get3A_16 = arith.constant 0 : index
    %get3A_17 = vector.load %arg4[%get3A_15, %get3A_16] : memref<1x128xf32, #tpu.memory_space<vmem>>, vector<1x128xf32>
    %add3A_18 = vector.broadcast %get3A_17 : vector<1x128xf32> to vector<1024x128xf32>
    %add3A_19 = arith.addf %mul3A, %add3A_18 : vector<1024x128xf32>
    %max3A = arith.constant 0.000000e+00 : f32
    %max3A_20 = vector.broadcast %max3A : f32 to vector<1024x128xf32>
    %max3A_21 = arith.maximumf %add3A_19, %max3A_20 : vector<1024x128xf32>
    %get3A_22 = arith.constant 0 : index
    %get3A_23 = arith.constant 0 : index
    %get3A_24 = vector.load %arg5[%get3A_22, %get3A_23] : memref<128x128xf32, #tpu.memory_space<vmem>>, vector<128x128xf32>
    %dot_general3A = arith.constant dense<0.000000e+00> : vector<1024x128xf32>
    %dot_general3A_25 = tpu.matmul %max3A_21, %get3A_24, %dot_general3A {dimension_numbers = #tpu.dot_dimension_numbers<[1], [0], [0], [1], [0, 0, 1, 1], [], []>, precision = #tpu.contract_precision<fp32>, transpose_lhs_hint = false} : vector<1024x128xf32>, vector<128x128xf32>, vector<1024x128xf32> -> vector<1024x128xf32>
    %get3A_26 = arith.constant 0 : index
    %get3A_27 = arith.constant 0 : index
    %get3A_28 = vector.load %arg3[%get3A_26, %get3A_27] : memref<1024x128xf32, #tpu.memory_space<vmem>>, vector<1024x128xf32>
    %mul3A_29 = arith.mulf %get3A_28, %dot_general3A_25 : vector<1024x128xf32>
    %swap3A = arith.constant 0 : index
    %swap3A_30 = arith.constant 0 : index
    %swap3A_31 = vector.load %arg6[%swap3A, %swap3A_30] : memref<1024x128xf32, #tpu.memory_space<vmem>>, vector<1024x128xf32>
    tpu.vector_store %arg6[%swap3A, %swap3A_30], %mul3A_29 {strides = array<i32>} : memref<1024x128xf32, #tpu.memory_space<vmem>>, vector<1024x128xf32>,
    return
  }
  func.func @transform_0(%arg0: i32) -> (i32, i32, i32) {
    %c0_i32 = arith.constant 0 : i32
    %c0_i32_0 = arith.constant 0 : i32
    %c0_i32_1 = arith.constant 0 : i32
    return %c0_i32, %arg0, %c0_i32_0 : i32, i32, i32
  }
  func.func @transform_1(%arg0: i32) -> (i32, i32) {
    %c0_i32 = arith.constant 0 : i32
    %c0_i32_0 = arith.constant 0 : i32
    return %arg0, %c0_i32 : i32, i32
  }
  func.func @transform_2(%arg0: i32) -> (i32, i32) {
    %c0_i32 = arith.constant 0 : i32
    %c0_i32_0 = arith.constant 0 : i32
    return %arg0, %c0_i32 : i32, i32
  }
  func.func @transform_3(%arg0: i32) -> (i32, i32) {
    %c0_i32 = arith.constant 0 : i32
    %c0_i32_0 = arith.constant 0 : i32
    %c0_i32_1 = arith.constant 0 : i32
    return %c0_i32, %c0_i32_0 : i32, i32
  }
  func.func @transform_4(%arg0: i32) -> (i32, i32) {
    %c0_i32 = arith.constant 0 : i32
    %c0_i32_0 = arith.constant 0 : i32
    %c0_i32_1 = arith.constant 0 : i32
    return %c0_i32, %c0_i32_0 : i32, i32
  }
  func.func @transform_5(%arg0: i32) -> (i32, i32) {
    %c0_i32 = arith.constant 0 : i32
    %c0_i32_0 = arith.constant 0 : i32
    return %arg0, %c0_i32 : i32, i32
  }
}

module attributes {stable_mosaic.version = 14 : i64} {
  func.func @body(%arg0: i32, %arg1: memref<2x1024x128xf32, #tpu.memory_space<vmem>>, %arg2: memref<1024x128xf32, #tpu.memory_space<vmem>>, %arg3: memref<1024x128xf32, #tpu.memory_space<vmem>>, %arg4: memref<1x128xf32, #tpu.memory_space<vmem>>, %arg5: memref<1024x128xf32, #tpu.memory_space<vmem>>) attributes {dimension_semantics = [#tpu.dimension_semantics<arbitrary>], iteration_bounds = array<i64: 10>, scalar_prefetch = 0 : i64, scratch_operands = 0 : i64, tpu.core_type = #tpu.core_type<tc>, window_params = [{transform_indices = @transform_0, window_bounds = array<i64: 2, 1024, 128>}, {transform_indices = @transform_1, window_bounds = array<i64: 1024, 128>}, {transform_indices = @transform_2, window_bounds = array<i64: 1024, 128>}, {pipeline_mode = #tpu.pipeline_mode<synchronous>, transform_indices = @transform_3, window_bounds = array<i64: 1, 128>}, {transform_indices = @transform_4, window_bounds = array<i64: 1024, 128>}]} {
    %get3A = arith.constant 0 : index
    %get3A_0 = arith.constant 0 : index
    %get3A_1 = vector.load %arg3[%get3A, %get3A_0] : memref<1024x128xf32, #tpu.memory_space<vmem>>, vector<1024x128xf32>
    %get3A_2 = arith.constant 0 : index
    %get3A_3 = arith.constant 0 : index
    %get3A_4 = arith.constant 0 : index
    %get3A_5 = vector.load %arg1[%get3A_2, %get3A_3, %get3A_4] : memref<2x1024x128xf32, #tpu.memory_space<vmem>>, vector<1x1024x128xf32>
    %get3A_6 = vector.shape_cast %get3A_5 : vector<1x1024x128xf32> to vector<1024x128xf32>
    %get3A_7 = arith.constant 1 : index
    %get3A_8 = arith.constant 0 : index
    %get3A_9 = arith.constant 0 : index
    %get3A_10 = vector.load %arg1[%get3A_7, %get3A_8, %get3A_9] : memref<2x1024x128xf32, #tpu.memory_space<vmem>>, vector<1x1024x128xf32>
    %get3A_11 = vector.shape_cast %get3A_10 : vector<1x1024x128xf32> to vector<1024x128xf32>
    %add3A = arith.addf %get3A_6, %get3A_11 : vector<1024x128xf32>
    %get3A_12 = arith.constant 0 : index
    %get3A_13 = arith.constant 0 : index
    %get3A_14 = vector.load %arg2[%get3A_12, %get3A_13] : memref<1024x128xf32, #tpu.memory_space<vmem>>, vector<1024x128xf32>
    %sub3A = arith.subf %add3A, %get3A_14 : vector<1024x128xf32>
    %mul3A = arith.mulf %get3A_1, %sub3A : vector<1024x128xf32>
    %get3A_15 = arith.constant 0 : index
    %get3A_16 = arith.constant 0 : index
    %get3A_17 = vector.load %arg4[%get3A_15, %get3A_16] : memref<1x128xf32, #tpu.memory_space<vmem>>, vector<1x128xf32>
    %add3A_18 = vector.broadcast %get3A_17 : vector<1x128xf32> to vector<1024x128xf32>
    %add3A_19 = arith.addf %mul3A, %add3A_18 : vector<1024x128xf32>
    %reduce_max3A = arith.constant dense<0xFF800000> : vector<1024xf32>
    %reduce_max3A_20 = vector.multi_reduction <maximumf>, %add3A_19, %reduce_max3A [1] : vector<1024x128xf32> to vector<1024xf32>
    %broadcast_in_dim3A = vector.shape_cast %reduce_max3A_20 : vector<1024xf32> to vector<1024x1xf32>
    %sub3A_21 = vector.broadcast %broadcast_in_dim3A : vector<1024x1xf32> to vector<1024x128xf32>
    %sub3A_22 = arith.subf %add3A_19, %sub3A_21 : vector<1024x128xf32>
    %exp3A = math.exp %sub3A_22 : vector<1024x128xf32>
    %reduce_sum3A = arith.constant dense<0.000000e+00> : vector<1024xf32>
    %reduce_sum3A_23 = vector.multi_reduction <add>, %exp3A, %reduce_sum3A [1] : vector<1024x128xf32> to vector<1024xf32>
    %broadcast_in_dim3A_24 = vector.shape_cast %reduce_sum3A_23 : vector<1024xf32> to vector<1024x1xf32>
    %log3A = math.log %broadcast_in_dim3A_24 : vector<1024x1xf32>
    %sub3A_25 = vector.broadcast %broadcast_in_dim3A : vector<1024x1xf32> to vector<1024x128xf32>
    %sub3A_26 = arith.subf %add3A_19, %sub3A_25 : vector<1024x128xf32>
    %sub3A_27 = vector.broadcast %log3A : vector<1024x1xf32> to vector<1024x128xf32>
    %sub3A_28 = arith.subf %sub3A_26, %sub3A_27 : vector<1024x128xf32>
    %swap3A = arith.constant 0 : index
    %swap3A_29 = arith.constant 0 : index
    %swap3A_30 = vector.load %arg5[%swap3A, %swap3A_29] : memref<1024x128xf32, #tpu.memory_space<vmem>>, vector<1024x128xf32>
    tpu.vector_store %arg5[%swap3A, %swap3A_29], %sub3A_28 {strides = array<i32>} : memref<1024x128xf32, #tpu.memory_space<vmem>>, vector<1024x128xf32>,
    return
  }
  func.func @transform_0(%arg0: i32) -> (i32, i32, i32) {
    %c0_i32 = arith.constant 0 : i32
    %c0_i32_0 = arith.constant 0 : i32
    %c0_i32_1 = arith.constant 0 : i32
    return %c0_i32, %arg0, %c0_i32_0 : i32, i32, i32
  }
  func.func @transform_1(%arg0: i32) -> (i32, i32) {
    %c0_i32 = arith.constant 0 : i32
    %c0_i32_0 = arith.constant 0 : i32
    return %arg0, %c0_i32 : i32, i32
  }
  func.func @transform_2(%arg0: i32) -> (i32, i32) {
    %c0_i32 = arith.constant 0 : i32
    %c0_i32_0 = arith.constant 0 : i32
    return %arg0, %c0_i32 : i32, i32
  }
  func.func @transform_3(%arg0: i32) -> (i32, i32) {
    %c0_i32 = arith.constant 0 : i32
    %c0_i32_0 = arith.constant 0 : i32
    %c0_i32_1 = arith.constant 0 : i32
    return %c0_i32, %c0_i32_0 : i32, i32
  }
  func.func @transform_4(%arg0: i32) -> (i32, i32) {
    %c0_i32 = arith.constant 0 : i32
    %c0_i32_0 = arith.constant 0 : i32
    return %arg0, %c0_i32 : i32, i32
  }
}

</mosaic_0001>

<sc_bundles>
// kernel: kernel.11.cloned.1.call-start
scs
__scs_entry_jumppad:
0x0: {  	(pc) =	sbr.rel $0x88, $3  }
0x1: {  	(tag) =	ssettag $0x0;
	lr =	simm.s32 $0x1  }
0x2: {  	[smem:$0x3F9B] =	sst lr;
	_ =	strace $0xD0000000  }
0x3: {  	_ = 	snop  }
0x4: {  	_ = 	snop  }
0x5: {  	_ = 	snop  }
0x6: {  	_ = 	snop  }
0x7: {  	_ = 	snop  }
__scs_overlays_trampoline_lowered:
0x8: {  	[smem:$0x3FAA] =	sst s0  }
0x9: {  	[smem:$0x3FAB] =	sst s1  }
0xa: {  	[smem:$0x3FAC] =	sst s2  }
0xb: {  	[smem:$0x3FAD] =	sst s3  }
0xc: {  	[smem:$0x3FAE] =	sst s4  }
0xd: {  	[smem:$0x3FAF] =	sst s5  }
0xe: {  	[smem:$0x3FB0] =	sst s6  }
0xf: {  	[smem:$0x3FB1] =	sst s7  }
0x10: {  	[smem:$0x3FB2] =	sst s8  }
0x11: {  	[smem:$0x3FB3] =	sst s9;
	s0 =	simm.s32 @!p0 $0x0  }
0x12: {  	s1 =	sld [smem:$0x3F99];
	s0 =	simm.s32 @p0 $0x1  }
0x13: {  	[smem:$0x3FB4] =	sst s0;
	s0 =	simm.s32 @!p1 $0x0  }
0x14: {  	s2 =	sld [smem:$0x3F98];
	s0 =	simm.s32 @p1 $0x1  }
0x15: {  	[smem:$0x3FB5] =	sst s0;
	s0 =	simm.s32 @!p2 $0x0  }
0x16: {  	s3 =	sld [smem:$0x3FDB];
	s0 =	simm.s32 @p2 $0x1  }
0x17: {  	s4 =	simm.s32 $0x1BF5;
	[smem:$0x3FB7] =	sst s0  }
0x18: {  	s0 =	sld [smem:$0x3F9A];
	_ =	swait.ge [sflag:s4], $0x0  }
0x19: {  	s7 =	sld [smem:$0x3F9B]  }
0x1a: {  	s8 =	sadd.s32 $0xFFFFE003, lr  }
0x1b: {  	s9 =	sadd.s32 $0xFFFFFEF7, lr;
	s5 =	simm.s32 $0xFFFFFFFF;
	p2 =	slt.u32 s8, $0xFFFFF086  }
0x1c: {  	p1 =	slt.u32 s9, $0xF7A;
	s5 =	simm.s32 @!p2 $0x0  }
0x1d: {  	s5 =	simm.s32 @p1 $0x1;
	p0 =	seq.s32 s7, s2  }
0x1e: {  	s7 =	smul.u32 @!p0 $0xF7A, s2;
	p2 =	seq.s32 @!p0 s5, $0x0  }
0x1f: {  	s9 =	smul.u32 $0xF7A, s1;
	s8 =	simm.s32 @!p0 $0x1BF5;
	p2 =	por !p2, p0  }
0x20: {  	[sflag:s8] =	ssyncset.s32 @!p0 $0xFFFFF086;
	s6 =	sadd.s32 @!p0 s3, s7;
	s7 =	simm.s32 @!p0 $0x108  }
0x21: {  	s3 =	sadd.s32 s3, s9;
	s6 =	sadd.s32 @!p0 $0x88, s6;
	s7 =	simm.s32 @p2 $0x1082  }
0x22: {  	[simem:s7], [sflag:s8] =	dma.local @!p0 [hbm:s6], $0xF7A  }
0x23: {  	s9 =	sor.u32 $0xD0000000, s2;
	s6 =	simm.s32 $0x108;
	_ =	swait.ge @!p0 [sflag:s8], $0x0  }
0x24: {  	s3 =	sadd.s32 $0x88, s3;
	s6 =	simm.s32 @!p1 $0x1082;
	[sflag:s4] =	ssyncset.s32 $0xFFFFF086  }
0x25: {  	[simem:s6], [sflag:s4] =	dma.local [hbm:s3], $0xF7A  }
0x26: {  	[smem:$0x3F9B] =	sst s1;
	(tag) =	ssettag s2;
	_ =	strace s9  }
0x27: {  	s1 =	sld [smem:$0x3FAB]  }
0x28: {  	s2 =	sld [smem:$0x3FAC]  }
0x29: {  	s4 =	sld [smem:$0x3FAE]  }
0x2a: {  	p0 =	seq.s32 s5, $0x0;
	s5 =	sld [smem:$0x3FAF]  }
0x2b: {  	s6 =	sld [smem:$0x3FB0]  }
0x2c: {  	s7 =	sld [smem:$0x3FB1]  }
0x2d: {  	s3 =	simm.s32 $0x108;
	s8 =	sld [smem:$0x3FB2]  }
0x2e: {  	s3 =	simm.s32 @!p0 $0x1082;
	s9 =	sld [smem:$0x3FB3]  }
0x2f: {  	lr =	sadd.s32 s0, s3;
	s0 =	sld [smem:$0x3FAA]  }
0x30: {  	s3 =	sld [smem:$0x3FAD]  }
0x31: {  	[smem:$0x3FB6] =	sst s10  }
0x32: {  	s10 =	sld [smem:$0x3FB4];
	_ =	sdelay $0x3  }
0x33: {  	p0 =	seq.s32 s10, $0x1;
	s10 =	sld [smem:$0x3FB6];
	_ =	sdelay $0x3  }
0x34: {  	[smem:$0x3FB6] =	sst s10  }
0x35: {  	s10 =	sld [smem:$0x3FB5];
	_ =	sdelay $0x3  }
0x36: {  	p1 =	seq.s32 s10, $0x1;
	s10 =	sld [smem:$0x3FB6];
	_ =	sdelay $0x3  }
0x37: {  	[smem:$0x3FB6] =	sst s10  }
0x38: {  	s10 =	sld [smem:$0x3FB7]  }
0x39: {  	_ = 	snop;
	(pc) =	sbr.ind lr, $3  }
0x3a: {  	_ = 	snop  }
0x3b: {  	_ = 	snop  }
0x3c: {  	p2 =	seq.s32 s10, $0x1;
	s10 =	sld [smem:$0x3FB6]  }
0x3d: {  	_ =	shalt  }
0x3e: {  	_ =	shalt  }
0x3f: {  	_ =	shalt  }
0x40: {  	_ =	shalt  }
0x41: {  	_ =	shalt  }
0x42: {  	_ =	shalt  }
0x43: {  	_ =	shalt  }
0x44: {  	_ =	shalt  }
0x45: {  	_ =	shalt  }
0x46: {  	_ =	shalt  }
0x47: {  	_ =	shalt  }
0x48: {  	_ =	shalt  }
0x49: {  	_ =	shalt  }
0x4a: {  	_ =	shalt  }
0x4b: {  	_ =	shalt  }
0x4c: {  	_ =	shalt  }
0x4d: {  	_ =	shalt  }
0x4e: {  	_ =	shalt  }
0x4f: {  	_ =	shalt  }
0x50: {  	_ =	shalt  }
0x51: {  	_ =	shalt  }
0x52: {  	_ =	shalt  }
0x53: {  	_ =	shalt  }
0x54: {  	_ =	shalt  }
0x55: {  	_ =	shalt  }
0x56: {  	_ =	shalt  }
0x57: {  	_ =	shalt  }
0x58: {  	_ =	shalt  }
0x59: {  	_ =	shalt  }
0x5a: {  	_ =	shalt  }
0x5b: {  	_ =	shalt  }
0x5c: {  	_ =	shalt  }
0x5d: {  	_ =	shalt  }
0x5e: {  	_ =	shalt  }
0x5f: {  	_ =	shalt  }
0x60: {  	_ =	shalt  }
0x61: {  	_ =	shalt  }
0x62: {  	_ =	shalt  }
0x63: {  	_ =	shalt  }
0x64: {  	_ =	shalt  }
0x65: {  	_ =	shalt  }
0x66: {  	_ =	shalt  }
0x67: {  	_ =	shalt  }
0x68: {  	_ =	shalt  }
0x69: {  	_ =	shalt  }
0x6a: {  	_ =	shalt  }
0x6b: {  	_ =	shalt  }
0x6c: {  	_ =	shalt  }
0x6d: {  	_ =	shalt  }
0x6e: {  	_ =	shalt  }
0x6f: {  	_ =	shalt  }
0x70: {  	_ =	shalt  }
0x71: {  	_ =	shalt  }
0x72: {  	_ =	shalt  }
0x73: {  	_ =	shalt  }
0x74: {  	_ =	shalt  }
0x75: {  	_ =	shalt  }
0x76: {  	_ =	shalt  }
0x77: {  	_ =	shalt  }
0x78: {  	_ =	shalt  }
0x79: {  	_ =	shalt  }
0x7a: {  	_ =	shalt  }
0x7b: {  	_ =	shalt  }
0x7c: {  	_ =	shalt  }
0x7d: {  	_ =	shalt  }
0x7e: {  	_ =	shalt  }
0x7f: {  	_ =	shalt  }
0x80: {  	_ =	shalt  }
0x81: {  	_ =	shalt  }
0x82: {  	_ =	shalt  }
0x83: {  	_ =	shalt  }
0x84: {  	_ =	shalt  }
0x85: {  	_ =	shalt  }
0x86: {  	_ =	shalt  }
0x87: {  	_ =	shalt  }
.Lfunc_end0:
.L_simem_size_0:
called_computation.1_lowered:
.L_overlay_start_0:
0x88: {  	s2 =	sld [smem:$0x3FD9]  }
0x89: {  	s3 =	sld [smem:$0x3FFE];
	_ =	sdelay $0x1  }
0x8a: {  	s1 =	srdreg.scid  }
0x8b: {  	s0 =	sand.u32 $0x1, s1  }
0x8c: {  	s17 =	sshll.u32 s0, $0xA;
	s2 =	sadd.s32 s3, s2  }
0x8d: {  	s2 =	sadd.s32 s2, s17  }
0x8e: {  	[smem:$0x3FC2] =	sst s2  }
0x8f: {  	_ = 	snop  }
0x90: {  	s2 =	sld [smem:$0x3FD0];
	(tm) =	ssettm $0x1  }
0x91: {  	s18 =	sld [smem:$0x3FFB];
	_ =	sdelay $0x3  }
0x92: {  	_ =	strace s18  }
0x93: {  	s3 =	sld [smem:$0x3FFC];
	_ =	sdelay $0x3  }
0x94: {  	_ =	strace s3  }
0x95: {  	s3 =	sld [smem:$0x3FFD];
	_ =	sdelay $0x3  }
0x96: {  	_ =	strace s3  }
0x97: {  	_ =	strace $0x8FFFFFFF  }
0x98: {  	s19 =	sld [smem:$0x3FDB];
	_ =	sdelay $0x1  }
0x99: {  	s4 =	simm.s32 $_scs_section_size  }
0x9a: {  	s5 =	simm.s32 $_size__tile_overlayer_lowered;
	s6 =	simm.s32 $_tile_overlayer_lowered  }
0x9b: {  	s22 =	simm.s32 $0x1BFF;
	s21 =	sshll.u32 s6, $0x1;
	s3 =	sadd.s32 s4, s19  }
0x9c: {  	s7 =	simm.s32 $0x0;
	s20 =	sshll.u32 s5, $0x1;
	s5 =	sadd.s32 s21, s3  }
0x9d: {  	[timem:s7], [sflag:s22] =	dma.local [hbm:s5], s20  }
0x9e: {  	_ =	swait.ge [sflag:s22], s20  }
0x9f: {  	s4 =	ssub.s32 $0x0, s20;
	[sflag:s22] =	ssyncset.done $0x0  }
0xa0: {  	[sflag:s22] =	ssyncadd.s32 s4;
	_ =	sdelay $0x1  }
0xa1: {  	s23 =	simm.s32 $0x1B8B  }
0xa2: {  	_ =	swait.ge [sflag:s23], $0x1  }
0xa3: {  	[sflag:s23] =	ssyncset.done $0x0  }
0xa4: {  	s25 =	simm.s32 $0x1B8E;
	s24 =	sld [smem:$0x3FFE];
	[sflag:s23] =	ssyncadd.s32 $0xFFFFFFFF  }
0xa5: {  	s26 =	simm.s32 $execute0_lowered;
	[smem:$0x3FD2] =	sst s25  }
0xa6: {  	s5 =	sshll.u32 s26, $0x1;
	_ =	strace $0x80000049;
	[dreg:$0x1] =	wrdreg $0xFFFFFFFF  }
0xa7: {  	s28 =	simm.s32 $_size_execute0_lowered;
	s3 =	sadd.s32 s3, s5;
	[dreg:$0x0] =	wrdreg $0x0  }
0xa8: {  	s5 =	sshll.u32 s28, $0x1;
	[dreg:$0x2] =	wrdreg s3  }
0xa9: {  	[dreg:$0x3] =	wrdreg s5  }
0xaa: {  	[dreg:$0x4] =	wrdreg $0xC0  }
0xab: {  	_ =	task [dreg:s7], $0x5FFFF  }
0xac: {  	[dreg:$0x1] =	wrdreg $0xFFFFFFFF  }
0xad: {  	[dreg:$0x0] =	wrdreg $0x60  }
0xae: {  	[dreg:$0x2] =	wrdreg s24  }
0xaf: {  	[dreg:$0x3] =	wrdreg s2  }
0xb0: {  	[dreg:$0x4] =	wrdreg $0x0  }
0xb1: {  	[dreg:$0x5] =	wrdreg $0x9  }
0xb2: {  	_ =	task.clear_ibuf [dreg:s7], $0x6FFFF;
	_ =	strace $0x90000049  }
0xb3: {  	s29 =	simm.s32 $0x9;
	_ =	strace $0x8000004B  }
0xb4: {  	_ =	swait.ge [sflag:s29], $0x1  }
0xb5: {  	[sflag:s29] =	ssyncadd.s32 $0xFFFFFFFF  }
0xb6: {  	_ =	strace $0x9000004B  }
0xb7: {  	_ =	sfence  }
0xb8: {  	s30 =	sld [smem:$0x0];
	_ =	sdelay $0x2  }
0xb9: {  	s31 =	sshll.u32 s1, $0xD;
	s1 =	sshrl.u32 s1, $0x2  }
0xba: {  	s3 =	sand.u32 $0x4000, s31;
	s1 =	sadd.s32 s1, s30  }
0xbb: {  	s0 =	sor.u32 s3, s0;
	s1 =	sshll.u32 s1, $0x11  }
0xbc: {  	s0 =	sor.u32 s1, s0  }
0xbd: {  	s0 =	sadd.s32 $0x8F2B, s0  }
0xbe: {  	[sflag:s0] =	ssyncadd.remote.s32 $0x1  }
0xbf: {  	_ =	sfence.sel $0xFFFF  }
0xc0: {  	[dreg:$0x0] =	wrdreg $0xFFFFFFFF;
	(pc) =	sbr.abs _section_cstart, $3  }
0xc1: {  	[dreg:$0x1] =	wrdreg $0xFFFFFFFF  }
0xc2: {  	_ =	task.clear_ibuf [dreg:s7], $0x2FFFF;
	_ =	strace $0x9FFFFFFF  }
0xc3: {  	(tm) =	ssettm $0x7FFFFFFF  }
tec
execute0_lowered:
.L_overlay_start_1:
0x0: {  	(tag) =	ssettag $0x1  }
0x1: {  	s0 =	rddreg [dreg:$0x0]  }
0x2: {  	s2 =	rddreg [dreg:$0x1]  }
0x3: {  	s3 =	rddreg [dreg:$0x2];
	s13 =	stileid.u32  }
0x4: {  	s1 =	srdreg.scid;
	s4 =	simm.s32 $0x0;
	s7 =	smul.u32 $0x2800, s13  }
0x5: {  	s1 =	sand.u32 $0x1, s1;
	[smem:$0x7FF] =	sst s4;
	s11 =	smul.u32 $0x50000, s13  }
0x6: {  	s5 =	sadd.s32 $0x2600, s0;
	s6 =	sadd.s32 $0x52600, s0;
	s25 =	smul.u32 $0xA00, s13  }
0x7: {  	s17 =	sshll.u32 s13, $0x6;
	s8 =	smul.u32 $0x28000, s1;
	_ =	strace $0x8000004A  }
0x8: {  	s9 =	ssub.s32 $0x2, s1;
	s10 =	sshll.u32 s1, $0x4;
	s22 =	smul.u32 $0x50000, s1  }
0x9: {  	s20 =	sor.u32 $0x1C15, s17;
	s1 =	smul.u32 $0xA000, s1;
	s15 =	sshrl.u32 s9, $0x1  }
0xa: {  	s10 =	sor.u32 s13, s10;
	s16 =	sshrl.u32 s11, $0x2;
	[dreg:$0x8] =	wrdreg s20  }
0xb: {  	s8 =	sadd.s32 s7, s8;
	s11 =	smul.u32 $0xA00, s10;
	s7 =	sadd.s32 s5, s7  }
0xc: {  	s1 =	sadd.s32 s25, s1;
	s0 =	sadd.s32 s8, s0;
	[dreg:$0x7] =	wrdreg s7  }
0xd: {  	s8 =	ssub.s32 s9, s15;
	s9 =	sadd.s32 s16, s3;
	[dreg:$0x5] =	wrdreg s1  }
0xe: {  	[dreg:$0x6] =	wrdreg s9;
	s19 =	sadd.s32 s2, s11  }
0xf: {  	s0 =	sadd.s32 $0x66600, s0;
	[dreg:$0xa] =	wrdreg s19  }
0x10: {  	s14 =	sadd.s32 s6, s11;
	s18 =	sor.u32 $0x10, s11;
	[dreg:$0x1c] =	wrdreg s0  }
0x11: {  	s12 =	smul.u32 $0x5000, s13;
	s21 =	sadd.s32 s6, s18;
	[dreg:$0x9] =	wrdreg s14  }
0x12: {  	s23 =	sor.u32 $0x20, s11;
	s7 =	sadd.s32 s2, s18;
	[dreg:$0xb] =	wrdreg s21  }
0x13: {  	s24 =	sor.u32 $0x30, s11;
	s15 =	sadd.s32 s6, s23;
	[dreg:$0xc] =	wrdreg s7  }
0x14: {  	s9 =	sadd.s32 s12, s22;
	s26 =	sadd.s32 s6, s24;
	[dreg:$0xd] =	wrdreg s15  }
0x15: {  	s31 =	sor.u32 $0x40, s11;
	s29 =	sor.u32 $0x400, s9;
	[dreg:$0xf] =	wrdreg s26  }
0x16: {  	s13 =	sadd.s32 s6, s31;
	[dreg:$0x4] =	wrdreg s29  }
0x17: {  	s28 =	simm.s32 $0x14000;
	s17 =	sadd.s32 s2, s31;
	[dreg:$0x11] =	wrdreg s13  }
0x18: {  	s30 =	simm.s32 $0x14080;
	s31 =	sadd.s32 $0x80, s14;
	[dreg:$0x13] =	wrdreg s17  }
0x19: {  	s19 =	sor.u32 $0x60, s11;
	s7 =	sadd.s32 s2, s23;
	[dreg:$0x1e] =	wrdreg s31  }
0x1a: {  	s18 =	smul.u32 $0x5000, s10;
	s22 =	sadd.s32 s6, s19;
	[dreg:$0xe] =	wrdreg s7  }
0x1b: {  	s14 =	simm.s32 $0xB;
	s29 =	smax.u32 s8, $0x1;
	[dreg:$0x15] =	wrdreg s22  }
0x1c: {  	s15 =	sor.u32 $0x50, s11;
	s7 =	sadd.s32 s2, s24;
	[dreg:$0x1d] =	wrdreg s29  }
0x1d: {  	s21 =	sor.u32 $0x70, s11;
	s16 =	sadd.s32 s6, s15;
	[dreg:$0x10] =	wrdreg s7  }
0x1e: {  	s10 =	simm.s32 $0x12;
	s24 =	sadd.s32 s6, s21;
	[dreg:$0x12] =	wrdreg s16  }
0x1f: {  	s1 =	sshrl.u32 s18, $0x3;
	s9 =	sadd.s32 s2, s21;
	[dreg:$0x17] =	wrdreg s24  }
0x20: {  	s7 =	sadd.s32 s2, s15;
	s23 =	sadd.s32 $0x9F0, s1;
	[dreg:$0x18] =	wrdreg s9  }
0x21: {  	s1 =	sadd.s32 s2, s1;
	[dreg:$0x14] =	wrdreg s7;
	s7 =	sadd.s32 s2, s19  }
0x22: {  	s0 =	simm.s32 $0x0;
	s1 =	sadd.s32 $0x9E0, s1;
	[dreg:$0x16] =	wrdreg s7  }
0x23: {  	s17 =	simm.s32 $0x40;
	s25 =	sadd.s32 s6, s23;
	[dreg:$0x19] =	wrdreg s1  }
0x24: {  	s21 =	simm.s32 $0x15;
	s26 =	sadd.s32 s2, s23;
	[dreg:$0x1a] =	wrdreg s25  }
0x25: {  	s18 =	simm.s32 $0x13;
	s15 =	simm.s32 $0xC;
	[dreg:$0x1b] =	wrdreg s26  }
.LBB2_1:
0x26: {  	[dreg:$0x1f] =	wrdreg s0  }
0x27: {  	s19 =	rddreg [dreg:$0x6]  }
0x28: {  	s22 =	rddreg [dreg:$0x7];
	s19 =	sshrl.u32 s19, $0x3  }
0x29: {  	[smem:$0x7FD] =	sst s19  }
0x2a: {  	[spmem:s19], [sflag:s20] =	dma.local [hbm:s22], $0x2800  }
0x2b: {  	_ =	swait.ge [sflag:s21], $0x2800  }
0x2c: {  	[sflag:s21] =	ssyncset.done $0x0  }
0x2d: {  	[sflag:s21] =	ssyncadd.s32 $0xFFFFD800  }
0x2e: {  	[bflag:$0x0] =	sbarrier.arrive $0xFFFF  }
0x2f: {  	s23 =	rddreg [dreg:$0x9]  }
0x30: {  	[tilespmem:s28], [sflag:$0x15] =	stream.linear.gather [hbm4b:s23+s4], $0x80, $0x38;
	[tilespmem:$0x1E800] =	vst v63  }
0x31: {  	_ =	swait.ge [sflag:s21], $0x80  }
0x32: {  	[sflag:s21] =	ssyncset.done $0x0  }
0x33: {  	s25 =	simm.s32 $0x14400;
	s24 =	rddreg [dreg:$0xa];
	[sflag:s21] =	ssyncadd.s32 $0xFFFFFF80  }
0x34: {  	[tilespmem:s25], [sflag:$0x15] =	stream.linear.gather [hbm4b:s24+s4], $0x80, $0x38;
	[tilespmem:$0x1E800] =	vst v63  }
0x35: {  	_ =	swait.ge [sflag:s21], $0x80  }
0x36: {  	[sflag:s21] =	ssyncset.done $0x0  }
0x37: {  	s26 =	rddreg [dreg:$0xb];
	[sflag:s21] =	ssyncadd.s32 $0xFFFFFF80  }
0x38: {  	[tilespmem:s30], [sflag:$0x15] =	stream.linear.gather [hbm4b:s26+s4], $0x80, $0x38;
	[tilespmem:$0x1E800] =	vst v63  }
0x39: {  	_ =	swait.ge [sflag:s21], $0x80  }
0x3a: {  	[sflag:s21] =	ssyncset.done $0x0  }
0x3b: {  	s31 =	simm.s32 $0x14480;
	s29 =	rddreg [dreg:$0xc];
	[sflag:s21] =	ssyncadd.s32 $0xFFFFFF80  }
0x3c: {  	[tilespmem:s31], [sflag:$0x15] =	stream.linear.gather [hbm4b:s29+s4], $0x80, $0x38;
	[tilespmem:$0x1E800] =	vst v63  }
0x3d: {  	_ =	swait.ge [sflag:s21], $0x80  }
0x3e: {  	[sflag:s21] =	ssyncset.done $0x0  }
0x3f: {  	s7 =	simm.s32 $0x14100;
	s1 =	rddreg [dreg:$0xd];
	[sflag:s21] =	ssyncadd.s32 $0xFFFFFF80  }
0x40: {  	[tilespmem:s7], [sflag:$0x15] =	stream.linear.gather [hbm4b:s1+s4], $0x80, $0x38;
	[tilespmem:$0x1E800] =	vst v63  }
0x41: {  	_ =	swait.ge [sflag:s21], $0x80  }
0x42: {  	[sflag:s21] =	ssyncset.done $0x0  }
0x43: {  	s9 =	simm.s32 $0x14500;
	s8 =	rddreg [dreg:$0xe];
	[sflag:s21] =	ssyncadd.s32 $0xFFFFFF80  }
0x44: {  	[tilespmem:s9], [sflag:$0x15] =	stream.linear.gather [hbm4b:s8+s4], $0x80, $0x38;
	[tilespmem:$0x1E800] =	vst v63  }
0x45: {  	_ =	swait.ge [sflag:s21], $0x80  }
0x46: {  	[sflag:s21] =	ssyncset.done $0x0  }
0x47: {  	s12 =	simm.s32 $0x14180;
	s11 =	rddreg [dreg:$0xf];
	[sflag:s21] =	ssyncadd.s32 $0xFFFFFF80  }
0x48: {  	[tilespmem:s12], [sflag:$0x15] =	stream.linear.gather [hbm4b:s11+s4], $0x80, $0x38;
	[tilespmem:$0x1E800] =	vst v63  }
0x49: {  	_ =	swait.ge [sflag:s21], $0x80  }
0x4a: {  	[sflag:s21] =	ssyncset.done $0x0  }
0x4b: {  	s1 =	simm.s32 $0x14580;
	s16 =	rddreg [dreg:$0x10];
	[sflag:s21] =	ssyncadd.s32 $0xFFFFFF80  }
0x4c: {  	[tilespmem:s1], [sflag:$0x15] =	stream.linear.gather [hbm4b:s16+s4], $0x80, $0x38;
	[tilespmem:$0x1E800] =	vst v63  }
0x4d: {  	_ =	swait.ge [sflag:s21], $0x80  }
0x4e: {  	[sflag:s21] =	ssyncset.done $0x0  }
0x4f: {  	s23 =	simm.s32 $0x14800;
	[sflag:s21] =	ssyncadd.s32 $0xFFFFFF80  }
0x50: {  	[tilespmem:s23], [sflag:$0x1] =	stream.indirect.gather [hbm4b:s5+s17], $0x80, s28, s17, $0xb8;
	[tilespmem:$0x1E800] =	vst v63  }
0x51: {  	s24 =	simm.s32 $0x16800  }
0x52: {  	[tilespmem:s24], [sflag:$0x2] =	stream.indirect.gather [hbm4b:s5+s17], $0x80, s30, s17, $0xb8;
	[tilespmem:$0x1E800] =	vst v63  }
0x53: {  	s19 =	simm.s32 $0x18800;
	s7 =	simm.s32 $0x14100  }
0x54: {  	[tilespmem:s19], [sflag:$0x3] =	stream.indirect.gather [hbm4b:s5+s17], $0x80, s7, s17, $0xb8;
	[tilespmem:$0x1E800] =	vst v63  }
0x55: {  	s13 =	simm.s32 $0x14180;
	s20 =	simm.s32 $0x1A800  }
0x56: {  	[tilespmem:s20], [sflag:$0x4] =	stream.indirect.gather [hbm4b:s5+s17], $0x80, s13, s17, $0xb8;
	[tilespmem:$0x1E800] =	vst v63  }
0x57: {  	s26 =	simm.s32 $0x1;
	s21 =	rddreg [dreg:$0x11];
	s13 =	simm.s32 $0x14200  }
0x58: {  	[tilespmem:s13], [sflag:$0xF] =	stream.linear.gather [hbm4b:s21+s4], $0x80, $0x38;
	[tilespmem:$0x1E800] =	vst v63  }
0x59: {  	_ =	swait.ge [sflag:s26], $0x2000  }
0x5a: {  	[sflag:s26] =	ssyncset.done $0x0  }
0x5b: {  	s22 =	simm.s32 $0x14400;
	[sflag:s26] =	ssyncadd.s32 $0xFFFFE000  }
0x5c: {  	[spmem:s3] =	stream.indirect.scatter.add.f32 [tilespmem:s23], [sflag:$0x6], $0x80, s22, s17, $0xb8;
	[tilespmem:$0x1E800] =	vst v63  }
0x5d: {  	s1 =	rddreg [dreg:$0x12]  }
0x5e: {  	[tilespmem:s28], [sflag:$0xB] =	stream.linear.gather [hbm4b:s1+s4], $0x80, $0x38;
	[tilespmem:$0x1E800] =	vst v63  }
0x5f: {  	s29 =	simm.s32 $0x14600;
	s31 =	simm.s32 $0xF;
	s7 =	rddreg [dreg:$0x13]  }
0x60: {  	[tilespmem:s29], [sflag:$0x14] =	stream.linear.gather [hbm4b:s7+s4], $0x80, $0x38;
	[tilespmem:$0x1E800] =	vst v63  }
0x61: {  	_ =	swait.ge [sflag:s31], $0x80  }
0x62: {  	[sflag:s31] =	ssyncset.done $0x0  }
0x63: {  	s25 =	simm.s32 $0x1C800;
	s1 =	simm.s32 $0x2;
	[sflag:s31] =	ssyncadd.s32 $0xFFFFFF80  }
0x64: {  	[tilespmem:s25], [sflag:$0x5] =	stream.indirect.gather [hbm4b:s5+s17], $0x80, s13, s17, $0xb8;
	[tilespmem:$0x1E800] =	vst v63  }
0x65: {  	_ =	swait.ge [sflag:s1], $0x2000  }
0x66: {  	[sflag:s1] =	ssyncset.done $0x0  }
0x67: {  	s11 =	simm.s32 $0x14480;
	s7 =	simm.s32 $0x6;
	[sflag:s1] =	ssyncadd.s32 $0xFFFFE000  }
0x68: {  	[spmem:s3] =	stream.indirect.scatter.add.f32 [tilespmem:s24], [sflag:$0x7], $0x80, s11, s17, $0xb8;
	[tilespmem:$0x1E800] =	vst v63  }
0x69: {  	_ =	swait.ge [sflag:s7], $0x2000  }
0x6a: {  	[sflag:s7] =	ssyncset.done $0x0  }
0x6b: {  	s8 =	rddreg [dreg:$0x15];
	[sflag:s7] =	ssyncadd.s32 $0xFFFFE000  }
0x6c: {  	[tilespmem:s30], [sflag:$0xC] =	stream.linear.gather [hbm4b:s8+s4], $0x80, $0x38;
	[tilespmem:$0x1E800] =	vst v63  }
0x6d: {  	s21 =	rddreg [dreg:$0x14]  }
0x6e: {  	[tilespmem:s22], [sflag:$0x10] =	stream.linear.gather [hbm4b:s21+s4], $0x80, $0x38;
	[tilespmem:$0x1E800] =	vst v63  }
0x6f: {  	_ =	swait.ge [sflag:s14], $0x80  }
0x70: {  	[sflag:s14] =	ssyncset.done $0x0  }
0x71: {  	s8 =	simm.s32 $0x3;
	[sflag:s14] =	ssyncadd.s32 $0xFFFFFF80  }
0x72: {  	[tilespmem:s23], [sflag:$0x1] =	stream.indirect.gather [hbm4b:s5+s17], $0x80, s28, s17, $0xb8;
	[tilespmem:$0x1E800] =	vst v63  }
0x73: {  	_ =	swait.ge [sflag:s8], $0x2000  }
0x74: {  	[sflag:s8] =	ssyncset.done $0x0  }
0x75: {  	s0 =	simm.s32 $0x14500;
	s9 =	simm.s32 $0x18800;
	[sflag:s8] =	ssyncadd.s32 $0xFFFFE000  }
0x76: {  	[spmem:s3] =	stream.indirect.scatter.add.f32 [tilespmem:s9], [sflag:$0x8], $0x80, s0, s17, $0xb8;
	[tilespmem:$0x1E800] =	vst v63  }
0x77: {  	s9 =	simm.s32 $0x7  }
0x78: {  	_ =	swait.ge [sflag:s9], $0x2000  }
0x79: {  	[sflag:s9] =	ssyncset.done $0x0  }
0x7a: {  	s14 =	simm.s32 $0x14100;
	s22 =	rddreg [dreg:$0x17];
	[sflag:s9] =	ssyncadd.s32 $0xFFFFE000  }
0x7b: {  	[tilespmem:s14], [sflag:$0xD] =	stream.linear.gather [hbm4b:s22+s4], $0x80, $0x38;
	[tilespmem:$0x1E800] =	vst v63  }
0x7c: {  	s22 =	rddreg [dreg:$0x16]  }
0x7d: {  	[tilespmem:s11], [sflag:$0x11] =	stream.linear.gather [hbm4b:s22+s4], $0x80, $0x38;
	[tilespmem:$0x1E800] =	vst v63  }
0x7e: {  	_ =	swait.ge [sflag:s15], $0x80  }
0x7f: {  	[sflag:s15] =	ssyncset.done $0x0  }
0x80: {  	s11 =	simm.s32 $0x4;
	[sflag:s15] =	ssyncadd.s32 $0xFFFFFF80  }
0x81: {  	[tilespmem:s24], [sflag:$0x2] =	stream.indirect.gather [hbm4b:s5+s17], $0x80, s30, s17, $0xb8;
	[tilespmem:$0x1E800] =	vst v63  }
0x82: {  	_ =	swait.ge [sflag:s11], $0x2000  }
0x83: {  	[sflag:s11] =	ssyncset.done $0x0  }
0x84: {  	s12 =	simm.s32 $0x14580;
	s20 =	simm.s32 $0x1A800;
	[sflag:s11] =	ssyncadd.s32 $0xFFFFE000  }
0x85: {  	[spmem:s3] =	stream.indirect.scatter.add.f32 [tilespmem:s20], [sflag:$0x9], $0x80, s12, s17, $0xb8;
	[tilespmem:$0x1E800] =	vst v63  }
0x86: {  	s12 =	simm.s32 $0x8  }
0x87: {  	_ =	swait.ge [sflag:s12], $0x2000  }
0x88: {  	[sflag:s12] =	ssyncset.done $0x0  }
0x89: {  	s16 =	simm.s32 $0x14180;
	s15 =	rddreg [dreg:$0x1e];
	[sflag:s12] =	ssyncadd.s32 $0xFFFFE000  }
0x8a: {  	[tilespmem:s16], [sflag:$0xE] =	stream.linear.gather [hbm4b:s15+s4], $0x80, $0x38;
	[tilespmem:$0x1E800] =	vst v63  }
0x8b: {  	s16 =	rddreg [dreg:$0x18]  }
0x8c: {  	[tilespmem:s0], [sflag:$0x12] =	stream.linear.gather [hbm4b:s16+s4], $0x80, $0x38;
	[tilespmem:$0x1E800] =	vst v63  }
0x8d: {  	s16 =	simm.s32 $0xD  }
0x8e: {  	_ =	swait.ge [sflag:s16], $0x80  }
0x8f: {  	[sflag:s16] =	ssyncset.done $0x0  }
0x90: {  	s21 =	simm.s32 $0x18800;
	s20 =	simm.s32 $0x5;
	[sflag:s16] =	ssyncadd.s32 $0xFFFFFF80  }
0x91: {  	[tilespmem:s21], [sflag:$0x3] =	stream.indirect.gather [hbm4b:s5+s17], $0x80, s14, s17, $0xb8;
	[tilespmem:$0x1E800] =	vst v63  }
0x92: {  	_ =	swait.ge [sflag:s20], $0x2000  }
0x93: {  	[sflag:s20] =	ssyncset.done $0x0  }
0x94: {  	s21 =	simm.s32 $0x14;
	[sflag:s20] =	ssyncadd.s32 $0xFFFFE000  }
0x95: {  	_ =	swait.ge [sflag:s21], $0x80  }
0x96: {  	[sflag:s21] =	ssyncset.done $0x0  }
0x97: {  	s0 =	simm.s32 $0x9;
	[sflag:s21] =	ssyncadd.s32 $0xFFFFFF80  }
0x98: {  	[spmem:s3] =	stream.indirect.scatter.add.f32 [tilespmem:s25], [sflag:$0xA], $0x80, s29, s17, $0xb8;
	[tilespmem:$0x1E800] =	vst v63  }
0x99: {  	_ =	swait.ge [sflag:s0], $0x2000  }
0x9a: {  	s22 =	rddreg [dreg:$0x5]  }
0x9b: {  	s20 =	rddreg [dreg:$0x4];
	s19 =	sadd.s32 $0xD0, s22  }
0x9c: {  	[sflag:s0] =	ssyncset.done $0x0;
	s22 =	simm.s32 $0x90;
	s21 =	sadd.s32 $0xFFFFFFC0, s19  }
0x9d: {  	s20 =	sadd.s32 $0x0, s20;
	s22 =	sand.u32 $0x70, s22;
	s21 =	sand.u32 $0xFFFFF80, s21  }
0x9e: {  	s20 =	sand.u32 $0x7FFFFC00, s20;
	s21 =	sor.u32 s22, s21;
	s22 =	sand.u32 $0x380, s4  }
0x9f: {  	[sflag:s0] =	ssyncadd.s32 $0xFFFFE000;
	s20 =	sor.u32 s22, s20;
	s0 =	sadd.s32 s6, s21  }
0xa0: {  	[tilespmem:s13], [sflag:$0xF] =	stream.linear.gather [hbm4b:s0+s4], $0x80, $0x38;
	[tilespmem:$0x1E800] =	vst v63  }
0xa1: {  	s20 =	sshrl.u32 s20, $0x3  }
0xa2: {  	s22 =	simm.s32 $0x14580;
	s20 =	sadd.s32 s2, s20  }
0xa3: {  	[tilespmem:s22], [sflag:$0x13] =	stream.linear.gather [hbm4b:s20+s4], $0x80, $0x38;
	[tilespmem:$0x1E800] =	vst v63  }
0xa4: {  	s22 =	simm.s32 $0xE  }
0xa5: {  	_ =	swait.ge [sflag:s22], $0x80  }
0xa6: {  	[sflag:s22] =	ssyncset.done $0x0  }
0xa7: {  	s20 =	simm.s32 $0x14180;
	[sflag:s22] =	ssyncadd.s32 $0xFFFFFF80;
	s22 =	simm.s32 $0x1A800  }
0xa8: {  	[tilespmem:s22], [sflag:$0x4] =	stream.indirect.gather [hbm4b:s5+s17], $0x80, s20, s17, $0xb8;
	[tilespmem:$0x1E800] =	vst v63  }
0xa9: {  	_ =	swait.ge [sflag:s26], $0x2000  }
0xaa: {  	[sflag:s26] =	ssyncset.done $0x0  }
0xab: {  	[sflag:s26] =	ssyncadd.s32 $0xFFFFE000;
	s26 =	simm.s32 $0x10  }
0xac: {  	_ =	swait.ge [sflag:s26], $0x80  }
0xad: {  	s0 =	simm.s32 $0xA;
	s20 =	sadd.s32 $0xFFFFFFD0, s19;
	[sflag:s26] =	ssyncset.done $0x0  }
0xae: {  	s22 =	simm.s32 $0xA0;
	[sflag:s26] =	ssyncadd.s32 $0xFFFFFF80;
	s26 =	simm.s32 $0x14400  }
0xaf: {  	[spmem:s3] =	stream.indirect.scatter.add.f32 [tilespmem:s23], [sflag:$0x6], $0x80, s26, s17, $0xb8;
	[tilespmem:$0x1E800] =	vst v63  }
0xb0: {  	s20 =	sand.u32 $0xFFFFF80, s20;
	s22 =	sand.u32 $0x70, s22;
	_ =	swait.ge [sflag:s0], $0x2000  }
0xb1: {  	s20 =	sor.u32 s22, s20;
	[sflag:s0] =	ssyncset.done $0x0  }
0xb2: {  	s22 =	sadd.s32 s6, s20;
	[sflag:s0] =	ssyncadd.s32 $0xFFFFE000  }
0xb3: {  	[tilespmem:s28], [sflag:$0xB] =	stream.linear.gather [hbm4b:s22+s4], $0x80, $0x38;
	[tilespmem:$0x1E800] =	vst v63  }
0xb4: {  	s21 =	sadd.s32 s2, s21  }
0xb5: {  	[tilespmem:s29], [sflag:$0x14] =	stream.linear.gather [hbm4b:s21+s4], $0x80, $0x38;
	[tilespmem:$0x1E800] =	vst v63  }
0xb6: {  	_ =	swait.ge [sflag:s31], $0x80  }
0xb7: {  	[sflag:s31] =	ssyncset.done $0x0  }
0xb8: {  	[sflag:s31] =	ssyncadd.s32 $0xFFFFFF80  }
0xb9: {  	[tilespmem:s25], [sflag:$0x5] =	stream.indirect.gather [hbm4b:s5+s17], $0x80, s13, s17, $0xb8;
	[tilespmem:$0x1E800] =	vst v63  }
0xba: {  	_ =	swait.ge [sflag:s1], $0x2000  }
0xbb: {  	[sflag:s1] =	ssyncset.done $0x0  }
0xbc: {  	s22 =	simm.s32 $0x11;
	[sflag:s1] =	ssyncadd.s32 $0xFFFFE000  }
0xbd: {  	_ =	swait.ge [sflag:s22], $0x80  }
0xbe: {  	s29 =	sadd.s32 $0xFFFFFFE0, s19;
	[sflag:s22] =	ssyncset.done $0x0  }
0xbf: {  	s31 =	simm.s32 $0x14480;
	s25 =	simm.s32 $0xB0;
	[sflag:s22] =	ssyncadd.s32 $0xFFFFFF80  }
0xc0: {  	[spmem:s3] =	stream.indirect.scatter.add.f32 [tilespmem:s24], [sflag:$0x7], $0x80, s31, s17, $0xb8;
	[tilespmem:$0x1E800] =	vst v63  }
0xc1: {  	s21 =	sand.u32 $0x70, s25;
	s22 =	sand.u32 $0xFFFFF80, s29;
	_ =	swait.ge [sflag:s7], $0x2000  }
0xc2: {  	s21 =	sor.u32 s21, s22;
	[sflag:s7] =	ssyncset.done $0x0  }
0xc3: {  	s22 =	sadd.s32 s6, s21;
	[sflag:s7] =	ssyncadd.s32 $0xFFFFE000  }
0xc4: {  	[tilespmem:s30], [sflag:$0xC] =	stream.linear.gather [hbm4b:s22+s4], $0x80, $0x38;
	[tilespmem:$0x1E800] =	vst v63  }
0xc5: {  	s14 =	simm.s32 $0xB;
	s20 =	sadd.s32 s2, s20  }
0xc6: {  	[tilespmem:s26], [sflag:$0x10] =	stream.linear.gather [hbm4b:s20+s4], $0x80, $0x38;
	[tilespmem:$0x1E800] =	vst v63  }
0xc7: {  	_ =	swait.ge [sflag:s14], $0x80  }
0xc8: {  	[sflag:s14] =	ssyncset.done $0x0  }
0xc9: {  	[sflag:s14] =	ssyncadd.s32 $0xFFFFFF80  }
0xca: {  	[tilespmem:s23], [sflag:$0x1] =	stream.indirect.gather [hbm4b:s5+s17], $0x80, s28, s17, $0xb8;
	[tilespmem:$0x1E800] =	vst v63  }
0xcb: {  	_ =	swait.ge [sflag:s8], $0x2000  }
0xcc: {  	[sflag:s8] =	ssyncset.done $0x0  }
0xcd: {  	[sflag:s8] =	ssyncadd.s32 $0xFFFFE000  }
0xce: {  	_ =	swait.ge [sflag:s10], $0x80  }
0xcf: {  	s0 =	sadd.s32 $0xFFFFFFF0, s19;
	s13 =	simm.s32 $0x14500;
	[sflag:s10] =	ssyncset.done $0x0  }
0xd0: {  	s23 =	simm.s32 $0x18800;
	s8 =	simm.s32 $0xC0;
	[sflag:s10] =	ssyncadd.s32 $0xFFFFFF80  }
0xd1: {  	[spmem:s3] =	stream.indirect.scatter.add.f32 [tilespmem:s23], [sflag:$0x8], $0x80, s13, s17, $0xb8;
	[tilespmem:$0x1E800] =	vst v63  }
0xd2: {  	s20 =	sand.u32 $0xFFFFF80, s0;
	s22 =	sand.u32 $0x70, s8;
	_ =	swait.ge [sflag:s9], $0x2000  }
0xd3: {  	s20 =	sor.u32 s22, s20;
	[sflag:s9] =	ssyncset.done $0x0  }
0xd4: {  	s25 =	simm.s32 $0x14100;
	s22 =	sadd.s32 s6, s20;
	[sflag:s9] =	ssyncadd.s32 $0xFFFFE000  }
0xd5: {  	[tilespmem:s25], [sflag:$0xD] =	stream.linear.gather [hbm4b:s22+s4], $0x80, $0x38;
	[tilespmem:$0x1E800] =	vst v63  }
0xd6: {  	s15 =	simm.s32 $0xC;
	s21 =	sadd.s32 s2, s21  }
0xd7: {  	[tilespmem:s31], [sflag:$0x11] =	stream.linear.gather [hbm4b:s21+s4], $0x80, $0x38;
	[tilespmem:$0x1E800] =	vst v63  }
0xd8: {  	_ =	swait.ge [sflag:s15], $0x80  }
0xd9: {  	[sflag:s15] =	ssyncset.done $0x0  }
0xda: {  	[sflag:s15] =	ssyncadd.s32 $0xFFFFFF80  }
0xdb: {  	[tilespmem:s24], [sflag:$0x2] =	stream.indirect.gather [hbm4b:s5+s17], $0x80, s30, s17, $0xb8;
	[tilespmem:$0x1E800] =	vst v63  }
0xdc: {  	_ =	swait.ge [sflag:s11], $0x2000  }
0xdd: {  	[sflag:s11] =	ssyncset.done $0x0  }
0xde: {  	[sflag:s11] =	ssyncadd.s32 $0xFFFFE000  }
0xdf: {  	_ =	swait.ge [sflag:s18], $0x80  }
0xe0: {  	s29 =	simm.s32 $0x1A800;
	[sflag:s18] =	ssyncset.done $0x0  }
0xe1: {  	s26 =	simm.s32 $0xD0;
	s28 =	simm.s32 $0x14580;
	[sflag:s18] =	ssyncadd.s32 $0xFFFFFF80  }
0xe2: {  	[spmem:s3] =	stream.indirect.scatter.add.f32 [tilespmem:s29], [sflag:$0x9], $0x80, s28, s17, $0xb8;
	[tilespmem:$0x1E800] =	vst v63  }
0xe3: {  	s21 =	sand.u32 $0x70, s26;
	_ =	swait.ge [sflag:s12], $0x2000  }
0xe4: {  	s19 =	sand.u32 $0xFFFFF80, s19;
	s21 =	sadd.s32 s6, s21;
	[sflag:s12] =	ssyncset.done $0x0  }
0xe5: {  	s19 =	sadd.s32 s19, s21;
	s30 =	simm.s32 $0x14180;
	[sflag:s12] =	ssyncadd.s32 $0xFFFFE000  }
0xe6: {  	[tilespmem:s30], [sflag:$0xE] =	stream.linear.gather [hbm4b:s19+s4], $0x80, $0x38;
	[tilespmem:$0x1E800] =	vst v63  }
0xe7: {  	s31 =	sadd.s32 s2, s20  }
0xe8: {  	[tilespmem:s13], [sflag:$0x12] =	stream.linear.gather [hbm4b:s31+s4], $0x80, $0x38;
	[tilespmem:$0x1E800] =	vst v63  }
0xe9: {  	_ =	swait.ge [sflag:s16], $0x80  }
0xea: {  	s20 =	simm.s32 $0x0;
	s19 =	simm.s32 $0x120;
	[sflag:s16] =	ssyncset.done $0x0  }
.LBB2_2:
0xeb: {  	s16 =	simm.s32 $0xD;
	s0 =	simm.s32 $0x14100  }
0xec: {  	s12 =	simm.s32 $0x18800;
	s1 =	simm.s32 $0x5;
	[sflag:s16] =	ssyncadd.s32 $0xFFFFFF80  }
0xed: {  	[tilespmem:s12], [sflag:$0x3] =	stream.indirect.gather [hbm4b:s5+s17], $0x80, s0, s17, $0xb8;
	[tilespmem:$0x1E800] =	vst v63  }
0xee: {  	_ =	swait.ge [sflag:s1], $0x2000  }
0xef: {  	[sflag:s1] =	ssyncset.done $0x0  }
0xf0: {  	s8 =	simm.s32 $0x14;
	[sflag:s1] =	ssyncadd.s32 $0xFFFFE000  }
0xf1: {  	s20 =	sadd.s32 $0x280, s20;
	_ =	swait.ge [sflag:s8], $0x80  }
0xf2: {  	s21 =	smov.u32 s19;
	s11 =	simm.s32 $0x14600;
	[sflag:s8] =	ssyncset.done $0x0  }
0xf3: {  	s31 =	simm.s32 $0x1C800;
	s9 =	simm.s32 $0x9;
	[sflag:s8] =	ssyncadd.s32 $0xFFFFFF80  }
0xf4: {  	[spmem:s3] =	stream.indirect.scatter.add.f32 [tilespmem:s31], [sflag:$0xA], $0x80, s11, s17, $0xb8;
	[tilespmem:$0x1E800] =	vst v63  }
0xf5: {  	s24 =	sadd.s32 $0xFFFFFFE0, s21;
	s26 =	sadd.s32 $0xFFFFFFC0, s21;
	_ =	swait.ge [sflag:s9], $0x2000  }
0xf6: {  	s28 =	sand.u32 $0x380, s20;
	s29 =	sadd.s32 $0xFFFFFFD0, s21;
	s22 =	rddreg [dreg:$0x5]  }
0xf7: {  	s26 =	sand.u32 $0x70, s26;
	s8 =	simm.s32 $0x14200;
	s23 =	rddreg [dreg:$0x4]  }
0xf8: {  	[sflag:s9] =	ssyncset.done $0x0;
	s25 =	sadd.s32 s21, s22;
	s22 =	sand.u32 $0x70, s24  }
0xf9: {  	s23 =	sadd.s32 s20, s23;
	[sflag:s9] =	ssyncadd.s32 $0xFFFFE000;
	s13 =	sadd.s32 $0xFFFFFFC0, s25  }
0xfa: {  	s23 =	sand.u32 $0x7FFFFC00, s23;
	s24 =	sand.u32 $0xFFFFF80, s13  }
0xfb: {  	s9 =	simm.s32 $0xE;
	s23 =	sor.u32 s28, s23;
	s26 =	sor.u32 s26, s24  }
0xfc: {  	s7 =	sadd.s32 $0xFFFFFFD0, s25;
	s23 =	sshrl.u32 s23, $0x3;
	s24 =	sadd.s32 s6, s26  }
0xfd: {  	[tilespmem:s8], [sflag:$0xF] =	stream.linear.gather [hbm4b:s24+s4], $0x80, $0x38;
	[tilespmem:$0x1E800] =	vst v63  }
0xfe: {  	s23 =	sadd.s32 s2, s23;
	s24 =	sand.u32 $0xFFFFF80, s7;
	s7 =	simm.s32 $0x14580  }
0xff: {  	[tilespmem:s7], [sflag:$0x13] =	stream.linear.gather [hbm4b:s23+s4], $0x80, $0x38;
	[tilespmem:$0x1E800] =	vst v63  }
0x100: {  	s1 =	simm.s32 $0x14180;
	s13 =	sand.u32 $0x70, s29;
	_ =	swait.ge [sflag:s9], $0x80  }
0x101: {  	s28 =	sadd.s32 $0xFFFFFFE0, s25;
	s24 =	sor.u32 s13, s24;
	[sflag:s9] =	ssyncset.done $0x0  }
0x102: {  	s13 =	simm.s32 $0x1A800;
	[sflag:s9] =	ssyncadd.s32 $0xFFFFFF80;
	s9 =	simm.s32 $0x1  }
0x103: {  	[tilespmem:s13], [sflag:$0x4] =	stream.indirect.gather [hbm4b:s5+s17], $0x80, s1, s17, $0xb8;
	[tilespmem:$0x1E800] =	vst v63  }
0x104: {  	s28 =	sand.u32 $0xFFFFF80, s28;
	_ =	swait.ge [sflag:s9], $0x2000  }
0x105: {  	s22 =	sor.u32 s22, s28;
	s28 =	sadd.s32 $0xFFFFFFF0, s21;
	[sflag:s9] =	ssyncset.done $0x0  }
0x106: {  	s23 =	sadd.s32 $0xFFFFFFF0, s25;
	[sflag:s9] =	ssyncadd.s32 $0xFFFFE000;
	s9 =	simm.s32 $0x10  }
0x107: {  	s28 =	sand.u32 $0x70, s28;
	s23 =	sand.u32 $0xFFFFF80, s23;
	_ =	swait.ge [sflag:s9], $0x80  }
0x108: {  	s29 =	simm.s32 $0x14400;
	s23 =	sor.u32 s28, s23;
	[sflag:s9] =	ssyncset.done $0x0  }
0x109: {  	s28 =	simm.s32 $0xA;
	[sflag:s9] =	ssyncadd.s32 $0xFFFFFF80;
	s9 =	simm.s32 $0x14800  }
0x10a: {  	[spmem:s3] =	stream.indirect.scatter.add.f32 [tilespmem:s9], [sflag:$0x6], $0x80, s29, s17, $0xb8;
	[tilespmem:$0x1E800] =	vst v63  }
0x10b: {  	_ =	swait.ge [sflag:s28], $0x2000  }
0x10c: {  	[sflag:s28] =	ssyncset.done $0x0  }
0x10d: {  	s30 =	simm.s32 $0x14000;
	[sflag:s28] =	ssyncadd.s32 $0xFFFFE000;
	s28 =	sadd.s32 s6, s24  }
0x10e: {  	[tilespmem:s30], [sflag:$0xB] =	stream.linear.gather [hbm4b:s28+s4], $0x80, $0x38;
	[tilespmem:$0x1E800] =	vst v63  }
0x10f: {  	s26 =	sadd.s32 s2, s26  }
0x110: {  	[tilespmem:s11], [sflag:$0x14] =	stream.linear.gather [hbm4b:s26+s4], $0x80, $0x38;
	[tilespmem:$0x1E800] =	vst v63  }
0x111: {  	s26 =	simm.s32 $0xF  }
0x112: {  	_ =	swait.ge [sflag:s26], $0x80  }
0x113: {  	[sflag:s26] =	ssyncset.done $0x0  }
0x114: {  	[sflag:s26] =	ssyncadd.s32 $0xFFFFFF80;
	s26 =	simm.s32 $0x2  }
0x115: {  	[tilespmem:s31], [sflag:$0x5] =	stream.indirect.gather [hbm4b:s5+s17], $0x80, s8, s17, $0xb8;
	[tilespmem:$0x1E800] =	vst v63  }
0x116: {  	_ =	swait.ge [sflag:s26], $0x2000  }
0x117: {  	[sflag:s26] =	ssyncset.done $0x0  }
0x118: {  	s11 =	simm.s32 $0x11;
	[sflag:s26] =	ssyncadd.s32 $0xFFFFE000  }
0x119: {  	_ =	swait.ge [sflag:s11], $0x80  }
0x11a: {  	s31 =	simm.s32 $0x14480;
	[sflag:s11] =	ssyncset.done $0x0  }
0x11b: {  	s26 =	simm.s32 $0x6;
	[sflag:s11] =	ssyncadd.s32 $0xFFFFFF80;
	s11 =	simm.s32 $0x16800  }
0x11c: {  	[spmem:s3] =	stream.indirect.scatter.add.f32 [tilespmem:s11], [sflag:$0x7], $0x80, s31, s17, $0xb8;
	[tilespmem:$0x1E800] =	vst v63  }
0x11d: {  	_ =	swait.ge [sflag:s26], $0x2000  }
0x11e: {  	[sflag:s26] =	ssyncset.done $0x0  }
0x11f: {  	s30 =	simm.s32 $0x14080;
	s8 =	sadd.s32 s6, s22;
	[sflag:s26] =	ssyncadd.s32 $0xFFFFE000  }
0x120: {  	[tilespmem:s30], [sflag:$0xC] =	stream.linear.gather [hbm4b:s8+s4], $0x80, $0x38;
	[tilespmem:$0x1E800] =	vst v63  }
0x121: {  	s24 =	sadd.s32 s2, s24  }
0x122: {  	[tilespmem:s29], [sflag:$0x10] =	stream.linear.gather [hbm4b:s24+s4], $0x80, $0x38;
	[tilespmem:$0x1E800] =	vst v63  }
0x123: {  	_ =	swait.ge [sflag:s14], $0x80  }
0x124: {  	[sflag:s14] =	ssyncset.done $0x0  }
0x125: {  	s28 =	simm.s32 $0x14000;
	s24 =	simm.s32 $0x3;
	[sflag:s14] =	ssyncadd.s32 $0xFFFFFF80  }
0x126: {  	[tilespmem:s9], [sflag:$0x1] =	stream.indirect.gather [hbm4b:s5+s17], $0x80, s28, s17, $0xb8;
	[tilespmem:$0x1E800] =	vst v63  }
0x127: {  	_ =	swait.ge [sflag:s24], $0x2000  }
0x128: {  	[sflag:s24] =	ssyncset.done $0x0  }
0x129: {  	[sflag:s24] =	ssyncadd.s32 $0xFFFFE000  }
0x12a: {  	_ =	swait.ge [sflag:s10], $0x80  }
0x12b: {  	[sflag:s10] =	ssyncset.done $0x0  }
0x12c: {  	s9 =	simm.s32 $0x14500;
	s24 =	simm.s32 $0x7;
	[sflag:s10] =	ssyncadd.s32 $0xFFFFFF80  }
0x12d: {  	[spmem:s3] =	stream.indirect.scatter.add.f32 [tilespmem:s12], [sflag:$0x8], $0x80, s9, s17, $0xb8;
	[tilespmem:$0x1E800] =	vst v63  }
0x12e: {  	_ =	swait.ge [sflag:s24], $0x2000  }
0x12f: {  	[sflag:s24] =	ssyncset.done $0x0  }
0x130: {  	s12 =	sadd.s32 s6, s23;
	[sflag:s24] =	ssyncadd.s32 $0xFFFFE000  }
0x131: {  	[tilespmem:s0], [sflag:$0xD] =	stream.linear.gather [hbm4b:s12+s4], $0x80, $0x38;
	[tilespmem:$0x1E800] =	vst v63  }
0x132: {  	s22 =	sadd.s32 s2, s22  }
0x133: {  	[tilespmem:s31], [sflag:$0x11] =	stream.linear.gather [hbm4b:s22+s4], $0x80, $0x38;
	[tilespmem:$0x1E800] =	vst v63  }
0x134: {  	_ =	swait.ge [sflag:s15], $0x80  }
0x135: {  	[sflag:s15] =	ssyncset.done $0x0  }
0x136: {  	s12 =	simm.s32 $0x4;
	[sflag:s15] =	ssyncadd.s32 $0xFFFFFF80  }
0x137: {  	[tilespmem:s11], [sflag:$0x2] =	stream.indirect.gather [hbm4b:s5+s17], $0x80, s30, s17, $0xb8;
	[tilespmem:$0x1E800] =	vst v63  }
0x138: {  	_ =	swait.ge [sflag:s12], $0x2000  }
0x139: {  	[sflag:s12] =	ssyncset.done $0x0  }
0x13a: {  	[sflag:s12] =	ssyncadd.s32 $0xFFFFE000  }
0x13b: {  	_ =	swait.ge [sflag:s18], $0x80  }
0x13c: {  	[sflag:s18] =	ssyncset.done $0x0  }
0x13d: {  	s22 =	simm.s32 $0x8;
	[sflag:s18] =	ssyncadd.s32 $0xFFFFFF80  }
0x13e: {  	[spmem:s3] =	stream.indirect.scatter.add.f32 [tilespmem:s13], [sflag:$0x9], $0x80, s7, s17, $0xb8;
	[tilespmem:$0x1E800] =	vst v63  }
0x13f: {  	p0 =	sne.s32 s19, $0x9E0;
	s21 =	sand.u32 $0x70, s21;
	_ =	swait.ge [sflag:s22], $0x2000  }
0x140: {  	s21 =	sadd.s32 s6, s21;
	s25 =	sand.u32 $0xFFFFF80, s25;
	[sflag:s22] =	ssyncset.done $0x0  }
0x141: {  	s19 =	sadd.s32 $0x50, s19;
	s21 =	sadd.s32 s25, s21;
	[sflag:s22] =	ssyncadd.s32 $0xFFFFE000  }
0x142: {  	[tilespmem:s1], [sflag:$0xE] =	stream.linear.gather [hbm4b:s21+s4], $0x80, $0x38;
	[tilespmem:$0x1E800] =	vst v63  }
.Ltmp0:
0x143: {  	s25 =	sadd.s32 s2, s23;
	s26 =	simm.s32 $0x14400;
	(pc) =	sbr.rel @p0 .LBB2_2-.Ltmp0, $4  }
0x144: {  	s8 =	simm.s32 $0x14800;
	s29 =	simm.s32 $0x14100;
	s24 =	simm.s32 $0x14480  }
0x145: {  	[tilespmem:s9], [sflag:$0x12] =	stream.linear.gather [hbm4b:s25+s4], $0x80, $0x38;
	[tilespmem:$0x1E800] =	vst v63  }
0x146: {  	s0 =	simm.s32 $0x14500;
	s31 =	simm.s32 $0x16800;
	_ =	swait.ge [sflag:s16], $0x80  }
0x147: {  	s22 =	simm.s32 $0x14180;
	s1 =	simm.s32 $0xD;
	[sflag:s16] =	ssyncset.done $0x0  }
0x148: {  	[sflag:s1] =	ssyncadd.s32 $0xFFFFFF80;
	s7 =	simm.s32 $0x18800;
	s14 =	simm.s32 $0x5  }
0x149: {  	[tilespmem:s7], [sflag:$0x3] =	stream.indirect.gather [hbm4b:s5+s17], $0x80, s29, s17, $0xb8;
	[tilespmem:$0x1E800] =	vst v63  }
0x14a: {  	_ =	swait.ge [sflag:s14], $0x2000  }
0x14b: {  	[sflag:s14] =	ssyncset.done $0x0  }
0x14c: {  	s15 =	simm.s32 $0x14;
	[sflag:s14] =	ssyncadd.s32 $0xFFFFE000  }
0x14d: {  	_ =	swait.ge [sflag:s15], $0x80  }
0x14e: {  	s13 =	simm.s32 $0x14600;
	[sflag:s15] =	ssyncset.done $0x0  }
0x14f: {  	s20 =	simm.s32 $0x1C800;
	s16 =	simm.s32 $0x9;
	[sflag:s15] =	ssyncadd.s32 $0xFFFFFF80  }
0x150: {  	[spmem:s3] =	stream.indirect.scatter.add.f32 [tilespmem:s20], [sflag:$0xA], $0x80, s13, s17, $0xb8;
	[tilespmem:$0x1E800] =	vst v63  }
0x151: {  	_ =	swait.ge [sflag:s16], $0x2000  }
0x152: {  	[sflag:s16] =	ssyncset.done $0x0  }
0x153: {  	s11 =	simm.s32 $0x14200;
	s19 =	rddreg [dreg:$0x1a];
	[sflag:s16] =	ssyncadd.s32 $0xFFFFE000  }
0x154: {  	[tilespmem:s11], [sflag:$0xF] =	stream.linear.gather [hbm4b:s19+s4], $0x80, $0x38;
	[tilespmem:$0x1E800] =	vst v63  }
0x155: {  	s1 =	simm.s32 $0x14580;
	s9 =	simm.s32 $0xE;
	s21 =	rddreg [dreg:$0x19]  }
0x156: {  	[tilespmem:s1], [sflag:$0x13] =	stream.linear.gather [hbm4b:s21+s4], $0x80, $0x38;
	[tilespmem:$0x1E800] =	vst v63  }
0x157: {  	_ =	swait.ge [sflag:s9], $0x80  }
0x158: {  	[sflag:s9] =	ssyncset.done $0x0  }
0x159: {  	s12 =	simm.s32 $0x1;
	[sflag:s9] =	ssyncadd.s32 $0xFFFFFF80;
	s9 =	simm.s32 $0x1A800  }
0x15a: {  	[tilespmem:s9], [sflag:$0x4] =	stream.indirect.gather [hbm4b:s5+s17], $0x80, s22, s17, $0xb8;
	[tilespmem:$0x1E800] =	vst v63  }
0x15b: {  	_ =	swait.ge [sflag:s12], $0x2000  }
0x15c: {  	[sflag:s12] =	ssyncset.done $0x0  }
0x15d: {  	s23 =	simm.s32 $0x10;
	[sflag:s12] =	ssyncadd.s32 $0xFFFFE000  }
0x15e: {  	_ =	swait.ge [sflag:s23], $0x80  }
0x15f: {  	[sflag:s23] =	ssyncset.done $0x0  }
0x160: {  	s12 =	simm.s32 $0xA;
	[sflag:s23] =	ssyncadd.s32 $0xFFFFFF80  }
0x161: {  	[spmem:s3] =	stream.indirect.scatter.add.f32 [tilespmem:s8], [sflag:$0x6], $0x80, s26, s17, $0xb8;
	[tilespmem:$0x1E800] =	vst v63  }
0x162: {  	_ =	swait.ge [sflag:s12], $0x2000  }
0x163: {  	[sflag:s12] =	ssyncset.done $0x0  }
0x164: {  	s26 =	simm.s32 $0xF;
	s25 =	rddreg [dreg:$0x1b];
	[sflag:s12] =	ssyncadd.s32 $0xFFFFE000  }
0x165: {  	[tilespmem:s13], [sflag:$0x14] =	stream.linear.gather [hbm4b:s25+s4], $0x80, $0x38;
	[tilespmem:$0x1E800] =	vst v63  }
0x166: {  	_ =	swait.ge [sflag:s26], $0x80  }
0x167: {  	[sflag:s26] =	ssyncset.done $0x0  }
0x168: {  	s29 =	simm.s32 $0x2;
	[sflag:s26] =	ssyncadd.s32 $0xFFFFFF80  }
0x169: {  	[tilespmem:s20], [sflag:$0x5] =	stream.indirect.gather [hbm4b:s5+s17], $0x80, s11, s17, $0xb8;
	[tilespmem:$0x1E800] =	vst v63  }
0x16a: {  	_ =	swait.ge [sflag:s29], $0x2000  }
0x16b: {  	[sflag:s29] =	ssyncset.done $0x0  }
0x16c: {  	s11 =	simm.s32 $0x11;
	[sflag:s29] =	ssyncadd.s32 $0xFFFFE000  }
0x16d: {  	_ =	swait.ge [sflag:s11], $0x80  }
0x16e: {  	[sflag:s11] =	ssyncset.done $0x0  }
0x16f: {  	s19 =	simm.s32 $0x6;
	[sflag:s11] =	ssyncadd.s32 $0xFFFFFF80  }
0x170: {  	[spmem:s3] =	stream.indirect.scatter.add.f32 [tilespmem:s31], [sflag:$0x7], $0x80, s24, s17, $0xb8;
	[tilespmem:$0x1E800] =	vst v63  }
0x171: {  	_ =	swait.ge [sflag:s19], $0x2000  }
0x172: {  	[sflag:s19] =	ssyncset.done $0x0  }
0x173: {  	s21 =	simm.s32 $0x3;
	[sflag:s19] =	ssyncadd.s32 $0xFFFFE000  }
0x174: {  	_ =	swait.ge [sflag:s21], $0x2000  }
0x175: {  	[sflag:s21] =	ssyncset.done $0x0  }
0x176: {  	[sflag:s21] =	ssyncadd.s32 $0xFFFFE000  }
0x177: {  	_ =	swait.ge [sflag:s10], $0x80  }
0x178: {  	[sflag:s10] =	ssyncset.done $0x0  }
0x179: {  	s22 =	simm.s32 $0x7;
	[sflag:s10] =	ssyncadd.s32 $0xFFFFFF80  }
0x17a: {  	[spmem:s3] =	stream.indirect.scatter.add.f32 [tilespmem:s7], [sflag:$0x8], $0x80, s0, s17, $0xb8;
	[tilespmem:$0x1E800] =	vst v63  }
0x17b: {  	_ =	swait.ge [sflag:s22], $0x2000  }
0x17c: {  	[sflag:s22] =	ssyncset.done $0x0  }
0x17d: {  	s23 =	simm.s32 $0x4;
	[sflag:s22] =	ssyncadd.s32 $0xFFFFE000  }
0x17e: {  	_ =	swait.ge [sflag:s23], $0x2000  }
0x17f: {  	[sflag:s23] =	ssyncset.done $0x0  }
0x180: {  	[sflag:s23] =	ssyncadd.s32 $0xFFFFE000  }
0x181: {  	_ =	swait.ge [sflag:s18], $0x80  }
0x182: {  	[sflag:s18] =	ssyncset.done $0x0  }
0x183: {  	s24 =	simm.s32 $0x8;
	[sflag:s18] =	ssyncadd.s32 $0xFFFFFF80  }
0x184: {  	[spmem:s3] =	stream.indirect.scatter.add.f32 [tilespmem:s9], [sflag:$0x9], $0x80, s1, s17, $0xb8;
	[tilespmem:$0x1E800] =	vst v63  }
0x185: {  	_ =	swait.ge [sflag:s24], $0x2000  }
0x186: {  	[sflag:s24] =	ssyncset.done $0x0  }
0x187: {  	[sflag:s24] =	ssyncadd.s32 $0xFFFFE000  }
0x188: {  	_ =	swait.ge [sflag:s14], $0x2000  }
0x189: {  	[sflag:s14] =	ssyncset.done $0x0  }
0x18a: {  	[sflag:s14] =	ssyncadd.s32 $0xFFFFE000  }
0x18b: {  	_ =	swait.ge [sflag:s15], $0x80  }
0x18c: {  	[sflag:s15] =	ssyncset.done $0x0  }
0x18d: {  	[sflag:s15] =	ssyncadd.s32 $0xFFFFFF80  }
0x18e: {  	[spmem:s3] =	stream.indirect.scatter.add.f32 [tilespmem:s20], [sflag:$0xA], $0x80, s13, s17, $0xb8;
	[tilespmem:$0x1E800] =	vst v63  }
0x18f: {  	_ =	swait.ge [sflag:s16], $0x2000  }
0x190: {  	[sflag:s16] =	ssyncset.done $0x0  }
0x191: {  	[sflag:s16] =	ssyncadd.s32 $0xFFFFE000  }
0x192: {  	_ =	swait.ge [sflag:s12], $0x2000  }
0x193: {  	[sflag:s12] =	ssyncset.done $0x0  }
0x194: {  	[sflag:s12] =	ssyncadd.s32 $0xFFFFE000  }
0x195: {  	[bflag:$0x0] =	sbarrier.arrive $0xFFFF  }
0x196: {  	s26 =	sld [smem:$0x7FD]  }
0x197: {  	s20 =	rddreg [dreg:$0x8]  }
0x198: {  	s21 =	simm.s32 $0x15;
	s25 =	rddreg [dreg:$0x1c]  }
0x199: {  	[hbm:s25], [sflag:s20] =	dma.local [spmem:s26], $0x2800  }
0x19a: {  	_ =	swait.ge [sflag:s21], $0x2800  }
0x19b: {  	s29 =	rddreg [dreg:$0x1f]  }
0x19c: {  	s31 =	rddreg [dreg:$0x1d];
	s0 =	sadd.s32 $0x1, s29  }
0x19d: {  	p0 =	sne.s32 s0, s31  }
.Ltmp1:
0x19e: {  	_ = 	snop;
	(pc) =	sbr.rel @p0 .LBB2_1-.Ltmp1, $3  }
0x19f: {  	_ =	sdelay $0x1  }
0x1a0: {  	[sflag:s21] =	ssyncset.done $0x0  }
0x1a1: {  	s14 =	simm.s32 $0xB;
	s15 =	simm.s32 $0xC;
	[sflag:s21] =	ssyncadd.s32 $0xFFFFD800  }
0x1a2: {  	_ =	sfence.sel $0x180000  }
0x1a3: {  	[bflag:$0x0] =	sbarrier.arrive $0xFFFF  }
0x1a4: {  	_ =	strace $0x9000004A  }
0x1a5: {  	s0 =	stileid.u32;
	[bflag:$0x2] =	sbarrier.arrive $0xFFFF  }
0x1a6: {  	p0 =	sne.s32 s0, $0x0;
	s0 =	rddreg [dreg:$0x3]  }
0x1a7: {  	s0 =	sadd.s32 @!p0 $0x100000, s0  }
0x1a8: {  	[sflag:s0] =	ssyncadd.tile.s32 @!p0 $0x1;
	_ =	shalt  }
.Lfunc_end2:
_tile_overlayer_lowered:
.L_overlay_start_2:
0x1a9: {  	(tag) =	ssettag $0x2  }
0x1aa: {  	s0 =	rddreg [dreg:$0x0];
	s2 =	stileid.u32  }
0x1ab: {  	s1 =	rddreg [dreg:$0x1];
	p0 =	sne.s32 s2, $0x0  }
0x1ac: {  	s3 =	rddreg [dreg:$0x2];
	[bflag:$0x3] =	sbarrier.arrive $0xFFFF;
	s2 =	simm.s32 @!p0 $0x1C15  }
0x1ad: {  	[timem:s3], [sflag:s2] =	dma.local @!p0 [hbm:s0], s1  }
0x1ae: {  	s0 =	simm.s32 @!p0 $0x15  }
0x1af: {  	_ =	swait.ge @!p0 [sflag:s0], s1  }
0x1b0: {  	s1 =	ssub.s32 @!p0 $0x0, s1;
	[sflag:s0] =	ssyncset.done @!p0 $0x0  }
0x1b1: {  	[sflag:s0] =	ssyncadd.s32 @!p0 s1  }
0x1b2: {  	[bflag:$0x3] =	sbarrier.arrive $0xFFFF  }
0x1b3: {  	_ =	shalt  }

// kernel: kernel.14.cloned.1.call-start
scs
__scs_entry_jumppad:
0x0: {  	(pc) =	sbr.rel $0x88, $3  }
0x1: {  	(tag) =	ssettag $0x0;
	lr =	simm.s32 $0x1  }
0x2: {  	[smem:$0x3F9B] =	sst lr;
	_ =	strace $0xD0000000  }
0x3: {  	_ = 	snop  }
0x4: {  	_ = 	snop  }
0x5: {  	_ = 	snop  }
0x6: {  	_ = 	snop  }
0x7: {  	_ = 	snop  }
__scs_overlays_trampoline_lowered:
0x8: {  	[smem:$0x3FAA] =	sst s0  }
0x9: {  	[smem:$0x3FAB] =	sst s1  }
0xa: {  	[smem:$0x3FAC] =	sst s2  }
0xb: {  	[smem:$0x3FAD] =	sst s3  }
0xc: {  	[smem:$0x3FAE] =	sst s4  }
0xd: {  	[smem:$0x3FAF] =	sst s5  }
0xe: {  	[smem:$0x3FB0] =	sst s6  }
0xf: {  	[smem:$0x3FB1] =	sst s7  }
0x10: {  	[smem:$0x3FB2] =	sst s8  }
0x11: {  	[smem:$0x3FB3] =	sst s9;
	s0 =	simm.s32 @!p0 $0x0  }
0x12: {  	s1 =	sld [smem:$0x3F99];
	s0 =	simm.s32 @p0 $0x1  }
0x13: {  	[smem:$0x3FB4] =	sst s0;
	s0 =	simm.s32 @!p1 $0x0  }
0x14: {  	s2 =	sld [smem:$0x3F98];
	s0 =	simm.s32 @p1 $0x1  }
0x15: {  	[smem:$0x3FB5] =	sst s0;
	s0 =	simm.s32 @!p2 $0x0  }
0x16: {  	s3 =	sld [smem:$0x3FDB];
	s0 =	simm.s32 @p2 $0x1  }
0x17: {  	s4 =	simm.s32 $0x1BF5;
	[smem:$0x3FB7] =	sst s0  }
0x18: {  	s0 =	sld [smem:$0x3F9A];
	_ =	swait.ge [sflag:s4], $0x0  }
0x19: {  	s7 =	sld [smem:$0x3F9B]  }
0x1a: {  	s8 =	sadd.s32 $0xFFFFE003, lr  }
0x1b: {  	s9 =	sadd.s32 $0xFFFFFEF7, lr;
	s5 =	simm.s32 $0xFFFFFFFF;
	p2 =	slt.u32 s8, $0xFFFFF086  }
0x1c: {  	p1 =	slt.u32 s9, $0xF7A;
	s5 =	simm.s32 @!p2 $0x0  }
0x1d: {  	s5 =	simm.s32 @p1 $0x1;
	p0 =	seq.s32 s7, s2  }
0x1e: {  	s7 =	smul.u32 @!p0 $0xF7A, s2;
	p2 =	seq.s32 @!p0 s5, $0x0  }
0x1f: {  	s9 =	smul.u32 $0xF7A, s1;
	s8 =	simm.s32 @!p0 $0x1BF5;
	p2 =	por !p2, p0  }
0x20: {  	[sflag:s8] =	ssyncset.s32 @!p0 $0xFFFFF086;
	s6 =	sadd.s32 @!p0 s3, s7;
	s7 =	simm.s32 @!p0 $0x108  }
0x21: {  	s3 =	sadd.s32 s3, s9;
	s6 =	sadd.s32 @!p0 $0x88, s6;
	s7 =	simm.s32 @p2 $0x1082  }
0x22: {  	[simem:s7], [sflag:s8] =	dma.local @!p0 [hbm:s6], $0xF7A  }
0x23: {  	s9 =	sor.u32 $0xD0000000, s2;
	s6 =	simm.s32 $0x108;
	_ =	swait.ge @!p0 [sflag:s8], $0x0  }
0x24: {  	s3 =	sadd.s32 $0x88, s3;
	s6 =	simm.s32 @!p1 $0x1082;
	[sflag:s4] =	ssyncset.s32 $0xFFFFF086  }
0x25: {  	[simem:s6], [sflag:s4] =	dma.local [hbm:s3], $0xF7A  }
0x26: {  	[smem:$0x3F9B] =	sst s1;
	(tag) =	ssettag s2;
	_ =	strace s9  }
0x27: {  	s1 =	sld [smem:$0x3FAB]  }
0x28: {  	s2 =	sld [smem:$0x3FAC]  }
0x29: {  	s4 =	sld [smem:$0x3FAE]  }
0x2a: {  	p0 =	seq.s32 s5, $0x0;
	s5 =	sld [smem:$0x3FAF]  }
0x2b: {  	s6 =	sld [smem:$0x3FB0]  }
0x2c: {  	s7 =	sld [smem:$0x3FB1]  }
0x2d: {  	s3 =	simm.s32 $0x108;
	s8 =	sld [smem:$0x3FB2]  }
0x2e: {  	s3 =	simm.s32 @!p0 $0x1082;
	s9 =	sld [smem:$0x3FB3]  }
0x2f: {  	lr =	sadd.s32 s0, s3;
	s0 =	sld [smem:$0x3FAA]  }
0x30: {  	s3 =	sld [smem:$0x3FAD]  }
0x31: {  	[smem:$0x3FB6] =	sst s10  }
0x32: {  	s10 =	sld [smem:$0x3FB4];
	_ =	sdelay $0x3  }
0x33: {  	p0 =	seq.s32 s10, $0x1;
	s10 =	sld [smem:$0x3FB6];
	_ =	sdelay $0x3  }
0x34: {  	[smem:$0x3FB6] =	sst s10  }
0x35: {  	s10 =	sld [smem:$0x3FB5];
	_ =	sdelay $0x3  }
0x36: {  	p1 =	seq.s32 s10, $0x1;
	s10 =	sld [smem:$0x3FB6];
	_ =	sdelay $0x3  }
0x37: {  	[smem:$0x3FB6] =	sst s10  }
0x38: {  	s10 =	sld [smem:$0x3FB7]  }
0x39: {  	_ = 	snop;
	(pc) =	sbr.ind lr, $3  }
0x3a: {  	_ = 	snop  }
0x3b: {  	_ = 	snop  }
0x3c: {  	p2 =	seq.s32 s10, $0x1;
	s10 =	sld [smem:$0x3FB6]  }
0x3d: {  	_ =	shalt  }
0x3e: {  	_ =	shalt  }
0x3f: {  	_ =	shalt  }
0x40: {  	_ =	shalt  }
0x41: {  	_ =	shalt  }
0x42: {  	_ =	shalt  }
0x43: {  	_ =	shalt  }
0x44: {  	_ =	shalt  }
0x45: {  	_ =	shalt  }
0x46: {  	_ =	shalt  }
0x47: {  	_ =	shalt  }
0x48: {  	_ =	shalt  }
0x49: {  	_ =	shalt  }
0x4a: {  	_ =	shalt  }
0x4b: {  	_ =	shalt  }
0x4c: {  	_ =	shalt  }
0x4d: {  	_ =	shalt  }
0x4e: {  	_ =	shalt  }
0x4f: {  	_ =	shalt  }
0x50: {  	_ =	shalt  }
0x51: {  	_ =	shalt  }
0x52: {  	_ =	shalt  }
0x53: {  	_ =	shalt  }
0x54: {  	_ =	shalt  }
0x55: {  	_ =	shalt  }
0x56: {  	_ =	shalt  }
0x57: {  	_ =	shalt  }
0x58: {  	_ =	shalt  }
0x59: {  	_ =	shalt  }
0x5a: {  	_ =	shalt  }
0x5b: {  	_ =	shalt  }
0x5c: {  	_ =	shalt  }
0x5d: {  	_ =	shalt  }
0x5e: {  	_ =	shalt  }
0x5f: {  	_ =	shalt  }
0x60: {  	_ =	shalt  }
0x61: {  	_ =	shalt  }
0x62: {  	_ =	shalt  }
0x63: {  	_ =	shalt  }
0x64: {  	_ =	shalt  }
0x65: {  	_ =	shalt  }
0x66: {  	_ =	shalt  }
0x67: {  	_ =	shalt  }
0x68: {  	_ =	shalt  }
0x69: {  	_ =	shalt  }
0x6a: {  	_ =	shalt  }
0x6b: {  	_ =	shalt  }
0x6c: {  	_ =	shalt  }
0x6d: {  	_ =	shalt  }
0x6e: {  	_ =	shalt  }
0x6f: {  	_ =	shalt  }
0x70: {  	_ =	shalt  }
0x71: {  	_ =	shalt  }
0x72: {  	_ =	shalt  }
0x73: {  	_ =	shalt  }
0x74: {  	_ =	shalt  }
0x75: {  	_ =	shalt  }
0x76: {  	_ =	shalt  }
0x77: {  	_ =	shalt  }
0x78: {  	_ =	shalt  }
0x79: {  	_ =	shalt  }
0x7a: {  	_ =	shalt  }
0x7b: {  	_ =	shalt  }
0x7c: {  	_ =	shalt  }
0x7d: {  	_ =	shalt  }
0x7e: {  	_ =	shalt  }
0x7f: {  	_ =	shalt  }
0x80: {  	_ =	shalt  }
0x81: {  	_ =	shalt  }
0x82: {  	_ =	shalt  }
0x83: {  	_ =	shalt  }
0x84: {  	_ =	shalt  }
0x85: {  	_ =	shalt  }
0x86: {  	_ =	shalt  }
0x87: {  	_ =	shalt  }
.Lfunc_end0:
.L_simem_size_0:
called_computation.2_lowered:
.L_overlay_start_0:
0x88: {  	s2 =	sld [smem:$0x3FD9]  }
0x89: {  	s3 =	sld [smem:$0x3FFE];
	_ =	sdelay $0x1  }
0x8a: {  	s1 =	srdreg.scid  }
0x8b: {  	s0 =	sand.u32 $0x1, s1  }
0x8c: {  	s17 =	sshll.u32 s0, $0xA;
	s2 =	sadd.s32 s3, s2  }
0x8d: {  	s2 =	sadd.s32 s2, s17  }
0x8e: {  	[smem:$0x3FC2] =	sst s2  }
0x8f: {  	_ = 	snop  }
0x90: {  	s2 =	sld [smem:$0x3FD0];
	(tm) =	ssettm $0x1  }
0x91: {  	s18 =	sld [smem:$0x3FFB];
	_ =	sdelay $0x3  }
0x92: {  	_ =	strace s18  }
0x93: {  	s3 =	sld [smem:$0x3FFC];
	_ =	sdelay $0x3  }
0x94: {  	_ =	strace s3  }
0x95: {  	s3 =	sld [smem:$0x3FFD];
	_ =	sdelay $0x3  }
0x96: {  	_ =	strace s3  }
0x97: {  	_ =	strace $0x8FFFFFFF  }
0x98: {  	s19 =	sld [smem:$0x3FDB];
	_ =	sdelay $0x1  }
0x99: {  	s4 =	simm.s32 $_scs_section_size  }
0x9a: {  	s5 =	simm.s32 $_size__tile_overlayer_lowered;
	s6 =	simm.s32 $_tile_overlayer_lowered  }
0x9b: {  	s22 =	simm.s32 $0x1BFF;
	s21 =	sshll.u32 s6, $0x1;
	s3 =	sadd.s32 s4, s19  }
0x9c: {  	s7 =	simm.s32 $0x0;
	s20 =	sshll.u32 s5, $0x1;
	s5 =	sadd.s32 s21, s3  }
0x9d: {  	[timem:s7], [sflag:s22] =	dma.local [hbm:s5], s20  }
0x9e: {  	_ =	swait.ge [sflag:s22], s20  }
0x9f: {  	s4 =	ssub.s32 $0x0, s20;
	[sflag:s22] =	ssyncset.done $0x0  }
0xa0: {  	[sflag:s22] =	ssyncadd.s32 s4;
	_ =	sdelay $0x1  }
0xa1: {  	s23 =	simm.s32 $0x1B8B  }
0xa2: {  	_ =	swait.ge [sflag:s23], $0x1  }
0xa3: {  	[sflag:s23] =	ssyncset.done $0x0  }
0xa4: {  	s25 =	simm.s32 $0x1B8E;
	s24 =	sld [smem:$0x3FFE];
	[sflag:s23] =	ssyncadd.s32 $0xFFFFFFFF  }
0xa5: {  	s26 =	simm.s32 $execute0_lowered;
	[smem:$0x3FD2] =	sst s25  }
0xa6: {  	s5 =	sshll.u32 s26, $0x1;
	_ =	strace $0x8000004C;
	[dreg:$0x1] =	wrdreg $0xFFFFFFFF  }
0xa7: {  	s28 =	simm.s32 $_size_execute0_lowered;
	s3 =	sadd.s32 s3, s5;
	[dreg:$0x0] =	wrdreg $0x0  }
0xa8: {  	s5 =	sshll.u32 s28, $0x1;
	[dreg:$0x2] =	wrdreg s3  }
0xa9: {  	[dreg:$0x3] =	wrdreg s5  }
0xaa: {  	[dreg:$0x4] =	wrdreg $0xC0  }
0xab: {  	_ =	task [dreg:s7], $0x5FFFF  }
0xac: {  	[dreg:$0x1] =	wrdreg $0xFFFFFFFF  }
0xad: {  	[dreg:$0x0] =	wrdreg $0x60  }
0xae: {  	[dreg:$0x2] =	wrdreg s24  }
0xaf: {  	[dreg:$0x3] =	wrdreg s2  }
0xb0: {  	[dreg:$0x4] =	wrdreg $0x0  }
0xb1: {  	[dreg:$0x5] =	wrdreg $0x9  }
0xb2: {  	_ =	task.clear_ibuf [dreg:s7], $0x6FFFF;
	_ =	strace $0x9000004C  }
0xb3: {  	s29 =	simm.s32 $0x9;
	_ =	strace $0x8000004E  }
0xb4: {  	_ =	swait.ge [sflag:s29], $0x1  }
0xb5: {  	[sflag:s29] =	ssyncadd.s32 $0xFFFFFFFF  }
0xb6: {  	_ =	strace $0x9000004E  }
0xb7: {  	_ =	sfence  }
0xb8: {  	s30 =	sld [smem:$0x0];
	_ =	sdelay $0x2  }
0xb9: {  	s31 =	sshll.u32 s1, $0xD;
	s1 =	sshrl.u32 s1, $0x2  }
0xba: {  	s3 =	sand.u32 $0x4000, s31;
	s1 =	sadd.s32 s1, s30  }
0xbb: {  	s0 =	sor.u32 s3, s0;
	s1 =	sshll.u32 s1, $0x11  }
0xbc: {  	s0 =	sor.u32 s1, s0  }
0xbd: {  	s0 =	sadd.s32 $0x8F2B, s0  }
0xbe: {  	[sflag:s0] =	ssyncadd.remote.s32 $0x1  }
0xbf: {  	_ =	sfence.sel $0xFFFF  }
0xc0: {  	[dreg:$0x0] =	wrdreg $0xFFFFFFFF;
	(pc) =	sbr.abs _section_cstart, $3  }
0xc1: {  	[dreg:$0x1] =	wrdreg $0xFFFFFFFF  }
0xc2: {  	_ =	task.clear_ibuf [dreg:s7], $0x2FFFF;
	_ =	strace $0x9FFFFFFF  }
0xc3: {  	(tm) =	ssettm $0x7FFFFFFF  }
tec
execute0_lowered:
.L_overlay_start_1:
0x0: {  	(tag) =	ssettag $0x1  }
0x1: {  	s0 =	rddreg [dreg:$0x0]  }
0x2: {  	s2 =	rddreg [dreg:$0x1]  }
0x3: {  	s3 =	rddreg [dreg:$0x2];
	s13 =	stileid.u32  }
0x4: {  	s1 =	srdreg.scid;
	s4 =	simm.s32 $0x0;
	s7 =	smul.u32 $0x2800, s13  }
0x5: {  	s1 =	sand.u32 $0x1, s1;
	[smem:$0x7FF] =	sst s4;
	s11 =	smul.u32 $0x50000, s13  }
0x6: {  	s5 =	sadd.s32 $0x2600, s0;
	s6 =	sadd.s32 $0x52600, s0;
	s25 =	smul.u32 $0xA00, s13  }
0x7: {  	s17 =	sshll.u32 s13, $0x6;
	s8 =	smul.u32 $0x28000, s1;
	_ =	strace $0x8000004D  }
0x8: {  	s9 =	ssub.s32 $0x2, s1;
	s10 =	sshll.u32 s1, $0x4;
	s22 =	smul.u32 $0x50000, s1  }
0x9: {  	s20 =	sor.u32 $0x1C15, s17;
	s1 =	smul.u32 $0xA000, s1;
	s15 =	sshrl.u32 s9, $0x1  }
0xa: {  	s10 =	sor.u32 s13, s10;
	s16 =	sshrl.u32 s11, $0x2;
	[dreg:$0x8] =	wrdreg s20  }
0xb: {  	s8 =	sadd.s32 s7, s8;
	s11 =	smul.u32 $0xA00, s10;
	s7 =	sadd.s32 s5, s7  }
0xc: {  	s1 =	sadd.s32 s25, s1;
	s0 =	sadd.s32 s8, s0;
	[dreg:$0x7] =	wrdreg s7  }
0xd: {  	s8 =	ssub.s32 s9, s15;
	s9 =	sadd.s32 s16, s3;
	[dreg:$0x5] =	wrdreg s1  }
0xe: {  	[dreg:$0x6] =	wrdreg s9;
	s19 =	sadd.s32 s2, s11  }
0xf: {  	s0 =	sadd.s32 $0x66600, s0;
	[dreg:$0xa] =	wrdreg s19  }
0x10: {  	s14 =	sadd.s32 s6, s11;
	s18 =	sor.u32 $0x10, s11;
	[dreg:$0x1c] =	wrdreg s0  }
0x11: {  	s12 =	smul.u32 $0x5000, s13;
	s21 =	sadd.s32 s6, s18;
	[dreg:$0x9] =	wrdreg s14  }
0x12: {  	s23 =	sor.u32 $0x20, s11;
	s7 =	sadd.s32 s2, s18;
	[dreg:$0xb] =	wrdreg s21  }
0x13: {  	s24 =	sor.u32 $0x30, s11;
	s15 =	sadd.s32 s6, s23;
	[dreg:$0xc] =	wrdreg s7  }
0x14: {  	s9 =	sadd.s32 s12, s22;
	s26 =	sadd.s32 s6, s24;
	[dreg:$0xd] =	wrdreg s15  }
0x15: {  	s31 =	sor.u32 $0x40, s11;
	s29 =	sor.u32 $0x400, s9;
	[dreg:$0xf] =	wrdreg s26  }
0x16: {  	s13 =	sadd.s32 s6, s31;
	[dreg:$0x4] =	wrdreg s29  }
0x17: {  	s28 =	simm.s32 $0x14000;
	s17 =	sadd.s32 s2, s31;
	[dreg:$0x11] =	wrdreg s13  }
0x18: {  	s30 =	simm.s32 $0x14080;
	s31 =	sadd.s32 $0x80, s14;
	[dreg:$0x13] =	wrdreg s17  }
0x19: {  	s19 =	sor.u32 $0x60, s11;
	s7 =	sadd.s32 s2, s23;
	[dreg:$0x1e] =	wrdreg s31  }
0x1a: {  	s18 =	smul.u32 $0x5000, s10;
	s22 =	sadd.s32 s6, s19;
	[dreg:$0xe] =	wrdreg s7  }
0x1b: {  	s14 =	simm.s32 $0xB;
	s29 =	smax.u32 s8, $0x1;
	[dreg:$0x15] =	wrdreg s22  }
0x1c: {  	s15 =	sor.u32 $0x50, s11;
	s7 =	sadd.s32 s2, s24;
	[dreg:$0x1d] =	wrdreg s29  }
0x1d: {  	s21 =	sor.u32 $0x70, s11;
	s16 =	sadd.s32 s6, s15;
	[dreg:$0x10] =	wrdreg s7  }
0x1e: {  	s10 =	simm.s32 $0x12;
	s24 =	sadd.s32 s6, s21;
	[dreg:$0x12] =	wrdreg s16  }
0x1f: {  	s1 =	sshrl.u32 s18, $0x3;
	s9 =	sadd.s32 s2, s21;
	[dreg:$0x17] =	wrdreg s24  }
0x20: {  	s7 =	sadd.s32 s2, s15;
	s23 =	sadd.s32 $0x9F0, s1;
	[dreg:$0x18] =	wrdreg s9  }
0x21: {  	s1 =	sadd.s32 s2, s1;
	[dreg:$0x14] =	wrdreg s7;
	s7 =	sadd.s32 s2, s19  }
0x22: {  	s0 =	simm.s32 $0x0;
	s1 =	sadd.s32 $0x9E0, s1;
	[dreg:$0x16] =	wrdreg s7  }
0x23: {  	s17 =	simm.s32 $0x40;
	s25 =	sadd.s32 s6, s23;
	[dreg:$0x19] =	wrdreg s1  }
0x24: {  	s21 =	simm.s32 $0x15;
	s26 =	sadd.s32 s2, s23;
	[dreg:$0x1a] =	wrdreg s25  }
0x25: {  	s18 =	simm.s32 $0x13;
	s15 =	simm.s32 $0xC;
	[dreg:$0x1b] =	wrdreg s26  }
.LBB2_1:
0x26: {  	[dreg:$0x1f] =	wrdreg s0  }
0x27: {  	s19 =	rddreg [dreg:$0x6]  }
0x28: {  	s22 =	rddreg [dreg:$0x7];
	s19 =	sshrl.u32 s19, $0x3  }
0x29: {  	[smem:$0x7FD] =	sst s19  }
0x2a: {  	[spmem:s19], [sflag:s20] =	dma.local [hbm:s22], $0x2800  }
0x2b: {  	_ =	swait.ge [sflag:s21], $0x2800  }
0x2c: {  	[sflag:s21] =	ssyncset.done $0x0  }
0x2d: {  	[sflag:s21] =	ssyncadd.s32 $0xFFFFD800  }
0x2e: {  	[bflag:$0x0] =	sbarrier.arrive $0xFFFF  }
0x2f: {  	s23 =	rddreg [dreg:$0x9]  }
0x30: {  	[tilespmem:s28], [sflag:$0x15] =	stream.linear.gather [hbm4b:s23+s4], $0x80, $0x38;
	[tilespmem:$0x1E800] =	vst v63  }
0x31: {  	_ =	swait.ge [sflag:s21], $0x80  }
0x32: {  	[sflag:s21] =	ssyncset.done $0x0  }
0x33: {  	s25 =	simm.s32 $0x14400;
	s24 =	rddreg [dreg:$0xa];
	[sflag:s21] =	ssyncadd.s32 $0xFFFFFF80  }
0x34: {  	[tilespmem:s25], [sflag:$0x15] =	stream.linear.gather [hbm4b:s24+s4], $0x80, $0x38;
	[tilespmem:$0x1E800] =	vst v63  }
0x35: {  	_ =	swait.ge [sflag:s21], $0x80  }
0x36: {  	[sflag:s21] =	ssyncset.done $0x0  }
0x37: {  	s26 =	rddreg [dreg:$0xb];
	[sflag:s21] =	ssyncadd.s32 $0xFFFFFF80  }
0x38: {  	[tilespmem:s30], [sflag:$0x15] =	stream.linear.gather [hbm4b:s26+s4], $0x80, $0x38;
	[tilespmem:$0x1E800] =	vst v63  }
0x39: {  	_ =	swait.ge [sflag:s21], $0x80  }
0x3a: {  	[sflag:s21] =	ssyncset.done $0x0  }
0x3b: {  	s31 =	simm.s32 $0x14480;
	s29 =	rddreg [dreg:$0xc];
	[sflag:s21] =	ssyncadd.s32 $0xFFFFFF80  }
0x3c: {  	[tilespmem:s31], [sflag:$0x15] =	stream.linear.gather [hbm4b:s29+s4], $0x80, $0x38;
	[tilespmem:$0x1E800] =	vst v63  }
0x3d: {  	_ =	swait.ge [sflag:s21], $0x80  }
0x3e: {  	[sflag:s21] =	ssyncset.done $0x0  }
0x3f: {  	s7 =	simm.s32 $0x14100;
	s1 =	rddreg [dreg:$0xd];
	[sflag:s21] =	ssyncadd.s32 $0xFFFFFF80  }
0x40: {  	[tilespmem:s7], [sflag:$0x15] =	stream.linear.gather [hbm4b:s1+s4], $0x80, $0x38;
	[tilespmem:$0x1E800] =	vst v63  }
0x41: {  	_ =	swait.ge [sflag:s21], $0x80  }
0x42: {  	[sflag:s21] =	ssyncset.done $0x0  }
0x43: {  	s9 =	simm.s32 $0x14500;
	s8 =	rddreg [dreg:$0xe];
	[sflag:s21] =	ssyncadd.s32 $0xFFFFFF80  }
0x44: {  	[tilespmem:s9], [sflag:$0x15] =	stream.linear.gather [hbm4b:s8+s4], $0x80, $0x38;
	[tilespmem:$0x1E800] =	vst v63  }
0x45: {  	_ =	swait.ge [sflag:s21], $0x80  }
0x46: {  	[sflag:s21] =	ssyncset.done $0x0  }
0x47: {  	s12 =	simm.s32 $0x14180;
	s11 =	rddreg [dreg:$0xf];
	[sflag:s21] =	ssyncadd.s32 $0xFFFFFF80  }
0x48: {  	[tilespmem:s12], [sflag:$0x15] =	stream.linear.gather [hbm4b:s11+s4], $0x80, $0x38;
	[tilespmem:$0x1E800] =	vst v63  }
0x49: {  	_ =	swait.ge [sflag:s21], $0x80  }
0x4a: {  	[sflag:s21] =	ssyncset.done $0x0  }
0x4b: {  	s1 =	simm.s32 $0x14580;
	s16 =	rddreg [dreg:$0x10];
	[sflag:s21] =	ssyncadd.s32 $0xFFFFFF80  }
0x4c: {  	[tilespmem:s1], [sflag:$0x15] =	stream.linear.gather [hbm4b:s16+s4], $0x80, $0x38;
	[tilespmem:$0x1E800] =	vst v63  }
0x4d: {  	_ =	swait.ge [sflag:s21], $0x80  }
0x4e: {  	[sflag:s21] =	ssyncset.done $0x0  }
0x4f: {  	s23 =	simm.s32 $0x14800;
	[sflag:s21] =	ssyncadd.s32 $0xFFFFFF80  }
0x50: {  	[tilespmem:s23], [sflag:$0x1] =	stream.indirect.gather [hbm4b:s5+s17], $0x80, s28, s17, $0xb8;
	[tilespmem:$0x1E800] =	vst v63  }
0x51: {  	s24 =	simm.s32 $0x16800  }
0x52: {  	[tilespmem:s24], [sflag:$0x2] =	stream.indirect.gather [hbm4b:s5+s17], $0x80, s30, s17, $0xb8;
	[tilespmem:$0x1E800] =	vst v63  }
0x53: {  	s19 =	simm.s32 $0x18800;
	s7 =	simm.s32 $0x14100  }
0x54: {  	[tilespmem:s19], [sflag:$0x3] =	stream.indirect.gather [hbm4b:s5+s17], $0x80, s7, s17, $0xb8;
	[tilespmem:$0x1E800] =	vst v63  }
0x55: {  	s13 =	simm.s32 $0x14180;
	s20 =	simm.s32 $0x1A800  }
0x56: {  	[tilespmem:s20], [sflag:$0x4] =	stream.indirect.gather [hbm4b:s5+s17], $0x80, s13, s17, $0xb8;
	[tilespmem:$0x1E800] =	vst v63  }
0x57: {  	s26 =	simm.s32 $0x1;
	s21 =	rddreg [dreg:$0x11];
	s13 =	simm.s32 $0x14200  }
0x58: {  	[tilespmem:s13], [sflag:$0xF] =	stream.linear.gather [hbm4b:s21+s4], $0x80, $0x38;
	[tilespmem:$0x1E800] =	vst v63  }
0x59: {  	_ =	swait.ge [sflag:s26], $0x2000  }
0x5a: {  	[sflag:s26] =	ssyncset.done $0x0  }
0x5b: {  	s22 =	simm.s32 $0x14400;
	[sflag:s26] =	ssyncadd.s32 $0xFFFFE000  }
0x5c: {  	[spmem:s3] =	stream.indirect.scatter.add.f32 [tilespmem:s23], [sflag:$0x6], $0x80, s22, s17, $0xb8;
	[tilespmem:$0x1E800] =	vst v63  }
0x5d: {  	s1 =	rddreg [dreg:$0x12]  }
0x5e: {  	[tilespmem:s28], [sflag:$0xB] =	stream.linear.gather [hbm4b:s1+s4], $0x80, $0x38;
	[tilespmem:$0x1E800] =	vst v63  }
0x5f: {  	s29 =	simm.s32 $0x14600;
	s31 =	simm.s32 $0xF;
	s7 =	rddreg [dreg:$0x13]  }
0x60: {  	[tilespmem:s29], [sflag:$0x14] =	stream.linear.gather [hbm4b:s7+s4], $0x80, $0x38;
	[tilespmem:$0x1E800] =	vst v63  }
0x61: {  	_ =	swait.ge [sflag:s31], $0x80  }
0x62: {  	[sflag:s31] =	ssyncset.done $0x0  }
0x63: {  	s25 =	simm.s32 $0x1C800;
	s1 =	simm.s32 $0x2;
	[sflag:s31] =	ssyncadd.s32 $0xFFFFFF80  }
0x64: {  	[tilespmem:s25], [sflag:$0x5] =	stream.indirect.gather [hbm4b:s5+s17], $0x80, s13, s17, $0xb8;
	[tilespmem:$0x1E800] =	vst v63  }
0x65: {  	_ =	swait.ge [sflag:s1], $0x2000  }
0x66: {  	[sflag:s1] =	ssyncset.done $0x0  }
0x67: {  	s11 =	simm.s32 $0x14480;
	s7 =	simm.s32 $0x6;
	[sflag:s1] =	ssyncadd.s32 $0xFFFFE000  }
0x68: {  	[spmem:s3] =	stream.indirect.scatter.add.f32 [tilespmem:s24], [sflag:$0x7], $0x80, s11, s17, $0xb8;
	[tilespmem:$0x1E800] =	vst v63  }
0x69: {  	_ =	swait.ge [sflag:s7], $0x2000  }
0x6a: {  	[sflag:s7] =	ssyncset.done $0x0  }
0x6b: {  	s8 =	rddreg [dreg:$0x15];
	[sflag:s7] =	ssyncadd.s32 $0xFFFFE000  }
0x6c: {  	[tilespmem:s30], [sflag:$0xC] =	stream.linear.gather [hbm4b:s8+s4], $0x80, $0x38;
	[tilespmem:$0x1E800] =	vst v63  }
0x6d: {  	s21 =	rddreg [dreg:$0x14]  }
0x6e: {  	[tilespmem:s22], [sflag:$0x10] =	stream.linear.gather [hbm4b:s21+s4], $0x80, $0x38;
	[tilespmem:$0x1E800] =	vst v63  }
0x6f: {  	_ =	swait.ge [sflag:s14], $0x80  }
0x70: {  	[sflag:s14] =	ssyncset.done $0x0  }
0x71: {  	s8 =	simm.s32 $0x3;
	[sflag:s14] =	ssyncadd.s32 $0xFFFFFF80  }
0x72: {  	[tilespmem:s23], [sflag:$0x1] =	stream.indirect.gather [hbm4b:s5+s17], $0x80, s28, s17, $0xb8;
	[tilespmem:$0x1E800] =	vst v63  }
0x73: {  	_ =	swait.ge [sflag:s8], $0x2000  }
0x74: {  	[sflag:s8] =	ssyncset.done $0x0  }
0x75: {  	s0 =	simm.s32 $0x14500;
	s9 =	simm.s32 $0x18800;
	[sflag:s8] =	ssyncadd.s32 $0xFFFFE000  }
0x76: {  	[spmem:s3] =	stream.indirect.scatter.add.f32 [tilespmem:s9], [sflag:$0x8], $0x80, s0, s17, $0xb8;
	[tilespmem:$0x1E800] =	vst v63  }
0x77: {  	s9 =	simm.s32 $0x7  }
0x78: {  	_ =	swait.ge [sflag:s9], $0x2000  }
0x79: {  	[sflag:s9] =	ssyncset.done $0x0  }
0x7a: {  	s14 =	simm.s32 $0x14100;
	s22 =	rddreg [dreg:$0x17];
	[sflag:s9] =	ssyncadd.s32 $0xFFFFE000  }
0x7b: {  	[tilespmem:s14], [sflag:$0xD] =	stream.linear.gather [hbm4b:s22+s4], $0x80, $0x38;
	[tilespmem:$0x1E800] =	vst v63  }
0x7c: {  	s22 =	rddreg [dreg:$0x16]  }
0x7d: {  	[tilespmem:s11], [sflag:$0x11] =	stream.linear.gather [hbm4b:s22+s4], $0x80, $0x38;
	[tilespmem:$0x1E800] =	vst v63  }
0x7e: {  	_ =	swait.ge [sflag:s15], $0x80  }
0x7f: {  	[sflag:s15] =	ssyncset.done $0x0  }
0x80: {  	s11 =	simm.s32 $0x4;
	[sflag:s15] =	ssyncadd.s32 $0xFFFFFF80  }
0x81: {  	[tilespmem:s24], [sflag:$0x2] =	stream.indirect.gather [hbm4b:s5+s17], $0x80, s30, s17, $0xb8;
	[tilespmem:$0x1E800] =	vst v63  }
0x82: {  	_ =	swait.ge [sflag:s11], $0x2000  }
0x83: {  	[sflag:s11] =	ssyncset.done $0x0  }
0x84: {  	s12 =	simm.s32 $0x14580;
	s20 =	simm.s32 $0x1A800;
	[sflag:s11] =	ssyncadd.s32 $0xFFFFE000  }
0x85: {  	[spmem:s3] =	stream.indirect.scatter.add.f32 [tilespmem:s20], [sflag:$0x9], $0x80, s12, s17, $0xb8;
	[tilespmem:$0x1E800] =	vst v63  }
0x86: {  	s12 =	simm.s32 $0x8  }
0x87: {  	_ =	swait.ge [sflag:s12], $0x2000  }
0x88: {  	[sflag:s12] =	ssyncset.done $0x0  }
0x89: {  	s16 =	simm.s32 $0x14180;
	s15 =	rddreg [dreg:$0x1e];
	[sflag:s12] =	ssyncadd.s32 $0xFFFFE000  }
0x8a: {  	[tilespmem:s16], [sflag:$0xE] =	stream.linear.gather [hbm4b:s15+s4], $0x80, $0x38;
	[tilespmem:$0x1E800] =	vst v63  }
0x8b: {  	s16 =	rddreg [dreg:$0x18]  }
0x8c: {  	[tilespmem:s0], [sflag:$0x12] =	stream.linear.gather [hbm4b:s16+s4], $0x80, $0x38;
	[tilespmem:$0x1E800] =	vst v63  }
0x8d: {  	s16 =	simm.s32 $0xD  }
0x8e: {  	_ =	swait.ge [sflag:s16], $0x80  }
0x8f: {  	[sflag:s16] =	ssyncset.done $0x0  }
0x90: {  	s21 =	simm.s32 $0x18800;
	s20 =	simm.s32 $0x5;
	[sflag:s16] =	ssyncadd.s32 $0xFFFFFF80  }
0x91: {  	[tilespmem:s21], [sflag:$0x3] =	stream.indirect.gather [hbm4b:s5+s17], $0x80, s14, s17, $0xb8;
	[tilespmem:$0x1E800] =	vst v63  }
0x92: {  	_ =	swait.ge [sflag:s20], $0x2000  }
0x93: {  	[sflag:s20] =	ssyncset.done $0x0  }
0x94: {  	s21 =	simm.s32 $0x14;
	[sflag:s20] =	ssyncadd.s32 $0xFFFFE000  }
0x95: {  	_ =	swait.ge [sflag:s21], $0x80  }
0x96: {  	[sflag:s21] =	ssyncset.done $0x0  }
0x97: {  	s0 =	simm.s32 $0x9;
	[sflag:s21] =	ssyncadd.s32 $0xFFFFFF80  }
0x98: {  	[spmem:s3] =	stream.indirect.scatter.add.f32 [tilespmem:s25], [sflag:$0xA], $0x80, s29, s17, $0xb8;
	[tilespmem:$0x1E800] =	vst v63  }
0x99: {  	_ =	swait.ge [sflag:s0], $0x2000  }
0x9a: {  	s22 =	rddreg [dreg:$0x5]  }
0x9b: {  	s20 =	rddreg [dreg:$0x4];
	s19 =	sadd.s32 $0xD0, s22  }
0x9c: {  	[sflag:s0] =	ssyncset.done $0x0;
	s22 =	simm.s32 $0x90;
	s21 =	sadd.s32 $0xFFFFFFC0, s19  }
0x9d: {  	s20 =	sadd.s32 $0x0, s20;
	s22 =	sand.u32 $0x70, s22;
	s21 =	sand.u32 $0xFFFFF80, s21  }
0x9e: {  	s20 =	sand.u32 $0x7FFFFC00, s20;
	s21 =	sor.u32 s22, s21;
	s22 =	sand.u32 $0x380, s4  }
0x9f: {  	[sflag:s0] =	ssyncadd.s32 $0xFFFFE000;
	s20 =	sor.u32 s22, s20;
	s0 =	sadd.s32 s6, s21  }
0xa0: {  	[tilespmem:s13], [sflag:$0xF] =	stream.linear.gather [hbm4b:s0+s4], $0x80, $0x38;
	[tilespmem:$0x1E800] =	vst v63  }
0xa1: {  	s20 =	sshrl.u32 s20, $0x3  }
0xa2: {  	s22 =	simm.s32 $0x14580;
	s20 =	sadd.s32 s2, s20  }
0xa3: {  	[tilespmem:s22], [sflag:$0x13] =	stream.linear.gather [hbm4b:s20+s4], $0x80, $0x38;
	[tilespmem:$0x1E800] =	vst v63  }
0xa4: {  	s22 =	simm.s32 $0xE  }
0xa5: {  	_ =	swait.ge [sflag:s22], $0x80  }
0xa6: {  	[sflag:s22] =	ssyncset.done $0x0  }
0xa7: {  	s20 =	simm.s32 $0x14180;
	[sflag:s22] =	ssyncadd.s32 $0xFFFFFF80;
	s22 =	simm.s32 $0x1A800  }
0xa8: {  	[tilespmem:s22], [sflag:$0x4] =	stream.indirect.gather [hbm4b:s5+s17], $0x80, s20, s17, $0xb8;
	[tilespmem:$0x1E800] =	vst v63  }
0xa9: {  	_ =	swait.ge [sflag:s26], $0x2000  }
0xaa: {  	[sflag:s26] =	ssyncset.done $0x0  }
0xab: {  	[sflag:s26] =	ssyncadd.s32 $0xFFFFE000;
	s26 =	simm.s32 $0x10  }
0xac: {  	_ =	swait.ge [sflag:s26], $0x80  }
0xad: {  	s0 =	simm.s32 $0xA;
	s20 =	sadd.s32 $0xFFFFFFD0, s19;
	[sflag:s26] =	ssyncset.done $0x0  }
0xae: {  	s22 =	simm.s32 $0xA0;
	[sflag:s26] =	ssyncadd.s32 $0xFFFFFF80;
	s26 =	simm.s32 $0x14400  }
0xaf: {  	[spmem:s3] =	stream.indirect.scatter.add.f32 [tilespmem:s23], [sflag:$0x6], $0x80, s26, s17, $0xb8;
	[tilespmem:$0x1E800] =	vst v63  }
0xb0: {  	s20 =	sand.u32 $0xFFFFF80, s20;
	s22 =	sand.u32 $0x70, s22;
	_ =	swait.ge [sflag:s0], $0x2000  }
0xb1: {  	s20 =	sor.u32 s22, s20;
	[sflag:s0] =	ssyncset.done $0x0  }
0xb2: {  	s22 =	sadd.s32 s6, s20;
	[sflag:s0] =	ssyncadd.s32 $0xFFFFE000  }
0xb3: {  	[tilespmem:s28], [sflag:$0xB] =	stream.linear.gather [hbm4b:s22+s4], $0x80, $0x38;
	[tilespmem:$0x1E800] =	vst v63  }
0xb4: {  	s21 =	sadd.s32 s2, s21  }
0xb5: {  	[tilespmem:s29], [sflag:$0x14] =	stream.linear.gather [hbm4b:s21+s4], $0x80, $0x38;
	[tilespmem:$0x1E800] =	vst v63  }
0xb6: {  	_ =	swait.ge [sflag:s31], $0x80  }
0xb7: {  	[sflag:s31] =	ssyncset.done $0x0  }
0xb8: {  	[sflag:s31] =	ssyncadd.s32 $0xFFFFFF80  }
0xb9: {  	[tilespmem:s25], [sflag:$0x5] =	stream.indirect.gather [hbm4b:s5+s17], $0x80, s13, s17, $0xb8;
	[tilespmem:$0x1E800] =	vst v63  }
0xba: {  	_ =	swait.ge [sflag:s1], $0x2000  }
0xbb: {  	[sflag:s1] =	ssyncset.done $0x0  }
0xbc: {  	s22 =	simm.s32 $0x11;
	[sflag:s1] =	ssyncadd.s32 $0xFFFFE000  }
0xbd: {  	_ =	swait.ge [sflag:s22], $0x80  }
0xbe: {  	s29 =	sadd.s32 $0xFFFFFFE0, s19;
	[sflag:s22] =	ssyncset.done $0x0  }
0xbf: {  	s31 =	simm.s32 $0x14480;
	s25 =	simm.s32 $0xB0;
	[sflag:s22] =	ssyncadd.s32 $0xFFFFFF80  }
0xc0: {  	[spmem:s3] =	stream.indirect.scatter.add.f32 [tilespmem:s24], [sflag:$0x7], $0x80, s31, s17, $0xb8;
	[tilespmem:$0x1E800] =	vst v63  }
0xc1: {  	s21 =	sand.u32 $0x70, s25;
	s22 =	sand.u32 $0xFFFFF80, s29;
	_ =	swait.ge [sflag:s7], $0x2000  }
0xc2: {  	s21 =	sor.u32 s21, s22;
	[sflag:s7] =	ssyncset.done $0x0  }
0xc3: {  	s22 =	sadd.s32 s6, s21;
	[sflag:s7] =	ssyncadd.s32 $0xFFFFE000  }
0xc4: {  	[tilespmem:s30], [sflag:$0xC] =	stream.linear.gather [hbm4b:s22+s4], $0x80, $0x38;
	[tilespmem:$0x1E800] =	vst v63  }
0xc5: {  	s14 =	simm.s32 $0xB;
	s20 =	sadd.s32 s2, s20  }
0xc6: {  	[tilespmem:s26], [sflag:$0x10] =	stream.linear.gather [hbm4b:s20+s4], $0x80, $0x38;
	[tilespmem:$0x1E800] =	vst v63  }
0xc7: {  	_ =	swait.ge [sflag:s14], $0x80  }
0xc8: {  	[sflag:s14] =	ssyncset.done $0x0  }
0xc9: {  	[sflag:s14] =	ssyncadd.s32 $0xFFFFFF80  }
0xca: {  	[tilespmem:s23], [sflag:$0x1] =	stream.indirect.gather [hbm4b:s5+s17], $0x80, s28, s17, $0xb8;
	[tilespmem:$0x1E800] =	vst v63  }
0xcb: {  	_ =	swait.ge [sflag:s8], $0x2000  }
0xcc: {  	[sflag:s8] =	ssyncset.done $0x0  }
0xcd: {  	[sflag:s8] =	ssyncadd.s32 $0xFFFFE000  }
0xce: {  	_ =	swait.ge [sflag:s10], $0x80  }
0xcf: {  	s0 =	sadd.s32 $0xFFFFFFF0, s19;
	s13 =	simm.s32 $0x14500;
	[sflag:s10] =	ssyncset.done $0x0  }
0xd0: {  	s23 =	simm.s32 $0x18800;
	s8 =	simm.s32 $0xC0;
	[sflag:s10] =	ssyncadd.s32 $0xFFFFFF80  }
0xd1: {  	[spmem:s3] =	stream.indirect.scatter.add.f32 [tilespmem:s23], [sflag:$0x8], $0x80, s13, s17, $0xb8;
	[tilespmem:$0x1E800] =	vst v63  }
0xd2: {  	s20 =	sand.u32 $0xFFFFF80, s0;
	s22 =	sand.u32 $0x70, s8;
	_ =	swait.ge [sflag:s9], $0x2000  }
0xd3: {  	s20 =	sor.u32 s22, s20;
	[sflag:s9] =	ssyncset.done $0x0  }
0xd4: {  	s25 =	simm.s32 $0x14100;
	s22 =	sadd.s32 s6, s20;
	[sflag:s9] =	ssyncadd.s32 $0xFFFFE000  }
0xd5: {  	[tilespmem:s25], [sflag:$0xD] =	stream.linear.gather [hbm4b:s22+s4], $0x80, $0x38;
	[tilespmem:$0x1E800] =	vst v63  }
0xd6: {  	s15 =	simm.s32 $0xC;
	s21 =	sadd.s32 s2, s21  }
0xd7: {  	[tilespmem:s31], [sflag:$0x11] =	stream.linear.gather [hbm4b:s21+s4], $0x80, $0x38;
	[tilespmem:$0x1E800] =	vst v63  }
0xd8: {  	_ =	swait.ge [sflag:s15], $0x80  }
0xd9: {  	[sflag:s15] =	ssyncset.done $0x0  }
0xda: {  	[sflag:s15] =	ssyncadd.s32 $0xFFFFFF80  }
0xdb: {  	[tilespmem:s24], [sflag:$0x2] =	stream.indirect.gather [hbm4b:s5+s17], $0x80, s30, s17, $0xb8;
	[tilespmem:$0x1E800] =	vst v63  }
0xdc: {  	_ =	swait.ge [sflag:s11], $0x2000  }
0xdd: {  	[sflag:s11] =	ssyncset.done $0x0  }
0xde: {  	[sflag:s11] =	ssyncadd.s32 $0xFFFFE000  }
0xdf: {  	_ =	swait.ge [sflag:s18], $0x80  }
0xe0: {  	s29 =	simm.s32 $0x1A800;
	[sflag:s18] =	ssyncset.done $0x0  }
0xe1: {  	s26 =	simm.s32 $0xD0;
	s28 =	simm.s32 $0x14580;
	[sflag:s18] =	ssyncadd.s32 $0xFFFFFF80  }
0xe2: {  	[spmem:s3] =	stream.indirect.scatter.add.f32 [tilespmem:s29], [sflag:$0x9], $0x80, s28, s17, $0xb8;
	[tilespmem:$0x1E800] =	vst v63  }
0xe3: {  	s21 =	sand.u32 $0x70, s26;
	_ =	swait.ge [sflag:s12], $0x2000  }
0xe4: {  	s19 =	sand.u32 $0xFFFFF80, s19;
	s21 =	sadd.s32 s6, s21;
	[sflag:s12] =	ssyncset.done $0x0  }
0xe5: {  	s19 =	sadd.s32 s19, s21;
	s30 =	simm.s32 $0x14180;
	[sflag:s12] =	ssyncadd.s32 $0xFFFFE000  }
0xe6: {  	[tilespmem:s30], [sflag:$0xE] =	stream.linear.gather [hbm4b:s19+s4], $0x80, $0x38;
	[tilespmem:$0x1E800] =	vst v63  }
0xe7: {  	s31 =	sadd.s32 s2, s20  }
0xe8: {  	[tilespmem:s13], [sflag:$0x12] =	stream.linear.gather [hbm4b:s31+s4], $0x80, $0x38;
	[tilespmem:$0x1E800] =	vst v63  }
0xe9: {  	_ =	swait.ge [sflag:s16], $0x80  }
0xea: {  	s20 =	simm.s32 $0x0;
	s19 =	simm.s32 $0x120;
	[sflag:s16] =	ssyncset.done $0x0  }
.LBB2_2:
0xeb: {  	s16 =	simm.s32 $0xD;
	s0 =	simm.s32 $0x14100  }
0xec: {  	s12 =	simm.s32 $0x18800;
	s1 =	simm.s32 $0x5;
	[sflag:s16] =	ssyncadd.s32 $0xFFFFFF80  }
0xed: {  	[tilespmem:s12], [sflag:$0x3] =	stream.indirect.gather [hbm4b:s5+s17], $0x80, s0, s17, $0xb8;
	[tilespmem:$0x1E800] =	vst v63  }
0xee: {  	_ =	swait.ge [sflag:s1], $0x2000  }
0xef: {  	[sflag:s1] =	ssyncset.done $0x0  }
0xf0: {  	s8 =	simm.s32 $0x14;
	[sflag:s1] =	ssyncadd.s32 $0xFFFFE000  }
0xf1: {  	s20 =	sadd.s32 $0x280, s20;
	_ =	swait.ge [sflag:s8], $0x80  }
0xf2: {  	s21 =	smov.u32 s19;
	s11 =	simm.s32 $0x14600;
	[sflag:s8] =	ssyncset.done $0x0  }
0xf3: {  	s31 =	simm.s32 $0x1C800;
	s9 =	simm.s32 $0x9;
	[sflag:s8] =	ssyncadd.s32 $0xFFFFFF80  }
0xf4: {  	[spmem:s3] =	stream.indirect.scatter.add.f32 [tilespmem:s31], [sflag:$0xA], $0x80, s11, s17, $0xb8;
	[tilespmem:$0x1E800] =	vst v63  }
0xf5: {  	s24 =	sadd.s32 $0xFFFFFFE0, s21;
	s26 =	sadd.s32 $0xFFFFFFC0, s21;
	_ =	swait.ge [sflag:s9], $0x2000  }
0xf6: {  	s28 =	sand.u32 $0x380, s20;
	s29 =	sadd.s32 $0xFFFFFFD0, s21;
	s22 =	rddreg [dreg:$0x5]  }
0xf7: {  	s26 =	sand.u32 $0x70, s26;
	s8 =	simm.s32 $0x14200;
	s23 =	rddreg [dreg:$0x4]  }
0xf8: {  	[sflag:s9] =	ssyncset.done $0x0;
	s25 =	sadd.s32 s21, s22;
	s22 =	sand.u32 $0x70, s24  }
0xf9: {  	s23 =	sadd.s32 s20, s23;
	[sflag:s9] =	ssyncadd.s32 $0xFFFFE000;
	s13 =	sadd.s32 $0xFFFFFFC0, s25  }
0xfa: {  	s23 =	sand.u32 $0x7FFFFC00, s23;
	s24 =	sand.u32 $0xFFFFF80, s13  }
0xfb: {  	s9 =	simm.s32 $0xE;
	s23 =	sor.u32 s28, s23;
	s26 =	sor.u32 s26, s24  }
0xfc: {  	s7 =	sadd.s32 $0xFFFFFFD0, s25;
	s23 =	sshrl.u32 s23, $0x3;
	s24 =	sadd.s32 s6, s26  }
0xfd: {  	[tilespmem:s8], [sflag:$0xF] =	stream.linear.gather [hbm4b:s24+s4], $0x80, $0x38;
	[tilespmem:$0x1E800] =	vst v63  }
0xfe: {  	s23 =	sadd.s32 s2, s23;
	s24 =	sand.u32 $0xFFFFF80, s7;
	s7 =	simm.s32 $0x14580  }
0xff: {  	[tilespmem:s7], [sflag:$0x13] =	stream.linear.gather [hbm4b:s23+s4], $0x80, $0x38;
	[tilespmem:$0x1E800] =	vst v63  }
0x100: {  	s1 =	simm.s32 $0x14180;
	s13 =	sand.u32 $0x70, s29;
	_ =	swait.ge [sflag:s9], $0x80  }
0x101: {  	s28 =	sadd.s32 $0xFFFFFFE0, s25;
	s24 =	sor.u32 s13, s24;
	[sflag:s9] =	ssyncset.done $0x0  }
0x102: {  	s13 =	simm.s32 $0x1A800;
	[sflag:s9] =	ssyncadd.s32 $0xFFFFFF80;
	s9 =	simm.s32 $0x1  }
0x103: {  	[tilespmem:s13], [sflag:$0x4] =	stream.indirect.gather [hbm4b:s5+s17], $0x80, s1, s17, $0xb8;
	[tilespmem:$0x1E800] =	vst v63  }
0x104: {  	s28 =	sand.u32 $0xFFFFF80, s28;
	_ =	swait.ge [sflag:s9], $0x2000  }
0x105: {  	s22 =	sor.u32 s22, s28;
	s28 =	sadd.s32 $0xFFFFFFF0, s21;
	[sflag:s9] =	ssyncset.done $0x0  }
0x106: {  	s23 =	sadd.s32 $0xFFFFFFF0, s25;
	[sflag:s9] =	ssyncadd.s32 $0xFFFFE000;
	s9 =	simm.s32 $0x10  }
0x107: {  	s28 =	sand.u32 $0x70, s28;
	s23 =	sand.u32 $0xFFFFF80, s23;
	_ =	swait.ge [sflag:s9], $0x80  }
0x108: {  	s29 =	simm.s32 $0x14400;
	s23 =	sor.u32 s28, s23;
	[sflag:s9] =	ssyncset.done $0x0  }
0x109: {  	s28 =	simm.s32 $0xA;
	[sflag:s9] =	ssyncadd.s32 $0xFFFFFF80;
	s9 =	simm.s32 $0x14800  }
0x10a: {  	[spmem:s3] =	stream.indirect.scatter.add.f32 [tilespmem:s9], [sflag:$0x6], $0x80, s29, s17, $0xb8;
	[tilespmem:$0x1E800] =	vst v63  }
0x10b: {  	_ =	swait.ge [sflag:s28], $0x2000  }
0x10c: {  	[sflag:s28] =	ssyncset.done $0x0  }
0x10d: {  	s30 =	simm.s32 $0x14000;
	[sflag:s28] =	ssyncadd.s32 $0xFFFFE000;
	s28 =	sadd.s32 s6, s24  }
0x10e: {  	[tilespmem:s30], [sflag:$0xB] =	stream.linear.gather [hbm4b:s28+s4], $0x80, $0x38;
	[tilespmem:$0x1E800] =	vst v63  }
0x10f: {  	s26 =	sadd.s32 s2, s26  }
0x110: {  	[tilespmem:s11], [sflag:$0x14] =	stream.linear.gather [hbm4b:s26+s4], $0x80, $0x38;
	[tilespmem:$0x1E800] =	vst v63  }
0x111: {  	s26 =	simm.s32 $0xF  }
0x112: {  	_ =	swait.ge [sflag:s26], $0x80  }
0x113: {  	[sflag:s26] =	ssyncset.done $0x0  }
0x114: {  	[sflag:s26] =	ssyncadd.s32 $0xFFFFFF80;
	s26 =	simm.s32 $0x2  }
0x115: {  	[tilespmem:s31], [sflag:$0x5] =	stream.indirect.gather [hbm4b:s5+s17], $0x80, s8, s17, $0xb8;
	[tilespmem:$0x1E800] =	vst v63  }
0x116: {  	_ =	swait.ge [sflag:s26], $0x2000  }
0x117: {  	[sflag:s26] =	ssyncset.done $0x0  }
0x118: {  	s11 =	simm.s32 $0x11;
	[sflag:s26] =	ssyncadd.s32 $0xFFFFE000  }
0x119: {  	_ =	swait.ge [sflag:s11], $0x80  }
0x11a: {  	s31 =	simm.s32 $0x14480;
	[sflag:s11] =	ssyncset.done $0x0  }
0x11b: {  	s26 =	simm.s32 $0x6;
	[sflag:s11] =	ssyncadd.s32 $0xFFFFFF80;
	s11 =	simm.s32 $0x16800  }
0x11c: {  	[spmem:s3] =	stream.indirect.scatter.add.f32 [tilespmem:s11], [sflag:$0x7], $0x80, s31, s17, $0xb8;
	[tilespmem:$0x1E800] =	vst v63  }
0x11d: {  	_ =	swait.ge [sflag:s26], $0x2000  }
0x11e: {  	[sflag:s26] =	ssyncset.done $0x0  }
0x11f: {  	s30 =	simm.s32 $0x14080;
	s8 =	sadd.s32 s6, s22;
	[sflag:s26] =	ssyncadd.s32 $0xFFFFE000  }
0x120: {  	[tilespmem:s30], [sflag:$0xC] =	stream.linear.gather [hbm4b:s8+s4], $0x80, $0x38;
	[tilespmem:$0x1E800] =	vst v63  }
0x121: {  	s24 =	sadd.s32 s2, s24  }
0x122: {  	[tilespmem:s29], [sflag:$0x10] =	stream.linear.gather [hbm4b:s24+s4], $0x80, $0x38;
	[tilespmem:$0x1E800] =	vst v63  }
0x123: {  	_ =	swait.ge [sflag:s14], $0x80  }
0x124: {  	[sflag:s14] =	ssyncset.done $0x0  }
0x125: {  	s28 =	simm.s32 $0x14000;
	s24 =	simm.s32 $0x3;
	[sflag:s14] =	ssyncadd.s32 $0xFFFFFF80  }
0x126: {  	[tilespmem:s9], [sflag:$0x1] =	stream.indirect.gather [hbm4b:s5+s17], $0x80, s28, s17, $0xb8;
	[tilespmem:$0x1E800] =	vst v63  }
0x127: {  	_ =	swait.ge [sflag:s24], $0x2000  }
0x128: {  	[sflag:s24] =	ssyncset.done $0x0  }
0x129: {  	[sflag:s24] =	ssyncadd.s32 $0xFFFFE000  }
0x12a: {  	_ =	swait.ge [sflag:s10], $0x80  }
0x12b: {  	[sflag:s10] =	ssyncset.done $0x0  }
0x12c: {  	s9 =	simm.s32 $0x14500;
	s24 =	simm.s32 $0x7;
	[sflag:s10] =	ssyncadd.s32 $0xFFFFFF80  }
0x12d: {  	[spmem:s3] =	stream.indirect.scatter.add.f32 [tilespmem:s12], [sflag:$0x8], $0x80, s9, s17, $0xb8;
	[tilespmem:$0x1E800] =	vst v63  }
0x12e: {  	_ =	swait.ge [sflag:s24], $0x2000  }
0x12f: {  	[sflag:s24] =	ssyncset.done $0x0  }
0x130: {  	s12 =	sadd.s32 s6, s23;
	[sflag:s24] =	ssyncadd.s32 $0xFFFFE000  }
0x131: {  	[tilespmem:s0], [sflag:$0xD] =	stream.linear.gather [hbm4b:s12+s4], $0x80, $0x38;
	[tilespmem:$0x1E800] =	vst v63  }
0x132: {  	s22 =	sadd.s32 s2, s22  }
0x133: {  	[tilespmem:s31], [sflag:$0x11] =	stream.linear.gather [hbm4b:s22+s4], $0x80, $0x38;
	[tilespmem:$0x1E800] =	vst v63  }
0x134: {  	_ =	swait.ge [sflag:s15], $0x80  }
0x135: {  	[sflag:s15] =	ssyncset.done $0x0  }
0x136: {  	s12 =	simm.s32 $0x4;
	[sflag:s15] =	ssyncadd.s32 $0xFFFFFF80  }
0x137: {  	[tilespmem:s11], [sflag:$0x2] =	stream.indirect.gather [hbm4b:s5+s17], $0x80, s30, s17, $0xb8;
	[tilespmem:$0x1E800] =	vst v63  }
0x138: {  	_ =	swait.ge [sflag:s12], $0x2000  }
0x139: {  	[sflag:s12] =	ssyncset.done $0x0  }
0x13a: {  	[sflag:s12] =	ssyncadd.s32 $0xFFFFE000  }
0x13b: {  	_ =	swait.ge [sflag:s18], $0x80  }
0x13c: {  	[sflag:s18] =	ssyncset.done $0x0  }
0x13d: {  	s22 =	simm.s32 $0x8;
	[sflag:s18] =	ssyncadd.s32 $0xFFFFFF80  }
0x13e: {  	[spmem:s3] =	stream.indirect.scatter.add.f32 [tilespmem:s13], [sflag:$0x9], $0x80, s7, s17, $0xb8;
	[tilespmem:$0x1E800] =	vst v63  }
0x13f: {  	p0 =	sne.s32 s19, $0x9E0;
	s21 =	sand.u32 $0x70, s21;
	_ =	swait.ge [sflag:s22], $0x2000  }
0x140: {  	s21 =	sadd.s32 s6, s21;
	s25 =	sand.u32 $0xFFFFF80, s25;
	[sflag:s22] =	ssyncset.done $0x0  }
0x141: {  	s19 =	sadd.s32 $0x50, s19;
	s21 =	sadd.s32 s25, s21;
	[sflag:s22] =	ssyncadd.s32 $0xFFFFE000  }
0x142: {  	[tilespmem:s1], [sflag:$0xE] =	stream.linear.gather [hbm4b:s21+s4], $0x80, $0x38;
	[tilespmem:$0x1E800] =	vst v63  }
.Ltmp0:
0x143: {  	s25 =	sadd.s32 s2, s23;
	s26 =	simm.s32 $0x14400;
	(pc) =	sbr.rel @p0 .LBB2_2-.Ltmp0, $4  }
0x144: {  	s8 =	simm.s32 $0x14800;
	s29 =	simm.s32 $0x14100;
	s24 =	simm.s32 $0x14480  }
0x145: {  	[tilespmem:s9], [sflag:$0x12] =	stream.linear.gather [hbm4b:s25+s4], $0x80, $0x38;
	[tilespmem:$0x1E800] =	vst v63  }
0x146: {  	s0 =	simm.s32 $0x14500;
	s31 =	simm.s32 $0x16800;
	_ =	swait.ge [sflag:s16], $0x80  }
0x147: {  	s22 =	simm.s32 $0x14180;
	s1 =	simm.s32 $0xD;
	[sflag:s16] =	ssyncset.done $0x0  }
0x148: {  	[sflag:s1] =	ssyncadd.s32 $0xFFFFFF80;
	s7 =	simm.s32 $0x18800;
	s14 =	simm.s32 $0x5  }
0x149: {  	[tilespmem:s7], [sflag:$0x3] =	stream.indirect.gather [hbm4b:s5+s17], $0x80, s29, s17, $0xb8;
	[tilespmem:$0x1E800] =	vst v63  }
0x14a: {  	_ =	swait.ge [sflag:s14], $0x2000  }
0x14b: {  	[sflag:s14] =	ssyncset.done $0x0  }
0x14c: {  	s15 =	simm.s32 $0x14;
	[sflag:s14] =	ssyncadd.s32 $0xFFFFE000  }
0x14d: {  	_ =	swait.ge [sflag:s15], $0x80  }
0x14e: {  	s13 =	simm.s32 $0x14600;
	[sflag:s15] =	ssyncset.done $0x0  }
0x14f: {  	s20 =	simm.s32 $0x1C800;
	s16 =	simm.s32 $0x9;
	[sflag:s15] =	ssyncadd.s32 $0xFFFFFF80  }
0x150: {  	[spmem:s3] =	stream.indirect.scatter.add.f32 [tilespmem:s20], [sflag:$0xA], $0x80, s13, s17, $0xb8;
	[tilespmem:$0x1E800] =	vst v63  }
0x151: {  	_ =	swait.ge [sflag:s16], $0x2000  }
0x152: {  	[sflag:s16] =	ssyncset.done $0x0  }
0x153: {  	s11 =	simm.s32 $0x14200;
	s19 =	rddreg [dreg:$0x1a];
	[sflag:s16] =	ssyncadd.s32 $0xFFFFE000  }
0x154: {  	[tilespmem:s11], [sflag:$0xF] =	stream.linear.gather [hbm4b:s19+s4], $0x80, $0x38;
	[tilespmem:$0x1E800] =	vst v63  }
0x155: {  	s1 =	simm.s32 $0x14580;
	s9 =	simm.s32 $0xE;
	s21 =	rddreg [dreg:$0x19]  }
0x156: {  	[tilespmem:s1], [sflag:$0x13] =	stream.linear.gather [hbm4b:s21+s4], $0x80, $0x38;
	[tilespmem:$0x1E800] =	vst v63  }
0x157: {  	_ =	swait.ge [sflag:s9], $0x80  }
0x158: {  	[sflag:s9] =	ssyncset.done $0x0  }
0x159: {  	s12 =	simm.s32 $0x1;
	[sflag:s9] =	ssyncadd.s32 $0xFFFFFF80;
	s9 =	simm.s32 $0x1A800  }
0x15a: {  	[tilespmem:s9], [sflag:$0x4] =	stream.indirect.gather [hbm4b:s5+s17], $0x80, s22, s17, $0xb8;
	[tilespmem:$0x1E800] =	vst v63  }
0x15b: {  	_ =	swait.ge [sflag:s12], $0x2000  }
0x15c: {  	[sflag:s12] =	ssyncset.done $0x0  }
0x15d: {  	s23 =	simm.s32 $0x10;
	[sflag:s12] =	ssyncadd.s32 $0xFFFFE000  }
0x15e: {  	_ =	swait.ge [sflag:s23], $0x80  }
0x15f: {  	[sflag:s23] =	ssyncset.done $0x0  }
0x160: {  	s12 =	simm.s32 $0xA;
	[sflag:s23] =	ssyncadd.s32 $0xFFFFFF80  }
0x161: {  	[spmem:s3] =	stream.indirect.scatter.add.f32 [tilespmem:s8], [sflag:$0x6], $0x80, s26, s17, $0xb8;
	[tilespmem:$0x1E800] =	vst v63  }
0x162: {  	_ =	swait.ge [sflag:s12], $0x2000  }
0x163: {  	[sflag:s12] =	ssyncset.done $0x0  }
0x164: {  	s26 =	simm.s32 $0xF;
	s25 =	rddreg [dreg:$0x1b];
	[sflag:s12] =	ssyncadd.s32 $0xFFFFE000  }
0x165: {  	[tilespmem:s13], [sflag:$0x14] =	stream.linear.gather [hbm4b:s25+s4], $0x80, $0x38;
	[tilespmem:$0x1E800] =	vst v63  }
0x166: {  	_ =	swait.ge [sflag:s26], $0x80  }
0x167: {  	[sflag:s26] =	ssyncset.done $0x0  }
0x168: {  	s29 =	simm.s32 $0x2;
	[sflag:s26] =	ssyncadd.s32 $0xFFFFFF80  }
0x169: {  	[tilespmem:s20], [sflag:$0x5] =	stream.indirect.gather [hbm4b:s5+s17], $0x80, s11, s17, $0xb8;
	[tilespmem:$0x1E800] =	vst v63  }
0x16a: {  	_ =	swait.ge [sflag:s29], $0x2000  }
0x16b: {  	[sflag:s29] =	ssyncset.done $0x0  }
0x16c: {  	s11 =	simm.s32 $0x11;
	[sflag:s29] =	ssyncadd.s32 $0xFFFFE000  }
0x16d: {  	_ =	swait.ge [sflag:s11], $0x80  }
0x16e: {  	[sflag:s11] =	ssyncset.done $0x0  }
0x16f: {  	s19 =	simm.s32 $0x6;
	[sflag:s11] =	ssyncadd.s32 $0xFFFFFF80  }
0x170: {  	[spmem:s3] =	stream.indirect.scatter.add.f32 [tilespmem:s31], [sflag:$0x7], $0x80, s24, s17, $0xb8;
	[tilespmem:$0x1E800] =	vst v63  }
0x171: {  	_ =	swait.ge [sflag:s19], $0x2000  }
0x172: {  	[sflag:s19] =	ssyncset.done $0x0  }
0x173: {  	s21 =	simm.s32 $0x3;
	[sflag:s19] =	ssyncadd.s32 $0xFFFFE000  }
0x174: {  	_ =	swait.ge [sflag:s21], $0x2000  }
0x175: {  	[sflag:s21] =	ssyncset.done $0x0  }
0x176: {  	[sflag:s21] =	ssyncadd.s32 $0xFFFFE000  }
0x177: {  	_ =	swait.ge [sflag:s10], $0x80  }
0x178: {  	[sflag:s10] =	ssyncset.done $0x0  }
0x179: {  	s22 =	simm.s32 $0x7;
	[sflag:s10] =	ssyncadd.s32 $0xFFFFFF80  }
0x17a: {  	[spmem:s3] =	stream.indirect.scatter.add.f32 [tilespmem:s7], [sflag:$0x8], $0x80, s0, s17, $0xb8;
	[tilespmem:$0x1E800] =	vst v63  }
0x17b: {  	_ =	swait.ge [sflag:s22], $0x2000  }
0x17c: {  	[sflag:s22] =	ssyncset.done $0x0  }
0x17d: {  	s23 =	simm.s32 $0x4;
	[sflag:s22] =	ssyncadd.s32 $0xFFFFE000  }
0x17e: {  	_ =	swait.ge [sflag:s23], $0x2000  }
0x17f: {  	[sflag:s23] =	ssyncset.done $0x0  }
0x180: {  	[sflag:s23] =	ssyncadd.s32 $0xFFFFE000  }
0x181: {  	_ =	swait.ge [sflag:s18], $0x80  }
0x182: {  	[sflag:s18] =	ssyncset.done $0x0  }
0x183: {  	s24 =	simm.s32 $0x8;
	[sflag:s18] =	ssyncadd.s32 $0xFFFFFF80  }
0x184: {  	[spmem:s3] =	stream.indirect.scatter.add.f32 [tilespmem:s9], [sflag:$0x9], $0x80, s1, s17, $0xb8;
	[tilespmem:$0x1E800] =	vst v63  }
0x185: {  	_ =	swait.ge [sflag:s24], $0x2000  }
0x186: {  	[sflag:s24] =	ssyncset.done $0x0  }
0x187: {  	[sflag:s24] =	ssyncadd.s32 $0xFFFFE000  }
0x188: {  	_ =	swait.ge [sflag:s14], $0x2000  }
0x189: {  	[sflag:s14] =	ssyncset.done $0x0  }
0x18a: {  	[sflag:s14] =	ssyncadd.s32 $0xFFFFE000  }
0x18b: {  	_ =	swait.ge [sflag:s15], $0x80  }
0x18c: {  	[sflag:s15] =	ssyncset.done $0x0  }
0x18d: {  	[sflag:s15] =	ssyncadd.s32 $0xFFFFFF80  }
0x18e: {  	[spmem:s3] =	stream.indirect.scatter.add.f32 [tilespmem:s20], [sflag:$0xA], $0x80, s13, s17, $0xb8;
	[tilespmem:$0x1E800] =	vst v63  }
0x18f: {  	_ =	swait.ge [sflag:s16], $0x2000  }
0x190: {  	[sflag:s16] =	ssyncset.done $0x0  }
0x191: {  	[sflag:s16] =	ssyncadd.s32 $0xFFFFE000  }
0x192: {  	_ =	swait.ge [sflag:s12], $0x2000  }
0x193: {  	[sflag:s12] =	ssyncset.done $0x0  }
0x194: {  	[sflag:s12] =	ssyncadd.s32 $0xFFFFE000  }
0x195: {  	[bflag:$0x0] =	sbarrier.arrive $0xFFFF  }
0x196: {  	s26 =	sld [smem:$0x7FD]  }
0x197: {  	s20 =	rddreg [dreg:$0x8]  }
0x198: {  	s21 =	simm.s32 $0x15;
	s25 =	rddreg [dreg:$0x1c]  }
0x199: {  	[hbm:s25], [sflag:s20] =	dma.local [spmem:s26], $0x2800  }
0x19a: {  	_ =	swait.ge [sflag:s21], $0x2800  }
0x19b: {  	s29 =	rddreg [dreg:$0x1f]  }
0x19c: {  	s31 =	rddreg [dreg:$0x1d];
	s0 =	sadd.s32 $0x1, s29  }
0x19d: {  	p0 =	sne.s32 s0, s31  }
.Ltmp1:
0x19e: {  	_ = 	snop;
	(pc) =	sbr.rel @p0 .LBB2_1-.Ltmp1, $3  }
0x19f: {  	_ =	sdelay $0x1  }
0x1a0: {  	[sflag:s21] =	ssyncset.done $0x0  }
0x1a1: {  	s14 =	simm.s32 $0xB;
	s15 =	simm.s32 $0xC;
	[sflag:s21] =	ssyncadd.s32 $0xFFFFD800  }
0x1a2: {  	_ =	sfence.sel $0x180000  }
0x1a3: {  	[bflag:$0x0] =	sbarrier.arrive $0xFFFF  }
0x1a4: {  	_ =	strace $0x9000004D  }
0x1a5: {  	s0 =	stileid.u32;
	[bflag:$0x2] =	sbarrier.arrive $0xFFFF  }
0x1a6: {  	p0 =	sne.s32 s0, $0x0;
	s0 =	rddreg [dreg:$0x3]  }
0x1a7: {  	s0 =	sadd.s32 @!p0 $0x100000, s0  }
0x1a8: {  	[sflag:s0] =	ssyncadd.tile.s32 @!p0 $0x1;
	_ =	shalt  }
.Lfunc_end2:
_tile_overlayer_lowered:
.L_overlay_start_2:
0x1a9: {  	(tag) =	ssettag $0x2  }
0x1aa: {  	s0 =	rddreg [dreg:$0x0];
	s2 =	stileid.u32  }
0x1ab: {  	s1 =	rddreg [dreg:$0x1];
	p0 =	sne.s32 s2, $0x0  }
0x1ac: {  	s3 =	rddreg [dreg:$0x2];
	[bflag:$0x3] =	sbarrier.arrive $0xFFFF;
	s2 =	simm.s32 @!p0 $0x1C15  }
0x1ad: {  	[timem:s3], [sflag:s2] =	dma.local @!p0 [hbm:s0], s1  }
0x1ae: {  	s0 =	simm.s32 @!p0 $0x15  }
0x1af: {  	_ =	swait.ge @!p0 [sflag:s0], s1  }
0x1b0: {  	s1 =	ssub.s32 @!p0 $0x0, s1;
	[sflag:s0] =	ssyncset.done @!p0 $0x0  }
0x1b1: {  	[sflag:s0] =	ssyncadd.s32 @!p0 s1  }
0x1b2: {  	[bflag:$0x3] =	sbarrier.arrive $0xFFFF  }
0x1b3: {  	_ =	shalt  }

// kernel: kernel.8.cloned.1.call-start
scs
__scs_entry_jumppad:
0x0: {  	(pc) =	sbr.rel $0x88, $3  }
0x1: {  	(tag) =	ssettag $0x0;
	lr =	simm.s32 $0x1  }
0x2: {  	[smem:$0x3F9B] =	sst lr;
	_ =	strace $0xD0000000  }
0x3: {  	_ = 	snop  }
0x4: {  	_ = 	snop  }
0x5: {  	_ = 	snop  }
0x6: {  	_ = 	snop  }
0x7: {  	_ = 	snop  }
__scs_overlays_trampoline_lowered:
0x8: {  	[smem:$0x3FAA] =	sst s0  }
0x9: {  	[smem:$0x3FAB] =	sst s1  }
0xa: {  	[smem:$0x3FAC] =	sst s2  }
0xb: {  	[smem:$0x3FAD] =	sst s3  }
0xc: {  	[smem:$0x3FAE] =	sst s4  }
0xd: {  	[smem:$0x3FAF] =	sst s5  }
0xe: {  	[smem:$0x3FB0] =	sst s6  }
0xf: {  	[smem:$0x3FB1] =	sst s7  }
0x10: {  	[smem:$0x3FB2] =	sst s8  }
0x11: {  	[smem:$0x3FB3] =	sst s9;
	s0 =	simm.s32 @!p0 $0x0  }
0x12: {  	s1 =	sld [smem:$0x3F99];
	s0 =	simm.s32 @p0 $0x1  }
0x13: {  	[smem:$0x3FB4] =	sst s0;
	s0 =	simm.s32 @!p1 $0x0  }
0x14: {  	s2 =	sld [smem:$0x3F98];
	s0 =	simm.s32 @p1 $0x1  }
0x15: {  	[smem:$0x3FB5] =	sst s0;
	s0 =	simm.s32 @!p2 $0x0  }
0x16: {  	s3 =	sld [smem:$0x3FDB];
	s0 =	simm.s32 @p2 $0x1  }
0x17: {  	s4 =	simm.s32 $0x1BF5;
	[smem:$0x3FB7] =	sst s0  }
0x18: {  	s0 =	sld [smem:$0x3F9A];
	_ =	swait.ge [sflag:s4], $0x0  }
0x19: {  	s7 =	sld [smem:$0x3F9B]  }
0x1a: {  	s8 =	sadd.s32 $0xFFFFE003, lr  }
0x1b: {  	s9 =	sadd.s32 $0xFFFFFEF7, lr;
	s5 =	simm.s32 $0xFFFFFFFF;
	p2 =	slt.u32 s8, $0xFFFFF086  }
0x1c: {  	p1 =	slt.u32 s9, $0xF7A;
	s5 =	simm.s32 @!p2 $0x0  }
0x1d: {  	s5 =	simm.s32 @p1 $0x1;
	p0 =	seq.s32 s7, s2  }
0x1e: {  	s7 =	smul.u32 @!p0 $0xF7A, s2;
	p2 =	seq.s32 @!p0 s5, $0x0  }
0x1f: {  	s9 =	smul.u32 $0xF7A, s1;
	s8 =	simm.s32 @!p0 $0x1BF5;
	p2 =	por !p2, p0  }
0x20: {  	[sflag:s8] =	ssyncset.s32 @!p0 $0xFFFFF086;
	s6 =	sadd.s32 @!p0 s3, s7;
	s7 =	simm.s32 @!p0 $0x108  }
0x21: {  	s3 =	sadd.s32 s3, s9;
	s6 =	sadd.s32 @!p0 $0x88, s6;
	s7 =	simm.s32 @p2 $0x1082  }
0x22: {  	[simem:s7], [sflag:s8] =	dma.local @!p0 [hbm:s6], $0xF7A  }
0x23: {  	s9 =	sor.u32 $0xD0000000, s2;
	s6 =	simm.s32 $0x108;
	_ =	swait.ge @!p0 [sflag:s8], $0x0  }
0x24: {  	s3 =	sadd.s32 $0x88, s3;
	s6 =	simm.s32 @!p1 $0x1082;
	[sflag:s4] =	ssyncset.s32 $0xFFFFF086  }
0x25: {  	[simem:s6], [sflag:s4] =	dma.local [hbm:s3], $0xF7A  }
0x26: {  	[smem:$0x3F9B] =	sst s1;
	(tag) =	ssettag s2;
	_ =	strace s9  }
0x27: {  	s1 =	sld [smem:$0x3FAB]  }
0x28: {  	s2 =	sld [smem:$0x3FAC]  }
0x29: {  	s4 =	sld [smem:$0x3FAE]  }
0x2a: {  	p0 =	seq.s32 s5, $0x0;
	s5 =	sld [smem:$0x3FAF]  }
0x2b: {  	s6 =	sld [smem:$0x3FB0]  }
0x2c: {  	s7 =	sld [smem:$0x3FB1]  }
0x2d: {  	s3 =	simm.s32 $0x108;
	s8 =	sld [smem:$0x3FB2]  }
0x2e: {  	s3 =	simm.s32 @!p0 $0x1082;
	s9 =	sld [smem:$0x3FB3]  }
0x2f: {  	lr =	sadd.s32 s0, s3;
	s0 =	sld [smem:$0x3FAA]  }
0x30: {  	s3 =	sld [smem:$0x3FAD]  }
0x31: {  	[smem:$0x3FB6] =	sst s10  }
0x32: {  	s10 =	sld [smem:$0x3FB4];
	_ =	sdelay $0x3  }
0x33: {  	p0 =	seq.s32 s10, $0x1;
	s10 =	sld [smem:$0x3FB6];
	_ =	sdelay $0x3  }
0x34: {  	[smem:$0x3FB6] =	sst s10  }
0x35: {  	s10 =	sld [smem:$0x3FB5];
	_ =	sdelay $0x3  }
0x36: {  	p1 =	seq.s32 s10, $0x1;
	s10 =	sld [smem:$0x3FB6];
	_ =	sdelay $0x3  }
0x37: {  	[smem:$0x3FB6] =	sst s10  }
0x38: {  	s10 =	sld [smem:$0x3FB7]  }
0x39: {  	_ = 	snop;
	(pc) =	sbr.ind lr, $3  }
0x3a: {  	_ = 	snop  }
0x3b: {  	_ = 	snop  }
0x3c: {  	p2 =	seq.s32 s10, $0x1;
	s10 =	sld [smem:$0x3FB6]  }
0x3d: {  	_ =	shalt  }
0x3e: {  	_ =	shalt  }
0x3f: {  	_ =	shalt  }
0x40: {  	_ =	shalt  }
0x41: {  	_ =	shalt  }
0x42: {  	_ =	shalt  }
0x43: {  	_ =	shalt  }
0x44: {  	_ =	shalt  }
0x45: {  	_ =	shalt  }
0x46: {  	_ =	shalt  }
0x47: {  	_ =	shalt  }
0x48: {  	_ =	shalt  }
0x49: {  	_ =	shalt  }
0x4a: {  	_ =	shalt  }
0x4b: {  	_ =	shalt  }
0x4c: {  	_ =	shalt  }
0x4d: {  	_ =	shalt  }
0x4e: {  	_ =	shalt  }
0x4f: {  	_ =	shalt  }
0x50: {  	_ =	shalt  }
0x51: {  	_ =	shalt  }
0x52: {  	_ =	shalt  }
0x53: {  	_ =	shalt  }
0x54: {  	_ =	shalt  }
0x55: {  	_ =	shalt  }
0x56: {  	_ =	shalt  }
0x57: {  	_ =	shalt  }
0x58: {  	_ =	shalt  }
0x59: {  	_ =	shalt  }
0x5a: {  	_ =	shalt  }
0x5b: {  	_ =	shalt  }
0x5c: {  	_ =	shalt  }
0x5d: {  	_ =	shalt  }
0x5e: {  	_ =	shalt  }
0x5f: {  	_ =	shalt  }
0x60: {  	_ =	shalt  }
0x61: {  	_ =	shalt  }
0x62: {  	_ =	shalt  }
0x63: {  	_ =	shalt  }
0x64: {  	_ =	shalt  }
0x65: {  	_ =	shalt  }
0x66: {  	_ =	shalt  }
0x67: {  	_ =	shalt  }
0x68: {  	_ =	shalt  }
0x69: {  	_ =	shalt  }
0x6a: {  	_ =	shalt  }
0x6b: {  	_ =	shalt  }
0x6c: {  	_ =	shalt  }
0x6d: {  	_ =	shalt  }
0x6e: {  	_ =	shalt  }
0x6f: {  	_ =	shalt  }
0x70: {  	_ =	shalt  }
0x71: {  	_ =	shalt  }
0x72: {  	_ =	shalt  }
0x73: {  	_ =	shalt  }
0x74: {  	_ =	shalt  }
0x75: {  	_ =	shalt  }
0x76: {  	_ =	shalt  }
0x77: {  	_ =	shalt  }
0x78: {  	_ =	shalt  }
0x79: {  	_ =	shalt  }
0x7a: {  	_ =	shalt  }
0x7b: {  	_ =	shalt  }
0x7c: {  	_ =	shalt  }
0x7d: {  	_ =	shalt  }
0x7e: {  	_ =	shalt  }
0x7f: {  	_ =	shalt  }
0x80: {  	_ =	shalt  }
0x81: {  	_ =	shalt  }
0x82: {  	_ =	shalt  }
0x83: {  	_ =	shalt  }
0x84: {  	_ =	shalt  }
0x85: {  	_ =	shalt  }
0x86: {  	_ =	shalt  }
0x87: {  	_ =	shalt  }
.Lfunc_end0:
.L_simem_size_0:
called_computation_lowered:
.L_overlay_start_0:
0x88: {  	s2 =	sld [smem:$0x3FD9]  }
0x89: {  	s3 =	sld [smem:$0x3FFE];
	_ =	sdelay $0x1  }
0x8a: {  	s1 =	srdreg.scid  }
0x8b: {  	s0 =	sand.u32 $0x1, s1  }
0x8c: {  	s17 =	sshll.u32 s0, $0xA;
	s2 =	sadd.s32 s3, s2  }
0x8d: {  	s2 =	sadd.s32 s2, s17  }
0x8e: {  	[smem:$0x3FC2] =	sst s2  }
0x8f: {  	_ = 	snop  }
0x90: {  	s2 =	sld [smem:$0x3FD0];
	(tm) =	ssettm $0x1  }
0x91: {  	s18 =	sld [smem:$0x3FFB];
	_ =	sdelay $0x3  }
0x92: {  	_ =	strace s18  }
0x93: {  	s3 =	sld [smem:$0x3FFC];
	_ =	sdelay $0x3  }
0x94: {  	_ =	strace s3  }
0x95: {  	s3 =	sld [smem:$0x3FFD];
	_ =	sdelay $0x3  }
0x96: {  	_ =	strace s3  }
0x97: {  	_ =	strace $0x8FFFFFFF  }
0x98: {  	s19 =	sld [smem:$0x3FDB];
	_ =	sdelay $0x1  }
0x99: {  	s4 =	simm.s32 $_scs_section_size  }
0x9a: {  	s5 =	simm.s32 $_size__tile_overlayer_lowered;
	s6 =	simm.s32 $_tile_overlayer_lowered  }
0x9b: {  	s22 =	simm.s32 $0x1BFF;
	s21 =	sshll.u32 s6, $0x1;
	s3 =	sadd.s32 s4, s19  }
0x9c: {  	s7 =	simm.s32 $0x0;
	s20 =	sshll.u32 s5, $0x1;
	s5 =	sadd.s32 s21, s3  }
0x9d: {  	[timem:s7], [sflag:s22] =	dma.local [hbm:s5], s20  }
0x9e: {  	_ =	swait.ge [sflag:s22], s20  }
0x9f: {  	s4 =	ssub.s32 $0x0, s20;
	[sflag:s22] =	ssyncset.done $0x0  }
0xa0: {  	[sflag:s22] =	ssyncadd.s32 s4;
	_ =	sdelay $0x1  }
0xa1: {  	s23 =	simm.s32 $0x1B8B  }
0xa2: {  	_ =	swait.ge [sflag:s23], $0x1  }
0xa3: {  	[sflag:s23] =	ssyncset.done $0x0  }
0xa4: {  	s25 =	simm.s32 $0x1B8E;
	s24 =	sld [smem:$0x3FFE];
	[sflag:s23] =	ssyncadd.s32 $0xFFFFFFFF  }
0xa5: {  	s26 =	simm.s32 $execute0_lowered;
	[smem:$0x3FD2] =	sst s25  }
0xa6: {  	s5 =	sshll.u32 s26, $0x1;
	_ =	strace $0x80000046;
	[dreg:$0x1] =	wrdreg $0xFFFFFFFF  }
0xa7: {  	s28 =	simm.s32 $_size_execute0_lowered;
	s3 =	sadd.s32 s3, s5;
	[dreg:$0x0] =	wrdreg $0x0  }
0xa8: {  	s5 =	sshll.u32 s28, $0x1;
	[dreg:$0x2] =	wrdreg s3  }
0xa9: {  	[dreg:$0x3] =	wrdreg s5  }
0xaa: {  	[dreg:$0x4] =	wrdreg $0xC0  }
0xab: {  	_ =	task [dreg:s7], $0x5FFFF  }
0xac: {  	[dreg:$0x1] =	wrdreg $0xFFFFFFFF  }
0xad: {  	[dreg:$0x0] =	wrdreg $0x60  }
0xae: {  	[dreg:$0x2] =	wrdreg s2  }
0xaf: {  	[dreg:$0x3] =	wrdreg s24  }
0xb0: {  	[dreg:$0x4] =	wrdreg $0x0  }
0xb1: {  	[dreg:$0x5] =	wrdreg $0x9  }
0xb2: {  	_ =	task.clear_ibuf [dreg:s7], $0x6FFFF;
	_ =	strace $0x90000046  }
0xb3: {  	s29 =	simm.s32 $0x9;
	_ =	strace $0x80000048  }
0xb4: {  	_ =	swait.ge [sflag:s29], $0x1  }
0xb5: {  	[sflag:s29] =	ssyncadd.s32 $0xFFFFFFFF  }
0xb6: {  	_ =	strace $0x90000048  }
0xb7: {  	_ =	sfence  }
0xb8: {  	s30 =	sld [smem:$0x0];
	_ =	sdelay $0x2  }
0xb9: {  	s31 =	sshll.u32 s1, $0xD;
	s1 =	sshrl.u32 s1, $0x2  }
0xba: {  	s3 =	sand.u32 $0x4000, s31;
	s1 =	sadd.s32 s1, s30  }
0xbb: {  	s0 =	sor.u32 s3, s0;
	s1 =	sshll.u32 s1, $0x11  }
0xbc: {  	s0 =	sor.u32 s1, s0  }
0xbd: {  	s0 =	sadd.s32 $0x8F2B, s0  }
0xbe: {  	[sflag:s0] =	ssyncadd.remote.s32 $0x1  }
0xbf: {  	_ =	sfence.sel $0xFFFF  }
0xc0: {  	[dreg:$0x0] =	wrdreg $0xFFFFFFFF;
	(pc) =	sbr.abs _section_cstart, $3  }
0xc1: {  	[dreg:$0x1] =	wrdreg $0xFFFFFFFF  }
0xc2: {  	_ =	task.clear_ibuf [dreg:s7], $0x2FFFF;
	_ =	strace $0x9FFFFFFF  }
0xc3: {  	(tm) =	ssettm $0x7FFFFFFF  }
tec
execute0_lowered:
.L_overlay_start_1:
0x0: {  	(tag) =	ssettag $0x1  }
0x1: {  	s0 =	rddreg [dreg:$0x0]  }
0x2: {  	s4 =	rddreg [dreg:$0x1]  }
0x3: {  	s2 =	rddreg [dreg:$0x2]  }
0x4: {  	s5 =	srdreg.scid;
	s1 =	stileid.u32  }
0x5: {  	s3 =	simm.s32 $0x0;
	s17 =	simm.s32 $0x14000;
	s18 =	simm.s32 $0x2  }
0x6: {  	s19 =	simm.s32 $0x19000;
	s20 =	simm.s32 $0x40;
	s21 =	simm.s32 $0x14080  }
0x7: {  	s22 =	simm.s32 $0x14100;
	s23 =	simm.s32 $0x14180;
	s24 =	simm.s32 $0x14200  }
0x8: {  	s28 =	simm.s32 $0x14380;
	s29 =	simm.s32 $0x1;
	s6 =	smul.u32 $0x2800, s1  }
0x9: {  	s30 =	simm.s32 $0x0;
	s5 =	sand.u32 $0x1, s5;
	s9 =	smul.u32 $0x50000, s1  }
0xa: {  	[smem:$0x7FF] =	sst s3;
	s7 =	smul.u32 $0x28000, s5;
	s8 =	sshll.u32 s5, $0x4  }
0xb: {  	_ =	strace $0x80000047;
	s5 =	ssub.s32 $0x2, s5;
	s8 =	sor.u32 s1, s8  }
0xc: {  	s26 =	sshrl.u32 s5, $0x1;
	s31 =	sshrl.u32 s9, $0x2;
	s6 =	sadd.s32 s6, s7  }
0xd: {  	s25 =	smul.u32 $0xA00, s8;
	s16 =	ssub.s32 s5, s26;
	s5 =	sadd.s32 s31, s2  }
0xe: {  	s26 =	simm.s32 $0x14300;
	s15 =	sadd.s32 s6, s4;
	s6 =	sadd.s32 $0x2000, s5  }
0xf: {  	s7 =	sadd.s32 $0x4000, s5;
	s8 =	sadd.s32 $0x6000, s5;
	s9 =	sadd.s32 $0x8000, s5  }
0x10: {  	s10 =	sadd.s32 $0xA000, s5;
	s11 =	sadd.s32 $0xC000, s5;
	s12 =	sadd.s32 $0xE000, s5  }
0x11: {  	v0 =	vimm.f32 $0.0e+00;
	vm0 =	vcmask $0x300;
	s13 =	sadd.s32 $0x10000, s5;
	s14 =	sadd.s32 $0x12000, s5;
	s16 =	smax.u32 s16, $0x1  }
0x12: {  	v1 =	vsel vm0, $0x3F800000, v0;
	s4 =	sadd.s32 s0, s25;
	s15 =	sadd.s32 $0x2600, s15;
	s25 =	simm.s32 $0x14280  }
.LBB2_1:
0x13: {  	[tilespmem:s17], [sflag:$0x2] =	stream.linear.gather [hbm4b:s4+s3], $0x5000, $0x38;
	[tilespmem:$0x1B000] =	vst v63  }
0x14: {  	_ =	swait.ge [sflag:s18], $0x5000  }
0x15: {  	[sflag:s18] =	ssyncset.done $0x0  }
0x16: {  	s31 =	simm.s32 $0x0;
	s0 =	simm.s32 $0x200;
	[sflag:s18] =	ssyncadd.s32 $0xFFFFB000  }
.LBB2_2:
0x17: {  	p0 =	sne.s32 s0, $0x7E00;
	[tilespmem:s31+$0x19070] =	vst v0  }
0x18: {  	[tilespmem:s31+$0x19000] =	vst v0  }
0x19: {  	[tilespmem:s31+$0x19010] =	vst v0  }
.Ltmp0:
0x1a: {  	[tilespmem:s31+$0x19020] =	vst v0;
	(pc) =	sbr.rel @p0 .LBB2_2-.Ltmp0, $4  }
0x1b: {  	[tilespmem:s31+$0x19030] =	vst v0  }
0x1c: {  	[tilespmem:s31+$0x19040] =	vst v0  }
0x1d: {  	[tilespmem:s31+$0x19050] =	vst v0  }
0x1e: {  	[tilespmem:s31+$0x19060] =	vst v0;
	s31 =	sshra.s32 s0, $0x2;
	s0 =	sadd.s32 $0x200, s0  }
0x1f: {  	[tilespmem:s31+$0x19070] =	vst v0  }
0x20: {  	[tilespmem:s31+$0x19000] =	vst v0  }
0x21: {  	[tilespmem:s31+$0x19010] =	vst v0  }
0x22: {  	[tilespmem:s31+$0x19020] =	vst v0  }
0x23: {  	[tilespmem:s31+$0x19030] =	vst v0  }
0x24: {  	[tilespmem:s31+$0x19040] =	vst v0  }
0x25: {  	[tilespmem:s31+$0x19050] =	vst v0  }
0x26: {  	[tilespmem:s31+$0x19060] =	vst v0  }
0x27: {  	[spmem:s5] =	stream.linear.scatter [tilespmem:s19], [sflag:$0x2], $0x2000, $0x38;
	[tilespmem:$0x1B000] =	vst v63  }
0x28: {  	_ =	swait.ge [sflag:s18], $0x2000  }
0x29: {  	[sflag:s18] =	ssyncset.done $0x0  }
0x2a: {  	[sflag:s18] =	ssyncadd.s32 $0xFFFFE000  }
0x2b: {  	[spmem:s6] =	stream.linear.scatter [tilespmem:s19], [sflag:$0x2], $0x2000, $0x38;
	[tilespmem:$0x1B000] =	vst v63  }
0x2c: {  	_ =	swait.ge [sflag:s18], $0x2000  }
0x2d: {  	[sflag:s18] =	ssyncset.done $0x0  }
0x2e: {  	[sflag:s18] =	ssyncadd.s32 $0xFFFFE000  }
0x2f: {  	[spmem:s7] =	stream.linear.scatter [tilespmem:s19], [sflag:$0x2], $0x2000, $0x38;
	[tilespmem:$0x1B000] =	vst v63  }
0x30: {  	_ =	swait.ge [sflag:s18], $0x2000  }
0x31: {  	[sflag:s18] =	ssyncset.done $0x0  }
0x32: {  	[sflag:s18] =	ssyncadd.s32 $0xFFFFE000  }
0x33: {  	[spmem:s8] =	stream.linear.scatter [tilespmem:s19], [sflag:$0x2], $0x2000, $0x38;
	[tilespmem:$0x1B000] =	vst v63  }
0x34: {  	_ =	swait.ge [sflag:s18], $0x2000  }
0x35: {  	[sflag:s18] =	ssyncset.done $0x0  }
0x36: {  	[sflag:s18] =	ssyncadd.s32 $0xFFFFE000  }
0x37: {  	[spmem:s9] =	stream.linear.scatter [tilespmem:s19], [sflag:$0x2], $0x2000, $0x38;
	[tilespmem:$0x1B000] =	vst v63  }
0x38: {  	_ =	swait.ge [sflag:s18], $0x2000  }
0x39: {  	[sflag:s18] =	ssyncset.done $0x0  }
0x3a: {  	[sflag:s18] =	ssyncadd.s32 $0xFFFFE000  }
0x3b: {  	[spmem:s10] =	stream.linear.scatter [tilespmem:s19], [sflag:$0x2], $0x2000, $0x38;
	[tilespmem:$0x1B000] =	vst v63  }
0x3c: {  	_ =	swait.ge [sflag:s18], $0x2000  }
0x3d: {  	[sflag:s18] =	ssyncset.done $0x0  }
0x3e: {  	[sflag:s18] =	ssyncadd.s32 $0xFFFFE000  }
0x3f: {  	[spmem:s11] =	stream.linear.scatter [tilespmem:s19], [sflag:$0x2], $0x2000, $0x38;
	[tilespmem:$0x1B000] =	vst v63  }
0x40: {  	_ =	swait.ge [sflag:s18], $0x2000  }
0x41: {  	[sflag:s18] =	ssyncset.done $0x0  }
0x42: {  	[sflag:s18] =	ssyncadd.s32 $0xFFFFE000  }
0x43: {  	[spmem:s12] =	stream.linear.scatter [tilespmem:s19], [sflag:$0x2], $0x2000, $0x38;
	[tilespmem:$0x1B000] =	vst v63  }
0x44: {  	_ =	swait.ge [sflag:s18], $0x2000  }
0x45: {  	[sflag:s18] =	ssyncset.done $0x0  }
0x46: {  	[sflag:s18] =	ssyncadd.s32 $0xFFFFE000  }
0x47: {  	[spmem:s13] =	stream.linear.scatter [tilespmem:s19], [sflag:$0x2], $0x2000, $0x38;
	[tilespmem:$0x1B000] =	vst v63  }
0x48: {  	_ =	swait.ge [sflag:s18], $0x2000  }
0x49: {  	[sflag:s18] =	ssyncset.done $0x0  }
0x4a: {  	[sflag:s18] =	ssyncadd.s32 $0xFFFFE000  }
0x4b: {  	[spmem:s14] =	stream.linear.scatter [tilespmem:s19], [sflag:$0x2], $0x2000, $0x38;
	[tilespmem:$0x1B000] =	vst v63  }
0x4c: {  	_ =	swait.ge [sflag:s18], $0x2000  }
0x4d: {  	[sflag:s18] =	ssyncset.done $0x0  }
0x4e: {  	s0 =	simm.s32 $0x200;
	s31 =	simm.s32 $0x0;
	[sflag:s18] =	ssyncadd.s32 $0xFFFFE000  }
.LBB2_4:
0x4f: {  	p0 =	sne.s32 s0, $0x7E00;
	[tilespmem:s31+$0x19000] =	vst v1;
	s31 =	smov.u32 s0;
	s0 =	sadd.s32 $0x200, s0  }
.Ltmp1:
0x50: {  	(pc) =	sbr.rel @p0 .LBB2_4-.Ltmp1, $2  }
0x51: {  	_ =	sdelay $0x2  }
0x52: {  	s31 =	sshra.s32 s31, $0x2  }
0x53: {  	[tilespmem:s31+$0x19000] =	vst v1  }
0x54: {  	[bflag:$0x0] =	sbarrier.arrive $0xFFFF  }
0x55: {  	[spmem:s2] =	stream.indirect.scatter.add.f32 [tilespmem:s19], [sflag:$0x1], $0x80, s17, s20, $0xb8;
	[tilespmem:$0x1B000] =	vst v63  }
0x56: {  	_ = 	snop  }
0x57: {  	[spmem:s2] =	stream.indirect.scatter.add.f32 [tilespmem:s19], [sflag:$0x1], $0x80, s21, s20, $0xb8;
	[tilespmem:$0x1B000] =	vst v63  }
0x58: {  	_ = 	snop  }
0x59: {  	[spmem:s2] =	stream.indirect.scatter.add.f32 [tilespmem:s19], [sflag:$0x1], $0x80, s22, s20, $0xb8;
	[tilespmem:$0x1B000] =	vst v63  }
0x5a: {  	_ = 	snop  }
0x5b: {  	[spmem:s2] =	stream.indirect.scatter.add.f32 [tilespmem:s19], [sflag:$0x1], $0x80, s23, s20, $0xb8;
	[tilespmem:$0x1B000] =	vst v63  }
0x5c: {  	_ = 	snop  }
0x5d: {  	[spmem:s2] =	stream.indirect.scatter.add.f32 [tilespmem:s19], [sflag:$0x1], $0x80, s24, s20, $0xb8;
	[tilespmem:$0x1B000] =	vst v63  }
0x5e: {  	_ = 	snop  }
0x5f: {  	[spmem:s2] =	stream.indirect.scatter.add.f32 [tilespmem:s19], [sflag:$0x1], $0x80, s25, s20, $0xb8;
	[tilespmem:$0x1B000] =	vst v63  }
0x60: {  	_ = 	snop  }
0x61: {  	[spmem:s2] =	stream.indirect.scatter.add.f32 [tilespmem:s19], [sflag:$0x1], $0x80, s26, s20, $0xb8;
	[tilespmem:$0x1B000] =	vst v63  }
0x62: {  	_ = 	snop  }
0x63: {  	[spmem:s2] =	stream.indirect.scatter.add.f32 [tilespmem:s19], [sflag:$0x1], $0x80, s28, s20, $0xb8;
	[tilespmem:$0x1B000] =	vst v63  }
0x64: {  	_ =	swait.ge [sflag:s29], $0x2000  }
0x65: {  	[sflag:s29] =	ssyncset.done $0x0  }
0x66: {  	s0 =	simm.s32 $0x1200;
	s31 =	simm.s32 $0x14400;
	[sflag:s29] =	ssyncadd.s32 $0xFFFFE000  }
.LBB2_6:
0x67: {  	[spmem:s2] =	stream.indirect.scatter.add.f32 [tilespmem:s19], [sflag:$0x1], $0x80, s31, s20, $0xb8;
	[tilespmem:$0x1B000] =	vst v63  }
0x68: {  	s31 =	smov.u32 s0;
	p0 =	sne.s32 s0, $0x13E00  }
.Ltmp2:
0x69: {  	s0 =	sadd.s32 $0x200, s0;
	(pc) =	sbr.rel @p0 .LBB2_6-.Ltmp2, $4  }
0x6a: {  	_ = 	snop  }
0x6b: {  	_ =	swait.ge [sflag:s29], $0x2000  }
0x6c: {  	s31 =	sshra.s32 s31, $0x2;
	[sflag:s29] =	ssyncset.done $0x0  }
0x6d: {  	s31 =	sadd.s32 $0x14000, s31;
	[sflag:s29] =	ssyncadd.s32 $0xFFFFE000  }
0x6e: {  	[spmem:s2] =	stream.indirect.scatter.add.f32 [tilespmem:s19], [sflag:$0x1], $0x80, s31, s20, $0xb8;
	[tilespmem:$0x1B000] =	vst v63  }
0x6f: {  	_ =	swait.ge [sflag:s29], $0x2000  }
0x70: {  	[sflag:s29] =	ssyncset.done $0x0  }
0x71: {  	[sflag:s29] =	ssyncadd.s32 $0xFFFFE000  }
0x72: {  	_ =	swait.ge [sflag:s29], $0x2000  }
0x73: {  	[sflag:s29] =	ssyncset.done $0x0  }
0x74: {  	[sflag:s29] =	ssyncadd.s32 $0xFFFFE000  }
0x75: {  	_ =	swait.ge [sflag:s29], $0x2000  }
0x76: {  	[sflag:s29] =	ssyncset.done $0x0  }
0x77: {  	[sflag:s29] =	ssyncadd.s32 $0xFFFFE000  }
0x78: {  	_ =	swait.ge [sflag:s29], $0x2000  }
0x79: {  	[sflag:s29] =	ssyncset.done $0x0  }
0x7a: {  	[sflag:s29] =	ssyncadd.s32 $0xFFFFE000  }
0x7b: {  	_ =	swait.ge [sflag:s29], $0x2000  }
0x7c: {  	[sflag:s29] =	ssyncset.done $0x0  }
0x7d: {  	[sflag:s29] =	ssyncadd.s32 $0xFFFFE000  }
0x7e: {  	_ =	swait.ge [sflag:s29], $0x2000  }
0x7f: {  	[sflag:s29] =	ssyncset.done $0x0  }
0x80: {  	[sflag:s29] =	ssyncadd.s32 $0xFFFFE000  }
0x81: {  	_ =	swait.ge [sflag:s29], $0x2000  }
0x82: {  	[sflag:s29] =	ssyncset.done $0x0  }
0x83: {  	[sflag:s29] =	ssyncadd.s32 $0xFFFFE000  }
0x84: {  	_ =	swait.ge [sflag:s29], $0x2000  }
0x85: {  	s0 =	sshll.u32 s1, $0x6;
	s30 =	sadd.s32 $0x1, s30;
	[sflag:s29] =	ssyncset.done $0x0  }
0x86: {  	s31 =	sshrl.u32 s5, $0x3;
	p0 =	sne.s32 s30, s16;
	[sflag:s29] =	ssyncadd.s32 $0xFFFFE000  }
.Ltmp3:
0x87: {  	s0 =	sor.u32 $0x1C02, s0;
	[bflag:$0x0] =	sbarrier.arrive $0xFFFF;
	(pc) =	sbr.rel @p0 .LBB2_1-.Ltmp3, $4  }
0x88: {  	[hbm:s15], [sflag:s0] =	dma.local [spmem:s31], $0x2800  }
0x89: {  	_ =	swait.ge [sflag:s18], $0x2800  }
0x8a: {  	[sflag:s18] =	ssyncset.done $0x0  }
0x8b: {  	[sflag:s18] =	ssyncadd.s32 $0xFFFFD800  }
0x8c: {  	_ =	sfence.sel $0x180000  }
0x8d: {  	[bflag:$0x0] =	sbarrier.arrive $0xFFFF  }
0x8e: {  	_ =	strace $0x90000047  }
0x8f: {  	[bflag:$0x2] =	sbarrier.arrive $0xFFFF  }
0x90: {  	p0 =	sne.s32 s1, $0x0;
	s0 =	rddreg [dreg:$0x3]  }
0x91: {  	s0 =	sadd.s32 @!p0 $0x100000, s0  }
0x92: {  	[sflag:s0] =	ssyncadd.tile.s32 @!p0 $0x1;
	_ =	shalt  }
.Lfunc_end2:
_tile_overlayer_lowered:
.L_overlay_start_2:
0x93: {  	(tag) =	ssettag $0x2  }
0x94: {  	s0 =	rddreg [dreg:$0x0];
	s2 =	stileid.u32  }
0x95: {  	s1 =	rddreg [dreg:$0x1];
	p0 =	sne.s32 s2, $0x0  }
0x96: {  	s3 =	rddreg [dreg:$0x2];
	[bflag:$0x3] =	sbarrier.arrive $0xFFFF;
	s2 =	simm.s32 @!p0 $0x1C02  }
0x97: {  	[timem:s3], [sflag:s2] =	dma.local @!p0 [hbm:s0], s1  }
0x98: {  	s0 =	simm.s32 @!p0 $0x2  }
0x99: {  	_ =	swait.ge @!p0 [sflag:s0], s1  }
0x9a: {  	s1 =	ssub.s32 @!p0 $0x0, s1;
	[sflag:s0] =	ssyncset.done @!p0 $0x0  }
0x9b: {  	[sflag:s0] =	ssyncadd.s32 @!p0 s1  }
0x9c: {  	[bflag:$0x3] =	sbarrier.arrive $0xFFFF  }
0x9d: {  	_ =	shalt  }

</sc_bundles>
